<compile_context>
chip_gen: v7x
topology: tpu7x:2x2x1
jax: 0.10.2.dev20260603
libtpu: 0.0.44.dev20260713+nightly
codegen_flags: <defaults>
</compile_context>

<pallas_src>
import jax
import jax.numpy as jnp
from jax import lax
from jax.experimental import pallas as pl
from jax.experimental.pallas import tpu as pltpu
from jax.experimental.pallas import tpu_sc as plsc

N_NODES = 10000
NP = 10240
E = 320000
EP = 327680
D = 64
DH = D // 2
NUM_GRAPHS = 128
NC, NS = 2, 16
ROWS_PER_TILE = NP // NS
CHUNKS = EP // NS // 128
NBUF = 4


def _zero_fill(buf, n_rows, width):
    zero16 = jnp.zeros((16,), jnp.float32)
    cols = width // 16

    def body(i, _):
        r = i // cols
        c = (i % cols) * 16
        buf[r, pl.ds(c, 16)] = zero16
        return 0

    lax.fori_loop(0, n_rows * cols, body, 0)


def _scatter_kernel(g_hbm, src_hbm, dst_hbm, out_hbm, src_v, dst_v, rows_v,
                    zbuf_v, g_sh, acc_sh, sem):
    c = lax.axis_index("c")
    s = lax.axis_index("s")

    _zero_fill(zbuf_v, 64, DH)
    base = s * ROWS_PER_TILE
    pltpu.sync_copy(g_hbm.at[c, pl.ds(base, ROWS_PER_TILE)],
                    g_sh.at[pl.ds(base, ROWS_PER_TILE)])
    for k in range(ROWS_PER_TILE // 64):
        pltpu.sync_copy(zbuf_v, acc_sh.at[pl.ds(base + k * 64, 64)])

    pltpu.sync_copy(src_hbm.at[s], src_v)
    pltpu.sync_copy(dst_hbm.at[s], dst_v)
    plsc.subcore_barrier()

    for b in range(NBUF):
        pltpu.async_copy(g_sh.at[src_v.at[b]], rows_v.at[b], sem[b])

    def body(g, _):
        for b in range(NBUF):
            j = g * NBUF + b
            pltpu.make_async_copy(g_sh.at[src_v.at[j]], rows_v.at[b],
                                  sem[b]).wait()
            pltpu.sync_copy(rows_v.at[b], acc_sh.at[dst_v.at[j]], add=True)

            @pl.when(j + NBUF < CHUNKS)
            def _():
                pltpu.async_copy(g_sh.at[src_v.at[j + NBUF]], rows_v.at[b],
                                 sem[b])
        return 0

    lax.fori_loop(0, CHUNKS // NBUF, body, 0)
    plsc.subcore_barrier()

    pltpu.sync_copy(acc_sh.at[pl.ds(base, ROWS_PER_TILE)],
                    out_hbm.at[c, pl.ds(base, ROWS_PER_TILE)])


def _sc_scatter(g, src3, dst3):
    mesh = plsc.VectorSubcoreMesh(core_axis_name="c", subcore_axis_name="s")
    return pl.kernel(
        _scatter_kernel,
        mesh=mesh,
        compiler_params=pltpu.CompilerParams(use_tc_tiling_on_sc=False),
        out_type=jax.ShapeDtypeStruct((NC, NP, DH), jnp.float32),
        scratch_types=[
            pltpu.VMEM((CHUNKS, 128), jnp.int32),
            pltpu.VMEM((CHUNKS, 128), jnp.int32),
            pltpu.VMEM((NBUF, 128, DH), jnp.float32),
            pltpu.VMEM((64, DH), jnp.float32),
            pltpu.VMEM_SHARED((NP, DH), jnp.float32),
            pltpu.VMEM_SHARED((NP, DH), jnp.float32),
            [pltpu.SemaphoreType.DMA] * NBUF,
        ],
    )(g, src3, dst3)


def _deg_kernel(dst_hbm, out_hbm, dst_v, deg2_v, buf32_v, degbuf_v, idx_v,
                zbuf_v, acc_sh):
    c = lax.axis_index("c")
    s = lax.axis_index("s")
    zero16 = jnp.zeros((16,), jnp.float32)
    one16 = jnp.ones((16,), jnp.float32)
    iota16 = jnp.arange(16, dtype=jnp.int32)

    def z1(i, _):
        for m in range(8):
            deg2_v[i * 8 + m, :] = zero16
        return 0

    lax.fori_loop(0, 80, z1, 0)

    def z2(i, _):
        zbuf_v[i, :] = zero16
        idx_v[i // 8, pl.ds((i % 8) * 16, 16)] = iota16 + i * 16
        return 0

    lax.fori_loop(0, 40, z2, 0)
    pltpu.sync_copy(zbuf_v, acc_sh.at[pl.ds(s * 40, 40)])
    pltpu.sync_copy(dst_hbm.at[s], dst_v)
    plsc.subcore_barrier()

    half = CHUNKS // 2

    def hist(j, _):
        row = c * half + j
        for m in range(8):
            idx16 = dst_v[row, pl.ds(m * 16, 16)]
            plsc.addupdate_scatter(
                deg2_v, [lax.shift_right_logical(idx16, 4),
                         jnp.bitwise_and(idx16, 15)], one16)
        return 0

    lax.fori_loop(0, half, hist, 0)
    plsc.subcore_barrier()
    for k in range(5):
        pltpu.sync_copy(deg2_v.at[pl.ds(k * 128, 128)],
                        acc_sh.at[idx_v.at[k]], add=True)
    plsc.subcore_barrier()

    pltpu.sync_copy(acc_sh.at[pl.ds(s * 40, 40)], degbuf_v)

    def expand(r, _):
        v16 = degbuf_v[r, :]
        base = r * 512
        for j in range(32):
            plsc.store_scatter(buf32_v, [iota16 * 32 + (base + j)], v16)
        return 0

    lax.fori_loop(0, 40, expand, 0)
    pltpu.sync_copy(buf32_v, out_hbm.at[c, pl.ds(s * 20480, 20480)])


def _sc_deg(dst3):
    mesh = plsc.VectorSubcoreMesh(core_axis_name="c", subcore_axis_name="s")
    return pl.kernel(
        _deg_kernel,
        mesh=mesh,
        compiler_params=pltpu.CompilerParams(use_tc_tiling_on_sc=False,
                                             needs_layout_passes=False),
        out_type=jax.ShapeDtypeStruct((NC, NP * 32), jnp.float32),
        scratch_types=[
            pltpu.VMEM((CHUNKS, 128), jnp.int32),
            pltpu.VMEM((640, 16), jnp.float32),
            pltpu.VMEM((20480,), jnp.float32),
            pltpu.VMEM((40, 16), jnp.float32),
            pltpu.VMEM((5, 128), jnp.int32),
            pltpu.VMEM((40, 16), jnp.float32),
            pltpu.VMEM_SHARED((640, 16), jnp.float32),
        ],
    )(dst3)




NR = NP // 4


def _kron4(wsub, rows):
    t = jnp.concatenate([wsub] * 4, axis=0)
    t = jnp.concatenate([t] * 4, axis=1)
    ri = lax.broadcasted_iota(jnp.int32, t.shape, 0) // (rows // 4)
    ci = lax.broadcasted_iota(jnp.int32, t.shape, 1) // 32
    return jnp.where(ri == ci, t, 0.0)


def _dinv_packed(degp_ref):
    deg = degp_ref[0] + degp_ref[1] + 1.0
    return lax.rsqrt(deg)


def _g0_body(x_ref, w_ref, degp_ref, o_ref):
    dinv = _dinv_packed(degp_ref)
    x2 = x_ref[...]
    for h in range(2):
        bd = _kron4(w_ref[:, h * DH:(h + 1) * DH], 512)
        o_ref[h] = dinv * jnp.dot(x2, bd, preferred_element_type=jnp.float32)


def _edges_body(ei_ref, src_ref, dst_ref):
    src_ref[pl.ds(0, E)] = ei_ref[0, :]
    dst_ref[pl.ds(0, E)] = ei_ref[1, :]
    src_ref[pl.ds(E, EP - E)] = jnp.full((EP - E,), N_NODES, jnp.int32)
    dst_ref[pl.ds(E, EP - E)] = jnp.full((EP - E,), NP - 1, jnp.int32)


def _tc_edges(edge_index):
    return pl.pallas_call(
        _edges_body,
        out_shape=[
            jax.ShapeDtypeStruct((EP,), jnp.int32),
            jax.ShapeDtypeStruct((EP,), jnp.int32),
        ],
    )(edge_index)


def _tc_g0(x2, W0, degp):
    return pl.pallas_call(
        _g0_body,
        out_shape=jax.ShapeDtypeStruct((NC, NR, 128), jnp.float32),
    )(x2, W0, degp)


def _relu_halves(s_ref, g_ref, dinv, b_ref):
    rs = []
    for h in range(2):
        bh = jnp.concatenate([b_ref[:, h * DH:(h + 1) * DH]] * 4, axis=1)
        rs.append(jnp.maximum(dinv * (s_ref[h] + g_ref[h]) + bh, 0.0))
    return rs


def _mid_body(s_ref, g_ref, degp_ref, b_ref, w_ref, o_ref):
    dinv = _dinv_packed(degp_ref)
    r = _relu_halves(s_ref, g_ref, dinv, b_ref)
    for h in range(2):
        acc = jnp.zeros((NR, 128), jnp.float32)
        for i in range(2):
            bd = _kron4(w_ref[i * DH:(i + 1) * DH, h * DH:(h + 1) * DH], 128)
            acc += jnp.dot(r[i], bd, preferred_element_type=jnp.float32)
        o_ref[h] = dinv * acc


def _tc_mid(S, g, degp, b, W):
    return pl.pallas_call(
        _mid_body,
        out_shape=jax.ShapeDtypeStruct((NC, NR, 128), jnp.float32),
    )(S, g, degp, b, W)


def _final_body(s_ref, g_ref, degp_ref, b_ref, batchp_ref, wlin_ref, blin_ref,
                o_ref):
    dinv = _dinv_packed(degp_ref)
    r = _relu_halves(s_ref, g_ref, dinv, b_ref)
    gid = lax.broadcasted_iota(jnp.int32, (NUM_GRAPHS, NR), 0)
    sums = []
    cnts = jnp.zeros((NUM_GRAPHS, 1), jnp.float32)
    for k in range(4):
        oh = (gid == batchp_ref[k:k + 1, :]).astype(jnp.float32)
        sums.append([jnp.dot(oh, r[h][:, k * DH:(k + 1) * DH],
                             preferred_element_type=jnp.float32)
                     for h in range(2)])
        cnts += jnp.sum(oh, axis=1, keepdims=True)
    pooled = jnp.concatenate(
        [sums[0][0] + sums[1][0] + sums[2][0] + sums[3][0],
         sums[0][1] + sums[1][1] + sums[2][1] + sums[3][1]],
        axis=1) / jnp.maximum(cnts, 1.0)
    o_ref[...] = jnp.dot(pooled, wlin_ref[...],
                         preferred_element_type=jnp.float32) + blin_ref[...]


def _tc_final(S, g, degp, b, batchp, Wlin, blin):
    return pl.pallas_call(
        _final_body,
        out_shape=jax.ShapeDtypeStruct((NUM_GRAPHS, Wlin.shape[1]),
                                       jnp.float32),
    )(S, g, degp, b, batchp, Wlin, blin)


@jax.jit
def kernel(x, edge_index, batch, W0, b0, W1, b1, W2, b2, Wlin, blin):
    n = x.shape[0]
    xp = jnp.zeros((NP, x.shape[1]), x.dtype).at[:n].set(x)
    src, dst = _tc_edges(edge_index)
    src3 = src.reshape(NS, CHUNKS, 128)
    dst3 = dst.reshape(NS, CHUNKS, 128)
    bb = jnp.full((NP,), NUM_GRAPHS + 7, jnp.int32).at[:n].set(batch)
    batchp = bb.reshape(NR, 4).T

    def to_sc(a):
        return a.reshape(NC, NP, DH)

    def to_tc(a):
        return a.reshape(NC, NR, 128)

    degp = _sc_deg(dst3).reshape(NC, NR, 128)
    g0 = _tc_g0(xp.reshape(NR, 512), W0, degp)
    S0 = to_tc(_sc_scatter(to_sc(g0), src3, dst3))
    g1 = _tc_mid(S0, g0, degp, b0.reshape(1, D), W1)
    S1 = to_tc(_sc_scatter(to_sc(g1), src3, dst3))
    g2 = _tc_mid(S1, g1, degp, b1.reshape(1, D), W2)
    S2 = to_tc(_sc_scatter(to_sc(g2), src3, dst3))
    out = _tc_final(S2, g2, degp, b2.reshape(1, D), batchp,
                    Wlin, blin.reshape(1, -1))
    return out

# --- scband reference (transcript-rebuilt; emitter-appended) ---
"""Pipeline reference for scband-gcn-4999341932783 (READ-ONLY COPY).

The authoritative reference and input builder live on the scoring server;
editing this copy changes nothing except your own understanding.
"""

import jax, jax.numpy as jnp
import numpy as np

N_NODES = 10000
N_EDGES = 320000
NUM_FEATURES = 128
HIDDEN = 64
NUM_CLASSES = 10
NUM_GRAPHS = 128


def _gcn_conv(x, edge_index, W, b):
    # Faithful PyG GCNConv: linear transform, add self-loops, symmetric normalization,
    # scatter-add aggregation, then bias.
    N = x.shape[0]
    src = edge_index[0]
    dst = edge_index[1]
    loop = jnp.arange(N, dtype=src.dtype)
    src = jnp.concatenate([src, loop])
    dst = jnp.concatenate([dst, loop])
    h = x @ W
    ones = jnp.ones(src.shape[0], dtype=h.dtype)
    deg = jnp.zeros((N,), dtype=h.dtype).at[dst].add(ones)
    dinv = jnp.where(deg > 0, deg ** -0.5, 0.0)
    norm = dinv[src] * dinv[dst]
    msg = h[src] * norm[:, None]
    out = jnp.zeros((N, h.shape[1]), dtype=h.dtype).at[dst].add(msg)
    return out + b


def _global_mean_pool(x, batch, num_graphs):
    sums = jax.ops.segment_sum(x, batch, num_segments=num_graphs)
    cnts = jax.ops.segment_sum(jnp.ones((x.shape[0],), dtype=x.dtype), batch, num_segments=num_graphs)
    return sums / jnp.clip(cnts, 1.0)[:, None]


def setup_inputs(seed: int = 0):
    key = jax.random.key(seed)
    ks = jax.random.split(key, 12)
    x = jax.random.normal(ks[0], (N_NODES, NUM_FEATURES), dtype=jnp.float32)
    edge_index = jax.random.randint(ks[1], (2, N_EDGES), 0, N_NODES, dtype=jnp.int32)
    batch = jnp.sort(jax.random.randint(ks[2], (N_NODES,), 0, NUM_GRAPHS, dtype=jnp.int32))
    W0 = jax.random.normal(ks[3], (NUM_FEATURES, HIDDEN), dtype=jnp.float32) * 0.05
    b0 = jnp.zeros((HIDDEN,), dtype=jnp.float32)
    W1 = jax.random.normal(ks[4], (HIDDEN, HIDDEN), dtype=jnp.float32) * 0.05
    b1 = jnp.zeros((HIDDEN,), dtype=jnp.float32)
    W2 = jax.random.normal(ks[5], (HIDDEN, HIDDEN), dtype=jnp.float32) * 0.05
    b2 = jnp.zeros((HIDDEN,), dtype=jnp.float32)
    Wlin = jax.random.normal(ks[6], (HIDDEN, NUM_CLASSES), dtype=jnp.float32) * 0.05
    blin = jnp.zeros((NUM_CLASSES,), dtype=jnp.float32)
    return {"x": x, "edge_index": edge_index, "batch": batch,
            "W0": W0, "b0": b0, "W1": W1, "b1": b1, "W2": W2, "b2": b2,
            "Wlin": Wlin, "blin": blin}


def reference(x, edge_index, batch, W0, b0, W1, b1, W2, b2, Wlin, blin):
    # GCN.forward (eval mode: dropout is identity)
    h = x
    for W, b in ((W0, b0), (W1, b1), (W2, b2)):
        h = _gcn_conv(h, edge_index, W, b)
        h = jax.nn.relu(h)
        # F.dropout(training=False) -> identity
    pooled = _global_mean_pool(h, batch, NUM_GRAPHS)
    return pooled @ Wlin + blin

if __name__ == "__main__":
    import jax
    _d = setup_inputs()
    print(jax.jit(kernel)(*tuple(_d.values())))

</pallas_src>

<mosaic_0001>
#map = affine_map<(d0, d1) -> (0, 0, 0)>
#map1 = affine_map<(d0, d1) -> (0, 0)>
module attributes {stable_mosaic.version = 14 : i64} {
  func.func @_deg_kernel(%arg0: i32, %arg1: i32, %arg2: memref<16x160x128xi32, #tpu.memory_space<hbm>>, %arg3: memref<2x327680xf32, #tpu.memory_space<hbm>>, %arg4: memref<160x128xi32, #tpu.memory_space<vmem>>, %arg5: memref<640x16xf32, #tpu.memory_space<vmem>>, %arg6: memref<20480xf32, #tpu.memory_space<vmem>>, %arg7: memref<40x16xf32, #tpu.memory_space<vmem>>, %arg8: memref<5x128xi32, #tpu.memory_space<vmem>>, %arg9: memref<40x16xf32, #tpu.memory_space<vmem>>, %arg10: memref<640x16xf32, #tpu.memory_space<vmem_shared>>) attributes {dimension_semantics = [#tpu.dimension_semantics<core_parallel>, #tpu.dimension_semantics<subcore_parallel>], iteration_bounds = array<i64: 2, 16>, scalar_prefetch = 0 : i64, scratch_operands = 7 : i64, tpu.core_type = #tpu.core_type<sc_vector_subcore>, window_params = [{transform_indices = #map}, {transform_indices = #map1}]} {
    %broadcast_in_dim3A = arith.constant 0.000000e+00 : f32
    %broadcast_in_dim3A_0 = vector.broadcast %broadcast_in_dim3A : f32 to vector<16xf32>
    %broadcast_in_dim3A_1 = arith.constant 1.000000e+00 : f32
    %broadcast_in_dim3A_2 = vector.broadcast %broadcast_in_dim3A_1 : f32 to vector<16xf32>
    %iota3A = tpu.iota {dimensions = array<i32: 0>} : vector<16xi32>
    %scan3A = arith.constant 0 : i32
    %scan3A_3 = arith.constant 0 : i32
    %scan3A_4 = arith.constant 80 : i32
    %scan3A_5 = arith.addi %scan3A_3, %scan3A_4 : i32
    %scan3A_6 = arith.constant 1 : i32
    %scan3A_7 = scf.for %scan3A_41 = %scan3A_3 to %scan3A_5 step %scan3A_6 iter_args(%scan3A_42 = %scan3A) -> (i32)  : i32 {
      %mul3A_43 = arith.constant 8 : i32
      %mul3A_44 = arith.muli %scan3A_41, %mul3A_43 : i32
      %add3A = arith.constant 0 : i32
      %add3A_45 = arith.addi %mul3A_44, %add3A : i32
      %swap3A = arith.index_cast %add3A_45 : i32 to index
      %swap3A_46 = arith.constant 0 : index
      %swap3A_47 = tpu.vector_load %arg5[%swap3A, %swap3A_46] {strides = array<i32>} : memref<640x16xf32, #tpu.memory_space<vmem>>, vector<16xf32>,
      tpu.vector_store %arg5[%swap3A, %swap3A_46], %broadcast_in_dim3A_0 {strides = array<i32>} : memref<640x16xf32, #tpu.memory_space<vmem>>, vector<16xf32>,
      %mul3A_48 = arith.constant 8 : i32
      %mul3A_49 = arith.muli %scan3A_41, %mul3A_48 : i32
      %add3A_50 = arith.constant 1 : i32
      %add3A_51 = arith.addi %mul3A_49, %add3A_50 : i32
      %swap3A_52 = arith.index_cast %add3A_51 : i32 to index
      %swap3A_53 = arith.constant 0 : index
      %swap3A_54 = tpu.vector_load %arg5[%swap3A_52, %swap3A_53] {strides = array<i32>} : memref<640x16xf32, #tpu.memory_space<vmem>>, vector<16xf32>,
      tpu.vector_store %arg5[%swap3A_52, %swap3A_53], %broadcast_in_dim3A_0 {strides = array<i32>} : memref<640x16xf32, #tpu.memory_space<vmem>>, vector<16xf32>,
      %mul3A_55 = arith.constant 8 : i32
      %mul3A_56 = arith.muli %scan3A_41, %mul3A_55 : i32
      %add3A_57 = arith.constant 2 : i32
      %add3A_58 = arith.addi %mul3A_56, %add3A_57 : i32
      %swap3A_59 = arith.index_cast %add3A_58 : i32 to index
      %swap3A_60 = arith.constant 0 : index
      %swap3A_61 = tpu.vector_load %arg5[%swap3A_59, %swap3A_60] {strides = array<i32>} : memref<640x16xf32, #tpu.memory_space<vmem>>, vector<16xf32>,
      tpu.vector_store %arg5[%swap3A_59, %swap3A_60], %broadcast_in_dim3A_0 {strides = array<i32>} : memref<640x16xf32, #tpu.memory_space<vmem>>, vector<16xf32>,
      %mul3A_62 = arith.constant 8 : i32
      %mul3A_63 = arith.muli %scan3A_41, %mul3A_62 : i32
      %add3A_64 = arith.constant 3 : i32
      %add3A_65 = arith.addi %mul3A_63, %add3A_64 : i32
      %swap3A_66 = arith.index_cast %add3A_65 : i32 to index
      %swap3A_67 = arith.constant 0 : index
      %swap3A_68 = tpu.vector_load %arg5[%swap3A_66, %swap3A_67] {strides = array<i32>} : memref<640x16xf32, #tpu.memory_space<vmem>>, vector<16xf32>,
      tpu.vector_store %arg5[%swap3A_66, %swap3A_67], %broadcast_in_dim3A_0 {strides = array<i32>} : memref<640x16xf32, #tpu.memory_space<vmem>>, vector<16xf32>,
      %mul3A_69 = arith.constant 8 : i32
      %mul3A_70 = arith.muli %scan3A_41, %mul3A_69 : i32
      %add3A_71 = arith.constant 4 : i32
      %add3A_72 = arith.addi %mul3A_70, %add3A_71 : i32
      %swap3A_73 = arith.index_cast %add3A_72 : i32 to index
      %swap3A_74 = arith.constant 0 : index
      %swap3A_75 = tpu.vector_load %arg5[%swap3A_73, %swap3A_74] {strides = array<i32>} : memref<640x16xf32, #tpu.memory_space<vmem>>, vector<16xf32>,
      tpu.vector_store %arg5[%swap3A_73, %swap3A_74], %broadcast_in_dim3A_0 {strides = array<i32>} : memref<640x16xf32, #tpu.memory_space<vmem>>, vector<16xf32>,
      %mul3A_76 = arith.constant 8 : i32
      %mul3A_77 = arith.muli %scan3A_41, %mul3A_76 : i32
      %add3A_78 = arith.constant 5 : i32
      %add3A_79 = arith.addi %mul3A_77, %add3A_78 : i32
      %swap3A_80 = arith.index_cast %add3A_79 : i32 to index
      %swap3A_81 = arith.constant 0 : index
      %swap3A_82 = tpu.vector_load %arg5[%swap3A_80, %swap3A_81] {strides = array<i32>} : memref<640x16xf32, #tpu.memory_space<vmem>>, vector<16xf32>,
      tpu.vector_store %arg5[%swap3A_80, %swap3A_81], %broadcast_in_dim3A_0 {strides = array<i32>} : memref<640x16xf32, #tpu.memory_space<vmem>>, vector<16xf32>,
      %mul3A_83 = arith.constant 8 : i32
      %mul3A_84 = arith.muli %scan3A_41, %mul3A_83 : i32
      %add3A_85 = arith.constant 6 : i32
      %add3A_86 = arith.addi %mul3A_84, %add3A_85 : i32
      %swap3A_87 = arith.index_cast %add3A_86 : i32 to index
      %swap3A_88 = arith.constant 0 : index
      %swap3A_89 = tpu.vector_load %arg5[%swap3A_87, %swap3A_88] {strides = array<i32>} : memref<640x16xf32, #tpu.memory_space<vmem>>, vector<16xf32>,
      tpu.vector_store %arg5[%swap3A_87, %swap3A_88], %broadcast_in_dim3A_0 {strides = array<i32>} : memref<640x16xf32, #tpu.memory_space<vmem>>, vector<16xf32>,
      %mul3A_90 = arith.constant 8 : i32
      %mul3A_91 = arith.muli %scan3A_41, %mul3A_90 : i32
      %add3A_92 = arith.constant 7 : i32
      %add3A_93 = arith.addi %mul3A_91, %add3A_92 : i32
      %swap3A_94 = arith.index_cast %add3A_93 : i32 to index
      %swap3A_95 = arith.constant 0 : index
      %swap3A_96 = tpu.vector_load %arg5[%swap3A_94, %swap3A_95] {strides = array<i32>} : memref<640x16xf32, #tpu.memory_space<vmem>>, vector<16xf32>,
      tpu.vector_store %arg5[%swap3A_94, %swap3A_95], %broadcast_in_dim3A_0 {strides = array<i32>} : memref<640x16xf32, #tpu.memory_space<vmem>>, vector<16xf32>,
      %scan3A_97 = arith.constant 0 : i32
      scf.yield %scan3A_97 : i32
    }
    %scan3A_8 = arith.constant 80 : i32
    %scan3A_9 = arith.constant 0 : i32
    %scan3A_10 = arith.constant 0 : i32
    %scan3A_11 = arith.constant 40 : i32
    %scan3A_12 = arith.addi %scan3A_10, %scan3A_11 : i32
    %scan3A_13 = arith.constant 1 : i32
    %scan3A_14 = scf.for %scan3A_41 = %scan3A_10 to %scan3A_12 step %scan3A_13 iter_args(%scan3A_42 = %scan3A_9) -> (i32)  : i32 {
      %swap3A = arith.index_cast %scan3A_41 : i32 to index
      %swap3A_43 = arith.constant 0 : index
      %swap3A_44 = tpu.vector_load %arg9[%swap3A, %swap3A_43] {strides = array<i32>} : memref<40x16xf32, #tpu.memory_space<vmem>>, vector<16xf32>,
      tpu.vector_store %arg9[%swap3A, %swap3A_43], %broadcast_in_dim3A_0 {strides = array<i32>} : memref<40x16xf32, #tpu.memory_space<vmem>>, vector<16xf32>,
      %mul3A_45 = arith.constant 16 : i32
      %mul3A_46 = arith.muli %scan3A_41, %mul3A_45 : i32
      %add3A = vector.broadcast %mul3A_46 : i32 to vector<16xi32>
      %add3A_47 = arith.addi %iota3A, %add3A : vector<16xi32>
      %jit3A = arith.constant 8 : i32
      %div3A = arith.divsi %scan3A_41, %jit3A : i32
      %sign3A = arith.constant 0 : i32
      %sign3A_48 = arith.cmpi sgt, %scan3A_41, %sign3A : i32
      %sign3A_49 = arith.extui %sign3A_48 : i1 to i32
      %sign3A_50 = arith.constant 0 : i32
      %sign3A_51 = arith.cmpi slt, %scan3A_41, %sign3A_50 : i32
      %sign3A_52 = arith.extui %sign3A_51 : i1 to i32
      %sign3A_53 = arith.subi %sign3A_49, %sign3A_52 : i32
      %sign3A_54 = arith.constant 0 : i32
      %sign3A_55 = arith.cmpi sgt, %jit3A, %sign3A_54 : i32
      %sign3A_56 = arith.extui %sign3A_55 : i1 to i32
      %sign3A_57 = arith.constant 0 : i32
      %sign3A_58 = arith.cmpi slt, %jit3A, %sign3A_57 : i32
      %sign3A_59 = arith.extui %sign3A_58 : i1 to i32
      %sign3A_60 = arith.subi %sign3A_56, %sign3A_59 : i32
      %ne3A = arith.cmpi ne, %sign3A_53, %sign3A_60 : i32
      %rem3A = arith.remsi %scan3A_41, %jit3A : i32
      %ne3A_61 = arith.constant 0 : i32
      %ne3A_62 = arith.cmpi ne, %rem3A, %ne3A_61 : i32
      %and3A = arith.andi %ne3A, %ne3A_62 : i1
      %sub3A = arith.constant 1 : i32
      %sub3A_63 = arith.subi %div3A, %sub3A : i32
      %select_n3A = arith.select %and3A, %sub3A_63, %div3A : i32
      %jit3A_64 = arith.constant 8 : i32
      %eq3A = arith.constant 0 : i32
      %eq3A_65 = arith.cmpi eq, %jit3A_64, %eq3A : i32
      %jit3A_66 = arith.constant 1 : i32
      %select_n3A_67 = arith.select %eq3A_65, %jit3A_66, %jit3A_64 : i32
      %rem3A_68 = arith.remsi %scan3A_41, %select_n3A_67 : i32
      %ne3A_69 = arith.constant 0 : i32
      %ne3A_70 = arith.cmpi ne, %rem3A_68, %ne3A_69 : i32
      %lt3A = arith.constant 0 : i32
      %lt3A_71 = arith.cmpi slt, %rem3A_68, %lt3A : i32
      %lt3A_72 = arith.constant 0 : i32
      %lt3A_73 = arith.cmpi slt, %select_n3A_67, %lt3A_72 : i32
      %ne3A_74 = arith.xori %lt3A_71, %lt3A_73 : i1
      %and3A_75 = arith.andi %ne3A_74, %ne3A_70 : i1
      %add3A_76 = arith.addi %rem3A_68, %select_n3A_67 : i32
      %select_n3A_77 = arith.select %and3A_75, %add3A_76, %rem3A_68 : i32
      %mul3A_78 = arith.constant 16 : i32
      %mul3A_79 = arith.muli %select_n3A_77, %mul3A_78 : i32
      %swap3A_80 = arith.index_cast %select_n3A : i32 to index
      %swap3A_81 = arith.index_cast %mul3A_79 : i32 to index
      %swap3A_82 = tpu.vector_load %arg8[%swap3A_80, %swap3A_81] {strides = array<i32>} : memref<5x128xi32, #tpu.memory_space<vmem>>, vector<16xi32>,
      tpu.vector_store %arg8[%swap3A_80, %swap3A_81], %add3A_47 {strides = array<i32>} : memref<5x128xi32, #tpu.memory_space<vmem>>, vector<16xi32>,
      %scan3A_83 = arith.constant 0 : i32
      scf.yield %scan3A_83 : i32
    }
    %scan3A_15 = arith.constant 40 : i32
    %mul3A = arith.constant 40 : i32
    %mul3A_16 = arith.muli %arg1, %mul3A : i32
    "tpu.region"() ({
      %run_scoped3A_41 = tpu.sem_alloc : memref<!tpu.dma_semaphore, #tpu.memory_space<semaphore_mem>>
      %dma_start3A = arith.constant 0 : i32
      %dma_start3A_42 = tpu.memref_slice %arg10[%mul3A_16, %dma_start3A] : memref<640x16xf32, #tpu.memory_space<vmem_shared>> -> memref<40x16xf32, #tpu.memory_space<vmem_shared>>
      %dma_start3A_43 = arith.constant 0 : i32
      %dma_start3A_44 = tpu.memref_slice %arg10[%mul3A_16, %dma_start3A_43] : memref<640x16xf32, #tpu.memory_space<vmem_shared>> -> memref<40x16xf32, #tpu.memory_space<vmem_shared>>
      tpu.enqueue_dma source(%arg9 : memref<40x16xf32, #tpu.memory_space<vmem>>) target(%dma_start3A_44 : memref<40x16xf32, #tpu.memory_space<vmem_shared>>) target_semaphore(%run_scoped3A_41 : memref<!tpu.dma_semaphore, #tpu.memory_space<semaphore_mem>>)
      %dma_wait3A = arith.constant 0 : i32
      %dma_wait3A_45 = tpu.memref_slice %arg10[%mul3A_16, %dma_wait3A] : memref<640x16xf32, #tpu.memory_space<vmem_shared>> -> memref<40x16xf32, #tpu.memory_space<vmem_shared>>
      %dma_wait3A_46 = arith.constant 0 : i32
      %dma_wait3A_47 = tpu.memref_slice %arg10[%mul3A_16, %dma_wait3A_46] : memref<640x16xf32, #tpu.memory_space<vmem_shared>> -> memref<40x16xf32, #tpu.memory_space<vmem_shared>>
      tpu.wait_dma2 semaphore(%run_scoped3A_41 : memref<!tpu.dma_semaphore, #tpu.memory_space<semaphore_mem>>) src(%arg9 : memref<40x16xf32, #tpu.memory_space<vmem>>) dst(%dma_wait3A_47 : memref<40x16xf32, #tpu.memory_space<vmem_shared>>)
      tpu.yield
    }) : () -> ()
    "tpu.region"() ({
      %run_scoped3A_41 = tpu.sem_alloc : memref<!tpu.dma_semaphore, #tpu.memory_space<semaphore_mem>>
      %dma_start3A = arith.constant 0 : i32
      %dma_start3A_42 = arith.constant 0 : i32
      %dma_start3A_43 = tpu.memref_slice %arg2[%arg1, %dma_start3A, %dma_start3A_42] : memref<16x160x128xi32, #tpu.memory_space<hbm>> -> memref<1x160x128xi32, #tpu.memory_space<hbm>>
      %dma_start3A_44 = tpu.memref_squeeze %dma_start3A_43 : memref<1x160x128xi32, #tpu.memory_space<hbm>> -> memref<160x128xi32, #tpu.memory_space<hbm>>
      %dma_start3A_45 = arith.constant 0 : i32
      %dma_start3A_46 = arith.constant 0 : i32
      %dma_start3A_47 = tpu.memref_slice %arg2[%arg1, %dma_start3A_45, %dma_start3A_46] : memref<16x160x128xi32, #tpu.memory_space<hbm>> -> memref<1x160x128xi32, #tpu.memory_space<hbm>>
      %dma_start3A_48 = tpu.memref_squeeze %dma_start3A_47 : memref<1x160x128xi32, #tpu.memory_space<hbm>> -> memref<160x128xi32, #tpu.memory_space<hbm>>
      tpu.enqueue_dma source(%dma_start3A_48 : memref<160x128xi32, #tpu.memory_space<hbm>>) target(%arg4 : memref<160x128xi32, #tpu.memory_space<vmem>>) target_semaphore(%run_scoped3A_41 : memref<!tpu.dma_semaphore, #tpu.memory_space<semaphore_mem>>)
      %dma_wait3A = arith.constant 0 : i32
      %dma_wait3A_49 = arith.constant 0 : i32
      %dma_wait3A_50 = tpu.memref_slice %arg2[%arg1, %dma_wait3A, %dma_wait3A_49] : memref<16x160x128xi32, #tpu.memory_space<hbm>> -> memref<1x160x128xi32, #tpu.memory_space<hbm>>
      %dma_wait3A_51 = tpu.memref_squeeze %dma_wait3A_50 : memref<1x160x128xi32, #tpu.memory_space<hbm>> -> memref<160x128xi32, #tpu.memory_space<hbm>>
      %dma_wait3A_52 = arith.constant 0 : i32
      %dma_wait3A_53 = arith.constant 0 : i32
      %dma_wait3A_54 = tpu.memref_slice %arg2[%arg1, %dma_wait3A_52, %dma_wait3A_53] : memref<16x160x128xi32, #tpu.memory_space<hbm>> -> memref<1x160x128xi32, #tpu.memory_space<hbm>>
      %dma_wait3A_55 = tpu.memref_squeeze %dma_wait3A_54 : memref<1x160x128xi32, #tpu.memory_space<hbm>> -> memref<160x128xi32, #tpu.memory_space<hbm>>
      tpu.wait_dma2 semaphore(%run_scoped3A_41 : memref<!tpu.dma_semaphore, #tpu.memory_space<semaphore_mem>>) src(%dma_wait3A_55 : memref<160x128xi32, #tpu.memory_space<hbm>>) dst(%arg4 : memref<160x128xi32, #tpu.memory_space<vmem>>)
      tpu.yield
    }) : () -> ()
    %barrier3A = arith.constant 0 : index
    tpu.barrier barrier_id(%barrier3A)
    %scan3A_17 = arith.constant 0 : i32
    %scan3A_18 = arith.constant 0 : i32
    %scan3A_19 = arith.constant 80 : i32
    %scan3A_20 = arith.addi %scan3A_18, %scan3A_19 : i32
    %scan3A_21 = arith.constant 1 : i32
    %scan3A_22 = scf.for %scan3A_41 = %scan3A_18 to %scan3A_20 step %scan3A_21 iter_args(%scan3A_42 = %scan3A_17) -> (i32)  : i32 {
      %mul3A_43 = arith.constant 80 : i32
      %mul3A_44 = arith.muli %arg0, %mul3A_43 : i32
      %add3A = arith.addi %mul3A_44, %scan3A_41 : i32
      %get3A = arith.index_cast %add3A : i32 to index
      %get3A_45 = arith.constant 0 : index
      %get3A_46 = tpu.vector_load %arg4[%get3A, %get3A_45] {strides = array<i32>} : memref<160x128xi32, #tpu.memory_space<vmem>>, vector<16xi32>,
      %shift_right_logical3A = arith.constant 4 : i32
      %shift_right_logical3A_47 = vector.broadcast %shift_right_logical3A : i32 to vector<16xi32>
      %shift_right_logical3A_48 = arith.shrui %get3A_46, %shift_right_logical3A_47 : vector<16xi32>
      %and3A = arith.constant 15 : i32
      %and3A_49 = vector.broadcast %and3A : i32 to vector<16xi32>
      %and3A_50 = arith.andi %get3A_46, %and3A_49 : vector<16xi32>
      tpu.vector_store_idx %arg5[%shift_right_logical3A_48, %and3A_50], %broadcast_in_dim3A_2 {add = true} : memref<640x16xf32, #tpu.memory_space<vmem>>[vector<16xi32>, vector<16xi32>], vector<16xf32>,
      %get3A_51 = arith.index_cast %add3A : i32 to index
      %get3A_52 = arith.constant 16 : index
      %get3A_53 = tpu.vector_load %arg4[%get3A_51, %get3A_52] {strides = array<i32>} : memref<160x128xi32, #tpu.memory_space<vmem>>, vector<16xi32>,
      %shift_right_logical3A_54 = arith.constant 4 : i32
      %shift_right_logical3A_55 = vector.broadcast %shift_right_logical3A_54 : i32 to vector<16xi32>
      %shift_right_logical3A_56 = arith.shrui %get3A_53, %shift_right_logical3A_55 : vector<16xi32>
      %and3A_57 = arith.constant 15 : i32
      %and3A_58 = vector.broadcast %and3A_57 : i32 to vector<16xi32>
      %and3A_59 = arith.andi %get3A_53, %and3A_58 : vector<16xi32>
      tpu.vector_store_idx %arg5[%shift_right_logical3A_56, %and3A_59], %broadcast_in_dim3A_2 {add = true} : memref<640x16xf32, #tpu.memory_space<vmem>>[vector<16xi32>, vector<16xi32>], vector<16xf32>,
      %get3A_60 = arith.index_cast %add3A : i32 to index
      %get3A_61 = arith.constant 32 : index
      %get3A_62 = tpu.vector_load %arg4[%get3A_60, %get3A_61] {strides = array<i32>} : memref<160x128xi32, #tpu.memory_space<vmem>>, vector<16xi32>,
      %shift_right_logical3A_63 = arith.constant 4 : i32
      %shift_right_logical3A_64 = vector.broadcast %shift_right_logical3A_63 : i32 to vector<16xi32>
      %shift_right_logical3A_65 = arith.shrui %get3A_62, %shift_right_logical3A_64 : vector<16xi32>
      %and3A_66 = arith.constant 15 : i32
      %and3A_67 = vector.broadcast %and3A_66 : i32 to vector<16xi32>
      %and3A_68 = arith.andi %get3A_62, %and3A_67 : vector<16xi32>
      tpu.vector_store_idx %arg5[%shift_right_logical3A_65, %and3A_68], %broadcast_in_dim3A_2 {add = true} : memref<640x16xf32, #tpu.memory_space<vmem>>[vector<16xi32>, vector<16xi32>], vector<16xf32>,
      %get3A_69 = arith.index_cast %add3A : i32 to index
      %get3A_70 = arith.constant 48 : index
      %get3A_71 = tpu.vector_load %arg4[%get3A_69, %get3A_70] {strides = array<i32>} : memref<160x128xi32, #tpu.memory_space<vmem>>, vector<16xi32>,
      %shift_right_logical3A_72 = arith.constant 4 : i32
      %shift_right_logical3A_73 = vector.broadcast %shift_right_logical3A_72 : i32 to vector<16xi32>
      %shift_right_logical3A_74 = arith.shrui %get3A_71, %shift_right_logical3A_73 : vector<16xi32>
      %and3A_75 = arith.constant 15 : i32
      %and3A_76 = vector.broadcast %and3A_75 : i32 to vector<16xi32>
      %and3A_77 = arith.andi %get3A_71, %and3A_76 : vector<16xi32>
      tpu.vector_store_idx %arg5[%shift_right_logical3A_74, %and3A_77], %broadcast_in_dim3A_2 {add = true} : memref<640x16xf32, #tpu.memory_space<vmem>>[vector<16xi32>, vector<16xi32>], vector<16xf32>,
      %get3A_78 = arith.index_cast %add3A : i32 to index
      %get3A_79 = arith.constant 64 : index
      %get3A_80 = tpu.vector_load %arg4[%get3A_78, %get3A_79] {strides = array<i32>} : memref<160x128xi32, #tpu.memory_space<vmem>>, vector<16xi32>,
      %shift_right_logical3A_81 = arith.constant 4 : i32
      %shift_right_logical3A_82 = vector.broadcast %shift_right_logical3A_81 : i32 to vector<16xi32>
      %shift_right_logical3A_83 = arith.shrui %get3A_80, %shift_right_logical3A_82 : vector<16xi32>
      %and3A_84 = arith.constant 15 : i32
      %and3A_85 = vector.broadcast %and3A_84 : i32 to vector<16xi32>
      %and3A_86 = arith.andi %get3A_80, %and3A_85 : vector<16xi32>
      tpu.vector_store_idx %arg5[%shift_right_logical3A_83, %and3A_86], %broadcast_in_dim3A_2 {add = true} : memref<640x16xf32, #tpu.memory_space<vmem>>[vector<16xi32>, vector<16xi32>], vector<16xf32>,
      %get3A_87 = arith.index_cast %add3A : i32 to index
      %get3A_88 = arith.constant 80 : index
      %get3A_89 = tpu.vector_load %arg4[%get3A_87, %get3A_88] {strides = array<i32>} : memref<160x128xi32, #tpu.memory_space<vmem>>, vector<16xi32>,
      %shift_right_logical3A_90 = arith.constant 4 : i32
      %shift_right_logical3A_91 = vector.broadcast %shift_right_logical3A_90 : i32 to vector<16xi32>
      %shift_right_logical3A_92 = arith.shrui %get3A_89, %shift_right_logical3A_91 : vector<16xi32>
      %and3A_93 = arith.constant 15 : i32
      %and3A_94 = vector.broadcast %and3A_93 : i32 to vector<16xi32>
      %and3A_95 = arith.andi %get3A_89, %and3A_94 : vector<16xi32>
      tpu.vector_store_idx %arg5[%shift_right_logical3A_92, %and3A_95], %broadcast_in_dim3A_2 {add = true} : memref<640x16xf32, #tpu.memory_space<vmem>>[vector<16xi32>, vector<16xi32>], vector<16xf32>,
      %get3A_96 = arith.index_cast %add3A : i32 to index
      %get3A_97 = arith.constant 96 : index
      %get3A_98 = tpu.vector_load %arg4[%get3A_96, %get3A_97] {strides = array<i32>} : memref<160x128xi32, #tpu.memory_space<vmem>>, vector<16xi32>,
      %shift_right_logical3A_99 = arith.constant 4 : i32
      %shift_right_logical3A_100 = vector.broadcast %shift_right_logical3A_99 : i32 to vector<16xi32>
      %shift_right_logical3A_101 = arith.shrui %get3A_98, %shift_right_logical3A_100 : vector<16xi32>
      %and3A_102 = arith.constant 15 : i32
      %and3A_103 = vector.broadcast %and3A_102 : i32 to vector<16xi32>
      %and3A_104 = arith.andi %get3A_98, %and3A_103 : vector<16xi32>
      tpu.vector_store_idx %arg5[%shift_right_logical3A_101, %and3A_104], %broadcast_in_dim3A_2 {add = true} : memref<640x16xf32, #tpu.memory_space<vmem>>[vector<16xi32>, vector<16xi32>], vector<16xf32>,
      %get3A_105 = arith.index_cast %add3A : i32 to index
      %get3A_106 = arith.constant 112 : index
      %get3A_107 = tpu.vector_load %arg4[%get3A_105, %get3A_106] {strides = array<i32>} : memref<160x128xi32, #tpu.memory_space<vmem>>, vector<16xi32>,
      %shift_right_logical3A_108 = arith.constant 4 : i32
      %shift_right_logical3A_109 = vector.broadcast %shift_right_logical3A_108 : i32 to vector<16xi32>
      %shift_right_logical3A_110 = arith.shrui %get3A_107, %shift_right_logical3A_109 : vector<16xi32>
      %and3A_111 = arith.constant 15 : i32
      %and3A_112 = vector.broadcast %and3A_111 : i32 to vector<16xi32>
      %and3A_113 = arith.andi %get3A_107, %and3A_112 : vector<16xi32>
      tpu.vector_store_idx %arg5[%shift_right_logical3A_110, %and3A_113], %broadcast_in_dim3A_2 {add = true} : memref<640x16xf32, #tpu.memory_space<vmem>>[vector<16xi32>, vector<16xi32>], vector<16xf32>,
      %scan3A_114 = arith.constant 0 : i32
      scf.yield %scan3A_114 : i32
    }
    %scan3A_23 = arith.constant 80 : i32
    %barrier3A_24 = arith.constant 0 : index
    tpu.barrier barrier_id(%barrier3A_24)
    %run_scoped3A = arith.constant 0 : i32
    "tpu.region"() ({
      %run_scoped3A_41 = tpu.sem_alloc : memref<!tpu.dma_semaphore, #tpu.memory_space<semaphore_mem>>
      %dma_start3A = arith.constant 0 : i32
      %dma_start3A_42 = arith.constant 0 : i32
      %dma_start3A_43 = tpu.memref_slice %arg5[%dma_start3A, %dma_start3A_42] : memref<640x16xf32, #tpu.memory_space<vmem>> -> memref<128x16xf32, #tpu.memory_space<vmem>>
      %dma_start3A_44 = arith.constant 0 : i32
      %dma_start3A_45 = tpu.memref_slice %arg8[%run_scoped3A, %dma_start3A_44] : memref<5x128xi32, #tpu.memory_space<vmem>> -> memref<1x128xi32, #tpu.memory_space<vmem>>
      %dma_start3A_46 = tpu.memref_squeeze %dma_start3A_45 : memref<1x128xi32, #tpu.memory_space<vmem>> -> memref<128xi32, #tpu.memory_space<vmem>>
      %dma_start3A_47 = arith.constant 0 : i32
      %dma_start3A_48 = arith.constant 0 : i32
      %dma_start3A_49 = tpu.memref_slice %arg10[%dma_start3A_47, %dma_start3A_48] : memref<640x16xf32, #tpu.memory_space<vmem_shared>> -> memref<640x16xf32, #tpu.memory_space<vmem_shared>>
      tpu.enqueue_indirect_dma source(%dma_start3A_43 : memref<128x16xf32, #tpu.memory_space<vmem>>) target(%dma_start3A_49 : memref<640x16xf32, #tpu.memory_space<vmem_shared>>) offsets(%dma_start3A_46 : memref<128xi32, #tpu.memory_space<vmem>>) semaphore(%run_scoped3A_41 : memref<!tpu.dma_semaphore, #tpu.memory_space<semaphore_mem>>) {add = true}
      %dma_wait3A = arith.constant 0 : i32
      %dma_wait3A_50 = arith.constant 0 : i32
      %dma_wait3A_51 = tpu.memref_slice %arg5[%dma_wait3A, %dma_wait3A_50] : memref<640x16xf32, #tpu.memory_space<vmem>> -> memref<128x16xf32, #tpu.memory_space<vmem>>
      %dma_wait3A_52 = arith.constant 0 : i32
      %dma_wait3A_53 = tpu.memref_slice %arg8[%run_scoped3A, %dma_wait3A_52] : memref<5x128xi32, #tpu.memory_space<vmem>> -> memref<1x128xi32, #tpu.memory_space<vmem>>
      %dma_wait3A_54 = tpu.memref_squeeze %dma_wait3A_53 : memref<1x128xi32, #tpu.memory_space<vmem>> -> memref<128xi32, #tpu.memory_space<vmem>>
      %dma_wait3A_55 = arith.constant 0 : i32
      %dma_wait3A_56 = arith.constant 0 : i32
      %dma_wait3A_57 = tpu.memref_slice %arg10[%dma_wait3A_55, %dma_wait3A_56] : memref<640x16xf32, #tpu.memory_space<vmem_shared>> -> memref<640x16xf32, #tpu.memory_space<vmem_shared>>
      tpu.wait_indirect_dma semaphore(%run_scoped3A_41 : memref<!tpu.dma_semaphore, #tpu.memory_space<semaphore_mem>>) src(%dma_wait3A_51 : memref<128x16xf32, #tpu.memory_space<vmem>>) dst(%dma_wait3A_57 : memref<640x16xf32, #tpu.memory_space<vmem_shared>>)
      tpu.yield
    }) : () -> ()
    %run_scoped3A_25 = arith.constant 1 : i32
    "tpu.region"() ({
      %run_scoped3A_41 = tpu.sem_alloc : memref<!tpu.dma_semaphore, #tpu.memory_space<semaphore_mem>>
      %dma_start3A = arith.constant 128 : i32
      %dma_start3A_42 = arith.constant 0 : i32
      %dma_start3A_43 = tpu.memref_slice %arg5[%dma_start3A, %dma_start3A_42] : memref<640x16xf32, #tpu.memory_space<vmem>> -> memref<128x16xf32, #tpu.memory_space<vmem>>
      %dma_start3A_44 = arith.constant 0 : i32
      %dma_start3A_45 = tpu.memref_slice %arg8[%run_scoped3A_25, %dma_start3A_44] : memref<5x128xi32, #tpu.memory_space<vmem>> -> memref<1x128xi32, #tpu.memory_space<vmem>>
      %dma_start3A_46 = tpu.memref_squeeze %dma_start3A_45 : memref<1x128xi32, #tpu.memory_space<vmem>> -> memref<128xi32, #tpu.memory_space<vmem>>
      %dma_start3A_47 = arith.constant 0 : i32
      %dma_start3A_48 = arith.constant 0 : i32
      %dma_start3A_49 = tpu.memref_slice %arg10[%dma_start3A_47, %dma_start3A_48] : memref<640x16xf32, #tpu.memory_space<vmem_shared>> -> memref<640x16xf32, #tpu.memory_space<vmem_shared>>
      tpu.enqueue_indirect_dma source(%dma_start3A_43 : memref<128x16xf32, #tpu.memory_space<vmem>>) target(%dma_start3A_49 : memref<640x16xf32, #tpu.memory_space<vmem_shared>>) offsets(%dma_start3A_46 : memref<128xi32, #tpu.memory_space<vmem>>) semaphore(%run_scoped3A_41 : memref<!tpu.dma_semaphore, #tpu.memory_space<semaphore_mem>>) {add = true}
      %dma_wait3A = arith.constant 128 : i32
      %dma_wait3A_50 = arith.constant 0 : i32
      %dma_wait3A_51 = tpu.memref_slice %arg5[%dma_wait3A, %dma_wait3A_50] : memref<640x16xf32, #tpu.memory_space<vmem>> -> memref<128x16xf32, #tpu.memory_space<vmem>>
      %dma_wait3A_52 = arith.constant 0 : i32
      %dma_wait3A_53 = tpu.memref_slice %arg8[%run_scoped3A_25, %dma_wait3A_52] : memref<5x128xi32, #tpu.memory_space<vmem>> -> memref<1x128xi32, #tpu.memory_space<vmem>>
      %dma_wait3A_54 = tpu.memref_squeeze %dma_wait3A_53 : memref<1x128xi32, #tpu.memory_space<vmem>> -> memref<128xi32, #tpu.memory_space<vmem>>
      %dma_wait3A_55 = arith.constant 0 : i32
      %dma_wait3A_56 = arith.constant 0 : i32
      %dma_wait3A_57 = tpu.memref_slice %arg10[%dma_wait3A_55, %dma_wait3A_56] : memref<640x16xf32, #tpu.memory_space<vmem_shared>> -> memref<640x16xf32, #tpu.memory_space<vmem_shared>>
      tpu.wait_indirect_dma semaphore(%run_scoped3A_41 : memref<!tpu.dma_semaphore, #tpu.memory_space<semaphore_mem>>) src(%dma_wait3A_51 : memref<128x16xf32, #tpu.memory_space<vmem>>) dst(%dma_wait3A_57 : memref<640x16xf32, #tpu.memory_space<vmem_shared>>)
      tpu.yield
    }) : () -> ()
    %run_scoped3A_26 = arith.constant 2 : i32
    "tpu.region"() ({
      %run_scoped3A_41 = tpu.sem_alloc : memref<!tpu.dma_semaphore, #tpu.memory_space<semaphore_mem>>
      %dma_start3A = arith.constant 256 : i32
      %dma_start3A_42 = arith.constant 0 : i32
      %dma_start3A_43 = tpu.memref_slice %arg5[%dma_start3A, %dma_start3A_42] : memref<640x16xf32, #tpu.memory_space<vmem>> -> memref<128x16xf32, #tpu.memory_space<vmem>>
      %dma_start3A_44 = arith.constant 0 : i32
      %dma_start3A_45 = tpu.memref_slice %arg8[%run_scoped3A_26, %dma_start3A_44] : memref<5x128xi32, #tpu.memory_space<vmem>> -> memref<1x128xi32, #tpu.memory_space<vmem>>
      %dma_start3A_46 = tpu.memref_squeeze %dma_start3A_45 : memref<1x128xi32, #tpu.memory_space<vmem>> -> memref<128xi32, #tpu.memory_space<vmem>>
      %dma_start3A_47 = arith.constant 0 : i32
      %dma_start3A_48 = arith.constant 0 : i32
      %dma_start3A_49 = tpu.memref_slice %arg10[%dma_start3A_47, %dma_start3A_48] : memref<640x16xf32, #tpu.memory_space<vmem_shared>> -> memref<640x16xf32, #tpu.memory_space<vmem_shared>>
      tpu.enqueue_indirect_dma source(%dma_start3A_43 : memref<128x16xf32, #tpu.memory_space<vmem>>) target(%dma_start3A_49 : memref<640x16xf32, #tpu.memory_space<vmem_shared>>) offsets(%dma_start3A_46 : memref<128xi32, #tpu.memory_space<vmem>>) semaphore(%run_scoped3A_41 : memref<!tpu.dma_semaphore, #tpu.memory_space<semaphore_mem>>) {add = true}
      %dma_wait3A = arith.constant 256 : i32
      %dma_wait3A_50 = arith.constant 0 : i32
      %dma_wait3A_51 = tpu.memref_slice %arg5[%dma_wait3A, %dma_wait3A_50] : memref<640x16xf32, #tpu.memory_space<vmem>> -> memref<128x16xf32, #tpu.memory_space<vmem>>
      %dma_wait3A_52 = arith.constant 0 : i32
      %dma_wait3A_53 = tpu.memref_slice %arg8[%run_scoped3A_26, %dma_wait3A_52] : memref<5x128xi32, #tpu.memory_space<vmem>> -> memref<1x128xi32, #tpu.memory_space<vmem>>
      %dma_wait3A_54 = tpu.memref_squeeze %dma_wait3A_53 : memref<1x128xi32, #tpu.memory_space<vmem>> -> memref<128xi32, #tpu.memory_space<vmem>>
      %dma_wait3A_55 = arith.constant 0 : i32
      %dma_wait3A_56 = arith.constant 0 : i32
      %dma_wait3A_57 = tpu.memref_slice %arg10[%dma_wait3A_55, %dma_wait3A_56] : memref<640x16xf32, #tpu.memory_space<vmem_shared>> -> memref<640x16xf32, #tpu.memory_space<vmem_shared>>
      tpu.wait_indirect_dma semaphore(%run_scoped3A_41 : memref<!tpu.dma_semaphore, #tpu.memory_space<semaphore_mem>>) src(%dma_wait3A_51 : memref<128x16xf32, #tpu.memory_space<vmem>>) dst(%dma_wait3A_57 : memref<640x16xf32, #tpu.memory_space<vmem_shared>>)
      tpu.yield
    }) : () -> ()
    %run_scoped3A_27 = arith.constant 3 : i32
    "tpu.region"() ({
      %run_scoped3A_41 = tpu.sem_alloc : memref<!tpu.dma_semaphore, #tpu.memory_space<semaphore_mem>>
      %dma_start3A = arith.constant 384 : i32
      %dma_start3A_42 = arith.constant 0 : i32
      %dma_start3A_43 = tpu.memref_slice %arg5[%dma_start3A, %dma_start3A_42] : memref<640x16xf32, #tpu.memory_space<vmem>> -> memref<128x16xf32, #tpu.memory_space<vmem>>
      %dma_start3A_44 = arith.constant 0 : i32
      %dma_start3A_45 = tpu.memref_slice %arg8[%run_scoped3A_27, %dma_start3A_44] : memref<5x128xi32, #tpu.memory_space<vmem>> -> memref<1x128xi32, #tpu.memory_space<vmem>>
      %dma_start3A_46 = tpu.memref_squeeze %dma_start3A_45 : memref<1x128xi32, #tpu.memory_space<vmem>> -> memref<128xi32, #tpu.memory_space<vmem>>
      %dma_start3A_47 = arith.constant 0 : i32
      %dma_start3A_48 = arith.constant 0 : i32
      %dma_start3A_49 = tpu.memref_slice %arg10[%dma_start3A_47, %dma_start3A_48] : memref<640x16xf32, #tpu.memory_space<vmem_shared>> -> memref<640x16xf32, #tpu.memory_space<vmem_shared>>
      tpu.enqueue_indirect_dma source(%dma_start3A_43 : memref<128x16xf32, #tpu.memory_space<vmem>>) target(%dma_start3A_49 : memref<640x16xf32, #tpu.memory_space<vmem_shared>>) offsets(%dma_start3A_46 : memref<128xi32, #tpu.memory_space<vmem>>) semaphore(%run_scoped3A_41 : memref<!tpu.dma_semaphore, #tpu.memory_space<semaphore_mem>>) {add = true}
      %dma_wait3A = arith.constant 384 : i32
      %dma_wait3A_50 = arith.constant 0 : i32
      %dma_wait3A_51 = tpu.memref_slice %arg5[%dma_wait3A, %dma_wait3A_50] : memref<640x16xf32, #tpu.memory_space<vmem>> -> memref<128x16xf32, #tpu.memory_space<vmem>>
      %dma_wait3A_52 = arith.constant 0 : i32
      %dma_wait3A_53 = tpu.memref_slice %arg8[%run_scoped3A_27, %dma_wait3A_52] : memref<5x128xi32, #tpu.memory_space<vmem>> -> memref<1x128xi32, #tpu.memory_space<vmem>>
      %dma_wait3A_54 = tpu.memref_squeeze %dma_wait3A_53 : memref<1x128xi32, #tpu.memory_space<vmem>> -> memref<128xi32, #tpu.memory_space<vmem>>
      %dma_wait3A_55 = arith.constant 0 : i32
      %dma_wait3A_56 = arith.constant 0 : i32
      %dma_wait3A_57 = tpu.memref_slice %arg10[%dma_wait3A_55, %dma_wait3A_56] : memref<640x16xf32, #tpu.memory_space<vmem_shared>> -> memref<640x16xf32, #tpu.memory_space<vmem_shared>>
      tpu.wait_indirect_dma semaphore(%run_scoped3A_41 : memref<!tpu.dma_semaphore, #tpu.memory_space<semaphore_mem>>) src(%dma_wait3A_51 : memref<128x16xf32, #tpu.memory_space<vmem>>) dst(%dma_wait3A_57 : memref<640x16xf32, #tpu.memory_space<vmem_shared>>)
      tpu.yield
    }) : () -> ()
    %run_scoped3A_28 = arith.constant 4 : i32
    "tpu.region"() ({
      %run_scoped3A_41 = tpu.sem_alloc : memref<!tpu.dma_semaphore, #tpu.memory_space<semaphore_mem>>
      %dma_start3A = arith.constant 512 : i32
      %dma_start3A_42 = arith.constant 0 : i32
      %dma_start3A_43 = tpu.memref_slice %arg5[%dma_start3A, %dma_start3A_42] : memref<640x16xf32, #tpu.memory_space<vmem>> -> memref<128x16xf32, #tpu.memory_space<vmem>>
      %dma_start3A_44 = arith.constant 0 : i32
      %dma_start3A_45 = tpu.memref_slice %arg8[%run_scoped3A_28, %dma_start3A_44] : memref<5x128xi32, #tpu.memory_space<vmem>> -> memref<1x128xi32, #tpu.memory_space<vmem>>
      %dma_start3A_46 = tpu.memref_squeeze %dma_start3A_45 : memref<1x128xi32, #tpu.memory_space<vmem>> -> memref<128xi32, #tpu.memory_space<vmem>>
      %dma_start3A_47 = arith.constant 0 : i32
      %dma_start3A_48 = arith.constant 0 : i32
      %dma_start3A_49 = tpu.memref_slice %arg10[%dma_start3A_47, %dma_start3A_48] : memref<640x16xf32, #tpu.memory_space<vmem_shared>> -> memref<640x16xf32, #tpu.memory_space<vmem_shared>>
      tpu.enqueue_indirect_dma source(%dma_start3A_43 : memref<128x16xf32, #tpu.memory_space<vmem>>) target(%dma_start3A_49 : memref<640x16xf32, #tpu.memory_space<vmem_shared>>) offsets(%dma_start3A_46 : memref<128xi32, #tpu.memory_space<vmem>>) semaphore(%run_scoped3A_41 : memref<!tpu.dma_semaphore, #tpu.memory_space<semaphore_mem>>) {add = true}
      %dma_wait3A = arith.constant 512 : i32
      %dma_wait3A_50 = arith.constant 0 : i32
      %dma_wait3A_51 = tpu.memref_slice %arg5[%dma_wait3A, %dma_wait3A_50] : memref<640x16xf32, #tpu.memory_space<vmem>> -> memref<128x16xf32, #tpu.memory_space<vmem>>
      %dma_wait3A_52 = arith.constant 0 : i32
      %dma_wait3A_53 = tpu.memref_slice %arg8[%run_scoped3A_28, %dma_wait3A_52] : memref<5x128xi32, #tpu.memory_space<vmem>> -> memref<1x128xi32, #tpu.memory_space<vmem>>
      %dma_wait3A_54 = tpu.memref_squeeze %dma_wait3A_53 : memref<1x128xi32, #tpu.memory_space<vmem>> -> memref<128xi32, #tpu.memory_space<vmem>>
      %dma_wait3A_55 = arith.constant 0 : i32
      %dma_wait3A_56 = arith.constant 0 : i32
      %dma_wait3A_57 = tpu.memref_slice %arg10[%dma_wait3A_55, %dma_wait3A_56] : memref<640x16xf32, #tpu.memory_space<vmem_shared>> -> memref<640x16xf32, #tpu.memory_space<vmem_shared>>
      tpu.wait_indirect_dma semaphore(%run_scoped3A_41 : memref<!tpu.dma_semaphore, #tpu.memory_space<semaphore_mem>>) src(%dma_wait3A_51 : memref<128x16xf32, #tpu.memory_space<vmem>>) dst(%dma_wait3A_57 : memref<640x16xf32, #tpu.memory_space<vmem_shared>>)
      tpu.yield
    }) : () -> ()
    %barrier3A_29 = arith.constant 0 : index
    tpu.barrier barrier_id(%barrier3A_29)
    %mul3A_30 = arith.constant 40 : i32
    %mul3A_31 = arith.muli %arg1, %mul3A_30 : i32
    "tpu.region"() ({
      %run_scoped3A_41 = tpu.sem_alloc : memref<!tpu.dma_semaphore, #tpu.memory_space<semaphore_mem>>
      %dma_start3A = arith.constant 0 : i32
      %dma_start3A_42 = tpu.memref_slice %arg10[%mul3A_31, %dma_start3A] : memref<640x16xf32, #tpu.memory_space<vmem_shared>> -> memref<40x16xf32, #tpu.memory_space<vmem_shared>>
      %dma_start3A_43 = arith.constant 0 : i32
      %dma_start3A_44 = tpu.memref_slice %arg10[%mul3A_31, %dma_start3A_43] : memref<640x16xf32, #tpu.memory_space<vmem_shared>> -> memref<40x16xf32, #tpu.memory_space<vmem_shared>>
      tpu.enqueue_dma source(%dma_start3A_44 : memref<40x16xf32, #tpu.memory_space<vmem_shared>>) target(%arg7 : memref<40x16xf32, #tpu.memory_space<vmem>>) target_semaphore(%run_scoped3A_41 : memref<!tpu.dma_semaphore, #tpu.memory_space<semaphore_mem>>)
      %dma_wait3A = arith.constant 0 : i32
      %dma_wait3A_45 = tpu.memref_slice %arg10[%mul3A_31, %dma_wait3A] : memref<640x16xf32, #tpu.memory_space<vmem_shared>> -> memref<40x16xf32, #tpu.memory_space<vmem_shared>>
      %dma_wait3A_46 = arith.constant 0 : i32
      %dma_wait3A_47 = tpu.memref_slice %arg10[%mul3A_31, %dma_wait3A_46] : memref<640x16xf32, #tpu.memory_space<vmem_shared>> -> memref<40x16xf32, #tpu.memory_space<vmem_shared>>
      tpu.wait_dma2 semaphore(%run_scoped3A_41 : memref<!tpu.dma_semaphore, #tpu.memory_space<semaphore_mem>>) src(%dma_wait3A_47 : memref<40x16xf32, #tpu.memory_space<vmem_shared>>) dst(%arg7 : memref<40x16xf32, #tpu.memory_space<vmem>>)
      tpu.yield
    }) : () -> ()
    %scan3A_32 = arith.constant 0 : i32
    %scan3A_33 = arith.constant 0 : i32
    %scan3A_34 = arith.constant 40 : i32
    %scan3A_35 = arith.addi %scan3A_33, %scan3A_34 : i32
    %scan3A_36 = arith.constant 1 : i32
    %scan3A_37 = scf.for %scan3A_41 = %scan3A_33 to %scan3A_35 step %scan3A_36 iter_args(%scan3A_42 = %scan3A_32) -> (i32)  : i32 {
      %get3A = arith.index_cast %scan3A_41 : i32 to index
      %get3A_43 = arith.constant 0 : index
      %get3A_44 = tpu.vector_load %arg7[%get3A, %get3A_43] {strides = array<i32>} : memref<40x16xf32, #tpu.memory_space<vmem>>, vector<16xf32>,
      %mul3A_45 = arith.constant 512 : i32
      %mul3A_46 = arith.muli %scan3A_41, %mul3A_45 : i32
      %mul3A_47 = arith.constant 32 : i32
      %mul3A_48 = vector.broadcast %mul3A_47 : i32 to vector<16xi32>
      %mul3A_49 = arith.muli %iota3A, %mul3A_48 : vector<16xi32>
      %add3A = arith.constant 0 : i32
      %add3A_50 = arith.addi %mul3A_46, %add3A : i32
      %add3A_51 = vector.broadcast %add3A_50 : i32 to vector<16xi32>
      %add3A_52 = arith.addi %mul3A_49, %add3A_51 : vector<16xi32>
      tpu.vector_store_idx %arg6[%add3A_52], %get3A_44 : memref<20480xf32, #tpu.memory_space<vmem>>[vector<16xi32>], vector<16xf32>,
      %mul3A_53 = arith.constant 32 : i32
      %mul3A_54 = vector.broadcast %mul3A_53 : i32 to vector<16xi32>
      %mul3A_55 = arith.muli %iota3A, %mul3A_54 : vector<16xi32>
      %add3A_56 = arith.constant 1 : i32
      %add3A_57 = arith.addi %mul3A_46, %add3A_56 : i32
      %add3A_58 = vector.broadcast %add3A_57 : i32 to vector<16xi32>
      %add3A_59 = arith.addi %mul3A_55, %add3A_58 : vector<16xi32>
      tpu.vector_store_idx %arg6[%add3A_59], %get3A_44 : memref<20480xf32, #tpu.memory_space<vmem>>[vector<16xi32>], vector<16xf32>,
      %mul3A_60 = arith.constant 32 : i32
      %mul3A_61 = vector.broadcast %mul3A_60 : i32 to vector<16xi32>
      %mul3A_62 = arith.muli %iota3A, %mul3A_61 : vector<16xi32>
      %add3A_63 = arith.constant 2 : i32
      %add3A_64 = arith.addi %mul3A_46, %add3A_63 : i32
      %add3A_65 = vector.broadcast %add3A_64 : i32 to vector<16xi32>
      %add3A_66 = arith.addi %mul3A_62, %add3A_65 : vector<16xi32>
      tpu.vector_store_idx %arg6[%add3A_66], %get3A_44 : memref<20480xf32, #tpu.memory_space<vmem>>[vector<16xi32>], vector<16xf32>,
      %mul3A_67 = arith.constant 32 : i32
      %mul3A_68 = vector.broadcast %mul3A_67 : i32 to vector<16xi32>
      %mul3A_69 = arith.muli %iota3A, %mul3A_68 : vector<16xi32>
      %add3A_70 = arith.constant 3 : i32
      %add3A_71 = arith.addi %mul3A_46, %add3A_70 : i32
      %add3A_72 = vector.broadcast %add3A_71 : i32 to vector<16xi32>
      %add3A_73 = arith.addi %mul3A_69, %add3A_72 : vector<16xi32>
      tpu.vector_store_idx %arg6[%add3A_73], %get3A_44 : memref<20480xf32, #tpu.memory_space<vmem>>[vector<16xi32>], vector<16xf32>,
      %mul3A_74 = arith.constant 32 : i32
      %mul3A_75 = vector.broadcast %mul3A_74 : i32 to vector<16xi32>
      %mul3A_76 = arith.muli %iota3A, %mul3A_75 : vector<16xi32>
      %add3A_77 = arith.constant 4 : i32
      %add3A_78 = arith.addi %mul3A_46, %add3A_77 : i32
      %add3A_79 = vector.broadcast %add3A_78 : i32 to vector<16xi32>
      %add3A_80 = arith.addi %mul3A_76, %add3A_79 : vector<16xi32>
      tpu.vector_store_idx %arg6[%add3A_80], %get3A_44 : memref<20480xf32, #tpu.memory_space<vmem>>[vector<16xi32>], vector<16xf32>,
      %mul3A_81 = arith.constant 32 : i32
      %mul3A_82 = vector.broadcast %mul3A_81 : i32 to vector<16xi32>
      %mul3A_83 = arith.muli %iota3A, %mul3A_82 : vector<16xi32>
      %add3A_84 = arith.constant 5 : i32
      %add3A_85 = arith.addi %mul3A_46, %add3A_84 : i32
      %add3A_86 = vector.broadcast %add3A_85 : i32 to vector<16xi32>
      %add3A_87 = arith.addi %mul3A_83, %add3A_86 : vector<16xi32>
      tpu.vector_store_idx %arg6[%add3A_87], %get3A_44 : memref<20480xf32, #tpu.memory_space<vmem>>[vector<16xi32>], vector<16xf32>,
      %mul3A_88 = arith.constant 32 : i32
      %mul3A_89 = vector.broadcast %mul3A_88 : i32 to vector<16xi32>
      %mul3A_90 = arith.muli %iota3A, %mul3A_89 : vector<16xi32>
      %add3A_91 = arith.constant 6 : i32
      %add3A_92 = arith.addi %mul3A_46, %add3A_91 : i32
      %add3A_93 = vector.broadcast %add3A_92 : i32 to vector<16xi32>
      %add3A_94 = arith.addi %mul3A_90, %add3A_93 : vector<16xi32>
      tpu.vector_store_idx %arg6[%add3A_94], %get3A_44 : memref<20480xf32, #tpu.memory_space<vmem>>[vector<16xi32>], vector<16xf32>,
      %mul3A_95 = arith.constant 32 : i32
      %mul3A_96 = vector.broadcast %mul3A_95 : i32 to vector<16xi32>
      %mul3A_97 = arith.muli %iota3A, %mul3A_96 : vector<16xi32>
      %add3A_98 = arith.constant 7 : i32
      %add3A_99 = arith.addi %mul3A_46, %add3A_98 : i32
      %add3A_100 = vector.broadcast %add3A_99 : i32 to vector<16xi32>
      %add3A_101 = arith.addi %mul3A_97, %add3A_100 : vector<16xi32>
      tpu.vector_store_idx %arg6[%add3A_101], %get3A_44 : memref<20480xf32, #tpu.memory_space<vmem>>[vector<16xi32>], vector<16xf32>,
      %mul3A_102 = arith.constant 32 : i32
      %mul3A_103 = vector.broadcast %mul3A_102 : i32 to vector<16xi32>
      %mul3A_104 = arith.muli %iota3A, %mul3A_103 : vector<16xi32>
      %add3A_105 = arith.constant 8 : i32
      %add3A_106 = arith.addi %mul3A_46, %add3A_105 : i32
      %add3A_107 = vector.broadcast %add3A_106 : i32 to vector<16xi32>
      %add3A_108 = arith.addi %mul3A_104, %add3A_107 : vector<16xi32>
      tpu.vector_store_idx %arg6[%add3A_108], %get3A_44 : memref<20480xf32, #tpu.memory_space<vmem>>[vector<16xi32>], vector<16xf32>,
      %mul3A_109 = arith.constant 32 : i32
      %mul3A_110 = vector.broadcast %mul3A_109 : i32 to vector<16xi32>
      %mul3A_111 = arith.muli %iota3A, %mul3A_110 : vector<16xi32>
      %add3A_112 = arith.constant 9 : i32
      %add3A_113 = arith.addi %mul3A_46, %add3A_112 : i32
      %add3A_114 = vector.broadcast %add3A_113 : i32 to vector<16xi32>
      %add3A_115 = arith.addi %mul3A_111, %add3A_114 : vector<16xi32>
      tpu.vector_store_idx %arg6[%add3A_115], %get3A_44 : memref<20480xf32, #tpu.memory_space<vmem>>[vector<16xi32>], vector<16xf32>,
      %mul3A_116 = arith.constant 32 : i32
      %mul3A_117 = vector.broadcast %mul3A_116 : i32 to vector<16xi32>
      %mul3A_118 = arith.muli %iota3A, %mul3A_117 : vector<16xi32>
      %add3A_119 = arith.constant 10 : i32
      %add3A_120 = arith.addi %mul3A_46, %add3A_119 : i32
      %add3A_121 = vector.broadcast %add3A_120 : i32 to vector<16xi32>
      %add3A_122 = arith.addi %mul3A_118, %add3A_121 : vector<16xi32>
      tpu.vector_store_idx %arg6[%add3A_122], %get3A_44 : memref<20480xf32, #tpu.memory_space<vmem>>[vector<16xi32>], vector<16xf32>,
      %mul3A_123 = arith.constant 32 : i32
      %mul3A_124 = vector.broadcast %mul3A_123 : i32 to vector<16xi32>
      %mul3A_125 = arith.muli %iota3A, %mul3A_124 : vector<16xi32>
      %add3A_126 = arith.constant 11 : i32
      %add3A_127 = arith.addi %mul3A_46, %add3A_126 : i32
      %add3A_128 = vector.broadcast %add3A_127 : i32 to vector<16xi32>
      %add3A_129 = arith.addi %mul3A_125, %add3A_128 : vector<16xi32>
      tpu.vector_store_idx %arg6[%add3A_129], %get3A_44 : memref<20480xf32, #tpu.memory_space<vmem>>[vector<16xi32>], vector<16xf32>,
      %mul3A_130 = arith.constant 32 : i32
      %mul3A_131 = vector.broadcast %mul3A_130 : i32 to vector<16xi32>
      %mul3A_132 = arith.muli %iota3A, %mul3A_131 : vector<16xi32>
      %add3A_133 = arith.constant 12 : i32
      %add3A_134 = arith.addi %mul3A_46, %add3A_133 : i32
      %add3A_135 = vector.broadcast %add3A_134 : i32 to vector<16xi32>
      %add3A_136 = arith.addi %mul3A_132, %add3A_135 : vector<16xi32>
      tpu.vector_store_idx %arg6[%add3A_136], %get3A_44 : memref<20480xf32, #tpu.memory_space<vmem>>[vector<16xi32>], vector<16xf32>,
      %mul3A_137 = arith.constant 32 : i32
      %mul3A_138 = vector.broadcast %mul3A_137 : i32 to vector<16xi32>
      %mul3A_139 = arith.muli %iota3A, %mul3A_138 : vector<16xi32>
      %add3A_140 = arith.constant 13 : i32
      %add3A_141 = arith.addi %mul3A_46, %add3A_140 : i32
      %add3A_142 = vector.broadcast %add3A_141 : i32 to vector<16xi32>
      %add3A_143 = arith.addi %mul3A_139, %add3A_142 : vector<16xi32>
      tpu.vector_store_idx %arg6[%add3A_143], %get3A_44 : memref<20480xf32, #tpu.memory_space<vmem>>[vector<16xi32>], vector<16xf32>,
      %mul3A_144 = arith.constant 32 : i32
      %mul3A_145 = vector.broadcast %mul3A_144 : i32 to vector<16xi32>
      %mul3A_146 = arith.muli %iota3A, %mul3A_145 : vector<16xi32>
      %add3A_147 = arith.constant 14 : i32
      %add3A_148 = arith.addi %mul3A_46, %add3A_147 : i32
      %add3A_149 = vector.broadcast %add3A_148 : i32 to vector<16xi32>
      %add3A_150 = arith.addi %mul3A_146, %add3A_149 : vector<16xi32>
      tpu.vector_store_idx %arg6[%add3A_150], %get3A_44 : memref<20480xf32, #tpu.memory_space<vmem>>[vector<16xi32>], vector<16xf32>,
      %mul3A_151 = arith.constant 32 : i32
      %mul3A_152 = vector.broadcast %mul3A_151 : i32 to vector<16xi32>
      %mul3A_153 = arith.muli %iota3A, %mul3A_152 : vector<16xi32>
      %add3A_154 = arith.constant 15 : i32
      %add3A_155 = arith.addi %mul3A_46, %add3A_154 : i32
      %add3A_156 = vector.broadcast %add3A_155 : i32 to vector<16xi32>
      %add3A_157 = arith.addi %mul3A_153, %add3A_156 : vector<16xi32>
      tpu.vector_store_idx %arg6[%add3A_157], %get3A_44 : memref<20480xf32, #tpu.memory_space<vmem>>[vector<16xi32>], vector<16xf32>,
      %mul3A_158 = arith.constant 32 : i32
      %mul3A_159 = vector.broadcast %mul3A_158 : i32 to vector<16xi32>
      %mul3A_160 = arith.muli %iota3A, %mul3A_159 : vector<16xi32>
      %add3A_161 = arith.constant 16 : i32
      %add3A_162 = arith.addi %mul3A_46, %add3A_161 : i32
      %add3A_163 = vector.broadcast %add3A_162 : i32 to vector<16xi32>
      %add3A_164 = arith.addi %mul3A_160, %add3A_163 : vector<16xi32>
      tpu.vector_store_idx %arg6[%add3A_164], %get3A_44 : memref<20480xf32, #tpu.memory_space<vmem>>[vector<16xi32>], vector<16xf32>,
      %mul3A_165 = arith.constant 32 : i32
      %mul3A_166 = vector.broadcast %mul3A_165 : i32 to vector<16xi32>
      %mul3A_167 = arith.muli %iota3A, %mul3A_166 : vector<16xi32>
      %add3A_168 = arith.constant 17 : i32
      %add3A_169 = arith.addi %mul3A_46, %add3A_168 : i32
      %add3A_170 = vector.broadcast %add3A_169 : i32 to vector<16xi32>
      %add3A_171 = arith.addi %mul3A_167, %add3A_170 : vector<16xi32>
      tpu.vector_store_idx %arg6[%add3A_171], %get3A_44 : memref<20480xf32, #tpu.memory_space<vmem>>[vector<16xi32>], vector<16xf32>,
      %mul3A_172 = arith.constant 32 : i32
      %mul3A_173 = vector.broadcast %mul3A_172 : i32 to vector<16xi32>
      %mul3A_174 = arith.muli %iota3A, %mul3A_173 : vector<16xi32>
      %add3A_175 = arith.constant 18 : i32
      %add3A_176 = arith.addi %mul3A_46, %add3A_175 : i32
      %add3A_177 = vector.broadcast %add3A_176 : i32 to vector<16xi32>
      %add3A_178 = arith.addi %mul3A_174, %add3A_177 : vector<16xi32>
      tpu.vector_store_idx %arg6[%add3A_178], %get3A_44 : memref<20480xf32, #tpu.memory_space<vmem>>[vector<16xi32>], vector<16xf32>,
      %mul3A_179 = arith.constant 32 : i32
      %mul3A_180 = vector.broadcast %mul3A_179 : i32 to vector<16xi32>
      %mul3A_181 = arith.muli %iota3A, %mul3A_180 : vector<16xi32>
      %add3A_182 = arith.constant 19 : i32
      %add3A_183 = arith.addi %mul3A_46, %add3A_182 : i32
      %add3A_184 = vector.broadcast %add3A_183 : i32 to vector<16xi32>
      %add3A_185 = arith.addi %mul3A_181, %add3A_184 : vector<16xi32>
      tpu.vector_store_idx %arg6[%add3A_185], %get3A_44 : memref<20480xf32, #tpu.memory_space<vmem>>[vector<16xi32>], vector<16xf32>,
      %mul3A_186 = arith.constant 32 : i32
      %mul3A_187 = vector.broadcast %mul3A_186 : i32 to vector<16xi32>
      %mul3A_188 = arith.muli %iota3A, %mul3A_187 : vector<16xi32>
      %add3A_189 = arith.constant 20 : i32
      %add3A_190 = arith.addi %mul3A_46, %add3A_189 : i32
      %add3A_191 = vector.broadcast %add3A_190 : i32 to vector<16xi32>
      %add3A_192 = arith.addi %mul3A_188, %add3A_191 : vector<16xi32>
      tpu.vector_store_idx %arg6[%add3A_192], %get3A_44 : memref<20480xf32, #tpu.memory_space<vmem>>[vector<16xi32>], vector<16xf32>,
      %mul3A_193 = arith.constant 32 : i32
      %mul3A_194 = vector.broadcast %mul3A_193 : i32 to vector<16xi32>
      %mul3A_195 = arith.muli %iota3A, %mul3A_194 : vector<16xi32>
      %add3A_196 = arith.constant 21 : i32
      %add3A_197 = arith.addi %mul3A_46, %add3A_196 : i32
      %add3A_198 = vector.broadcast %add3A_197 : i32 to vector<16xi32>
      %add3A_199 = arith.addi %mul3A_195, %add3A_198 : vector<16xi32>
      tpu.vector_store_idx %arg6[%add3A_199], %get3A_44 : memref<20480xf32, #tpu.memory_space<vmem>>[vector<16xi32>], vector<16xf32>,
      %mul3A_200 = arith.constant 32 : i32
      %mul3A_201 = vector.broadcast %mul3A_200 : i32 to vector<16xi32>
      %mul3A_202 = arith.muli %iota3A, %mul3A_201 : vector<16xi32>
      %add3A_203 = arith.constant 22 : i32
      %add3A_204 = arith.addi %mul3A_46, %add3A_203 : i32
      %add3A_205 = vector.broadcast %add3A_204 : i32 to vector<16xi32>
      %add3A_206 = arith.addi %mul3A_202, %add3A_205 : vector<16xi32>
      tpu.vector_store_idx %arg6[%add3A_206], %get3A_44 : memref<20480xf32, #tpu.memory_space<vmem>>[vector<16xi32>], vector<16xf32>,
      %mul3A_207 = arith.constant 32 : i32
      %mul3A_208 = vector.broadcast %mul3A_207 : i32 to vector<16xi32>
      %mul3A_209 = arith.muli %iota3A, %mul3A_208 : vector<16xi32>
      %add3A_210 = arith.constant 23 : i32
      %add3A_211 = arith.addi %mul3A_46, %add3A_210 : i32
      %add3A_212 = vector.broadcast %add3A_211 : i32 to vector<16xi32>
      %add3A_213 = arith.addi %mul3A_209, %add3A_212 : vector<16xi32>
      tpu.vector_store_idx %arg6[%add3A_213], %get3A_44 : memref<20480xf32, #tpu.memory_space<vmem>>[vector<16xi32>], vector<16xf32>,
      %mul3A_214 = arith.constant 32 : i32
      %mul3A_215 = vector.broadcast %mul3A_214 : i32 to vector<16xi32>
      %mul3A_216 = arith.muli %iota3A, %mul3A_215 : vector<16xi32>
      %add3A_217 = arith.constant 24 : i32
      %add3A_218 = arith.addi %mul3A_46, %add3A_217 : i32
      %add3A_219 = vector.broadcast %add3A_218 : i32 to vector<16xi32>
      %add3A_220 = arith.addi %mul3A_216, %add3A_219 : vector<16xi32>
      tpu.vector_store_idx %arg6[%add3A_220], %get3A_44 : memref<20480xf32, #tpu.memory_space<vmem>>[vector<16xi32>], vector<16xf32>,
      %mul3A_221 = arith.constant 32 : i32
      %mul3A_222 = vector.broadcast %mul3A_221 : i32 to vector<16xi32>
      %mul3A_223 = arith.muli %iota3A, %mul3A_222 : vector<16xi32>
      %add3A_224 = arith.constant 25 : i32
      %add3A_225 = arith.addi %mul3A_46, %add3A_224 : i32
      %add3A_226 = vector.broadcast %add3A_225 : i32 to vector<16xi32>
      %add3A_227 = arith.addi %mul3A_223, %add3A_226 : vector<16xi32>
      tpu.vector_store_idx %arg6[%add3A_227], %get3A_44 : memref<20480xf32, #tpu.memory_space<vmem>>[vector<16xi32>], vector<16xf32>,
      %mul3A_228 = arith.constant 32 : i32
      %mul3A_229 = vector.broadcast %mul3A_228 : i32 to vector<16xi32>
      %mul3A_230 = arith.muli %iota3A, %mul3A_229 : vector<16xi32>
      %add3A_231 = arith.constant 26 : i32
      %add3A_232 = arith.addi %mul3A_46, %add3A_231 : i32
      %add3A_233 = vector.broadcast %add3A_232 : i32 to vector<16xi32>
      %add3A_234 = arith.addi %mul3A_230, %add3A_233 : vector<16xi32>
      tpu.vector_store_idx %arg6[%add3A_234], %get3A_44 : memref<20480xf32, #tpu.memory_space<vmem>>[vector<16xi32>], vector<16xf32>,
      %mul3A_235 = arith.constant 32 : i32
      %mul3A_236 = vector.broadcast %mul3A_235 : i32 to vector<16xi32>
      %mul3A_237 = arith.muli %iota3A, %mul3A_236 : vector<16xi32>
      %add3A_238 = arith.constant 27 : i32
      %add3A_239 = arith.addi %mul3A_46, %add3A_238 : i32
      %add3A_240 = vector.broadcast %add3A_239 : i32 to vector<16xi32>
      %add3A_241 = arith.addi %mul3A_237, %add3A_240 : vector<16xi32>
      tpu.vector_store_idx %arg6[%add3A_241], %get3A_44 : memref<20480xf32, #tpu.memory_space<vmem>>[vector<16xi32>], vector<16xf32>,
      %mul3A_242 = arith.constant 32 : i32
      %mul3A_243 = vector.broadcast %mul3A_242 : i32 to vector<16xi32>
      %mul3A_244 = arith.muli %iota3A, %mul3A_243 : vector<16xi32>
      %add3A_245 = arith.constant 28 : i32
      %add3A_246 = arith.addi %mul3A_46, %add3A_245 : i32
      %add3A_247 = vector.broadcast %add3A_246 : i32 to vector<16xi32>
      %add3A_248 = arith.addi %mul3A_244, %add3A_247 : vector<16xi32>
      tpu.vector_store_idx %arg6[%add3A_248], %get3A_44 : memref<20480xf32, #tpu.memory_space<vmem>>[vector<16xi32>], vector<16xf32>,
      %mul3A_249 = arith.constant 32 : i32
      %mul3A_250 = vector.broadcast %mul3A_249 : i32 to vector<16xi32>
      %mul3A_251 = arith.muli %iota3A, %mul3A_250 : vector<16xi32>
      %add3A_252 = arith.constant 29 : i32
      %add3A_253 = arith.addi %mul3A_46, %add3A_252 : i32
      %add3A_254 = vector.broadcast %add3A_253 : i32 to vector<16xi32>
      %add3A_255 = arith.addi %mul3A_251, %add3A_254 : vector<16xi32>
      tpu.vector_store_idx %arg6[%add3A_255], %get3A_44 : memref<20480xf32, #tpu.memory_space<vmem>>[vector<16xi32>], vector<16xf32>,
      %mul3A_256 = arith.constant 32 : i32
      %mul3A_257 = vector.broadcast %mul3A_256 : i32 to vector<16xi32>
      %mul3A_258 = arith.muli %iota3A, %mul3A_257 : vector<16xi32>
      %add3A_259 = arith.constant 30 : i32
      %add3A_260 = arith.addi %mul3A_46, %add3A_259 : i32
      %add3A_261 = vector.broadcast %add3A_260 : i32 to vector<16xi32>
      %add3A_262 = arith.addi %mul3A_258, %add3A_261 : vector<16xi32>
      tpu.vector_store_idx %arg6[%add3A_262], %get3A_44 : memref<20480xf32, #tpu.memory_space<vmem>>[vector<16xi32>], vector<16xf32>,
      %mul3A_263 = arith.constant 32 : i32
      %mul3A_264 = vector.broadcast %mul3A_263 : i32 to vector<16xi32>
      %mul3A_265 = arith.muli %iota3A, %mul3A_264 : vector<16xi32>
      %add3A_266 = arith.constant 31 : i32
      %add3A_267 = arith.addi %mul3A_46, %add3A_266 : i32
      %add3A_268 = vector.broadcast %add3A_267 : i32 to vector<16xi32>
      %add3A_269 = arith.addi %mul3A_265, %add3A_268 : vector<16xi32>
      tpu.vector_store_idx %arg6[%add3A_269], %get3A_44 : memref<20480xf32, #tpu.memory_space<vmem>>[vector<16xi32>], vector<16xf32>,
      %scan3A_270 = arith.constant 0 : i32
      scf.yield %scan3A_270 : i32
    }
    %scan3A_38 = arith.constant 40 : i32
    %mul3A_39 = arith.constant 20480 : i32
    %mul3A_40 = arith.muli %arg1, %mul3A_39 : i32
    "tpu.region"() ({
      %run_scoped3A_41 = tpu.sem_alloc : memref<!tpu.dma_semaphore, #tpu.memory_space<semaphore_mem>>
      %dma_start3A = tpu.memref_slice %arg3[%arg0, %mul3A_40] : memref<2x327680xf32, #tpu.memory_space<hbm>> -> memref<1x20480xf32, #tpu.memory_space<hbm>>
      %dma_start3A_42 = tpu.memref_squeeze %dma_start3A : memref<1x20480xf32, #tpu.memory_space<hbm>> -> memref<20480xf32, #tpu.memory_space<hbm>>
      %dma_start3A_43 = tpu.memref_slice %arg3[%arg0, %mul3A_40] : memref<2x327680xf32, #tpu.memory_space<hbm>> -> memref<1x20480xf32, #tpu.memory_space<hbm>>
      %dma_start3A_44 = tpu.memref_squeeze %dma_start3A_43 : memref<1x20480xf32, #tpu.memory_space<hbm>> -> memref<20480xf32, #tpu.memory_space<hbm>>
      tpu.enqueue_dma source(%arg6 : memref<20480xf32, #tpu.memory_space<vmem>>) target(%dma_start3A_44 : memref<20480xf32, #tpu.memory_space<hbm>>) target_semaphore(%run_scoped3A_41 : memref<!tpu.dma_semaphore, #tpu.memory_space<semaphore_mem>>)
      %dma_wait3A = tpu.memref_slice %arg3[%arg0, %mul3A_40] : memref<2x327680xf32, #tpu.memory_space<hbm>> -> memref<1x20480xf32, #tpu.memory_space<hbm>>
      %dma_wait3A_45 = tpu.memref_squeeze %dma_wait3A : memref<1x20480xf32, #tpu.memory_space<hbm>> -> memref<20480xf32, #tpu.memory_space<hbm>>
      %dma_wait3A_46 = tpu.memref_slice %arg3[%arg0, %mul3A_40] : memref<2x327680xf32, #tpu.memory_space<hbm>> -> memref<1x20480xf32, #tpu.memory_space<hbm>>
      %dma_wait3A_47 = tpu.memref_squeeze %dma_wait3A_46 : memref<1x20480xf32, #tpu.memory_space<hbm>> -> memref<20480xf32, #tpu.memory_space<hbm>>
      tpu.wait_dma2 semaphore(%run_scoped3A_41 : memref<!tpu.dma_semaphore, #tpu.memory_space<semaphore_mem>>) src(%arg6 : memref<20480xf32, #tpu.memory_space<vmem>>) dst(%dma_wait3A_47 : memref<20480xf32, #tpu.memory_space<hbm>>)
      tpu.yield
    }) : () -> ()
    return
  }
}

#map = affine_map<(d0, d1) -> (0, 0, 0)>
module attributes {stable_mosaic.version = 14 : i64} {
  func.func @_scatter_kernel(%arg0: i32, %arg1: i32, %arg2: memref<2x10240x32xf32, #tpu.memory_space<hbm>>, %arg3: memref<16x160x128xi32, #tpu.memory_space<hbm>>, %arg4: memref<16x160x128xi32, #tpu.memory_space<hbm>>, %arg5: memref<2x10240x32xf32, #tpu.memory_space<hbm>>, %arg6: memref<160x128xi32, #tpu.memory_space<vmem>>, %arg7: memref<160x128xi32, #tpu.memory_space<vmem>>, %arg8: memref<4x128x32xf32, #tpu.memory_space<vmem>>, %arg9: memref<64x32xf32, #tpu.memory_space<vmem>>, %arg10: memref<10240x32xf32, #tpu.memory_space<vmem_shared>>, %arg11: memref<10240x32xf32, #tpu.memory_space<vmem_shared>>, %arg12: memref<!tpu.dma_semaphore, #tpu.memory_space<semaphore_mem>>, %arg13: memref<!tpu.dma_semaphore, #tpu.memory_space<semaphore_mem>>, %arg14: memref<!tpu.dma_semaphore, #tpu.memory_space<semaphore_mem>>, %arg15: memref<!tpu.dma_semaphore, #tpu.memory_space<semaphore_mem>>) attributes {dimension_semantics = [#tpu.dimension_semantics<core_parallel>, #tpu.dimension_semantics<subcore_parallel>], iteration_bounds = array<i64: 2, 16>, scalar_prefetch = 0 : i64, scratch_operands = 10 : i64, tpu.core_type = #tpu.core_type<sc_vector_subcore>, window_params = [{transform_indices = #map}, {transform_indices = #map}, {transform_indices = #map}, {transform_indices = #map}]} {
    %broadcast_in_dim3A = arith.constant 0.000000e+00 : f32
    %broadcast_in_dim3A_0 = vector.broadcast %broadcast_in_dim3A : f32 to vector<16xf32>
    %scan3A = arith.constant 0 : i32
    %scan3A_1 = arith.constant 0 : i32
    %scan3A_2 = arith.constant 128 : i32
    %scan3A_3 = arith.addi %scan3A_1, %scan3A_2 : i32
    %scan3A_4 = arith.constant 1 : i32
    %scan3A_5 = scf.for %scan3A_82 = %scan3A_1 to %scan3A_3 step %scan3A_4 iter_args(%scan3A_83 = %scan3A) -> (i32)  : i32 {
      %jit3A = arith.constant 2 : i32
      %div3A = arith.divsi %scan3A_82, %jit3A : i32
      %sign3A = arith.constant 0 : i32
      %sign3A_84 = arith.cmpi sgt, %scan3A_82, %sign3A : i32
      %sign3A_85 = arith.extui %sign3A_84 : i1 to i32
      %sign3A_86 = arith.constant 0 : i32
      %sign3A_87 = arith.cmpi slt, %scan3A_82, %sign3A_86 : i32
      %sign3A_88 = arith.extui %sign3A_87 : i1 to i32
      %sign3A_89 = arith.subi %sign3A_85, %sign3A_88 : i32
      %sign3A_90 = arith.constant 0 : i32
      %sign3A_91 = arith.cmpi sgt, %jit3A, %sign3A_90 : i32
      %sign3A_92 = arith.extui %sign3A_91 : i1 to i32
      %sign3A_93 = arith.constant 0 : i32
      %sign3A_94 = arith.cmpi slt, %jit3A, %sign3A_93 : i32
      %sign3A_95 = arith.extui %sign3A_94 : i1 to i32
      %sign3A_96 = arith.subi %sign3A_92, %sign3A_95 : i32
      %ne3A = arith.cmpi ne, %sign3A_89, %sign3A_96 : i32
      %rem3A = arith.remsi %scan3A_82, %jit3A : i32
      %ne3A_97 = arith.constant 0 : i32
      %ne3A_98 = arith.cmpi ne, %rem3A, %ne3A_97 : i32
      %and3A = arith.andi %ne3A, %ne3A_98 : i1
      %sub3A = arith.constant 1 : i32
      %sub3A_99 = arith.subi %div3A, %sub3A : i32
      %select_n3A = arith.select %and3A, %sub3A_99, %div3A : i32
      %jit3A_100 = arith.constant 2 : i32
      %eq3A = arith.constant 0 : i32
      %eq3A_101 = arith.cmpi eq, %jit3A_100, %eq3A : i32
      %jit3A_102 = arith.constant 1 : i32
      %select_n3A_103 = arith.select %eq3A_101, %jit3A_102, %jit3A_100 : i32
      %rem3A_104 = arith.remsi %scan3A_82, %select_n3A_103 : i32
      %ne3A_105 = arith.constant 0 : i32
      %ne3A_106 = arith.cmpi ne, %rem3A_104, %ne3A_105 : i32
      %lt3A = arith.constant 0 : i32
      %lt3A_107 = arith.cmpi slt, %rem3A_104, %lt3A : i32
      %lt3A_108 = arith.constant 0 : i32
      %lt3A_109 = arith.cmpi slt, %select_n3A_103, %lt3A_108 : i32
      %ne3A_110 = arith.xori %lt3A_107, %lt3A_109 : i1
      %and3A_111 = arith.andi %ne3A_110, %ne3A_106 : i1
      %add3A_112 = arith.addi %rem3A_104, %select_n3A_103 : i32
      %select_n3A_113 = arith.select %and3A_111, %add3A_112, %rem3A_104 : i32
      %mul3A_114 = arith.constant 16 : i32
      %mul3A_115 = arith.muli %select_n3A_113, %mul3A_114 : i32
      %swap3A = arith.index_cast %select_n3A : i32 to index
      %swap3A_116 = arith.index_cast %mul3A_115 : i32 to index
      %swap3A_117 = tpu.vector_load %arg9[%swap3A, %swap3A_116] {strides = array<i32>} : memref<64x32xf32, #tpu.memory_space<vmem>>, vector<1x16xf32>,
      %swap3A_118 = vector.shape_cast %swap3A_117 : vector<1x16xf32> to vector<16xf32>
      %swap3A_119 = vector.shape_cast %broadcast_in_dim3A_0 : vector<16xf32> to vector<1x16xf32>
      tpu.vector_store %arg9[%swap3A, %swap3A_116], %swap3A_119 {strides = array<i32>} : memref<64x32xf32, #tpu.memory_space<vmem>>, vector<1x16xf32>,
      %scan3A_120 = arith.constant 0 : i32
      scf.yield %scan3A_120 : i32
    }
    %scan3A_6 = arith.constant 128 : i32
    %mul3A = arith.constant 640 : i32
    %mul3A_7 = arith.muli %arg1, %mul3A : i32
    "tpu.region"() ({
      %run_scoped3A = tpu.sem_alloc : memref<!tpu.dma_semaphore, #tpu.memory_space<semaphore_mem>>
      %dma_start3A_82 = arith.constant 0 : i32
      %dma_start3A_83 = tpu.memref_slice %arg10[%mul3A_7, %dma_start3A_82] : memref<10240x32xf32, #tpu.memory_space<vmem_shared>> -> memref<640x32xf32, #tpu.memory_space<vmem_shared>>
      %dma_start3A_84 = arith.constant 0 : i32
      %dma_start3A_85 = tpu.memref_slice %arg2[%arg0, %mul3A_7, %dma_start3A_84] : memref<2x10240x32xf32, #tpu.memory_space<hbm>> -> memref<1x640x32xf32, #tpu.memory_space<hbm>>
      %dma_start3A_86 = tpu.memref_squeeze %dma_start3A_85 : memref<1x640x32xf32, #tpu.memory_space<hbm>> -> memref<640x32xf32, #tpu.memory_space<hbm>>
      tpu.enqueue_dma source(%dma_start3A_86 : memref<640x32xf32, #tpu.memory_space<hbm>>) target(%dma_start3A_83 : memref<640x32xf32, #tpu.memory_space<vmem_shared>>) target_semaphore(%run_scoped3A : memref<!tpu.dma_semaphore, #tpu.memory_space<semaphore_mem>>)
      %dma_wait3A = arith.constant 0 : i32
      %dma_wait3A_87 = tpu.memref_slice %arg10[%mul3A_7, %dma_wait3A] : memref<10240x32xf32, #tpu.memory_space<vmem_shared>> -> memref<640x32xf32, #tpu.memory_space<vmem_shared>>
      %dma_wait3A_88 = arith.constant 0 : i32
      %dma_wait3A_89 = tpu.memref_slice %arg2[%arg0, %mul3A_7, %dma_wait3A_88] : memref<2x10240x32xf32, #tpu.memory_space<hbm>> -> memref<1x640x32xf32, #tpu.memory_space<hbm>>
      %dma_wait3A_90 = tpu.memref_squeeze %dma_wait3A_89 : memref<1x640x32xf32, #tpu.memory_space<hbm>> -> memref<640x32xf32, #tpu.memory_space<hbm>>
      tpu.wait_dma2 semaphore(%run_scoped3A : memref<!tpu.dma_semaphore, #tpu.memory_space<semaphore_mem>>) src(%dma_wait3A_90 : memref<640x32xf32, #tpu.memory_space<hbm>>) dst(%dma_wait3A_87 : memref<640x32xf32, #tpu.memory_space<vmem_shared>>)
      tpu.yield
    }) : () -> ()
    %add3A = arith.constant 0 : i32
    %add3A_8 = arith.addi %mul3A_7, %add3A : i32
    "tpu.region"() ({
      %run_scoped3A = tpu.sem_alloc : memref<!tpu.dma_semaphore, #tpu.memory_space<semaphore_mem>>
      %dma_start3A_82 = arith.constant 0 : i32
      %dma_start3A_83 = tpu.memref_slice %arg11[%add3A_8, %dma_start3A_82] : memref<10240x32xf32, #tpu.memory_space<vmem_shared>> -> memref<64x32xf32, #tpu.memory_space<vmem_shared>>
      %dma_start3A_84 = arith.constant 0 : i32
      %dma_start3A_85 = tpu.memref_slice %arg11[%add3A_8, %dma_start3A_84] : memref<10240x32xf32, #tpu.memory_space<vmem_shared>> -> memref<64x32xf32, #tpu.memory_space<vmem_shared>>
      tpu.enqueue_dma source(%arg9 : memref<64x32xf32, #tpu.memory_space<vmem>>) target(%dma_start3A_85 : memref<64x32xf32, #tpu.memory_space<vmem_shared>>) target_semaphore(%run_scoped3A : memref<!tpu.dma_semaphore, #tpu.memory_space<semaphore_mem>>)
      %dma_wait3A = arith.constant 0 : i32
      %dma_wait3A_86 = tpu.memref_slice %arg11[%add3A_8, %dma_wait3A] : memref<10240x32xf32, #tpu.memory_space<vmem_shared>> -> memref<64x32xf32, #tpu.memory_space<vmem_shared>>
      %dma_wait3A_87 = arith.constant 0 : i32
      %dma_wait3A_88 = tpu.memref_slice %arg11[%add3A_8, %dma_wait3A_87] : memref<10240x32xf32, #tpu.memory_space<vmem_shared>> -> memref<64x32xf32, #tpu.memory_space<vmem_shared>>
      tpu.wait_dma2 semaphore(%run_scoped3A : memref<!tpu.dma_semaphore, #tpu.memory_space<semaphore_mem>>) src(%arg9 : memref<64x32xf32, #tpu.memory_space<vmem>>) dst(%dma_wait3A_88 : memref<64x32xf32, #tpu.memory_space<vmem_shared>>)
      tpu.yield
    }) : () -> ()
    %add3A_9 = arith.constant 64 : i32
    %add3A_10 = arith.addi %mul3A_7, %add3A_9 : i32
    "tpu.region"() ({
      %run_scoped3A = tpu.sem_alloc : memref<!tpu.dma_semaphore, #tpu.memory_space<semaphore_mem>>
      %dma_start3A_82 = arith.constant 0 : i32
      %dma_start3A_83 = tpu.memref_slice %arg11[%add3A_10, %dma_start3A_82] : memref<10240x32xf32, #tpu.memory_space<vmem_shared>> -> memref<64x32xf32, #tpu.memory_space<vmem_shared>>
      %dma_start3A_84 = arith.constant 0 : i32
      %dma_start3A_85 = tpu.memref_slice %arg11[%add3A_10, %dma_start3A_84] : memref<10240x32xf32, #tpu.memory_space<vmem_shared>> -> memref<64x32xf32, #tpu.memory_space<vmem_shared>>
      tpu.enqueue_dma source(%arg9 : memref<64x32xf32, #tpu.memory_space<vmem>>) target(%dma_start3A_85 : memref<64x32xf32, #tpu.memory_space<vmem_shared>>) target_semaphore(%run_scoped3A : memref<!tpu.dma_semaphore, #tpu.memory_space<semaphore_mem>>)
      %dma_wait3A = arith.constant 0 : i32
      %dma_wait3A_86 = tpu.memref_slice %arg11[%add3A_10, %dma_wait3A] : memref<10240x32xf32, #tpu.memory_space<vmem_shared>> -> memref<64x32xf32, #tpu.memory_space<vmem_shared>>
      %dma_wait3A_87 = arith.constant 0 : i32
      %dma_wait3A_88 = tpu.memref_slice %arg11[%add3A_10, %dma_wait3A_87] : memref<10240x32xf32, #tpu.memory_space<vmem_shared>> -> memref<64x32xf32, #tpu.memory_space<vmem_shared>>
      tpu.wait_dma2 semaphore(%run_scoped3A : memref<!tpu.dma_semaphore, #tpu.memory_space<semaphore_mem>>) src(%arg9 : memref<64x32xf32, #tpu.memory_space<vmem>>) dst(%dma_wait3A_88 : memref<64x32xf32, #tpu.memory_space<vmem_shared>>)
      tpu.yield
    }) : () -> ()
    %add3A_11 = arith.constant 128 : i32
    %add3A_12 = arith.addi %mul3A_7, %add3A_11 : i32
    "tpu.region"() ({
      %run_scoped3A = tpu.sem_alloc : memref<!tpu.dma_semaphore, #tpu.memory_space<semaphore_mem>>
      %dma_start3A_82 = arith.constant 0 : i32
      %dma_start3A_83 = tpu.memref_slice %arg11[%add3A_12, %dma_start3A_82] : memref<10240x32xf32, #tpu.memory_space<vmem_shared>> -> memref<64x32xf32, #tpu.memory_space<vmem_shared>>
      %dma_start3A_84 = arith.constant 0 : i32
      %dma_start3A_85 = tpu.memref_slice %arg11[%add3A_12, %dma_start3A_84] : memref<10240x32xf32, #tpu.memory_space<vmem_shared>> -> memref<64x32xf32, #tpu.memory_space<vmem_shared>>
      tpu.enqueue_dma source(%arg9 : memref<64x32xf32, #tpu.memory_space<vmem>>) target(%dma_start3A_85 : memref<64x32xf32, #tpu.memory_space<vmem_shared>>) target_semaphore(%run_scoped3A : memref<!tpu.dma_semaphore, #tpu.memory_space<semaphore_mem>>)
      %dma_wait3A = arith.constant 0 : i32
      %dma_wait3A_86 = tpu.memref_slice %arg11[%add3A_12, %dma_wait3A] : memref<10240x32xf32, #tpu.memory_space<vmem_shared>> -> memref<64x32xf32, #tpu.memory_space<vmem_shared>>
      %dma_wait3A_87 = arith.constant 0 : i32
      %dma_wait3A_88 = tpu.memref_slice %arg11[%add3A_12, %dma_wait3A_87] : memref<10240x32xf32, #tpu.memory_space<vmem_shared>> -> memref<64x32xf32, #tpu.memory_space<vmem_shared>>
      tpu.wait_dma2 semaphore(%run_scoped3A : memref<!tpu.dma_semaphore, #tpu.memory_space<semaphore_mem>>) src(%arg9 : memref<64x32xf32, #tpu.memory_space<vmem>>) dst(%dma_wait3A_88 : memref<64x32xf32, #tpu.memory_space<vmem_shared>>)
      tpu.yield
    }) : () -> ()
    %add3A_13 = arith.constant 192 : i32
    %add3A_14 = arith.addi %mul3A_7, %add3A_13 : i32
    "tpu.region"() ({
      %run_scoped3A = tpu.sem_alloc : memref<!tpu.dma_semaphore, #tpu.memory_space<semaphore_mem>>
      %dma_start3A_82 = arith.constant 0 : i32
      %dma_start3A_83 = tpu.memref_slice %arg11[%add3A_14, %dma_start3A_82] : memref<10240x32xf32, #tpu.memory_space<vmem_shared>> -> memref<64x32xf32, #tpu.memory_space<vmem_shared>>
      %dma_start3A_84 = arith.constant 0 : i32
      %dma_start3A_85 = tpu.memref_slice %arg11[%add3A_14, %dma_start3A_84] : memref<10240x32xf32, #tpu.memory_space<vmem_shared>> -> memref<64x32xf32, #tpu.memory_space<vmem_shared>>
      tpu.enqueue_dma source(%arg9 : memref<64x32xf32, #tpu.memory_space<vmem>>) target(%dma_start3A_85 : memref<64x32xf32, #tpu.memory_space<vmem_shared>>) target_semaphore(%run_scoped3A : memref<!tpu.dma_semaphore, #tpu.memory_space<semaphore_mem>>)
      %dma_wait3A = arith.constant 0 : i32
      %dma_wait3A_86 = tpu.memref_slice %arg11[%add3A_14, %dma_wait3A] : memref<10240x32xf32, #tpu.memory_space<vmem_shared>> -> memref<64x32xf32, #tpu.memory_space<vmem_shared>>
      %dma_wait3A_87 = arith.constant 0 : i32
      %dma_wait3A_88 = tpu.memref_slice %arg11[%add3A_14, %dma_wait3A_87] : memref<10240x32xf32, #tpu.memory_space<vmem_shared>> -> memref<64x32xf32, #tpu.memory_space<vmem_shared>>
      tpu.wait_dma2 semaphore(%run_scoped3A : memref<!tpu.dma_semaphore, #tpu.memory_space<semaphore_mem>>) src(%arg9 : memref<64x32xf32, #tpu.memory_space<vmem>>) dst(%dma_wait3A_88 : memref<64x32xf32, #tpu.memory_space<vmem_shared>>)
      tpu.yield
    }) : () -> ()
    %add3A_15 = arith.constant 256 : i32
    %add3A_16 = arith.addi %mul3A_7, %add3A_15 : i32
    "tpu.region"() ({
      %run_scoped3A = tpu.sem_alloc : memref<!tpu.dma_semaphore, #tpu.memory_space<semaphore_mem>>
      %dma_start3A_82 = arith.constant 0 : i32
      %dma_start3A_83 = tpu.memref_slice %arg11[%add3A_16, %dma_start3A_82] : memref<10240x32xf32, #tpu.memory_space<vmem_shared>> -> memref<64x32xf32, #tpu.memory_space<vmem_shared>>
      %dma_start3A_84 = arith.constant 0 : i32
      %dma_start3A_85 = tpu.memref_slice %arg11[%add3A_16, %dma_start3A_84] : memref<10240x32xf32, #tpu.memory_space<vmem_shared>> -> memref<64x32xf32, #tpu.memory_space<vmem_shared>>
      tpu.enqueue_dma source(%arg9 : memref<64x32xf32, #tpu.memory_space<vmem>>) target(%dma_start3A_85 : memref<64x32xf32, #tpu.memory_space<vmem_shared>>) target_semaphore(%run_scoped3A : memref<!tpu.dma_semaphore, #tpu.memory_space<semaphore_mem>>)
      %dma_wait3A = arith.constant 0 : i32
      %dma_wait3A_86 = tpu.memref_slice %arg11[%add3A_16, %dma_wait3A] : memref<10240x32xf32, #tpu.memory_space<vmem_shared>> -> memref<64x32xf32, #tpu.memory_space<vmem_shared>>
      %dma_wait3A_87 = arith.constant 0 : i32
      %dma_wait3A_88 = tpu.memref_slice %arg11[%add3A_16, %dma_wait3A_87] : memref<10240x32xf32, #tpu.memory_space<vmem_shared>> -> memref<64x32xf32, #tpu.memory_space<vmem_shared>>
      tpu.wait_dma2 semaphore(%run_scoped3A : memref<!tpu.dma_semaphore, #tpu.memory_space<semaphore_mem>>) src(%arg9 : memref<64x32xf32, #tpu.memory_space<vmem>>) dst(%dma_wait3A_88 : memref<64x32xf32, #tpu.memory_space<vmem_shared>>)
      tpu.yield
    }) : () -> ()
    %add3A_17 = arith.constant 320 : i32
    %add3A_18 = arith.addi %mul3A_7, %add3A_17 : i32
    "tpu.region"() ({
      %run_scoped3A = tpu.sem_alloc : memref<!tpu.dma_semaphore, #tpu.memory_space<semaphore_mem>>
      %dma_start3A_82 = arith.constant 0 : i32
      %dma_start3A_83 = tpu.memref_slice %arg11[%add3A_18, %dma_start3A_82] : memref<10240x32xf32, #tpu.memory_space<vmem_shared>> -> memref<64x32xf32, #tpu.memory_space<vmem_shared>>
      %dma_start3A_84 = arith.constant 0 : i32
      %dma_start3A_85 = tpu.memref_slice %arg11[%add3A_18, %dma_start3A_84] : memref<10240x32xf32, #tpu.memory_space<vmem_shared>> -> memref<64x32xf32, #tpu.memory_space<vmem_shared>>
      tpu.enqueue_dma source(%arg9 : memref<64x32xf32, #tpu.memory_space<vmem>>) target(%dma_start3A_85 : memref<64x32xf32, #tpu.memory_space<vmem_shared>>) target_semaphore(%run_scoped3A : memref<!tpu.dma_semaphore, #tpu.memory_space<semaphore_mem>>)
      %dma_wait3A = arith.constant 0 : i32
      %dma_wait3A_86 = tpu.memref_slice %arg11[%add3A_18, %dma_wait3A] : memref<10240x32xf32, #tpu.memory_space<vmem_shared>> -> memref<64x32xf32, #tpu.memory_space<vmem_shared>>
      %dma_wait3A_87 = arith.constant 0 : i32
      %dma_wait3A_88 = tpu.memref_slice %arg11[%add3A_18, %dma_wait3A_87] : memref<10240x32xf32, #tpu.memory_space<vmem_shared>> -> memref<64x32xf32, #tpu.memory_space<vmem_shared>>
      tpu.wait_dma2 semaphore(%run_scoped3A : memref<!tpu.dma_semaphore, #tpu.memory_space<semaphore_mem>>) src(%arg9 : memref<64x32xf32, #tpu.memory_space<vmem>>) dst(%dma_wait3A_88 : memref<64x32xf32, #tpu.memory_space<vmem_shared>>)
      tpu.yield
    }) : () -> ()
    %add3A_19 = arith.constant 384 : i32
    %add3A_20 = arith.addi %mul3A_7, %add3A_19 : i32
    "tpu.region"() ({
      %run_scoped3A = tpu.sem_alloc : memref<!tpu.dma_semaphore, #tpu.memory_space<semaphore_mem>>
      %dma_start3A_82 = arith.constant 0 : i32
      %dma_start3A_83 = tpu.memref_slice %arg11[%add3A_20, %dma_start3A_82] : memref<10240x32xf32, #tpu.memory_space<vmem_shared>> -> memref<64x32xf32, #tpu.memory_space<vmem_shared>>
      %dma_start3A_84 = arith.constant 0 : i32
      %dma_start3A_85 = tpu.memref_slice %arg11[%add3A_20, %dma_start3A_84] : memref<10240x32xf32, #tpu.memory_space<vmem_shared>> -> memref<64x32xf32, #tpu.memory_space<vmem_shared>>
      tpu.enqueue_dma source(%arg9 : memref<64x32xf32, #tpu.memory_space<vmem>>) target(%dma_start3A_85 : memref<64x32xf32, #tpu.memory_space<vmem_shared>>) target_semaphore(%run_scoped3A : memref<!tpu.dma_semaphore, #tpu.memory_space<semaphore_mem>>)
      %dma_wait3A = arith.constant 0 : i32
      %dma_wait3A_86 = tpu.memref_slice %arg11[%add3A_20, %dma_wait3A] : memref<10240x32xf32, #tpu.memory_space<vmem_shared>> -> memref<64x32xf32, #tpu.memory_space<vmem_shared>>
      %dma_wait3A_87 = arith.constant 0 : i32
      %dma_wait3A_88 = tpu.memref_slice %arg11[%add3A_20, %dma_wait3A_87] : memref<10240x32xf32, #tpu.memory_space<vmem_shared>> -> memref<64x32xf32, #tpu.memory_space<vmem_shared>>
      tpu.wait_dma2 semaphore(%run_scoped3A : memref<!tpu.dma_semaphore, #tpu.memory_space<semaphore_mem>>) src(%arg9 : memref<64x32xf32, #tpu.memory_space<vmem>>) dst(%dma_wait3A_88 : memref<64x32xf32, #tpu.memory_space<vmem_shared>>)
      tpu.yield
    }) : () -> ()
    %add3A_21 = arith.constant 448 : i32
    %add3A_22 = arith.addi %mul3A_7, %add3A_21 : i32
    "tpu.region"() ({
      %run_scoped3A = tpu.sem_alloc : memref<!tpu.dma_semaphore, #tpu.memory_space<semaphore_mem>>
      %dma_start3A_82 = arith.constant 0 : i32
      %dma_start3A_83 = tpu.memref_slice %arg11[%add3A_22, %dma_start3A_82] : memref<10240x32xf32, #tpu.memory_space<vmem_shared>> -> memref<64x32xf32, #tpu.memory_space<vmem_shared>>
      %dma_start3A_84 = arith.constant 0 : i32
      %dma_start3A_85 = tpu.memref_slice %arg11[%add3A_22, %dma_start3A_84] : memref<10240x32xf32, #tpu.memory_space<vmem_shared>> -> memref<64x32xf32, #tpu.memory_space<vmem_shared>>
      tpu.enqueue_dma source(%arg9 : memref<64x32xf32, #tpu.memory_space<vmem>>) target(%dma_start3A_85 : memref<64x32xf32, #tpu.memory_space<vmem_shared>>) target_semaphore(%run_scoped3A : memref<!tpu.dma_semaphore, #tpu.memory_space<semaphore_mem>>)
      %dma_wait3A = arith.constant 0 : i32
      %dma_wait3A_86 = tpu.memref_slice %arg11[%add3A_22, %dma_wait3A] : memref<10240x32xf32, #tpu.memory_space<vmem_shared>> -> memref<64x32xf32, #tpu.memory_space<vmem_shared>>
      %dma_wait3A_87 = arith.constant 0 : i32
      %dma_wait3A_88 = tpu.memref_slice %arg11[%add3A_22, %dma_wait3A_87] : memref<10240x32xf32, #tpu.memory_space<vmem_shared>> -> memref<64x32xf32, #tpu.memory_space<vmem_shared>>
      tpu.wait_dma2 semaphore(%run_scoped3A : memref<!tpu.dma_semaphore, #tpu.memory_space<semaphore_mem>>) src(%arg9 : memref<64x32xf32, #tpu.memory_space<vmem>>) dst(%dma_wait3A_88 : memref<64x32xf32, #tpu.memory_space<vmem_shared>>)
      tpu.yield
    }) : () -> ()
    %add3A_23 = arith.constant 512 : i32
    %add3A_24 = arith.addi %mul3A_7, %add3A_23 : i32
    "tpu.region"() ({
      %run_scoped3A = tpu.sem_alloc : memref<!tpu.dma_semaphore, #tpu.memory_space<semaphore_mem>>
      %dma_start3A_82 = arith.constant 0 : i32
      %dma_start3A_83 = tpu.memref_slice %arg11[%add3A_24, %dma_start3A_82] : memref<10240x32xf32, #tpu.memory_space<vmem_shared>> -> memref<64x32xf32, #tpu.memory_space<vmem_shared>>
      %dma_start3A_84 = arith.constant 0 : i32
      %dma_start3A_85 = tpu.memref_slice %arg11[%add3A_24, %dma_start3A_84] : memref<10240x32xf32, #tpu.memory_space<vmem_shared>> -> memref<64x32xf32, #tpu.memory_space<vmem_shared>>
      tpu.enqueue_dma source(%arg9 : memref<64x32xf32, #tpu.memory_space<vmem>>) target(%dma_start3A_85 : memref<64x32xf32, #tpu.memory_space<vmem_shared>>) target_semaphore(%run_scoped3A : memref<!tpu.dma_semaphore, #tpu.memory_space<semaphore_mem>>)
      %dma_wait3A = arith.constant 0 : i32
      %dma_wait3A_86 = tpu.memref_slice %arg11[%add3A_24, %dma_wait3A] : memref<10240x32xf32, #tpu.memory_space<vmem_shared>> -> memref<64x32xf32, #tpu.memory_space<vmem_shared>>
      %dma_wait3A_87 = arith.constant 0 : i32
      %dma_wait3A_88 = tpu.memref_slice %arg11[%add3A_24, %dma_wait3A_87] : memref<10240x32xf32, #tpu.memory_space<vmem_shared>> -> memref<64x32xf32, #tpu.memory_space<vmem_shared>>
      tpu.wait_dma2 semaphore(%run_scoped3A : memref<!tpu.dma_semaphore, #tpu.memory_space<semaphore_mem>>) src(%arg9 : memref<64x32xf32, #tpu.memory_space<vmem>>) dst(%dma_wait3A_88 : memref<64x32xf32, #tpu.memory_space<vmem_shared>>)
      tpu.yield
    }) : () -> ()
    %add3A_25 = arith.constant 576 : i32
    %add3A_26 = arith.addi %mul3A_7, %add3A_25 : i32
    "tpu.region"() ({
      %run_scoped3A = tpu.sem_alloc : memref<!tpu.dma_semaphore, #tpu.memory_space<semaphore_mem>>
      %dma_start3A_82 = arith.constant 0 : i32
      %dma_start3A_83 = tpu.memref_slice %arg11[%add3A_26, %dma_start3A_82] : memref<10240x32xf32, #tpu.memory_space<vmem_shared>> -> memref<64x32xf32, #tpu.memory_space<vmem_shared>>
      %dma_start3A_84 = arith.constant 0 : i32
      %dma_start3A_85 = tpu.memref_slice %arg11[%add3A_26, %dma_start3A_84] : memref<10240x32xf32, #tpu.memory_space<vmem_shared>> -> memref<64x32xf32, #tpu.memory_space<vmem_shared>>
      tpu.enqueue_dma source(%arg9 : memref<64x32xf32, #tpu.memory_space<vmem>>) target(%dma_start3A_85 : memref<64x32xf32, #tpu.memory_space<vmem_shared>>) target_semaphore(%run_scoped3A : memref<!tpu.dma_semaphore, #tpu.memory_space<semaphore_mem>>)
      %dma_wait3A = arith.constant 0 : i32
      %dma_wait3A_86 = tpu.memref_slice %arg11[%add3A_26, %dma_wait3A] : memref<10240x32xf32, #tpu.memory_space<vmem_shared>> -> memref<64x32xf32, #tpu.memory_space<vmem_shared>>
      %dma_wait3A_87 = arith.constant 0 : i32
      %dma_wait3A_88 = tpu.memref_slice %arg11[%add3A_26, %dma_wait3A_87] : memref<10240x32xf32, #tpu.memory_space<vmem_shared>> -> memref<64x32xf32, #tpu.memory_space<vmem_shared>>
      tpu.wait_dma2 semaphore(%run_scoped3A : memref<!tpu.dma_semaphore, #tpu.memory_space<semaphore_mem>>) src(%arg9 : memref<64x32xf32, #tpu.memory_space<vmem>>) dst(%dma_wait3A_88 : memref<64x32xf32, #tpu.memory_space<vmem_shared>>)
      tpu.yield
    }) : () -> ()
    "tpu.region"() ({
      %run_scoped3A = tpu.sem_alloc : memref<!tpu.dma_semaphore, #tpu.memory_space<semaphore_mem>>
      %dma_start3A_82 = arith.constant 0 : i32
      %dma_start3A_83 = arith.constant 0 : i32
      %dma_start3A_84 = tpu.memref_slice %arg3[%arg1, %dma_start3A_82, %dma_start3A_83] : memref<16x160x128xi32, #tpu.memory_space<hbm>> -> memref<1x160x128xi32, #tpu.memory_space<hbm>>
      %dma_start3A_85 = tpu.memref_squeeze %dma_start3A_84 : memref<1x160x128xi32, #tpu.memory_space<hbm>> -> memref<160x128xi32, #tpu.memory_space<hbm>>
      %dma_start3A_86 = arith.constant 0 : i32
      %dma_start3A_87 = arith.constant 0 : i32
      %dma_start3A_88 = tpu.memref_slice %arg3[%arg1, %dma_start3A_86, %dma_start3A_87] : memref<16x160x128xi32, #tpu.memory_space<hbm>> -> memref<1x160x128xi32, #tpu.memory_space<hbm>>
      %dma_start3A_89 = tpu.memref_squeeze %dma_start3A_88 : memref<1x160x128xi32, #tpu.memory_space<hbm>> -> memref<160x128xi32, #tpu.memory_space<hbm>>
      tpu.enqueue_dma source(%dma_start3A_89 : memref<160x128xi32, #tpu.memory_space<hbm>>) target(%arg6 : memref<160x128xi32, #tpu.memory_space<vmem>>) target_semaphore(%run_scoped3A : memref<!tpu.dma_semaphore, #tpu.memory_space<semaphore_mem>>)
      %dma_wait3A = arith.constant 0 : i32
      %dma_wait3A_90 = arith.constant 0 : i32
      %dma_wait3A_91 = tpu.memref_slice %arg3[%arg1, %dma_wait3A, %dma_wait3A_90] : memref<16x160x128xi32, #tpu.memory_space<hbm>> -> memref<1x160x128xi32, #tpu.memory_space<hbm>>
      %dma_wait3A_92 = tpu.memref_squeeze %dma_wait3A_91 : memref<1x160x128xi32, #tpu.memory_space<hbm>> -> memref<160x128xi32, #tpu.memory_space<hbm>>
      %dma_wait3A_93 = arith.constant 0 : i32
      %dma_wait3A_94 = arith.constant 0 : i32
      %dma_wait3A_95 = tpu.memref_slice %arg3[%arg1, %dma_wait3A_93, %dma_wait3A_94] : memref<16x160x128xi32, #tpu.memory_space<hbm>> -> memref<1x160x128xi32, #tpu.memory_space<hbm>>
      %dma_wait3A_96 = tpu.memref_squeeze %dma_wait3A_95 : memref<1x160x128xi32, #tpu.memory_space<hbm>> -> memref<160x128xi32, #tpu.memory_space<hbm>>
      tpu.wait_dma2 semaphore(%run_scoped3A : memref<!tpu.dma_semaphore, #tpu.memory_space<semaphore_mem>>) src(%dma_wait3A_96 : memref<160x128xi32, #tpu.memory_space<hbm>>) dst(%arg6 : memref<160x128xi32, #tpu.memory_space<vmem>>)
      tpu.yield
    }) : () -> ()
    "tpu.region"() ({
      %run_scoped3A = tpu.sem_alloc : memref<!tpu.dma_semaphore, #tpu.memory_space<semaphore_mem>>
      %dma_start3A_82 = arith.constant 0 : i32
      %dma_start3A_83 = arith.constant 0 : i32
      %dma_start3A_84 = tpu.memref_slice %arg4[%arg1, %dma_start3A_82, %dma_start3A_83] : memref<16x160x128xi32, #tpu.memory_space<hbm>> -> memref<1x160x128xi32, #tpu.memory_space<hbm>>
      %dma_start3A_85 = tpu.memref_squeeze %dma_start3A_84 : memref<1x160x128xi32, #tpu.memory_space<hbm>> -> memref<160x128xi32, #tpu.memory_space<hbm>>
      %dma_start3A_86 = arith.constant 0 : i32
      %dma_start3A_87 = arith.constant 0 : i32
      %dma_start3A_88 = tpu.memref_slice %arg4[%arg1, %dma_start3A_86, %dma_start3A_87] : memref<16x160x128xi32, #tpu.memory_space<hbm>> -> memref<1x160x128xi32, #tpu.memory_space<hbm>>
      %dma_start3A_89 = tpu.memref_squeeze %dma_start3A_88 : memref<1x160x128xi32, #tpu.memory_space<hbm>> -> memref<160x128xi32, #tpu.memory_space<hbm>>
      tpu.enqueue_dma source(%dma_start3A_89 : memref<160x128xi32, #tpu.memory_space<hbm>>) target(%arg7 : memref<160x128xi32, #tpu.memory_space<vmem>>) target_semaphore(%run_scoped3A : memref<!tpu.dma_semaphore, #tpu.memory_space<semaphore_mem>>)
      %dma_wait3A = arith.constant 0 : i32
      %dma_wait3A_90 = arith.constant 0 : i32
      %dma_wait3A_91 = tpu.memref_slice %arg4[%arg1, %dma_wait3A, %dma_wait3A_90] : memref<16x160x128xi32, #tpu.memory_space<hbm>> -> memref<1x160x128xi32, #tpu.memory_space<hbm>>
      %dma_wait3A_92 = tpu.memref_squeeze %dma_wait3A_91 : memref<1x160x128xi32, #tpu.memory_space<hbm>> -> memref<160x128xi32, #tpu.memory_space<hbm>>
      %dma_wait3A_93 = arith.constant 0 : i32
      %dma_wait3A_94 = arith.constant 0 : i32
      %dma_wait3A_95 = tpu.memref_slice %arg4[%arg1, %dma_wait3A_93, %dma_wait3A_94] : memref<16x160x128xi32, #tpu.memory_space<hbm>> -> memref<1x160x128xi32, #tpu.memory_space<hbm>>
      %dma_wait3A_96 = tpu.memref_squeeze %dma_wait3A_95 : memref<1x160x128xi32, #tpu.memory_space<hbm>> -> memref<160x128xi32, #tpu.memory_space<hbm>>
      tpu.wait_dma2 semaphore(%run_scoped3A : memref<!tpu.dma_semaphore, #tpu.memory_space<semaphore_mem>>) src(%dma_wait3A_96 : memref<160x128xi32, #tpu.memory_space<hbm>>) dst(%arg7 : memref<160x128xi32, #tpu.memory_space<vmem>>)
      tpu.yield
    }) : () -> ()
    %barrier3A = arith.constant 0 : index
    tpu.barrier barrier_id(%barrier3A)
    %dma_start3A = arith.constant 0 : i32
    %dma_start3A_27 = arith.constant 0 : i32
    %dma_start3A_28 = arith.constant 0 : i32
    %dma_start3A_29 = arith.constant 0 : i32
    %dma_start3A_30 = tpu.memref_slice %arg8[%dma_start3A_27, %dma_start3A_28, %dma_start3A_29] : memref<4x128x32xf32, #tpu.memory_space<vmem>> -> memref<1x128x32xf32, #tpu.memory_space<vmem>>
    %dma_start3A_31 = tpu.memref_squeeze %dma_start3A_30 : memref<1x128x32xf32, #tpu.memory_space<vmem>> -> memref<128x32xf32, #tpu.memory_space<vmem>>
    %dma_start3A_32 = arith.constant 0 : i32
    %dma_start3A_33 = tpu.memref_slice %arg6[%dma_start3A, %dma_start3A_32] : memref<160x128xi32, #tpu.memory_space<vmem>> -> memref<1x128xi32, #tpu.memory_space<vmem>>
    %dma_start3A_34 = tpu.memref_squeeze %dma_start3A_33 : memref<1x128xi32, #tpu.memory_space<vmem>> -> memref<128xi32, #tpu.memory_space<vmem>>
    %dma_start3A_35 = arith.constant 0 : i32
    %dma_start3A_36 = arith.constant 0 : i32
    %dma_start3A_37 = tpu.memref_slice %arg10[%dma_start3A_35, %dma_start3A_36] : memref<10240x32xf32, #tpu.memory_space<vmem_shared>> -> memref<10240x32xf32, #tpu.memory_space<vmem_shared>>
    tpu.enqueue_indirect_dma source(%dma_start3A_37 : memref<10240x32xf32, #tpu.memory_space<vmem_shared>>) target(%dma_start3A_31 : memref<128x32xf32, #tpu.memory_space<vmem>>) offsets(%dma_start3A_34 : memref<128xi32, #tpu.memory_space<vmem>>) semaphore(%arg12 : memref<!tpu.dma_semaphore, #tpu.memory_space<semaphore_mem>>)
    %dma_start3A_38 = arith.constant 1 : i32
    %dma_start3A_39 = arith.constant 1 : i32
    %dma_start3A_40 = arith.constant 0 : i32
    %dma_start3A_41 = arith.constant 0 : i32
    %dma_start3A_42 = tpu.memref_slice %arg8[%dma_start3A_39, %dma_start3A_40, %dma_start3A_41] : memref<4x128x32xf32, #tpu.memory_space<vmem>> -> memref<1x128x32xf32, #tpu.memory_space<vmem>>
    %dma_start3A_43 = tpu.memref_squeeze %dma_start3A_42 : memref<1x128x32xf32, #tpu.memory_space<vmem>> -> memref<128x32xf32, #tpu.memory_space<vmem>>
    %dma_start3A_44 = arith.constant 0 : i32
    %dma_start3A_45 = tpu.memref_slice %arg6[%dma_start3A_38, %dma_start3A_44] : memref<160x128xi32, #tpu.memory_space<vmem>> -> memref<1x128xi32, #tpu.memory_space<vmem>>
    %dma_start3A_46 = tpu.memref_squeeze %dma_start3A_45 : memref<1x128xi32, #tpu.memory_space<vmem>> -> memref<128xi32, #tpu.memory_space<vmem>>
    %dma_start3A_47 = arith.constant 0 : i32
    %dma_start3A_48 = arith.constant 0 : i32
    %dma_start3A_49 = tpu.memref_slice %arg10[%dma_start3A_47, %dma_start3A_48] : memref<10240x32xf32, #tpu.memory_space<vmem_shared>> -> memref<10240x32xf32, #tpu.memory_space<vmem_shared>>
    tpu.enqueue_indirect_dma source(%dma_start3A_49 : memref<10240x32xf32, #tpu.memory_space<vmem_shared>>) target(%dma_start3A_43 : memref<128x32xf32, #tpu.memory_space<vmem>>) offsets(%dma_start3A_46 : memref<128xi32, #tpu.memory_space<vmem>>) semaphore(%arg13 : memref<!tpu.dma_semaphore, #tpu.memory_space<semaphore_mem>>)
    %dma_start3A_50 = arith.constant 2 : i32
    %dma_start3A_51 = arith.constant 2 : i32
    %dma_start3A_52 = arith.constant 0 : i32
    %dma_start3A_53 = arith.constant 0 : i32
    %dma_start3A_54 = tpu.memref_slice %arg8[%dma_start3A_51, %dma_start3A_52, %dma_start3A_53] : memref<4x128x32xf32, #tpu.memory_space<vmem>> -> memref<1x128x32xf32, #tpu.memory_space<vmem>>
    %dma_start3A_55 = tpu.memref_squeeze %dma_start3A_54 : memref<1x128x32xf32, #tpu.memory_space<vmem>> -> memref<128x32xf32, #tpu.memory_space<vmem>>
    %dma_start3A_56 = arith.constant 0 : i32
    %dma_start3A_57 = tpu.memref_slice %arg6[%dma_start3A_50, %dma_start3A_56] : memref<160x128xi32, #tpu.memory_space<vmem>> -> memref<1x128xi32, #tpu.memory_space<vmem>>
    %dma_start3A_58 = tpu.memref_squeeze %dma_start3A_57 : memref<1x128xi32, #tpu.memory_space<vmem>> -> memref<128xi32, #tpu.memory_space<vmem>>
    %dma_start3A_59 = arith.constant 0 : i32
    %dma_start3A_60 = arith.constant 0 : i32
    %dma_start3A_61 = tpu.memref_slice %arg10[%dma_start3A_59, %dma_start3A_60] : memref<10240x32xf32, #tpu.memory_space<vmem_shared>> -> memref<10240x32xf32, #tpu.memory_space<vmem_shared>>
    tpu.enqueue_indirect_dma source(%dma_start3A_61 : memref<10240x32xf32, #tpu.memory_space<vmem_shared>>) target(%dma_start3A_55 : memref<128x32xf32, #tpu.memory_space<vmem>>) offsets(%dma_start3A_58 : memref<128xi32, #tpu.memory_space<vmem>>) semaphore(%arg14 : memref<!tpu.dma_semaphore, #tpu.memory_space<semaphore_mem>>)
    %dma_start3A_62 = arith.constant 3 : i32
    %dma_start3A_63 = arith.constant 3 : i32
    %dma_start3A_64 = arith.constant 0 : i32
    %dma_start3A_65 = arith.constant 0 : i32
    %dma_start3A_66 = tpu.memref_slice %arg8[%dma_start3A_63, %dma_start3A_64, %dma_start3A_65] : memref<4x128x32xf32, #tpu.memory_space<vmem>> -> memref<1x128x32xf32, #tpu.memory_space<vmem>>
    %dma_start3A_67 = tpu.memref_squeeze %dma_start3A_66 : memref<1x128x32xf32, #tpu.memory_space<vmem>> -> memref<128x32xf32, #tpu.memory_space<vmem>>
    %dma_start3A_68 = arith.constant 0 : i32
    %dma_start3A_69 = tpu.memref_slice %arg6[%dma_start3A_62, %dma_start3A_68] : memref<160x128xi32, #tpu.memory_space<vmem>> -> memref<1x128xi32, #tpu.memory_space<vmem>>
    %dma_start3A_70 = tpu.memref_squeeze %dma_start3A_69 : memref<1x128xi32, #tpu.memory_space<vmem>> -> memref<128xi32, #tpu.memory_space<vmem>>
    %dma_start3A_71 = arith.constant 0 : i32
    %dma_start3A_72 = arith.constant 0 : i32
    %dma_start3A_73 = tpu.memref_slice %arg10[%dma_start3A_71, %dma_start3A_72] : memref<10240x32xf32, #tpu.memory_space<vmem_shared>> -> memref<10240x32xf32, #tpu.memory_space<vmem_shared>>
    tpu.enqueue_indirect_dma source(%dma_start3A_73 : memref<10240x32xf32, #tpu.memory_space<vmem_shared>>) target(%dma_start3A_67 : memref<128x32xf32, #tpu.memory_space<vmem>>) offsets(%dma_start3A_70 : memref<128xi32, #tpu.memory_space<vmem>>) semaphore(%arg15 : memref<!tpu.dma_semaphore, #tpu.memory_space<semaphore_mem>>)
    %scan3A_74 = arith.constant 0 : i32
    %scan3A_75 = arith.constant 0 : i32
    %scan3A_76 = arith.constant 40 : i32
    %scan3A_77 = arith.addi %scan3A_75, %scan3A_76 : i32
    %scan3A_78 = arith.constant 1 : i32
    %scan3A_79 = scf.for %scan3A_82 = %scan3A_75 to %scan3A_77 step %scan3A_78 iter_args(%scan3A_83 = %scan3A_74) -> (i32)  : i32 {
      %mul3A_84 = arith.constant 4 : i32
      %mul3A_85 = arith.muli %scan3A_82, %mul3A_84 : i32
      %add3A_86 = arith.constant 0 : i32
      %add3A_87 = arith.addi %mul3A_85, %add3A_86 : i32
      %dma_wait3A = arith.constant 0 : i32
      %dma_wait3A_88 = arith.constant 0 : i32
      %dma_wait3A_89 = arith.constant 0 : i32
      %dma_wait3A_90 = tpu.memref_slice %arg8[%dma_wait3A, %dma_wait3A_88, %dma_wait3A_89] : memref<4x128x32xf32, #tpu.memory_space<vmem>> -> memref<1x128x32xf32, #tpu.memory_space<vmem>>
      %dma_wait3A_91 = tpu.memref_squeeze %dma_wait3A_90 : memref<1x128x32xf32, #tpu.memory_space<vmem>> -> memref<128x32xf32, #tpu.memory_space<vmem>>
      %dma_wait3A_92 = arith.constant 0 : i32
      %dma_wait3A_93 = tpu.memref_slice %arg6[%add3A_87, %dma_wait3A_92] : memref<160x128xi32, #tpu.memory_space<vmem>> -> memref<1x128xi32, #tpu.memory_space<vmem>>
      %dma_wait3A_94 = tpu.memref_squeeze %dma_wait3A_93 : memref<1x128xi32, #tpu.memory_space<vmem>> -> memref<128xi32, #tpu.memory_space<vmem>>
      %dma_wait3A_95 = arith.constant 0 : i32
      %dma_wait3A_96 = arith.constant 0 : i32
      %dma_wait3A_97 = tpu.memref_slice %arg10[%dma_wait3A_95, %dma_wait3A_96] : memref<10240x32xf32, #tpu.memory_space<vmem_shared>> -> memref<10240x32xf32, #tpu.memory_space<vmem_shared>>
      tpu.wait_indirect_dma semaphore(%arg12 : memref<!tpu.dma_semaphore, #tpu.memory_space<semaphore_mem>>) src(%dma_wait3A_97 : memref<10240x32xf32, #tpu.memory_space<vmem_shared>>) dst(%dma_wait3A_91 : memref<128x32xf32, #tpu.memory_space<vmem>>)
      %run_scoped3A = arith.constant 0 : i32
      "tpu.region"() ({
        %run_scoped3A_172 = tpu.sem_alloc : memref<!tpu.dma_semaphore, #tpu.memory_space<semaphore_mem>>
        %dma_start3A_173 = arith.constant 0 : i32
        %dma_start3A_174 = arith.constant 0 : i32
        %dma_start3A_175 = tpu.memref_slice %arg8[%run_scoped3A, %dma_start3A_173, %dma_start3A_174] : memref<4x128x32xf32, #tpu.memory_space<vmem>> -> memref<1x128x32xf32, #tpu.memory_space<vmem>>
        %dma_start3A_176 = tpu.memref_squeeze %dma_start3A_175 : memref<1x128x32xf32, #tpu.memory_space<vmem>> -> memref<128x32xf32, #tpu.memory_space<vmem>>
        %dma_start3A_177 = arith.constant 0 : i32
        %dma_start3A_178 = tpu.memref_slice %arg7[%add3A_87, %dma_start3A_177] : memref<160x128xi32, #tpu.memory_space<vmem>> -> memref<1x128xi32, #tpu.memory_space<vmem>>
        %dma_start3A_179 = tpu.memref_squeeze %dma_start3A_178 : memref<1x128xi32, #tpu.memory_space<vmem>> -> memref<128xi32, #tpu.memory_space<vmem>>
        %dma_start3A_180 = arith.constant 0 : i32
        %dma_start3A_181 = arith.constant 0 : i32
        %dma_start3A_182 = tpu.memref_slice %arg11[%dma_start3A_180, %dma_start3A_181] : memref<10240x32xf32, #tpu.memory_space<vmem_shared>> -> memref<10240x32xf32, #tpu.memory_space<vmem_shared>>
        tpu.enqueue_indirect_dma source(%dma_start3A_176 : memref<128x32xf32, #tpu.memory_space<vmem>>) target(%dma_start3A_182 : memref<10240x32xf32, #tpu.memory_space<vmem_shared>>) offsets(%dma_start3A_179 : memref<128xi32, #tpu.memory_space<vmem>>) semaphore(%run_scoped3A_172 : memref<!tpu.dma_semaphore, #tpu.memory_space<semaphore_mem>>) {add = true}
        %dma_wait3A_183 = arith.constant 0 : i32
        %dma_wait3A_184 = arith.constant 0 : i32
        %dma_wait3A_185 = tpu.memref_slice %arg8[%run_scoped3A, %dma_wait3A_183, %dma_wait3A_184] : memref<4x128x32xf32, #tpu.memory_space<vmem>> -> memref<1x128x32xf32, #tpu.memory_space<vmem>>
        %dma_wait3A_186 = tpu.memref_squeeze %dma_wait3A_185 : memref<1x128x32xf32, #tpu.memory_space<vmem>> -> memref<128x32xf32, #tpu.memory_space<vmem>>
        %dma_wait3A_187 = arith.constant 0 : i32
        %dma_wait3A_188 = tpu.memref_slice %arg7[%add3A_87, %dma_wait3A_187] : memref<160x128xi32, #tpu.memory_space<vmem>> -> memref<1x128xi32, #tpu.memory_space<vmem>>
        %dma_wait3A_189 = tpu.memref_squeeze %dma_wait3A_188 : memref<1x128xi32, #tpu.memory_space<vmem>> -> memref<128xi32, #tpu.memory_space<vmem>>
        %dma_wait3A_190 = arith.constant 0 : i32
        %dma_wait3A_191 = arith.constant 0 : i32
        %dma_wait3A_192 = tpu.memref_slice %arg11[%dma_wait3A_190, %dma_wait3A_191] : memref<10240x32xf32, #tpu.memory_space<vmem_shared>> -> memref<10240x32xf32, #tpu.memory_space<vmem_shared>>
        tpu.wait_indirect_dma semaphore(%run_scoped3A_172 : memref<!tpu.dma_semaphore, #tpu.memory_space<semaphore_mem>>) src(%dma_wait3A_186 : memref<128x32xf32, #tpu.memory_space<vmem>>) dst(%dma_wait3A_192 : memref<10240x32xf32, #tpu.memory_space<vmem_shared>>)
        tpu.yield
      }) : () -> ()
      %add3A_98 = arith.constant 4 : i32
      %add3A_99 = arith.addi %add3A_87, %add3A_98 : i32
      %lt3A = arith.constant 160 : i32
      %lt3A_100 = arith.cmpi slt, %add3A_99, %lt3A : i32
      %convert_element_type3A = arith.extui %lt3A_100 : i1 to i32
      %cond3A = arith.constant 0 : i32
      %cond3A_101 = arith.cmpi ne, %convert_element_type3A, %cond3A : i32
      scf.if %cond3A_101 {
        %add3A_172 = arith.constant 4 : i32
        %add3A_173 = arith.addi %add3A_87, %add3A_172 : i32
        %dma_start3A_174 = arith.constant 0 : i32
        %dma_start3A_175 = arith.constant 0 : i32
        %dma_start3A_176 = arith.constant 0 : i32
        %dma_start3A_177 = tpu.memref_slice %arg8[%dma_start3A_174, %dma_start3A_175, %dma_start3A_176] : memref<4x128x32xf32, #tpu.memory_space<vmem>> -> memref<1x128x32xf32, #tpu.memory_space<vmem>>
        %dma_start3A_178 = tpu.memref_squeeze %dma_start3A_177 : memref<1x128x32xf32, #tpu.memory_space<vmem>> -> memref<128x32xf32, #tpu.memory_space<vmem>>
        %dma_start3A_179 = arith.constant 0 : i32
        %dma_start3A_180 = tpu.memref_slice %arg6[%add3A_173, %dma_start3A_179] : memref<160x128xi32, #tpu.memory_space<vmem>> -> memref<1x128xi32, #tpu.memory_space<vmem>>
        %dma_start3A_181 = tpu.memref_squeeze %dma_start3A_180 : memref<1x128xi32, #tpu.memory_space<vmem>> -> memref<128xi32, #tpu.memory_space<vmem>>
        %dma_start3A_182 = arith.constant 0 : i32
        %dma_start3A_183 = arith.constant 0 : i32
        %dma_start3A_184 = tpu.memref_slice %arg10[%dma_start3A_182, %dma_start3A_183] : memref<10240x32xf32, #tpu.memory_space<vmem_shared>> -> memref<10240x32xf32, #tpu.memory_space<vmem_shared>>
        tpu.enqueue_indirect_dma source(%dma_start3A_184 : memref<10240x32xf32, #tpu.memory_space<vmem_shared>>) target(%dma_start3A_178 : memref<128x32xf32, #tpu.memory_space<vmem>>) offsets(%dma_start3A_181 : memref<128xi32, #tpu.memory_space<vmem>>) semaphore(%arg12 : memref<!tpu.dma_semaphore, #tpu.memory_space<semaphore_mem>>)
      } else {
      }
      %mul3A_102 = arith.constant 4 : i32
      %mul3A_103 = arith.muli %scan3A_82, %mul3A_102 : i32
      %add3A_104 = arith.constant 1 : i32
      %add3A_105 = arith.addi %mul3A_103, %add3A_104 : i32
      %dma_wait3A_106 = arith.constant 1 : i32
      %dma_wait3A_107 = arith.constant 0 : i32
      %dma_wait3A_108 = arith.constant 0 : i32
      %dma_wait3A_109 = tpu.memref_slice %arg8[%dma_wait3A_106, %dma_wait3A_107, %dma_wait3A_108] : memref<4x128x32xf32, #tpu.memory_space<vmem>> -> memref<1x128x32xf32, #tpu.memory_space<vmem>>
      %dma_wait3A_110 = tpu.memref_squeeze %dma_wait3A_109 : memref<1x128x32xf32, #tpu.memory_space<vmem>> -> memref<128x32xf32, #tpu.memory_space<vmem>>
      %dma_wait3A_111 = arith.constant 0 : i32
      %dma_wait3A_112 = tpu.memref_slice %arg6[%add3A_105, %dma_wait3A_111] : memref<160x128xi32, #tpu.memory_space<vmem>> -> memref<1x128xi32, #tpu.memory_space<vmem>>
      %dma_wait3A_113 = tpu.memref_squeeze %dma_wait3A_112 : memref<1x128xi32, #tpu.memory_space<vmem>> -> memref<128xi32, #tpu.memory_space<vmem>>
      %dma_wait3A_114 = arith.constant 0 : i32
      %dma_wait3A_115 = arith.constant 0 : i32
      %dma_wait3A_116 = tpu.memref_slice %arg10[%dma_wait3A_114, %dma_wait3A_115] : memref<10240x32xf32, #tpu.memory_space<vmem_shared>> -> memref<10240x32xf32, #tpu.memory_space<vmem_shared>>
      tpu.wait_indirect_dma semaphore(%arg13 : memref<!tpu.dma_semaphore, #tpu.memory_space<semaphore_mem>>) src(%dma_wait3A_116 : memref<10240x32xf32, #tpu.memory_space<vmem_shared>>) dst(%dma_wait3A_110 : memref<128x32xf32, #tpu.memory_space<vmem>>)
      %run_scoped3A_117 = arith.constant 1 : i32
      "tpu.region"() ({
        %run_scoped3A_172 = tpu.sem_alloc : memref<!tpu.dma_semaphore, #tpu.memory_space<semaphore_mem>>
        %dma_start3A_173 = arith.constant 0 : i32
        %dma_start3A_174 = arith.constant 0 : i32
        %dma_start3A_175 = tpu.memref_slice %arg8[%run_scoped3A_117, %dma_start3A_173, %dma_start3A_174] : memref<4x128x32xf32, #tpu.memory_space<vmem>> -> memref<1x128x32xf32, #tpu.memory_space<vmem>>
        %dma_start3A_176 = tpu.memref_squeeze %dma_start3A_175 : memref<1x128x32xf32, #tpu.memory_space<vmem>> -> memref<128x32xf32, #tpu.memory_space<vmem>>
        %dma_start3A_177 = arith.constant 0 : i32
        %dma_start3A_178 = tpu.memref_slice %arg7[%add3A_105, %dma_start3A_177] : memref<160x128xi32, #tpu.memory_space<vmem>> -> memref<1x128xi32, #tpu.memory_space<vmem>>
        %dma_start3A_179 = tpu.memref_squeeze %dma_start3A_178 : memref<1x128xi32, #tpu.memory_space<vmem>> -> memref<128xi32, #tpu.memory_space<vmem>>
        %dma_start3A_180 = arith.constant 0 : i32
        %dma_start3A_181 = arith.constant 0 : i32
        %dma_start3A_182 = tpu.memref_slice %arg11[%dma_start3A_180, %dma_start3A_181] : memref<10240x32xf32, #tpu.memory_space<vmem_shared>> -> memref<10240x32xf32, #tpu.memory_space<vmem_shared>>
        tpu.enqueue_indirect_dma source(%dma_start3A_176 : memref<128x32xf32, #tpu.memory_space<vmem>>) target(%dma_start3A_182 : memref<10240x32xf32, #tpu.memory_space<vmem_shared>>) offsets(%dma_start3A_179 : memref<128xi32, #tpu.memory_space<vmem>>) semaphore(%run_scoped3A_172 : memref<!tpu.dma_semaphore, #tpu.memory_space<semaphore_mem>>) {add = true}
        %dma_wait3A_183 = arith.constant 0 : i32
        %dma_wait3A_184 = arith.constant 0 : i32
        %dma_wait3A_185 = tpu.memref_slice %arg8[%run_scoped3A_117, %dma_wait3A_183, %dma_wait3A_184] : memref<4x128x32xf32, #tpu.memory_space<vmem>> -> memref<1x128x32xf32, #tpu.memory_space<vmem>>
        %dma_wait3A_186 = tpu.memref_squeeze %dma_wait3A_185 : memref<1x128x32xf32, #tpu.memory_space<vmem>> -> memref<128x32xf32, #tpu.memory_space<vmem>>
        %dma_wait3A_187 = arith.constant 0 : i32
        %dma_wait3A_188 = tpu.memref_slice %arg7[%add3A_105, %dma_wait3A_187] : memref<160x128xi32, #tpu.memory_space<vmem>> -> memref<1x128xi32, #tpu.memory_space<vmem>>
        %dma_wait3A_189 = tpu.memref_squeeze %dma_wait3A_188 : memref<1x128xi32, #tpu.memory_space<vmem>> -> memref<128xi32, #tpu.memory_space<vmem>>
        %dma_wait3A_190 = arith.constant 0 : i32
        %dma_wait3A_191 = arith.constant 0 : i32
        %dma_wait3A_192 = tpu.memref_slice %arg11[%dma_wait3A_190, %dma_wait3A_191] : memref<10240x32xf32, #tpu.memory_space<vmem_shared>> -> memref<10240x32xf32, #tpu.memory_space<vmem_shared>>
        tpu.wait_indirect_dma semaphore(%run_scoped3A_172 : memref<!tpu.dma_semaphore, #tpu.memory_space<semaphore_mem>>) src(%dma_wait3A_186 : memref<128x32xf32, #tpu.memory_space<vmem>>) dst(%dma_wait3A_192 : memref<10240x32xf32, #tpu.memory_space<vmem_shared>>)
        tpu.yield
      }) : () -> ()
      %add3A_118 = arith.constant 4 : i32
      %add3A_119 = arith.addi %add3A_105, %add3A_118 : i32
      %lt3A_120 = arith.constant 160 : i32
      %lt3A_121 = arith.cmpi slt, %add3A_119, %lt3A_120 : i32
      %convert_element_type3A_122 = arith.extui %lt3A_121 : i1 to i32
      %cond3A_123 = arith.constant 0 : i32
      %cond3A_124 = arith.cmpi ne, %convert_element_type3A_122, %cond3A_123 : i32
      scf.if %cond3A_124 {
        %add3A_172 = arith.constant 4 : i32
        %add3A_173 = arith.addi %add3A_105, %add3A_172 : i32
        %dma_start3A_174 = arith.constant 1 : i32
        %dma_start3A_175 = arith.constant 0 : i32
        %dma_start3A_176 = arith.constant 0 : i32
        %dma_start3A_177 = tpu.memref_slice %arg8[%dma_start3A_174, %dma_start3A_175, %dma_start3A_176] : memref<4x128x32xf32, #tpu.memory_space<vmem>> -> memref<1x128x32xf32, #tpu.memory_space<vmem>>
        %dma_start3A_178 = tpu.memref_squeeze %dma_start3A_177 : memref<1x128x32xf32, #tpu.memory_space<vmem>> -> memref<128x32xf32, #tpu.memory_space<vmem>>
        %dma_start3A_179 = arith.constant 0 : i32
        %dma_start3A_180 = tpu.memref_slice %arg6[%add3A_173, %dma_start3A_179] : memref<160x128xi32, #tpu.memory_space<vmem>> -> memref<1x128xi32, #tpu.memory_space<vmem>>
        %dma_start3A_181 = tpu.memref_squeeze %dma_start3A_180 : memref<1x128xi32, #tpu.memory_space<vmem>> -> memref<128xi32, #tpu.memory_space<vmem>>
        %dma_start3A_182 = arith.constant 0 : i32
        %dma_start3A_183 = arith.constant 0 : i32
        %dma_start3A_184 = tpu.memref_slice %arg10[%dma_start3A_182, %dma_start3A_183] : memref<10240x32xf32, #tpu.memory_space<vmem_shared>> -> memref<10240x32xf32, #tpu.memory_space<vmem_shared>>
        tpu.enqueue_indirect_dma source(%dma_start3A_184 : memref<10240x32xf32, #tpu.memory_space<vmem_shared>>) target(%dma_start3A_178 : memref<128x32xf32, #tpu.memory_space<vmem>>) offsets(%dma_start3A_181 : memref<128xi32, #tpu.memory_space<vmem>>) semaphore(%arg13 : memref<!tpu.dma_semaphore, #tpu.memory_space<semaphore_mem>>)
      } else {
      }
      %mul3A_125 = arith.constant 4 : i32
      %mul3A_126 = arith.muli %scan3A_82, %mul3A_125 : i32
      %add3A_127 = arith.constant 2 : i32
      %add3A_128 = arith.addi %mul3A_126, %add3A_127 : i32
      %dma_wait3A_129 = arith.constant 2 : i32
      %dma_wait3A_130 = arith.constant 0 : i32
      %dma_wait3A_131 = arith.constant 0 : i32
      %dma_wait3A_132 = tpu.memref_slice %arg8[%dma_wait3A_129, %dma_wait3A_130, %dma_wait3A_131] : memref<4x128x32xf32, #tpu.memory_space<vmem>> -> memref<1x128x32xf32, #tpu.memory_space<vmem>>
      %dma_wait3A_133 = tpu.memref_squeeze %dma_wait3A_132 : memref<1x128x32xf32, #tpu.memory_space<vmem>> -> memref<128x32xf32, #tpu.memory_space<vmem>>
      %dma_wait3A_134 = arith.constant 0 : i32
      %dma_wait3A_135 = tpu.memref_slice %arg6[%add3A_128, %dma_wait3A_134] : memref<160x128xi32, #tpu.memory_space<vmem>> -> memref<1x128xi32, #tpu.memory_space<vmem>>
      %dma_wait3A_136 = tpu.memref_squeeze %dma_wait3A_135 : memref<1x128xi32, #tpu.memory_space<vmem>> -> memref<128xi32, #tpu.memory_space<vmem>>
      %dma_wait3A_137 = arith.constant 0 : i32
      %dma_wait3A_138 = arith.constant 0 : i32
      %dma_wait3A_139 = tpu.memref_slice %arg10[%dma_wait3A_137, %dma_wait3A_138] : memref<10240x32xf32, #tpu.memory_space<vmem_shared>> -> memref<10240x32xf32, #tpu.memory_space<vmem_shared>>
      tpu.wait_indirect_dma semaphore(%arg14 : memref<!tpu.dma_semaphore, #tpu.memory_space<semaphore_mem>>) src(%dma_wait3A_139 : memref<10240x32xf32, #tpu.memory_space<vmem_shared>>) dst(%dma_wait3A_133 : memref<128x32xf32, #tpu.memory_space<vmem>>)
      %run_scoped3A_140 = arith.constant 2 : i32
      "tpu.region"() ({
        %run_scoped3A_172 = tpu.sem_alloc : memref<!tpu.dma_semaphore, #tpu.memory_space<semaphore_mem>>
        %dma_start3A_173 = arith.constant 0 : i32
        %dma_start3A_174 = arith.constant 0 : i32
        %dma_start3A_175 = tpu.memref_slice %arg8[%run_scoped3A_140, %dma_start3A_173, %dma_start3A_174] : memref<4x128x32xf32, #tpu.memory_space<vmem>> -> memref<1x128x32xf32, #tpu.memory_space<vmem>>
        %dma_start3A_176 = tpu.memref_squeeze %dma_start3A_175 : memref<1x128x32xf32, #tpu.memory_space<vmem>> -> memref<128x32xf32, #tpu.memory_space<vmem>>
        %dma_start3A_177 = arith.constant 0 : i32
        %dma_start3A_178 = tpu.memref_slice %arg7[%add3A_128, %dma_start3A_177] : memref<160x128xi32, #tpu.memory_space<vmem>> -> memref<1x128xi32, #tpu.memory_space<vmem>>
        %dma_start3A_179 = tpu.memref_squeeze %dma_start3A_178 : memref<1x128xi32, #tpu.memory_space<vmem>> -> memref<128xi32, #tpu.memory_space<vmem>>
        %dma_start3A_180 = arith.constant 0 : i32
        %dma_start3A_181 = arith.constant 0 : i32
        %dma_start3A_182 = tpu.memref_slice %arg11[%dma_start3A_180, %dma_start3A_181] : memref<10240x32xf32, #tpu.memory_space<vmem_shared>> -> memref<10240x32xf32, #tpu.memory_space<vmem_shared>>
        tpu.enqueue_indirect_dma source(%dma_start3A_176 : memref<128x32xf32, #tpu.memory_space<vmem>>) target(%dma_start3A_182 : memref<10240x32xf32, #tpu.memory_space<vmem_shared>>) offsets(%dma_start3A_179 : memref<128xi32, #tpu.memory_space<vmem>>) semaphore(%run_scoped3A_172 : memref<!tpu.dma_semaphore, #tpu.memory_space<semaphore_mem>>) {add = true}
        %dma_wait3A_183 = arith.constant 0 : i32
        %dma_wait3A_184 = arith.constant 0 : i32
        %dma_wait3A_185 = tpu.memref_slice %arg8[%run_scoped3A_140, %dma_wait3A_183, %dma_wait3A_184] : memref<4x128x32xf32, #tpu.memory_space<vmem>> -> memref<1x128x32xf32, #tpu.memory_space<vmem>>
        %dma_wait3A_186 = tpu.memref_squeeze %dma_wait3A_185 : memref<1x128x32xf32, #tpu.memory_space<vmem>> -> memref<128x32xf32, #tpu.memory_space<vmem>>
        %dma_wait3A_187 = arith.constant 0 : i32
        %dma_wait3A_188 = tpu.memref_slice %arg7[%add3A_128, %dma_wait3A_187] : memref<160x128xi32, #tpu.memory_space<vmem>> -> memref<1x128xi32, #tpu.memory_space<vmem>>
        %dma_wait3A_189 = tpu.memref_squeeze %dma_wait3A_188 : memref<1x128xi32, #tpu.memory_space<vmem>> -> memref<128xi32, #tpu.memory_space<vmem>>
        %dma_wait3A_190 = arith.constant 0 : i32
        %dma_wait3A_191 = arith.constant 0 : i32
        %dma_wait3A_192 = tpu.memref_slice %arg11[%dma_wait3A_190, %dma_wait3A_191] : memref<10240x32xf32, #tpu.memory_space<vmem_shared>> -> memref<10240x32xf32, #tpu.memory_space<vmem_shared>>
        tpu.wait_indirect_dma semaphore(%run_scoped3A_172 : memref<!tpu.dma_semaphore, #tpu.memory_space<semaphore_mem>>) src(%dma_wait3A_186 : memref<128x32xf32, #tpu.memory_space<vmem>>) dst(%dma_wait3A_192 : memref<10240x32xf32, #tpu.memory_space<vmem_shared>>)
        tpu.yield
      }) : () -> ()
      %add3A_141 = arith.constant 4 : i32
      %add3A_142 = arith.addi %add3A_128, %add3A_141 : i32
      %lt3A_143 = arith.constant 160 : i32
      %lt3A_144 = arith.cmpi slt, %add3A_142, %lt3A_143 : i32
      %convert_element_type3A_145 = arith.extui %lt3A_144 : i1 to i32
      %cond3A_146 = arith.constant 0 : i32
      %cond3A_147 = arith.cmpi ne, %convert_element_type3A_145, %cond3A_146 : i32
      scf.if %cond3A_147 {
        %add3A_172 = arith.constant 4 : i32
        %add3A_173 = arith.addi %add3A_128, %add3A_172 : i32
        %dma_start3A_174 = arith.constant 2 : i32
        %dma_start3A_175 = arith.constant 0 : i32
        %dma_start3A_176 = arith.constant 0 : i32
        %dma_start3A_177 = tpu.memref_slice %arg8[%dma_start3A_174, %dma_start3A_175, %dma_start3A_176] : memref<4x128x32xf32, #tpu.memory_space<vmem>> -> memref<1x128x32xf32, #tpu.memory_space<vmem>>
        %dma_start3A_178 = tpu.memref_squeeze %dma_start3A_177 : memref<1x128x32xf32, #tpu.memory_space<vmem>> -> memref<128x32xf32, #tpu.memory_space<vmem>>
        %dma_start3A_179 = arith.constant 0 : i32
        %dma_start3A_180 = tpu.memref_slice %arg6[%add3A_173, %dma_start3A_179] : memref<160x128xi32, #tpu.memory_space<vmem>> -> memref<1x128xi32, #tpu.memory_space<vmem>>
        %dma_start3A_181 = tpu.memref_squeeze %dma_start3A_180 : memref<1x128xi32, #tpu.memory_space<vmem>> -> memref<128xi32, #tpu.memory_space<vmem>>
        %dma_start3A_182 = arith.constant 0 : i32
        %dma_start3A_183 = arith.constant 0 : i32
        %dma_start3A_184 = tpu.memref_slice %arg10[%dma_start3A_182, %dma_start3A_183] : memref<10240x32xf32, #tpu.memory_space<vmem_shared>> -> memref<10240x32xf32, #tpu.memory_space<vmem_shared>>
        tpu.enqueue_indirect_dma source(%dma_start3A_184 : memref<10240x32xf32, #tpu.memory_space<vmem_shared>>) target(%dma_start3A_178 : memref<128x32xf32, #tpu.memory_space<vmem>>) offsets(%dma_start3A_181 : memref<128xi32, #tpu.memory_space<vmem>>) semaphore(%arg14 : memref<!tpu.dma_semaphore, #tpu.memory_space<semaphore_mem>>)
      } else {
      }
      %mul3A_148 = arith.constant 4 : i32
      %mul3A_149 = arith.muli %scan3A_82, %mul3A_148 : i32
      %add3A_150 = arith.constant 3 : i32
      %add3A_151 = arith.addi %mul3A_149, %add3A_150 : i32
      %dma_wait3A_152 = arith.constant 3 : i32
      %dma_wait3A_153 = arith.constant 0 : i32
      %dma_wait3A_154 = arith.constant 0 : i32
      %dma_wait3A_155 = tpu.memref_slice %arg8[%dma_wait3A_152, %dma_wait3A_153, %dma_wait3A_154] : memref<4x128x32xf32, #tpu.memory_space<vmem>> -> memref<1x128x32xf32, #tpu.memory_space<vmem>>
      %dma_wait3A_156 = tpu.memref_squeeze %dma_wait3A_155 : memref<1x128x32xf32, #tpu.memory_space<vmem>> -> memref<128x32xf32, #tpu.memory_space<vmem>>
      %dma_wait3A_157 = arith.constant 0 : i32
      %dma_wait3A_158 = tpu.memref_slice %arg6[%add3A_151, %dma_wait3A_157] : memref<160x128xi32, #tpu.memory_space<vmem>> -> memref<1x128xi32, #tpu.memory_space<vmem>>
      %dma_wait3A_159 = tpu.memref_squeeze %dma_wait3A_158 : memref<1x128xi32, #tpu.memory_space<vmem>> -> memref<128xi32, #tpu.memory_space<vmem>>
      %dma_wait3A_160 = arith.constant 0 : i32
      %dma_wait3A_161 = arith.constant 0 : i32
      %dma_wait3A_162 = tpu.memref_slice %arg10[%dma_wait3A_160, %dma_wait3A_161] : memref<10240x32xf32, #tpu.memory_space<vmem_shared>> -> memref<10240x32xf32, #tpu.memory_space<vmem_shared>>
      tpu.wait_indirect_dma semaphore(%arg15 : memref<!tpu.dma_semaphore, #tpu.memory_space<semaphore_mem>>) src(%dma_wait3A_162 : memref<10240x32xf32, #tpu.memory_space<vmem_shared>>) dst(%dma_wait3A_156 : memref<128x32xf32, #tpu.memory_space<vmem>>)
      %run_scoped3A_163 = arith.constant 3 : i32
      "tpu.region"() ({
        %run_scoped3A_172 = tpu.sem_alloc : memref<!tpu.dma_semaphore, #tpu.memory_space<semaphore_mem>>
        %dma_start3A_173 = arith.constant 0 : i32
        %dma_start3A_174 = arith.constant 0 : i32
        %dma_start3A_175 = tpu.memref_slice %arg8[%run_scoped3A_163, %dma_start3A_173, %dma_start3A_174] : memref<4x128x32xf32, #tpu.memory_space<vmem>> -> memref<1x128x32xf32, #tpu.memory_space<vmem>>
        %dma_start3A_176 = tpu.memref_squeeze %dma_start3A_175 : memref<1x128x32xf32, #tpu.memory_space<vmem>> -> memref<128x32xf32, #tpu.memory_space<vmem>>
        %dma_start3A_177 = arith.constant 0 : i32
        %dma_start3A_178 = tpu.memref_slice %arg7[%add3A_151, %dma_start3A_177] : memref<160x128xi32, #tpu.memory_space<vmem>> -> memref<1x128xi32, #tpu.memory_space<vmem>>
        %dma_start3A_179 = tpu.memref_squeeze %dma_start3A_178 : memref<1x128xi32, #tpu.memory_space<vmem>> -> memref<128xi32, #tpu.memory_space<vmem>>
        %dma_start3A_180 = arith.constant 0 : i32
        %dma_start3A_181 = arith.constant 0 : i32
        %dma_start3A_182 = tpu.memref_slice %arg11[%dma_start3A_180, %dma_start3A_181] : memref<10240x32xf32, #tpu.memory_space<vmem_shared>> -> memref<10240x32xf32, #tpu.memory_space<vmem_shared>>
        tpu.enqueue_indirect_dma source(%dma_start3A_176 : memref<128x32xf32, #tpu.memory_space<vmem>>) target(%dma_start3A_182 : memref<10240x32xf32, #tpu.memory_space<vmem_shared>>) offsets(%dma_start3A_179 : memref<128xi32, #tpu.memory_space<vmem>>) semaphore(%run_scoped3A_172 : memref<!tpu.dma_semaphore, #tpu.memory_space<semaphore_mem>>) {add = true}
        %dma_wait3A_183 = arith.constant 0 : i32
        %dma_wait3A_184 = arith.constant 0 : i32
        %dma_wait3A_185 = tpu.memref_slice %arg8[%run_scoped3A_163, %dma_wait3A_183, %dma_wait3A_184] : memref<4x128x32xf32, #tpu.memory_space<vmem>> -> memref<1x128x32xf32, #tpu.memory_space<vmem>>
        %dma_wait3A_186 = tpu.memref_squeeze %dma_wait3A_185 : memref<1x128x32xf32, #tpu.memory_space<vmem>> -> memref<128x32xf32, #tpu.memory_space<vmem>>
        %dma_wait3A_187 = arith.constant 0 : i32
        %dma_wait3A_188 = tpu.memref_slice %arg7[%add3A_151, %dma_wait3A_187] : memref<160x128xi32, #tpu.memory_space<vmem>> -> memref<1x128xi32, #tpu.memory_space<vmem>>
        %dma_wait3A_189 = tpu.memref_squeeze %dma_wait3A_188 : memref<1x128xi32, #tpu.memory_space<vmem>> -> memref<128xi32, #tpu.memory_space<vmem>>
        %dma_wait3A_190 = arith.constant 0 : i32
        %dma_wait3A_191 = arith.constant 0 : i32
        %dma_wait3A_192 = tpu.memref_slice %arg11[%dma_wait3A_190, %dma_wait3A_191] : memref<10240x32xf32, #tpu.memory_space<vmem_shared>> -> memref<10240x32xf32, #tpu.memory_space<vmem_shared>>
        tpu.wait_indirect_dma semaphore(%run_scoped3A_172 : memref<!tpu.dma_semaphore, #tpu.memory_space<semaphore_mem>>) src(%dma_wait3A_186 : memref<128x32xf32, #tpu.memory_space<vmem>>) dst(%dma_wait3A_192 : memref<10240x32xf32, #tpu.memory_space<vmem_shared>>)
        tpu.yield
      }) : () -> ()
      %add3A_164 = arith.constant 4 : i32
      %add3A_165 = arith.addi %add3A_151, %add3A_164 : i32
      %lt3A_166 = arith.constant 160 : i32
      %lt3A_167 = arith.cmpi slt, %add3A_165, %lt3A_166 : i32
      %convert_element_type3A_168 = arith.extui %lt3A_167 : i1 to i32
      %cond3A_169 = arith.constant 0 : i32
      %cond3A_170 = arith.cmpi ne, %convert_element_type3A_168, %cond3A_169 : i32
      scf.if %cond3A_170 {
        %add3A_172 = arith.constant 4 : i32
        %add3A_173 = arith.addi %add3A_151, %add3A_172 : i32
        %dma_start3A_174 = arith.constant 3 : i32
        %dma_start3A_175 = arith.constant 0 : i32
        %dma_start3A_176 = arith.constant 0 : i32
        %dma_start3A_177 = tpu.memref_slice %arg8[%dma_start3A_174, %dma_start3A_175, %dma_start3A_176] : memref<4x128x32xf32, #tpu.memory_space<vmem>> -> memref<1x128x32xf32, #tpu.memory_space<vmem>>
        %dma_start3A_178 = tpu.memref_squeeze %dma_start3A_177 : memref<1x128x32xf32, #tpu.memory_space<vmem>> -> memref<128x32xf32, #tpu.memory_space<vmem>>
        %dma_start3A_179 = arith.constant 0 : i32
        %dma_start3A_180 = tpu.memref_slice %arg6[%add3A_173, %dma_start3A_179] : memref<160x128xi32, #tpu.memory_space<vmem>> -> memref<1x128xi32, #tpu.memory_space<vmem>>
        %dma_start3A_181 = tpu.memref_squeeze %dma_start3A_180 : memref<1x128xi32, #tpu.memory_space<vmem>> -> memref<128xi32, #tpu.memory_space<vmem>>
        %dma_start3A_182 = arith.constant 0 : i32
        %dma_start3A_183 = arith.constant 0 : i32
        %dma_start3A_184 = tpu.memref_slice %arg10[%dma_start3A_182, %dma_start3A_183] : memref<10240x32xf32, #tpu.memory_space<vmem_shared>> -> memref<10240x32xf32, #tpu.memory_space<vmem_shared>>
        tpu.enqueue_indirect_dma source(%dma_start3A_184 : memref<10240x32xf32, #tpu.memory_space<vmem_shared>>) target(%dma_start3A_178 : memref<128x32xf32, #tpu.memory_space<vmem>>) offsets(%dma_start3A_181 : memref<128xi32, #tpu.memory_space<vmem>>) semaphore(%arg15 : memref<!tpu.dma_semaphore, #tpu.memory_space<semaphore_mem>>)
      } else {
      }
      %scan3A_171 = arith.constant 0 : i32
      scf.yield %scan3A_171 : i32
    }
    %scan3A_80 = arith.constant 40 : i32
    %barrier3A_81 = arith.constant 0 : index
    tpu.barrier barrier_id(%barrier3A_81)
    "tpu.region"() ({
      %run_scoped3A = tpu.sem_alloc : memref<!tpu.dma_semaphore, #tpu.memory_space<semaphore_mem>>
      %dma_start3A_82 = arith.constant 0 : i32
      %dma_start3A_83 = tpu.memref_slice %arg5[%arg0, %mul3A_7, %dma_start3A_82] : memref<2x10240x32xf32, #tpu.memory_space<hbm>> -> memref<1x640x32xf32, #tpu.memory_space<hbm>>
      %dma_start3A_84 = tpu.memref_squeeze %dma_start3A_83 : memref<1x640x32xf32, #tpu.memory_space<hbm>> -> memref<640x32xf32, #tpu.memory_space<hbm>>
      %dma_start3A_85 = arith.constant 0 : i32
      %dma_start3A_86 = tpu.memref_slice %arg11[%mul3A_7, %dma_start3A_85] : memref<10240x32xf32, #tpu.memory_space<vmem_shared>> -> memref<640x32xf32, #tpu.memory_space<vmem_shared>>
      tpu.enqueue_dma source(%dma_start3A_86 : memref<640x32xf32, #tpu.memory_space<vmem_shared>>) target(%dma_start3A_84 : memref<640x32xf32, #tpu.memory_space<hbm>>) target_semaphore(%run_scoped3A : memref<!tpu.dma_semaphore, #tpu.memory_space<semaphore_mem>>)
      %dma_wait3A = arith.constant 0 : i32
      %dma_wait3A_87 = tpu.memref_slice %arg5[%arg0, %mul3A_7, %dma_wait3A] : memref<2x10240x32xf32, #tpu.memory_space<hbm>> -> memref<1x640x32xf32, #tpu.memory_space<hbm>>
      %dma_wait3A_88 = tpu.memref_squeeze %dma_wait3A_87 : memref<1x640x32xf32, #tpu.memory_space<hbm>> -> memref<640x32xf32, #tpu.memory_space<hbm>>
      %dma_wait3A_89 = arith.constant 0 : i32
      %dma_wait3A_90 = tpu.memref_slice %arg11[%mul3A_7, %dma_wait3A_89] : memref<10240x32xf32, #tpu.memory_space<vmem_shared>> -> memref<640x32xf32, #tpu.memory_space<vmem_shared>>
      tpu.wait_dma2 semaphore(%run_scoped3A : memref<!tpu.dma_semaphore, #tpu.memory_space<semaphore_mem>>) src(%dma_wait3A_90 : memref<640x32xf32, #tpu.memory_space<vmem_shared>>) dst(%dma_wait3A_88 : memref<640x32xf32, #tpu.memory_space<hbm>>)
      tpu.yield
    }) : () -> ()
    return
  }
}

#map = affine_map<(d0, d1) -> (0, 0, 0)>
module attributes {stable_mosaic.version = 14 : i64} {
  func.func @_scatter_kernel(%arg0: i32, %arg1: i32, %arg2: memref<2x10240x32xf32, #tpu.memory_space<hbm>>, %arg3: memref<16x160x128xi32, #tpu.memory_space<hbm>>, %arg4: memref<16x160x128xi32, #tpu.memory_space<hbm>>, %arg5: memref<2x10240x32xf32, #tpu.memory_space<hbm>>, %arg6: memref<160x128xi32, #tpu.memory_space<vmem>>, %arg7: memref<160x128xi32, #tpu.memory_space<vmem>>, %arg8: memref<4x128x32xf32, #tpu.memory_space<vmem>>, %arg9: memref<64x32xf32, #tpu.memory_space<vmem>>, %arg10: memref<10240x32xf32, #tpu.memory_space<vmem_shared>>, %arg11: memref<10240x32xf32, #tpu.memory_space<vmem_shared>>, %arg12: memref<!tpu.dma_semaphore, #tpu.memory_space<semaphore_mem>>, %arg13: memref<!tpu.dma_semaphore, #tpu.memory_space<semaphore_mem>>, %arg14: memref<!tpu.dma_semaphore, #tpu.memory_space<semaphore_mem>>, %arg15: memref<!tpu.dma_semaphore, #tpu.memory_space<semaphore_mem>>) attributes {dimension_semantics = [#tpu.dimension_semantics<core_parallel>, #tpu.dimension_semantics<subcore_parallel>], iteration_bounds = array<i64: 2, 16>, scalar_prefetch = 0 : i64, scratch_operands = 10 : i64, tpu.core_type = #tpu.core_type<sc_vector_subcore>, window_params = [{transform_indices = #map}, {transform_indices = #map}, {transform_indices = #map}, {transform_indices = #map}]} {
    %broadcast_in_dim3A = arith.constant 0.000000e+00 : f32
    %broadcast_in_dim3A_0 = vector.broadcast %broadcast_in_dim3A : f32 to vector<16xf32>
    %scan3A = arith.constant 0 : i32
    %scan3A_1 = arith.constant 0 : i32
    %scan3A_2 = arith.constant 128 : i32
    %scan3A_3 = arith.addi %scan3A_1, %scan3A_2 : i32
    %scan3A_4 = arith.constant 1 : i32
    %scan3A_5 = scf.for %scan3A_82 = %scan3A_1 to %scan3A_3 step %scan3A_4 iter_args(%scan3A_83 = %scan3A) -> (i32)  : i32 {
      %jit3A = arith.constant 2 : i32
      %div3A = arith.divsi %scan3A_82, %jit3A : i32
      %sign3A = arith.constant 0 : i32
      %sign3A_84 = arith.cmpi sgt, %scan3A_82, %sign3A : i32
      %sign3A_85 = arith.extui %sign3A_84 : i1 to i32
      %sign3A_86 = arith.constant 0 : i32
      %sign3A_87 = arith.cmpi slt, %scan3A_82, %sign3A_86 : i32
      %sign3A_88 = arith.extui %sign3A_87 : i1 to i32
      %sign3A_89 = arith.subi %sign3A_85, %sign3A_88 : i32
      %sign3A_90 = arith.constant 0 : i32
      %sign3A_91 = arith.cmpi sgt, %jit3A, %sign3A_90 : i32
      %sign3A_92 = arith.extui %sign3A_91 : i1 to i32
      %sign3A_93 = arith.constant 0 : i32
      %sign3A_94 = arith.cmpi slt, %jit3A, %sign3A_93 : i32
      %sign3A_95 = arith.extui %sign3A_94 : i1 to i32
      %sign3A_96 = arith.subi %sign3A_92, %sign3A_95 : i32
      %ne3A = arith.cmpi ne, %sign3A_89, %sign3A_96 : i32
      %rem3A = arith.remsi %scan3A_82, %jit3A : i32
      %ne3A_97 = arith.constant 0 : i32
      %ne3A_98 = arith.cmpi ne, %rem3A, %ne3A_97 : i32
      %and3A = arith.andi %ne3A, %ne3A_98 : i1
      %sub3A = arith.constant 1 : i32
      %sub3A_99 = arith.subi %div3A, %sub3A : i32
      %select_n3A = arith.select %and3A, %sub3A_99, %div3A : i32
      %jit3A_100 = arith.constant 2 : i32
      %eq3A = arith.constant 0 : i32
      %eq3A_101 = arith.cmpi eq, %jit3A_100, %eq3A : i32
      %jit3A_102 = arith.constant 1 : i32
      %select_n3A_103 = arith.select %eq3A_101, %jit3A_102, %jit3A_100 : i32
      %rem3A_104 = arith.remsi %scan3A_82, %select_n3A_103 : i32
      %ne3A_105 = arith.constant 0 : i32
      %ne3A_106 = arith.cmpi ne, %rem3A_104, %ne3A_105 : i32
      %lt3A = arith.constant 0 : i32
      %lt3A_107 = arith.cmpi slt, %rem3A_104, %lt3A : i32
      %lt3A_108 = arith.constant 0 : i32
      %lt3A_109 = arith.cmpi slt, %select_n3A_103, %lt3A_108 : i32
      %ne3A_110 = arith.xori %lt3A_107, %lt3A_109 : i1
      %and3A_111 = arith.andi %ne3A_110, %ne3A_106 : i1
      %add3A_112 = arith.addi %rem3A_104, %select_n3A_103 : i32
      %select_n3A_113 = arith.select %and3A_111, %add3A_112, %rem3A_104 : i32
      %mul3A_114 = arith.constant 16 : i32
      %mul3A_115 = arith.muli %select_n3A_113, %mul3A_114 : i32
      %swap3A = arith.index_cast %select_n3A : i32 to index
      %swap3A_116 = arith.index_cast %mul3A_115 : i32 to index
      %swap3A_117 = tpu.vector_load %arg9[%swap3A, %swap3A_116] {strides = array<i32>} : memref<64x32xf32, #tpu.memory_space<vmem>>, vector<1x16xf32>,
      %swap3A_118 = vector.shape_cast %swap3A_117 : vector<1x16xf32> to vector<16xf32>
      %swap3A_119 = vector.shape_cast %broadcast_in_dim3A_0 : vector<16xf32> to vector<1x16xf32>
      tpu.vector_store %arg9[%swap3A, %swap3A_116], %swap3A_119 {strides = array<i32>} : memref<64x32xf32, #tpu.memory_space<vmem>>, vector<1x16xf32>,
      %scan3A_120 = arith.constant 0 : i32
      scf.yield %scan3A_120 : i32
    }
    %scan3A_6 = arith.constant 128 : i32
    %mul3A = arith.constant 640 : i32
    %mul3A_7 = arith.muli %arg1, %mul3A : i32
    "tpu.region"() ({
      %run_scoped3A = tpu.sem_alloc : memref<!tpu.dma_semaphore, #tpu.memory_space<semaphore_mem>>
      %dma_start3A_82 = arith.constant 0 : i32
      %dma_start3A_83 = tpu.memref_slice %arg10[%mul3A_7, %dma_start3A_82] : memref<10240x32xf32, #tpu.memory_space<vmem_shared>> -> memref<640x32xf32, #tpu.memory_space<vmem_shared>>
      %dma_start3A_84 = arith.constant 0 : i32
      %dma_start3A_85 = tpu.memref_slice %arg2[%arg0, %mul3A_7, %dma_start3A_84] : memref<2x10240x32xf32, #tpu.memory_space<hbm>> -> memref<1x640x32xf32, #tpu.memory_space<hbm>>
      %dma_start3A_86 = tpu.memref_squeeze %dma_start3A_85 : memref<1x640x32xf32, #tpu.memory_space<hbm>> -> memref<640x32xf32, #tpu.memory_space<hbm>>
      tpu.enqueue_dma source(%dma_start3A_86 : memref<640x32xf32, #tpu.memory_space<hbm>>) target(%dma_start3A_83 : memref<640x32xf32, #tpu.memory_space<vmem_shared>>) target_semaphore(%run_scoped3A : memref<!tpu.dma_semaphore, #tpu.memory_space<semaphore_mem>>)
      %dma_wait3A = arith.constant 0 : i32
      %dma_wait3A_87 = tpu.memref_slice %arg10[%mul3A_7, %dma_wait3A] : memref<10240x32xf32, #tpu.memory_space<vmem_shared>> -> memref<640x32xf32, #tpu.memory_space<vmem_shared>>
      %dma_wait3A_88 = arith.constant 0 : i32
      %dma_wait3A_89 = tpu.memref_slice %arg2[%arg0, %mul3A_7, %dma_wait3A_88] : memref<2x10240x32xf32, #tpu.memory_space<hbm>> -> memref<1x640x32xf32, #tpu.memory_space<hbm>>
      %dma_wait3A_90 = tpu.memref_squeeze %dma_wait3A_89 : memref<1x640x32xf32, #tpu.memory_space<hbm>> -> memref<640x32xf32, #tpu.memory_space<hbm>>
      tpu.wait_dma2 semaphore(%run_scoped3A : memref<!tpu.dma_semaphore, #tpu.memory_space<semaphore_mem>>) src(%dma_wait3A_90 : memref<640x32xf32, #tpu.memory_space<hbm>>) dst(%dma_wait3A_87 : memref<640x32xf32, #tpu.memory_space<vmem_shared>>)
      tpu.yield
    }) : () -> ()
    %add3A = arith.constant 0 : i32
    %add3A_8 = arith.addi %mul3A_7, %add3A : i32
    "tpu.region"() ({
      %run_scoped3A = tpu.sem_alloc : memref<!tpu.dma_semaphore, #tpu.memory_space<semaphore_mem>>
      %dma_start3A_82 = arith.constant 0 : i32
      %dma_start3A_83 = tpu.memref_slice %arg11[%add3A_8, %dma_start3A_82] : memref<10240x32xf32, #tpu.memory_space<vmem_shared>> -> memref<64x32xf32, #tpu.memory_space<vmem_shared>>
      %dma_start3A_84 = arith.constant 0 : i32
      %dma_start3A_85 = tpu.memref_slice %arg11[%add3A_8, %dma_start3A_84] : memref<10240x32xf32, #tpu.memory_space<vmem_shared>> -> memref<64x32xf32, #tpu.memory_space<vmem_shared>>
      tpu.enqueue_dma source(%arg9 : memref<64x32xf32, #tpu.memory_space<vmem>>) target(%dma_start3A_85 : memref<64x32xf32, #tpu.memory_space<vmem_shared>>) target_semaphore(%run_scoped3A : memref<!tpu.dma_semaphore, #tpu.memory_space<semaphore_mem>>)
      %dma_wait3A = arith.constant 0 : i32
      %dma_wait3A_86 = tpu.memref_slice %arg11[%add3A_8, %dma_wait3A] : memref<10240x32xf32, #tpu.memory_space<vmem_shared>> -> memref<64x32xf32, #tpu.memory_space<vmem_shared>>
      %dma_wait3A_87 = arith.constant 0 : i32
      %dma_wait3A_88 = tpu.memref_slice %arg11[%add3A_8, %dma_wait3A_87] : memref<10240x32xf32, #tpu.memory_space<vmem_shared>> -> memref<64x32xf32, #tpu.memory_space<vmem_shared>>
      tpu.wait_dma2 semaphore(%run_scoped3A : memref<!tpu.dma_semaphore, #tpu.memory_space<semaphore_mem>>) src(%arg9 : memref<64x32xf32, #tpu.memory_space<vmem>>) dst(%dma_wait3A_88 : memref<64x32xf32, #tpu.memory_space<vmem_shared>>)
      tpu.yield
    }) : () -> ()
    %add3A_9 = arith.constant 64 : i32
    %add3A_10 = arith.addi %mul3A_7, %add3A_9 : i32
    "tpu.region"() ({
      %run_scoped3A = tpu.sem_alloc : memref<!tpu.dma_semaphore, #tpu.memory_space<semaphore_mem>>
      %dma_start3A_82 = arith.constant 0 : i32
      %dma_start3A_83 = tpu.memref_slice %arg11[%add3A_10, %dma_start3A_82] : memref<10240x32xf32, #tpu.memory_space<vmem_shared>> -> memref<64x32xf32, #tpu.memory_space<vmem_shared>>
      %dma_start3A_84 = arith.constant 0 : i32
      %dma_start3A_85 = tpu.memref_slice %arg11[%add3A_10, %dma_start3A_84] : memref<10240x32xf32, #tpu.memory_space<vmem_shared>> -> memref<64x32xf32, #tpu.memory_space<vmem_shared>>
      tpu.enqueue_dma source(%arg9 : memref<64x32xf32, #tpu.memory_space<vmem>>) target(%dma_start3A_85 : memref<64x32xf32, #tpu.memory_space<vmem_shared>>) target_semaphore(%run_scoped3A : memref<!tpu.dma_semaphore, #tpu.memory_space<semaphore_mem>>)
      %dma_wait3A = arith.constant 0 : i32
      %dma_wait3A_86 = tpu.memref_slice %arg11[%add3A_10, %dma_wait3A] : memref<10240x32xf32, #tpu.memory_space<vmem_shared>> -> memref<64x32xf32, #tpu.memory_space<vmem_shared>>
      %dma_wait3A_87 = arith.constant 0 : i32
      %dma_wait3A_88 = tpu.memref_slice %arg11[%add3A_10, %dma_wait3A_87] : memref<10240x32xf32, #tpu.memory_space<vmem_shared>> -> memref<64x32xf32, #tpu.memory_space<vmem_shared>>
      tpu.wait_dma2 semaphore(%run_scoped3A : memref<!tpu.dma_semaphore, #tpu.memory_space<semaphore_mem>>) src(%arg9 : memref<64x32xf32, #tpu.memory_space<vmem>>) dst(%dma_wait3A_88 : memref<64x32xf32, #tpu.memory_space<vmem_shared>>)
      tpu.yield
    }) : () -> ()
    %add3A_11 = arith.constant 128 : i32
    %add3A_12 = arith.addi %mul3A_7, %add3A_11 : i32
    "tpu.region"() ({
      %run_scoped3A = tpu.sem_alloc : memref<!tpu.dma_semaphore, #tpu.memory_space<semaphore_mem>>
      %dma_start3A_82 = arith.constant 0 : i32
      %dma_start3A_83 = tpu.memref_slice %arg11[%add3A_12, %dma_start3A_82] : memref<10240x32xf32, #tpu.memory_space<vmem_shared>> -> memref<64x32xf32, #tpu.memory_space<vmem_shared>>
      %dma_start3A_84 = arith.constant 0 : i32
      %dma_start3A_85 = tpu.memref_slice %arg11[%add3A_12, %dma_start3A_84] : memref<10240x32xf32, #tpu.memory_space<vmem_shared>> -> memref<64x32xf32, #tpu.memory_space<vmem_shared>>
      tpu.enqueue_dma source(%arg9 : memref<64x32xf32, #tpu.memory_space<vmem>>) target(%dma_start3A_85 : memref<64x32xf32, #tpu.memory_space<vmem_shared>>) target_semaphore(%run_scoped3A : memref<!tpu.dma_semaphore, #tpu.memory_space<semaphore_mem>>)
      %dma_wait3A = arith.constant 0 : i32
      %dma_wait3A_86 = tpu.memref_slice %arg11[%add3A_12, %dma_wait3A] : memref<10240x32xf32, #tpu.memory_space<vmem_shared>> -> memref<64x32xf32, #tpu.memory_space<vmem_shared>>
      %dma_wait3A_87 = arith.constant 0 : i32
      %dma_wait3A_88 = tpu.memref_slice %arg11[%add3A_12, %dma_wait3A_87] : memref<10240x32xf32, #tpu.memory_space<vmem_shared>> -> memref<64x32xf32, #tpu.memory_space<vmem_shared>>
      tpu.wait_dma2 semaphore(%run_scoped3A : memref<!tpu.dma_semaphore, #tpu.memory_space<semaphore_mem>>) src(%arg9 : memref<64x32xf32, #tpu.memory_space<vmem>>) dst(%dma_wait3A_88 : memref<64x32xf32, #tpu.memory_space<vmem_shared>>)
      tpu.yield
    }) : () -> ()
    %add3A_13 = arith.constant 192 : i32
    %add3A_14 = arith.addi %mul3A_7, %add3A_13 : i32
    "tpu.region"() ({
      %run_scoped3A = tpu.sem_alloc : memref<!tpu.dma_semaphore, #tpu.memory_space<semaphore_mem>>
      %dma_start3A_82 = arith.constant 0 : i32
      %dma_start3A_83 = tpu.memref_slice %arg11[%add3A_14, %dma_start3A_82] : memref<10240x32xf32, #tpu.memory_space<vmem_shared>> -> memref<64x32xf32, #tpu.memory_space<vmem_shared>>
      %dma_start3A_84 = arith.constant 0 : i32
      %dma_start3A_85 = tpu.memref_slice %arg11[%add3A_14, %dma_start3A_84] : memref<10240x32xf32, #tpu.memory_space<vmem_shared>> -> memref<64x32xf32, #tpu.memory_space<vmem_shared>>
      tpu.enqueue_dma source(%arg9 : memref<64x32xf32, #tpu.memory_space<vmem>>) target(%dma_start3A_85 : memref<64x32xf32, #tpu.memory_space<vmem_shared>>) target_semaphore(%run_scoped3A : memref<!tpu.dma_semaphore, #tpu.memory_space<semaphore_mem>>)
      %dma_wait3A = arith.constant 0 : i32
      %dma_wait3A_86 = tpu.memref_slice %arg11[%add3A_14, %dma_wait3A] : memref<10240x32xf32, #tpu.memory_space<vmem_shared>> -> memref<64x32xf32, #tpu.memory_space<vmem_shared>>
      %dma_wait3A_87 = arith.constant 0 : i32
      %dma_wait3A_88 = tpu.memref_slice %arg11[%add3A_14, %dma_wait3A_87] : memref<10240x32xf32, #tpu.memory_space<vmem_shared>> -> memref<64x32xf32, #tpu.memory_space<vmem_shared>>
      tpu.wait_dma2 semaphore(%run_scoped3A : memref<!tpu.dma_semaphore, #tpu.memory_space<semaphore_mem>>) src(%arg9 : memref<64x32xf32, #tpu.memory_space<vmem>>) dst(%dma_wait3A_88 : memref<64x32xf32, #tpu.memory_space<vmem_shared>>)
      tpu.yield
    }) : () -> ()
    %add3A_15 = arith.constant 256 : i32
    %add3A_16 = arith.addi %mul3A_7, %add3A_15 : i32
    "tpu.region"() ({
      %run_scoped3A = tpu.sem_alloc : memref<!tpu.dma_semaphore, #tpu.memory_space<semaphore_mem>>
      %dma_start3A_82 = arith.constant 0 : i32
      %dma_start3A_83 = tpu.memref_slice %arg11[%add3A_16, %dma_start3A_82] : memref<10240x32xf32, #tpu.memory_space<vmem_shared>> -> memref<64x32xf32, #tpu.memory_space<vmem_shared>>
      %dma_start3A_84 = arith.constant 0 : i32
      %dma_start3A_85 = tpu.memref_slice %arg11[%add3A_16, %dma_start3A_84] : memref<10240x32xf32, #tpu.memory_space<vmem_shared>> -> memref<64x32xf32, #tpu.memory_space<vmem_shared>>
      tpu.enqueue_dma source(%arg9 : memref<64x32xf32, #tpu.memory_space<vmem>>) target(%dma_start3A_85 : memref<64x32xf32, #tpu.memory_space<vmem_shared>>) target_semaphore(%run_scoped3A : memref<!tpu.dma_semaphore, #tpu.memory_space<semaphore_mem>>)
      %dma_wait3A = arith.constant 0 : i32
      %dma_wait3A_86 = tpu.memref_slice %arg11[%add3A_16, %dma_wait3A] : memref<10240x32xf32, #tpu.memory_space<vmem_shared>> -> memref<64x32xf32, #tpu.memory_space<vmem_shared>>
      %dma_wait3A_87 = arith.constant 0 : i32
      %dma_wait3A_88 = tpu.memref_slice %arg11[%add3A_16, %dma_wait3A_87] : memref<10240x32xf32, #tpu.memory_space<vmem_shared>> -> memref<64x32xf32, #tpu.memory_space<vmem_shared>>
      tpu.wait_dma2 semaphore(%run_scoped3A : memref<!tpu.dma_semaphore, #tpu.memory_space<semaphore_mem>>) src(%arg9 : memref<64x32xf32, #tpu.memory_space<vmem>>) dst(%dma_wait3A_88 : memref<64x32xf32, #tpu.memory_space<vmem_shared>>)
      tpu.yield
    }) : () -> ()
    %add3A_17 = arith.constant 320 : i32
    %add3A_18 = arith.addi %mul3A_7, %add3A_17 : i32
    "tpu.region"() ({
      %run_scoped3A = tpu.sem_alloc : memref<!tpu.dma_semaphore, #tpu.memory_space<semaphore_mem>>
      %dma_start3A_82 = arith.constant 0 : i32
      %dma_start3A_83 = tpu.memref_slice %arg11[%add3A_18, %dma_start3A_82] : memref<10240x32xf32, #tpu.memory_space<vmem_shared>> -> memref<64x32xf32, #tpu.memory_space<vmem_shared>>
      %dma_start3A_84 = arith.constant 0 : i32
      %dma_start3A_85 = tpu.memref_slice %arg11[%add3A_18, %dma_start3A_84] : memref<10240x32xf32, #tpu.memory_space<vmem_shared>> -> memref<64x32xf32, #tpu.memory_space<vmem_shared>>
      tpu.enqueue_dma source(%arg9 : memref<64x32xf32, #tpu.memory_space<vmem>>) target(%dma_start3A_85 : memref<64x32xf32, #tpu.memory_space<vmem_shared>>) target_semaphore(%run_scoped3A : memref<!tpu.dma_semaphore, #tpu.memory_space<semaphore_mem>>)
      %dma_wait3A = arith.constant 0 : i32
      %dma_wait3A_86 = tpu.memref_slice %arg11[%add3A_18, %dma_wait3A] : memref<10240x32xf32, #tpu.memory_space<vmem_shared>> -> memref<64x32xf32, #tpu.memory_space<vmem_shared>>
      %dma_wait3A_87 = arith.constant 0 : i32
      %dma_wait3A_88 = tpu.memref_slice %arg11[%add3A_18, %dma_wait3A_87] : memref<10240x32xf32, #tpu.memory_space<vmem_shared>> -> memref<64x32xf32, #tpu.memory_space<vmem_shared>>
      tpu.wait_dma2 semaphore(%run_scoped3A : memref<!tpu.dma_semaphore, #tpu.memory_space<semaphore_mem>>) src(%arg9 : memref<64x32xf32, #tpu.memory_space<vmem>>) dst(%dma_wait3A_88 : memref<64x32xf32, #tpu.memory_space<vmem_shared>>)
      tpu.yield
    }) : () -> ()
    %add3A_19 = arith.constant 384 : i32
    %add3A_20 = arith.addi %mul3A_7, %add3A_19 : i32
    "tpu.region"() ({
      %run_scoped3A = tpu.sem_alloc : memref<!tpu.dma_semaphore, #tpu.memory_space<semaphore_mem>>
      %dma_start3A_82 = arith.constant 0 : i32
      %dma_start3A_83 = tpu.memref_slice %arg11[%add3A_20, %dma_start3A_82] : memref<10240x32xf32, #tpu.memory_space<vmem_shared>> -> memref<64x32xf32, #tpu.memory_space<vmem_shared>>
      %dma_start3A_84 = arith.constant 0 : i32
      %dma_start3A_85 = tpu.memref_slice %arg11[%add3A_20, %dma_start3A_84] : memref<10240x32xf32, #tpu.memory_space<vmem_shared>> -> memref<64x32xf32, #tpu.memory_space<vmem_shared>>
      tpu.enqueue_dma source(%arg9 : memref<64x32xf32, #tpu.memory_space<vmem>>) target(%dma_start3A_85 : memref<64x32xf32, #tpu.memory_space<vmem_shared>>) target_semaphore(%run_scoped3A : memref<!tpu.dma_semaphore, #tpu.memory_space<semaphore_mem>>)
      %dma_wait3A = arith.constant 0 : i32
      %dma_wait3A_86 = tpu.memref_slice %arg11[%add3A_20, %dma_wait3A] : memref<10240x32xf32, #tpu.memory_space<vmem_shared>> -> memref<64x32xf32, #tpu.memory_space<vmem_shared>>
      %dma_wait3A_87 = arith.constant 0 : i32
      %dma_wait3A_88 = tpu.memref_slice %arg11[%add3A_20, %dma_wait3A_87] : memref<10240x32xf32, #tpu.memory_space<vmem_shared>> -> memref<64x32xf32, #tpu.memory_space<vmem_shared>>
      tpu.wait_dma2 semaphore(%run_scoped3A : memref<!tpu.dma_semaphore, #tpu.memory_space<semaphore_mem>>) src(%arg9 : memref<64x32xf32, #tpu.memory_space<vmem>>) dst(%dma_wait3A_88 : memref<64x32xf32, #tpu.memory_space<vmem_shared>>)
      tpu.yield
    }) : () -> ()
    %add3A_21 = arith.constant 448 : i32
    %add3A_22 = arith.addi %mul3A_7, %add3A_21 : i32
    "tpu.region"() ({
      %run_scoped3A = tpu.sem_alloc : memref<!tpu.dma_semaphore, #tpu.memory_space<semaphore_mem>>
      %dma_start3A_82 = arith.constant 0 : i32
      %dma_start3A_83 = tpu.memref_slice %arg11[%add3A_22, %dma_start3A_82] : memref<10240x32xf32, #tpu.memory_space<vmem_shared>> -> memref<64x32xf32, #tpu.memory_space<vmem_shared>>
      %dma_start3A_84 = arith.constant 0 : i32
      %dma_start3A_85 = tpu.memref_slice %arg11[%add3A_22, %dma_start3A_84] : memref<10240x32xf32, #tpu.memory_space<vmem_shared>> -> memref<64x32xf32, #tpu.memory_space<vmem_shared>>
      tpu.enqueue_dma source(%arg9 : memref<64x32xf32, #tpu.memory_space<vmem>>) target(%dma_start3A_85 : memref<64x32xf32, #tpu.memory_space<vmem_shared>>) target_semaphore(%run_scoped3A : memref<!tpu.dma_semaphore, #tpu.memory_space<semaphore_mem>>)
      %dma_wait3A = arith.constant 0 : i32
      %dma_wait3A_86 = tpu.memref_slice %arg11[%add3A_22, %dma_wait3A] : memref<10240x32xf32, #tpu.memory_space<vmem_shared>> -> memref<64x32xf32, #tpu.memory_space<vmem_shared>>
      %dma_wait3A_87 = arith.constant 0 : i32
      %dma_wait3A_88 = tpu.memref_slice %arg11[%add3A_22, %dma_wait3A_87] : memref<10240x32xf32, #tpu.memory_space<vmem_shared>> -> memref<64x32xf32, #tpu.memory_space<vmem_shared>>
      tpu.wait_dma2 semaphore(%run_scoped3A : memref<!tpu.dma_semaphore, #tpu.memory_space<semaphore_mem>>) src(%arg9 : memref<64x32xf32, #tpu.memory_space<vmem>>) dst(%dma_wait3A_88 : memref<64x32xf32, #tpu.memory_space<vmem_shared>>)
      tpu.yield
    }) : () -> ()
    %add3A_23 = arith.constant 512 : i32
    %add3A_24 = arith.addi %mul3A_7, %add3A_23 : i32
    "tpu.region"() ({
      %run_scoped3A = tpu.sem_alloc : memref<!tpu.dma_semaphore, #tpu.memory_space<semaphore_mem>>
      %dma_start3A_82 = arith.constant 0 : i32
      %dma_start3A_83 = tpu.memref_slice %arg11[%add3A_24, %dma_start3A_82] : memref<10240x32xf32, #tpu.memory_space<vmem_shared>> -> memref<64x32xf32, #tpu.memory_space<vmem_shared>>
      %dma_start3A_84 = arith.constant 0 : i32
      %dma_start3A_85 = tpu.memref_slice %arg11[%add3A_24, %dma_start3A_84] : memref<10240x32xf32, #tpu.memory_space<vmem_shared>> -> memref<64x32xf32, #tpu.memory_space<vmem_shared>>
      tpu.enqueue_dma source(%arg9 : memref<64x32xf32, #tpu.memory_space<vmem>>) target(%dma_start3A_85 : memref<64x32xf32, #tpu.memory_space<vmem_shared>>) target_semaphore(%run_scoped3A : memref<!tpu.dma_semaphore, #tpu.memory_space<semaphore_mem>>)
      %dma_wait3A = arith.constant 0 : i32
      %dma_wait3A_86 = tpu.memref_slice %arg11[%add3A_24, %dma_wait3A] : memref<10240x32xf32, #tpu.memory_space<vmem_shared>> -> memref<64x32xf32, #tpu.memory_space<vmem_shared>>
      %dma_wait3A_87 = arith.constant 0 : i32
      %dma_wait3A_88 = tpu.memref_slice %arg11[%add3A_24, %dma_wait3A_87] : memref<10240x32xf32, #tpu.memory_space<vmem_shared>> -> memref<64x32xf32, #tpu.memory_space<vmem_shared>>
      tpu.wait_dma2 semaphore(%run_scoped3A : memref<!tpu.dma_semaphore, #tpu.memory_space<semaphore_mem>>) src(%arg9 : memref<64x32xf32, #tpu.memory_space<vmem>>) dst(%dma_wait3A_88 : memref<64x32xf32, #tpu.memory_space<vmem_shared>>)
      tpu.yield
    }) : () -> ()
    %add3A_25 = arith.constant 576 : i32
    %add3A_26 = arith.addi %mul3A_7, %add3A_25 : i32
    "tpu.region"() ({
      %run_scoped3A = tpu.sem_alloc : memref<!tpu.dma_semaphore, #tpu.memory_space<semaphore_mem>>
      %dma_start3A_82 = arith.constant 0 : i32
      %dma_start3A_83 = tpu.memref_slice %arg11[%add3A_26, %dma_start3A_82] : memref<10240x32xf32, #tpu.memory_space<vmem_shared>> -> memref<64x32xf32, #tpu.memory_space<vmem_shared>>
      %dma_start3A_84 = arith.constant 0 : i32
      %dma_start3A_85 = tpu.memref_slice %arg11[%add3A_26, %dma_start3A_84] : memref<10240x32xf32, #tpu.memory_space<vmem_shared>> -> memref<64x32xf32, #tpu.memory_space<vmem_shared>>
      tpu.enqueue_dma source(%arg9 : memref<64x32xf32, #tpu.memory_space<vmem>>) target(%dma_start3A_85 : memref<64x32xf32, #tpu.memory_space<vmem_shared>>) target_semaphore(%run_scoped3A : memref<!tpu.dma_semaphore, #tpu.memory_space<semaphore_mem>>)
      %dma_wait3A = arith.constant 0 : i32
      %dma_wait3A_86 = tpu.memref_slice %arg11[%add3A_26, %dma_wait3A] : memref<10240x32xf32, #tpu.memory_space<vmem_shared>> -> memref<64x32xf32, #tpu.memory_space<vmem_shared>>
      %dma_wait3A_87 = arith.constant 0 : i32
      %dma_wait3A_88 = tpu.memref_slice %arg11[%add3A_26, %dma_wait3A_87] : memref<10240x32xf32, #tpu.memory_space<vmem_shared>> -> memref<64x32xf32, #tpu.memory_space<vmem_shared>>
      tpu.wait_dma2 semaphore(%run_scoped3A : memref<!tpu.dma_semaphore, #tpu.memory_space<semaphore_mem>>) src(%arg9 : memref<64x32xf32, #tpu.memory_space<vmem>>) dst(%dma_wait3A_88 : memref<64x32xf32, #tpu.memory_space<vmem_shared>>)
      tpu.yield
    }) : () -> ()
    "tpu.region"() ({
      %run_scoped3A = tpu.sem_alloc : memref<!tpu.dma_semaphore, #tpu.memory_space<semaphore_mem>>
      %dma_start3A_82 = arith.constant 0 : i32
      %dma_start3A_83 = arith.constant 0 : i32
      %dma_start3A_84 = tpu.memref_slice %arg3[%arg1, %dma_start3A_82, %dma_start3A_83] : memref<16x160x128xi32, #tpu.memory_space<hbm>> -> memref<1x160x128xi32, #tpu.memory_space<hbm>>
      %dma_start3A_85 = tpu.memref_squeeze %dma_start3A_84 : memref<1x160x128xi32, #tpu.memory_space<hbm>> -> memref<160x128xi32, #tpu.memory_space<hbm>>
      %dma_start3A_86 = arith.constant 0 : i32
      %dma_start3A_87 = arith.constant 0 : i32
      %dma_start3A_88 = tpu.memref_slice %arg3[%arg1, %dma_start3A_86, %dma_start3A_87] : memref<16x160x128xi32, #tpu.memory_space<hbm>> -> memref<1x160x128xi32, #tpu.memory_space<hbm>>
      %dma_start3A_89 = tpu.memref_squeeze %dma_start3A_88 : memref<1x160x128xi32, #tpu.memory_space<hbm>> -> memref<160x128xi32, #tpu.memory_space<hbm>>
      tpu.enqueue_dma source(%dma_start3A_89 : memref<160x128xi32, #tpu.memory_space<hbm>>) target(%arg6 : memref<160x128xi32, #tpu.memory_space<vmem>>) target_semaphore(%run_scoped3A : memref<!tpu.dma_semaphore, #tpu.memory_space<semaphore_mem>>)
      %dma_wait3A = arith.constant 0 : i32
      %dma_wait3A_90 = arith.constant 0 : i32
      %dma_wait3A_91 = tpu.memref_slice %arg3[%arg1, %dma_wait3A, %dma_wait3A_90] : memref<16x160x128xi32, #tpu.memory_space<hbm>> -> memref<1x160x128xi32, #tpu.memory_space<hbm>>
      %dma_wait3A_92 = tpu.memref_squeeze %dma_wait3A_91 : memref<1x160x128xi32, #tpu.memory_space<hbm>> -> memref<160x128xi32, #tpu.memory_space<hbm>>
      %dma_wait3A_93 = arith.constant 0 : i32
      %dma_wait3A_94 = arith.constant 0 : i32
      %dma_wait3A_95 = tpu.memref_slice %arg3[%arg1, %dma_wait3A_93, %dma_wait3A_94] : memref<16x160x128xi32, #tpu.memory_space<hbm>> -> memref<1x160x128xi32, #tpu.memory_space<hbm>>
      %dma_wait3A_96 = tpu.memref_squeeze %dma_wait3A_95 : memref<1x160x128xi32, #tpu.memory_space<hbm>> -> memref<160x128xi32, #tpu.memory_space<hbm>>
      tpu.wait_dma2 semaphore(%run_scoped3A : memref<!tpu.dma_semaphore, #tpu.memory_space<semaphore_mem>>) src(%dma_wait3A_96 : memref<160x128xi32, #tpu.memory_space<hbm>>) dst(%arg6 : memref<160x128xi32, #tpu.memory_space<vmem>>)
      tpu.yield
    }) : () -> ()
    "tpu.region"() ({
      %run_scoped3A = tpu.sem_alloc : memref<!tpu.dma_semaphore, #tpu.memory_space<semaphore_mem>>
      %dma_start3A_82 = arith.constant 0 : i32
      %dma_start3A_83 = arith.constant 0 : i32
      %dma_start3A_84 = tpu.memref_slice %arg4[%arg1, %dma_start3A_82, %dma_start3A_83] : memref<16x160x128xi32, #tpu.memory_space<hbm>> -> memref<1x160x128xi32, #tpu.memory_space<hbm>>
      %dma_start3A_85 = tpu.memref_squeeze %dma_start3A_84 : memref<1x160x128xi32, #tpu.memory_space<hbm>> -> memref<160x128xi32, #tpu.memory_space<hbm>>
      %dma_start3A_86 = arith.constant 0 : i32
      %dma_start3A_87 = arith.constant 0 : i32
      %dma_start3A_88 = tpu.memref_slice %arg4[%arg1, %dma_start3A_86, %dma_start3A_87] : memref<16x160x128xi32, #tpu.memory_space<hbm>> -> memref<1x160x128xi32, #tpu.memory_space<hbm>>
      %dma_start3A_89 = tpu.memref_squeeze %dma_start3A_88 : memref<1x160x128xi32, #tpu.memory_space<hbm>> -> memref<160x128xi32, #tpu.memory_space<hbm>>
      tpu.enqueue_dma source(%dma_start3A_89 : memref<160x128xi32, #tpu.memory_space<hbm>>) target(%arg7 : memref<160x128xi32, #tpu.memory_space<vmem>>) target_semaphore(%run_scoped3A : memref<!tpu.dma_semaphore, #tpu.memory_space<semaphore_mem>>)
      %dma_wait3A = arith.constant 0 : i32
      %dma_wait3A_90 = arith.constant 0 : i32
      %dma_wait3A_91 = tpu.memref_slice %arg4[%arg1, %dma_wait3A, %dma_wait3A_90] : memref<16x160x128xi32, #tpu.memory_space<hbm>> -> memref<1x160x128xi32, #tpu.memory_space<hbm>>
      %dma_wait3A_92 = tpu.memref_squeeze %dma_wait3A_91 : memref<1x160x128xi32, #tpu.memory_space<hbm>> -> memref<160x128xi32, #tpu.memory_space<hbm>>
      %dma_wait3A_93 = arith.constant 0 : i32
      %dma_wait3A_94 = arith.constant 0 : i32
      %dma_wait3A_95 = tpu.memref_slice %arg4[%arg1, %dma_wait3A_93, %dma_wait3A_94] : memref<16x160x128xi32, #tpu.memory_space<hbm>> -> memref<1x160x128xi32, #tpu.memory_space<hbm>>
      %dma_wait3A_96 = tpu.memref_squeeze %dma_wait3A_95 : memref<1x160x128xi32, #tpu.memory_space<hbm>> -> memref<160x128xi32, #tpu.memory_space<hbm>>
      tpu.wait_dma2 semaphore(%run_scoped3A : memref<!tpu.dma_semaphore, #tpu.memory_space<semaphore_mem>>) src(%dma_wait3A_96 : memref<160x128xi32, #tpu.memory_space<hbm>>) dst(%arg7 : memref<160x128xi32, #tpu.memory_space<vmem>>)
      tpu.yield
    }) : () -> ()
    %barrier3A = arith.constant 0 : index
    tpu.barrier barrier_id(%barrier3A)
    %dma_start3A = arith.constant 0 : i32
    %dma_start3A_27 = arith.constant 0 : i32
    %dma_start3A_28 = arith.constant 0 : i32
    %dma_start3A_29 = arith.constant 0 : i32
    %dma_start3A_30 = tpu.memref_slice %arg8[%dma_start3A_27, %dma_start3A_28, %dma_start3A_29] : memref<4x128x32xf32, #tpu.memory_space<vmem>> -> memref<1x128x32xf32, #tpu.memory_space<vmem>>
    %dma_start3A_31 = tpu.memref_squeeze %dma_start3A_30 : memref<1x128x32xf32, #tpu.memory_space<vmem>> -> memref<128x32xf32, #tpu.memory_space<vmem>>
    %dma_start3A_32 = arith.constant 0 : i32
    %dma_start3A_33 = tpu.memref_slice %arg6[%dma_start3A, %dma_start3A_32] : memref<160x128xi32, #tpu.memory_space<vmem>> -> memref<1x128xi32, #tpu.memory_space<vmem>>
    %dma_start3A_34 = tpu.memref_squeeze %dma_start3A_33 : memref<1x128xi32, #tpu.memory_space<vmem>> -> memref<128xi32, #tpu.memory_space<vmem>>
    %dma_start3A_35 = arith.constant 0 : i32
    %dma_start3A_36 = arith.constant 0 : i32
    %dma_start3A_37 = tpu.memref_slice %arg10[%dma_start3A_35, %dma_start3A_36] : memref<10240x32xf32, #tpu.memory_space<vmem_shared>> -> memref<10240x32xf32, #tpu.memory_space<vmem_shared>>
    tpu.enqueue_indirect_dma source(%dma_start3A_37 : memref<10240x32xf32, #tpu.memory_space<vmem_shared>>) target(%dma_start3A_31 : memref<128x32xf32, #tpu.memory_space<vmem>>) offsets(%dma_start3A_34 : memref<128xi32, #tpu.memory_space<vmem>>) semaphore(%arg12 : memref<!tpu.dma_semaphore, #tpu.memory_space<semaphore_mem>>)
    %dma_start3A_38 = arith.constant 1 : i32
    %dma_start3A_39 = arith.constant 1 : i32
    %dma_start3A_40 = arith.constant 0 : i32
    %dma_start3A_41 = arith.constant 0 : i32
    %dma_start3A_42 = tpu.memref_slice %arg8[%dma_start3A_39, %dma_start3A_40, %dma_start3A_41] : memref<4x128x32xf32, #tpu.memory_space<vmem>> -> memref<1x128x32xf32, #tpu.memory_space<vmem>>
    %dma_start3A_43 = tpu.memref_squeeze %dma_start3A_42 : memref<1x128x32xf32, #tpu.memory_space<vmem>> -> memref<128x32xf32, #tpu.memory_space<vmem>>
    %dma_start3A_44 = arith.constant 0 : i32
    %dma_start3A_45 = tpu.memref_slice %arg6[%dma_start3A_38, %dma_start3A_44] : memref<160x128xi32, #tpu.memory_space<vmem>> -> memref<1x128xi32, #tpu.memory_space<vmem>>
    %dma_start3A_46 = tpu.memref_squeeze %dma_start3A_45 : memref<1x128xi32, #tpu.memory_space<vmem>> -> memref<128xi32, #tpu.memory_space<vmem>>
    %dma_start3A_47 = arith.constant 0 : i32
    %dma_start3A_48 = arith.constant 0 : i32
    %dma_start3A_49 = tpu.memref_slice %arg10[%dma_start3A_47, %dma_start3A_48] : memref<10240x32xf32, #tpu.memory_space<vmem_shared>> -> memref<10240x32xf32, #tpu.memory_space<vmem_shared>>
    tpu.enqueue_indirect_dma source(%dma_start3A_49 : memref<10240x32xf32, #tpu.memory_space<vmem_shared>>) target(%dma_start3A_43 : memref<128x32xf32, #tpu.memory_space<vmem>>) offsets(%dma_start3A_46 : memref<128xi32, #tpu.memory_space<vmem>>) semaphore(%arg13 : memref<!tpu.dma_semaphore, #tpu.memory_space<semaphore_mem>>)
    %dma_start3A_50 = arith.constant 2 : i32
    %dma_start3A_51 = arith.constant 2 : i32
    %dma_start3A_52 = arith.constant 0 : i32
    %dma_start3A_53 = arith.constant 0 : i32
    %dma_start3A_54 = tpu.memref_slice %arg8[%dma_start3A_51, %dma_start3A_52, %dma_start3A_53] : memref<4x128x32xf32, #tpu.memory_space<vmem>> -> memref<1x128x32xf32, #tpu.memory_space<vmem>>
    %dma_start3A_55 = tpu.memref_squeeze %dma_start3A_54 : memref<1x128x32xf32, #tpu.memory_space<vmem>> -> memref<128x32xf32, #tpu.memory_space<vmem>>
    %dma_start3A_56 = arith.constant 0 : i32
    %dma_start3A_57 = tpu.memref_slice %arg6[%dma_start3A_50, %dma_start3A_56] : memref<160x128xi32, #tpu.memory_space<vmem>> -> memref<1x128xi32, #tpu.memory_space<vmem>>
    %dma_start3A_58 = tpu.memref_squeeze %dma_start3A_57 : memref<1x128xi32, #tpu.memory_space<vmem>> -> memref<128xi32, #tpu.memory_space<vmem>>
    %dma_start3A_59 = arith.constant 0 : i32
    %dma_start3A_60 = arith.constant 0 : i32
    %dma_start3A_61 = tpu.memref_slice %arg10[%dma_start3A_59, %dma_start3A_60] : memref<10240x32xf32, #tpu.memory_space<vmem_shared>> -> memref<10240x32xf32, #tpu.memory_space<vmem_shared>>
    tpu.enqueue_indirect_dma source(%dma_start3A_61 : memref<10240x32xf32, #tpu.memory_space<vmem_shared>>) target(%dma_start3A_55 : memref<128x32xf32, #tpu.memory_space<vmem>>) offsets(%dma_start3A_58 : memref<128xi32, #tpu.memory_space<vmem>>) semaphore(%arg14 : memref<!tpu.dma_semaphore, #tpu.memory_space<semaphore_mem>>)
    %dma_start3A_62 = arith.constant 3 : i32
    %dma_start3A_63 = arith.constant 3 : i32
    %dma_start3A_64 = arith.constant 0 : i32
    %dma_start3A_65 = arith.constant 0 : i32
    %dma_start3A_66 = tpu.memref_slice %arg8[%dma_start3A_63, %dma_start3A_64, %dma_start3A_65] : memref<4x128x32xf32, #tpu.memory_space<vmem>> -> memref<1x128x32xf32, #tpu.memory_space<vmem>>
    %dma_start3A_67 = tpu.memref_squeeze %dma_start3A_66 : memref<1x128x32xf32, #tpu.memory_space<vmem>> -> memref<128x32xf32, #tpu.memory_space<vmem>>
    %dma_start3A_68 = arith.constant 0 : i32
    %dma_start3A_69 = tpu.memref_slice %arg6[%dma_start3A_62, %dma_start3A_68] : memref<160x128xi32, #tpu.memory_space<vmem>> -> memref<1x128xi32, #tpu.memory_space<vmem>>
    %dma_start3A_70 = tpu.memref_squeeze %dma_start3A_69 : memref<1x128xi32, #tpu.memory_space<vmem>> -> memref<128xi32, #tpu.memory_space<vmem>>
    %dma_start3A_71 = arith.constant 0 : i32
    %dma_start3A_72 = arith.constant 0 : i32
    %dma_start3A_73 = tpu.memref_slice %arg10[%dma_start3A_71, %dma_start3A_72] : memref<10240x32xf32, #tpu.memory_space<vmem_shared>> -> memref<10240x32xf32, #tpu.memory_space<vmem_shared>>
    tpu.enqueue_indirect_dma source(%dma_start3A_73 : memref<10240x32xf32, #tpu.memory_space<vmem_shared>>) target(%dma_start3A_67 : memref<128x32xf32, #tpu.memory_space<vmem>>) offsets(%dma_start3A_70 : memref<128xi32, #tpu.memory_space<vmem>>) semaphore(%arg15 : memref<!tpu.dma_semaphore, #tpu.memory_space<semaphore_mem>>)
    %scan3A_74 = arith.constant 0 : i32
    %scan3A_75 = arith.constant 0 : i32
    %scan3A_76 = arith.constant 40 : i32
    %scan3A_77 = arith.addi %scan3A_75, %scan3A_76 : i32
    %scan3A_78 = arith.constant 1 : i32
    %scan3A_79 = scf.for %scan3A_82 = %scan3A_75 to %scan3A_77 step %scan3A_78 iter_args(%scan3A_83 = %scan3A_74) -> (i32)  : i32 {
      %mul3A_84 = arith.constant 4 : i32
      %mul3A_85 = arith.muli %scan3A_82, %mul3A_84 : i32
      %add3A_86 = arith.constant 0 : i32
      %add3A_87 = arith.addi %mul3A_85, %add3A_86 : i32
      %dma_wait3A = arith.constant 0 : i32
      %dma_wait3A_88 = arith.constant 0 : i32
      %dma_wait3A_89 = arith.constant 0 : i32
      %dma_wait3A_90 = tpu.memref_slice %arg8[%dma_wait3A, %dma_wait3A_88, %dma_wait3A_89] : memref<4x128x32xf32, #tpu.memory_space<vmem>> -> memref<1x128x32xf32, #tpu.memory_space<vmem>>
      %dma_wait3A_91 = tpu.memref_squeeze %dma_wait3A_90 : memref<1x128x32xf32, #tpu.memory_space<vmem>> -> memref<128x32xf32, #tpu.memory_space<vmem>>
      %dma_wait3A_92 = arith.constant 0 : i32
      %dma_wait3A_93 = tpu.memref_slice %arg6[%add3A_87, %dma_wait3A_92] : memref<160x128xi32, #tpu.memory_space<vmem>> -> memref<1x128xi32, #tpu.memory_space<vmem>>
      %dma_wait3A_94 = tpu.memref_squeeze %dma_wait3A_93 : memref<1x128xi32, #tpu.memory_space<vmem>> -> memref<128xi32, #tpu.memory_space<vmem>>
      %dma_wait3A_95 = arith.constant 0 : i32
      %dma_wait3A_96 = arith.constant 0 : i32
      %dma_wait3A_97 = tpu.memref_slice %arg10[%dma_wait3A_95, %dma_wait3A_96] : memref<10240x32xf32, #tpu.memory_space<vmem_shared>> -> memref<10240x32xf32, #tpu.memory_space<vmem_shared>>
      tpu.wait_indirect_dma semaphore(%arg12 : memref<!tpu.dma_semaphore, #tpu.memory_space<semaphore_mem>>) src(%dma_wait3A_97 : memref<10240x32xf32, #tpu.memory_space<vmem_shared>>) dst(%dma_wait3A_91 : memref<128x32xf32, #tpu.memory_space<vmem>>)
      %run_scoped3A = arith.constant 0 : i32
      "tpu.region"() ({
        %run_scoped3A_172 = tpu.sem_alloc : memref<!tpu.dma_semaphore, #tpu.memory_space<semaphore_mem>>
        %dma_start3A_173 = arith.constant 0 : i32
        %dma_start3A_174 = arith.constant 0 : i32
        %dma_start3A_175 = tpu.memref_slice %arg8[%run_scoped3A, %dma_start3A_173, %dma_start3A_174] : memref<4x128x32xf32, #tpu.memory_space<vmem>> -> memref<1x128x32xf32, #tpu.memory_space<vmem>>
        %dma_start3A_176 = tpu.memref_squeeze %dma_start3A_175 : memref<1x128x32xf32, #tpu.memory_space<vmem>> -> memref<128x32xf32, #tpu.memory_space<vmem>>
        %dma_start3A_177 = arith.constant 0 : i32
        %dma_start3A_178 = tpu.memref_slice %arg7[%add3A_87, %dma_start3A_177] : memref<160x128xi32, #tpu.memory_space<vmem>> -> memref<1x128xi32, #tpu.memory_space<vmem>>
        %dma_start3A_179 = tpu.memref_squeeze %dma_start3A_178 : memref<1x128xi32, #tpu.memory_space<vmem>> -> memref<128xi32, #tpu.memory_space<vmem>>
        %dma_start3A_180 = arith.constant 0 : i32
        %dma_start3A_181 = arith.constant 0 : i32
        %dma_start3A_182 = tpu.memref_slice %arg11[%dma_start3A_180, %dma_start3A_181] : memref<10240x32xf32, #tpu.memory_space<vmem_shared>> -> memref<10240x32xf32, #tpu.memory_space<vmem_shared>>
        tpu.enqueue_indirect_dma source(%dma_start3A_176 : memref<128x32xf32, #tpu.memory_space<vmem>>) target(%dma_start3A_182 : memref<10240x32xf32, #tpu.memory_space<vmem_shared>>) offsets(%dma_start3A_179 : memref<128xi32, #tpu.memory_space<vmem>>) semaphore(%run_scoped3A_172 : memref<!tpu.dma_semaphore, #tpu.memory_space<semaphore_mem>>) {add = true}
        %dma_wait3A_183 = arith.constant 0 : i32
        %dma_wait3A_184 = arith.constant 0 : i32
        %dma_wait3A_185 = tpu.memref_slice %arg8[%run_scoped3A, %dma_wait3A_183, %dma_wait3A_184] : memref<4x128x32xf32, #tpu.memory_space<vmem>> -> memref<1x128x32xf32, #tpu.memory_space<vmem>>
        %dma_wait3A_186 = tpu.memref_squeeze %dma_wait3A_185 : memref<1x128x32xf32, #tpu.memory_space<vmem>> -> memref<128x32xf32, #tpu.memory_space<vmem>>
        %dma_wait3A_187 = arith.constant 0 : i32
        %dma_wait3A_188 = tpu.memref_slice %arg7[%add3A_87, %dma_wait3A_187] : memref<160x128xi32, #tpu.memory_space<vmem>> -> memref<1x128xi32, #tpu.memory_space<vmem>>
        %dma_wait3A_189 = tpu.memref_squeeze %dma_wait3A_188 : memref<1x128xi32, #tpu.memory_space<vmem>> -> memref<128xi32, #tpu.memory_space<vmem>>
        %dma_wait3A_190 = arith.constant 0 : i32
        %dma_wait3A_191 = arith.constant 0 : i32
        %dma_wait3A_192 = tpu.memref_slice %arg11[%dma_wait3A_190, %dma_wait3A_191] : memref<10240x32xf32, #tpu.memory_space<vmem_shared>> -> memref<10240x32xf32, #tpu.memory_space<vmem_shared>>
        tpu.wait_indirect_dma semaphore(%run_scoped3A_172 : memref<!tpu.dma_semaphore, #tpu.memory_space<semaphore_mem>>) src(%dma_wait3A_186 : memref<128x32xf32, #tpu.memory_space<vmem>>) dst(%dma_wait3A_192 : memref<10240x32xf32, #tpu.memory_space<vmem_shared>>)
        tpu.yield
      }) : () -> ()
      %add3A_98 = arith.constant 4 : i32
      %add3A_99 = arith.addi %add3A_87, %add3A_98 : i32
      %lt3A = arith.constant 160 : i32
      %lt3A_100 = arith.cmpi slt, %add3A_99, %lt3A : i32
      %convert_element_type3A = arith.extui %lt3A_100 : i1 to i32
      %cond3A = arith.constant 0 : i32
      %cond3A_101 = arith.cmpi ne, %convert_element_type3A, %cond3A : i32
      scf.if %cond3A_101 {
        %add3A_172 = arith.constant 4 : i32
        %add3A_173 = arith.addi %add3A_87, %add3A_172 : i32
        %dma_start3A_174 = arith.constant 0 : i32
        %dma_start3A_175 = arith.constant 0 : i32
        %dma_start3A_176 = arith.constant 0 : i32
        %dma_start3A_177 = tpu.memref_slice %arg8[%dma_start3A_174, %dma_start3A_175, %dma_start3A_176] : memref<4x128x32xf32, #tpu.memory_space<vmem>> -> memref<1x128x32xf32, #tpu.memory_space<vmem>>
        %dma_start3A_178 = tpu.memref_squeeze %dma_start3A_177 : memref<1x128x32xf32, #tpu.memory_space<vmem>> -> memref<128x32xf32, #tpu.memory_space<vmem>>
        %dma_start3A_179 = arith.constant 0 : i32
        %dma_start3A_180 = tpu.memref_slice %arg6[%add3A_173, %dma_start3A_179] : memref<160x128xi32, #tpu.memory_space<vmem>> -> memref<1x128xi32, #tpu.memory_space<vmem>>
        %dma_start3A_181 = tpu.memref_squeeze %dma_start3A_180 : memref<1x128xi32, #tpu.memory_space<vmem>> -> memref<128xi32, #tpu.memory_space<vmem>>
        %dma_start3A_182 = arith.constant 0 : i32
        %dma_start3A_183 = arith.constant 0 : i32
        %dma_start3A_184 = tpu.memref_slice %arg10[%dma_start3A_182, %dma_start3A_183] : memref<10240x32xf32, #tpu.memory_space<vmem_shared>> -> memref<10240x32xf32, #tpu.memory_space<vmem_shared>>
        tpu.enqueue_indirect_dma source(%dma_start3A_184 : memref<10240x32xf32, #tpu.memory_space<vmem_shared>>) target(%dma_start3A_178 : memref<128x32xf32, #tpu.memory_space<vmem>>) offsets(%dma_start3A_181 : memref<128xi32, #tpu.memory_space<vmem>>) semaphore(%arg12 : memref<!tpu.dma_semaphore, #tpu.memory_space<semaphore_mem>>)
      } else {
      }
      %mul3A_102 = arith.constant 4 : i32
      %mul3A_103 = arith.muli %scan3A_82, %mul3A_102 : i32
      %add3A_104 = arith.constant 1 : i32
      %add3A_105 = arith.addi %mul3A_103, %add3A_104 : i32
      %dma_wait3A_106 = arith.constant 1 : i32
      %dma_wait3A_107 = arith.constant 0 : i32
      %dma_wait3A_108 = arith.constant 0 : i32
      %dma_wait3A_109 = tpu.memref_slice %arg8[%dma_wait3A_106, %dma_wait3A_107, %dma_wait3A_108] : memref<4x128x32xf32, #tpu.memory_space<vmem>> -> memref<1x128x32xf32, #tpu.memory_space<vmem>>
      %dma_wait3A_110 = tpu.memref_squeeze %dma_wait3A_109 : memref<1x128x32xf32, #tpu.memory_space<vmem>> -> memref<128x32xf32, #tpu.memory_space<vmem>>
      %dma_wait3A_111 = arith.constant 0 : i32
      %dma_wait3A_112 = tpu.memref_slice %arg6[%add3A_105, %dma_wait3A_111] : memref<160x128xi32, #tpu.memory_space<vmem>> -> memref<1x128xi32, #tpu.memory_space<vmem>>
      %dma_wait3A_113 = tpu.memref_squeeze %dma_wait3A_112 : memref<1x128xi32, #tpu.memory_space<vmem>> -> memref<128xi32, #tpu.memory_space<vmem>>
      %dma_wait3A_114 = arith.constant 0 : i32
      %dma_wait3A_115 = arith.constant 0 : i32
      %dma_wait3A_116 = tpu.memref_slice %arg10[%dma_wait3A_114, %dma_wait3A_115] : memref<10240x32xf32, #tpu.memory_space<vmem_shared>> -> memref<10240x32xf32, #tpu.memory_space<vmem_shared>>
      tpu.wait_indirect_dma semaphore(%arg13 : memref<!tpu.dma_semaphore, #tpu.memory_space<semaphore_mem>>) src(%dma_wait3A_116 : memref<10240x32xf32, #tpu.memory_space<vmem_shared>>) dst(%dma_wait3A_110 : memref<128x32xf32, #tpu.memory_space<vmem>>)
      %run_scoped3A_117 = arith.constant 1 : i32
      "tpu.region"() ({
        %run_scoped3A_172 = tpu.sem_alloc : memref<!tpu.dma_semaphore, #tpu.memory_space<semaphore_mem>>
        %dma_start3A_173 = arith.constant 0 : i32
        %dma_start3A_174 = arith.constant 0 : i32
        %dma_start3A_175 = tpu.memref_slice %arg8[%run_scoped3A_117, %dma_start3A_173, %dma_start3A_174] : memref<4x128x32xf32, #tpu.memory_space<vmem>> -> memref<1x128x32xf32, #tpu.memory_space<vmem>>
        %dma_start3A_176 = tpu.memref_squeeze %dma_start3A_175 : memref<1x128x32xf32, #tpu.memory_space<vmem>> -> memref<128x32xf32, #tpu.memory_space<vmem>>
        %dma_start3A_177 = arith.constant 0 : i32
        %dma_start3A_178 = tpu.memref_slice %arg7[%add3A_105, %dma_start3A_177] : memref<160x128xi32, #tpu.memory_space<vmem>> -> memref<1x128xi32, #tpu.memory_space<vmem>>
        %dma_start3A_179 = tpu.memref_squeeze %dma_start3A_178 : memref<1x128xi32, #tpu.memory_space<vmem>> -> memref<128xi32, #tpu.memory_space<vmem>>
        %dma_start3A_180 = arith.constant 0 : i32
        %dma_start3A_181 = arith.constant 0 : i32
        %dma_start3A_182 = tpu.memref_slice %arg11[%dma_start3A_180, %dma_start3A_181] : memref<10240x32xf32, #tpu.memory_space<vmem_shared>> -> memref<10240x32xf32, #tpu.memory_space<vmem_shared>>
        tpu.enqueue_indirect_dma source(%dma_start3A_176 : memref<128x32xf32, #tpu.memory_space<vmem>>) target(%dma_start3A_182 : memref<10240x32xf32, #tpu.memory_space<vmem_shared>>) offsets(%dma_start3A_179 : memref<128xi32, #tpu.memory_space<vmem>>) semaphore(%run_scoped3A_172 : memref<!tpu.dma_semaphore, #tpu.memory_space<semaphore_mem>>) {add = true}
        %dma_wait3A_183 = arith.constant 0 : i32
        %dma_wait3A_184 = arith.constant 0 : i32
        %dma_wait3A_185 = tpu.memref_slice %arg8[%run_scoped3A_117, %dma_wait3A_183, %dma_wait3A_184] : memref<4x128x32xf32, #tpu.memory_space<vmem>> -> memref<1x128x32xf32, #tpu.memory_space<vmem>>
        %dma_wait3A_186 = tpu.memref_squeeze %dma_wait3A_185 : memref<1x128x32xf32, #tpu.memory_space<vmem>> -> memref<128x32xf32, #tpu.memory_space<vmem>>
        %dma_wait3A_187 = arith.constant 0 : i32
        %dma_wait3A_188 = tpu.memref_slice %arg7[%add3A_105, %dma_wait3A_187] : memref<160x128xi32, #tpu.memory_space<vmem>> -> memref<1x128xi32, #tpu.memory_space<vmem>>
        %dma_wait3A_189 = tpu.memref_squeeze %dma_wait3A_188 : memref<1x128xi32, #tpu.memory_space<vmem>> -> memref<128xi32, #tpu.memory_space<vmem>>
        %dma_wait3A_190 = arith.constant 0 : i32
        %dma_wait3A_191 = arith.constant 0 : i32
        %dma_wait3A_192 = tpu.memref_slice %arg11[%dma_wait3A_190, %dma_wait3A_191] : memref<10240x32xf32, #tpu.memory_space<vmem_shared>> -> memref<10240x32xf32, #tpu.memory_space<vmem_shared>>
        tpu.wait_indirect_dma semaphore(%run_scoped3A_172 : memref<!tpu.dma_semaphore, #tpu.memory_space<semaphore_mem>>) src(%dma_wait3A_186 : memref<128x32xf32, #tpu.memory_space<vmem>>) dst(%dma_wait3A_192 : memref<10240x32xf32, #tpu.memory_space<vmem_shared>>)
        tpu.yield
      }) : () -> ()
      %add3A_118 = arith.constant 4 : i32
      %add3A_119 = arith.addi %add3A_105, %add3A_118 : i32
      %lt3A_120 = arith.constant 160 : i32
      %lt3A_121 = arith.cmpi slt, %add3A_119, %lt3A_120 : i32
      %convert_element_type3A_122 = arith.extui %lt3A_121 : i1 to i32
      %cond3A_123 = arith.constant 0 : i32
      %cond3A_124 = arith.cmpi ne, %convert_element_type3A_122, %cond3A_123 : i32
      scf.if %cond3A_124 {
        %add3A_172 = arith.constant 4 : i32
        %add3A_173 = arith.addi %add3A_105, %add3A_172 : i32
        %dma_start3A_174 = arith.constant 1 : i32
        %dma_start3A_175 = arith.constant 0 : i32
        %dma_start3A_176 = arith.constant 0 : i32
        %dma_start3A_177 = tpu.memref_slice %arg8[%dma_start3A_174, %dma_start3A_175, %dma_start3A_176] : memref<4x128x32xf32, #tpu.memory_space<vmem>> -> memref<1x128x32xf32, #tpu.memory_space<vmem>>
        %dma_start3A_178 = tpu.memref_squeeze %dma_start3A_177 : memref<1x128x32xf32, #tpu.memory_space<vmem>> -> memref<128x32xf32, #tpu.memory_space<vmem>>
        %dma_start3A_179 = arith.constant 0 : i32
        %dma_start3A_180 = tpu.memref_slice %arg6[%add3A_173, %dma_start3A_179] : memref<160x128xi32, #tpu.memory_space<vmem>> -> memref<1x128xi32, #tpu.memory_space<vmem>>
        %dma_start3A_181 = tpu.memref_squeeze %dma_start3A_180 : memref<1x128xi32, #tpu.memory_space<vmem>> -> memref<128xi32, #tpu.memory_space<vmem>>
        %dma_start3A_182 = arith.constant 0 : i32
        %dma_start3A_183 = arith.constant 0 : i32
        %dma_start3A_184 = tpu.memref_slice %arg10[%dma_start3A_182, %dma_start3A_183] : memref<10240x32xf32, #tpu.memory_space<vmem_shared>> -> memref<10240x32xf32, #tpu.memory_space<vmem_shared>>
        tpu.enqueue_indirect_dma source(%dma_start3A_184 : memref<10240x32xf32, #tpu.memory_space<vmem_shared>>) target(%dma_start3A_178 : memref<128x32xf32, #tpu.memory_space<vmem>>) offsets(%dma_start3A_181 : memref<128xi32, #tpu.memory_space<vmem>>) semaphore(%arg13 : memref<!tpu.dma_semaphore, #tpu.memory_space<semaphore_mem>>)
      } else {
      }
      %mul3A_125 = arith.constant 4 : i32
      %mul3A_126 = arith.muli %scan3A_82, %mul3A_125 : i32
      %add3A_127 = arith.constant 2 : i32
      %add3A_128 = arith.addi %mul3A_126, %add3A_127 : i32
      %dma_wait3A_129 = arith.constant 2 : i32
      %dma_wait3A_130 = arith.constant 0 : i32
      %dma_wait3A_131 = arith.constant 0 : i32
      %dma_wait3A_132 = tpu.memref_slice %arg8[%dma_wait3A_129, %dma_wait3A_130, %dma_wait3A_131] : memref<4x128x32xf32, #tpu.memory_space<vmem>> -> memref<1x128x32xf32, #tpu.memory_space<vmem>>
      %dma_wait3A_133 = tpu.memref_squeeze %dma_wait3A_132 : memref<1x128x32xf32, #tpu.memory_space<vmem>> -> memref<128x32xf32, #tpu.memory_space<vmem>>
      %dma_wait3A_134 = arith.constant 0 : i32
      %dma_wait3A_135 = tpu.memref_slice %arg6[%add3A_128, %dma_wait3A_134] : memref<160x128xi32, #tpu.memory_space<vmem>> -> memref<1x128xi32, #tpu.memory_space<vmem>>
      %dma_wait3A_136 = tpu.memref_squeeze %dma_wait3A_135 : memref<1x128xi32, #tpu.memory_space<vmem>> -> memref<128xi32, #tpu.memory_space<vmem>>
      %dma_wait3A_137 = arith.constant 0 : i32
      %dma_wait3A_138 = arith.constant 0 : i32
      %dma_wait3A_139 = tpu.memref_slice %arg10[%dma_wait3A_137, %dma_wait3A_138] : memref<10240x32xf32, #tpu.memory_space<vmem_shared>> -> memref<10240x32xf32, #tpu.memory_space<vmem_shared>>
      tpu.wait_indirect_dma semaphore(%arg14 : memref<!tpu.dma_semaphore, #tpu.memory_space<semaphore_mem>>) src(%dma_wait3A_139 : memref<10240x32xf32, #tpu.memory_space<vmem_shared>>) dst(%dma_wait3A_133 : memref<128x32xf32, #tpu.memory_space<vmem>>)
      %run_scoped3A_140 = arith.constant 2 : i32
      "tpu.region"() ({
        %run_scoped3A_172 = tpu.sem_alloc : memref<!tpu.dma_semaphore, #tpu.memory_space<semaphore_mem>>
        %dma_start3A_173 = arith.constant 0 : i32
        %dma_start3A_174 = arith.constant 0 : i32
        %dma_start3A_175 = tpu.memref_slice %arg8[%run_scoped3A_140, %dma_start3A_173, %dma_start3A_174] : memref<4x128x32xf32, #tpu.memory_space<vmem>> -> memref<1x128x32xf32, #tpu.memory_space<vmem>>
        %dma_start3A_176 = tpu.memref_squeeze %dma_start3A_175 : memref<1x128x32xf32, #tpu.memory_space<vmem>> -> memref<128x32xf32, #tpu.memory_space<vmem>>
        %dma_start3A_177 = arith.constant 0 : i32
        %dma_start3A_178 = tpu.memref_slice %arg7[%add3A_128, %dma_start3A_177] : memref<160x128xi32, #tpu.memory_space<vmem>> -> memref<1x128xi32, #tpu.memory_space<vmem>>
        %dma_start3A_179 = tpu.memref_squeeze %dma_start3A_178 : memref<1x128xi32, #tpu.memory_space<vmem>> -> memref<128xi32, #tpu.memory_space<vmem>>
        %dma_start3A_180 = arith.constant 0 : i32
        %dma_start3A_181 = arith.constant 0 : i32
        %dma_start3A_182 = tpu.memref_slice %arg11[%dma_start3A_180, %dma_start3A_181] : memref<10240x32xf32, #tpu.memory_space<vmem_shared>> -> memref<10240x32xf32, #tpu.memory_space<vmem_shared>>
        tpu.enqueue_indirect_dma source(%dma_start3A_176 : memref<128x32xf32, #tpu.memory_space<vmem>>) target(%dma_start3A_182 : memref<10240x32xf32, #tpu.memory_space<vmem_shared>>) offsets(%dma_start3A_179 : memref<128xi32, #tpu.memory_space<vmem>>) semaphore(%run_scoped3A_172 : memref<!tpu.dma_semaphore, #tpu.memory_space<semaphore_mem>>) {add = true}
        %dma_wait3A_183 = arith.constant 0 : i32
        %dma_wait3A_184 = arith.constant 0 : i32
        %dma_wait3A_185 = tpu.memref_slice %arg8[%run_scoped3A_140, %dma_wait3A_183, %dma_wait3A_184] : memref<4x128x32xf32, #tpu.memory_space<vmem>> -> memref<1x128x32xf32, #tpu.memory_space<vmem>>
        %dma_wait3A_186 = tpu.memref_squeeze %dma_wait3A_185 : memref<1x128x32xf32, #tpu.memory_space<vmem>> -> memref<128x32xf32, #tpu.memory_space<vmem>>
        %dma_wait3A_187 = arith.constant 0 : i32
        %dma_wait3A_188 = tpu.memref_slice %arg7[%add3A_128, %dma_wait3A_187] : memref<160x128xi32, #tpu.memory_space<vmem>> -> memref<1x128xi32, #tpu.memory_space<vmem>>
        %dma_wait3A_189 = tpu.memref_squeeze %dma_wait3A_188 : memref<1x128xi32, #tpu.memory_space<vmem>> -> memref<128xi32, #tpu.memory_space<vmem>>
        %dma_wait3A_190 = arith.constant 0 : i32
        %dma_wait3A_191 = arith.constant 0 : i32
        %dma_wait3A_192 = tpu.memref_slice %arg11[%dma_wait3A_190, %dma_wait3A_191] : memref<10240x32xf32, #tpu.memory_space<vmem_shared>> -> memref<10240x32xf32, #tpu.memory_space<vmem_shared>>
        tpu.wait_indirect_dma semaphore(%run_scoped3A_172 : memref<!tpu.dma_semaphore, #tpu.memory_space<semaphore_mem>>) src(%dma_wait3A_186 : memref<128x32xf32, #tpu.memory_space<vmem>>) dst(%dma_wait3A_192 : memref<10240x32xf32, #tpu.memory_space<vmem_shared>>)
        tpu.yield
      }) : () -> ()
      %add3A_141 = arith.constant 4 : i32
      %add3A_142 = arith.addi %add3A_128, %add3A_141 : i32
      %lt3A_143 = arith.constant 160 : i32
      %lt3A_144 = arith.cmpi slt, %add3A_142, %lt3A_143 : i32
      %convert_element_type3A_145 = arith.extui %lt3A_144 : i1 to i32
      %cond3A_146 = arith.constant 0 : i32
      %cond3A_147 = arith.cmpi ne, %convert_element_type3A_145, %cond3A_146 : i32
      scf.if %cond3A_147 {
        %add3A_172 = arith.constant 4 : i32
        %add3A_173 = arith.addi %add3A_128, %add3A_172 : i32
        %dma_start3A_174 = arith.constant 2 : i32
        %dma_start3A_175 = arith.constant 0 : i32
        %dma_start3A_176 = arith.constant 0 : i32
        %dma_start3A_177 = tpu.memref_slice %arg8[%dma_start3A_174, %dma_start3A_175, %dma_start3A_176] : memref<4x128x32xf32, #tpu.memory_space<vmem>> -> memref<1x128x32xf32, #tpu.memory_space<vmem>>
        %dma_start3A_178 = tpu.memref_squeeze %dma_start3A_177 : memref<1x128x32xf32, #tpu.memory_space<vmem>> -> memref<128x32xf32, #tpu.memory_space<vmem>>
        %dma_start3A_179 = arith.constant 0 : i32
        %dma_start3A_180 = tpu.memref_slice %arg6[%add3A_173, %dma_start3A_179] : memref<160x128xi32, #tpu.memory_space<vmem>> -> memref<1x128xi32, #tpu.memory_space<vmem>>
        %dma_start3A_181 = tpu.memref_squeeze %dma_start3A_180 : memref<1x128xi32, #tpu.memory_space<vmem>> -> memref<128xi32, #tpu.memory_space<vmem>>
        %dma_start3A_182 = arith.constant 0 : i32
        %dma_start3A_183 = arith.constant 0 : i32
        %dma_start3A_184 = tpu.memref_slice %arg10[%dma_start3A_182, %dma_start3A_183] : memref<10240x32xf32, #tpu.memory_space<vmem_shared>> -> memref<10240x32xf32, #tpu.memory_space<vmem_shared>>
        tpu.enqueue_indirect_dma source(%dma_start3A_184 : memref<10240x32xf32, #tpu.memory_space<vmem_shared>>) target(%dma_start3A_178 : memref<128x32xf32, #tpu.memory_space<vmem>>) offsets(%dma_start3A_181 : memref<128xi32, #tpu.memory_space<vmem>>) semaphore(%arg14 : memref<!tpu.dma_semaphore, #tpu.memory_space<semaphore_mem>>)
      } else {
      }
      %mul3A_148 = arith.constant 4 : i32
      %mul3A_149 = arith.muli %scan3A_82, %mul3A_148 : i32
      %add3A_150 = arith.constant 3 : i32
      %add3A_151 = arith.addi %mul3A_149, %add3A_150 : i32
      %dma_wait3A_152 = arith.constant 3 : i32
      %dma_wait3A_153 = arith.constant 0 : i32
      %dma_wait3A_154 = arith.constant 0 : i32
      %dma_wait3A_155 = tpu.memref_slice %arg8[%dma_wait3A_152, %dma_wait3A_153, %dma_wait3A_154] : memref<4x128x32xf32, #tpu.memory_space<vmem>> -> memref<1x128x32xf32, #tpu.memory_space<vmem>>
      %dma_wait3A_156 = tpu.memref_squeeze %dma_wait3A_155 : memref<1x128x32xf32, #tpu.memory_space<vmem>> -> memref<128x32xf32, #tpu.memory_space<vmem>>
      %dma_wait3A_157 = arith.constant 0 : i32
      %dma_wait3A_158 = tpu.memref_slice %arg6[%add3A_151, %dma_wait3A_157] : memref<160x128xi32, #tpu.memory_space<vmem>> -> memref<1x128xi32, #tpu.memory_space<vmem>>
      %dma_wait3A_159 = tpu.memref_squeeze %dma_wait3A_158 : memref<1x128xi32, #tpu.memory_space<vmem>> -> memref<128xi32, #tpu.memory_space<vmem>>
      %dma_wait3A_160 = arith.constant 0 : i32
      %dma_wait3A_161 = arith.constant 0 : i32
      %dma_wait3A_162 = tpu.memref_slice %arg10[%dma_wait3A_160, %dma_wait3A_161] : memref<10240x32xf32, #tpu.memory_space<vmem_shared>> -> memref<10240x32xf32, #tpu.memory_space<vmem_shared>>
      tpu.wait_indirect_dma semaphore(%arg15 : memref<!tpu.dma_semaphore, #tpu.memory_space<semaphore_mem>>) src(%dma_wait3A_162 : memref<10240x32xf32, #tpu.memory_space<vmem_shared>>) dst(%dma_wait3A_156 : memref<128x32xf32, #tpu.memory_space<vmem>>)
      %run_scoped3A_163 = arith.constant 3 : i32
      "tpu.region"() ({
        %run_scoped3A_172 = tpu.sem_alloc : memref<!tpu.dma_semaphore, #tpu.memory_space<semaphore_mem>>
        %dma_start3A_173 = arith.constant 0 : i32
        %dma_start3A_174 = arith.constant 0 : i32
        %dma_start3A_175 = tpu.memref_slice %arg8[%run_scoped3A_163, %dma_start3A_173, %dma_start3A_174] : memref<4x128x32xf32, #tpu.memory_space<vmem>> -> memref<1x128x32xf32, #tpu.memory_space<vmem>>
        %dma_start3A_176 = tpu.memref_squeeze %dma_start3A_175 : memref<1x128x32xf32, #tpu.memory_space<vmem>> -> memref<128x32xf32, #tpu.memory_space<vmem>>
        %dma_start3A_177 = arith.constant 0 : i32
        %dma_start3A_178 = tpu.memref_slice %arg7[%add3A_151, %dma_start3A_177] : memref<160x128xi32, #tpu.memory_space<vmem>> -> memref<1x128xi32, #tpu.memory_space<vmem>>
        %dma_start3A_179 = tpu.memref_squeeze %dma_start3A_178 : memref<1x128xi32, #tpu.memory_space<vmem>> -> memref<128xi32, #tpu.memory_space<vmem>>
        %dma_start3A_180 = arith.constant 0 : i32
        %dma_start3A_181 = arith.constant 0 : i32
        %dma_start3A_182 = tpu.memref_slice %arg11[%dma_start3A_180, %dma_start3A_181] : memref<10240x32xf32, #tpu.memory_space<vmem_shared>> -> memref<10240x32xf32, #tpu.memory_space<vmem_shared>>
        tpu.enqueue_indirect_dma source(%dma_start3A_176 : memref<128x32xf32, #tpu.memory_space<vmem>>) target(%dma_start3A_182 : memref<10240x32xf32, #tpu.memory_space<vmem_shared>>) offsets(%dma_start3A_179 : memref<128xi32, #tpu.memory_space<vmem>>) semaphore(%run_scoped3A_172 : memref<!tpu.dma_semaphore, #tpu.memory_space<semaphore_mem>>) {add = true}
        %dma_wait3A_183 = arith.constant 0 : i32
        %dma_wait3A_184 = arith.constant 0 : i32
        %dma_wait3A_185 = tpu.memref_slice %arg8[%run_scoped3A_163, %dma_wait3A_183, %dma_wait3A_184] : memref<4x128x32xf32, #tpu.memory_space<vmem>> -> memref<1x128x32xf32, #tpu.memory_space<vmem>>
        %dma_wait3A_186 = tpu.memref_squeeze %dma_wait3A_185 : memref<1x128x32xf32, #tpu.memory_space<vmem>> -> memref<128x32xf32, #tpu.memory_space<vmem>>
        %dma_wait3A_187 = arith.constant 0 : i32
        %dma_wait3A_188 = tpu.memref_slice %arg7[%add3A_151, %dma_wait3A_187] : memref<160x128xi32, #tpu.memory_space<vmem>> -> memref<1x128xi32, #tpu.memory_space<vmem>>
        %dma_wait3A_189 = tpu.memref_squeeze %dma_wait3A_188 : memref<1x128xi32, #tpu.memory_space<vmem>> -> memref<128xi32, #tpu.memory_space<vmem>>
        %dma_wait3A_190 = arith.constant 0 : i32
        %dma_wait3A_191 = arith.constant 0 : i32
        %dma_wait3A_192 = tpu.memref_slice %arg11[%dma_wait3A_190, %dma_wait3A_191] : memref<10240x32xf32, #tpu.memory_space<vmem_shared>> -> memref<10240x32xf32, #tpu.memory_space<vmem_shared>>
        tpu.wait_indirect_dma semaphore(%run_scoped3A_172 : memref<!tpu.dma_semaphore, #tpu.memory_space<semaphore_mem>>) src(%dma_wait3A_186 : memref<128x32xf32, #tpu.memory_space<vmem>>) dst(%dma_wait3A_192 : memref<10240x32xf32, #tpu.memory_space<vmem_shared>>)
        tpu.yield
      }) : () -> ()
      %add3A_164 = arith.constant 4 : i32
      %add3A_165 = arith.addi %add3A_151, %add3A_164 : i32
      %lt3A_166 = arith.constant 160 : i32
      %lt3A_167 = arith.cmpi slt, %add3A_165, %lt3A_166 : i32
      %convert_element_type3A_168 = arith.extui %lt3A_167 : i1 to i32
      %cond3A_169 = arith.constant 0 : i32
      %cond3A_170 = arith.cmpi ne, %convert_element_type3A_168, %cond3A_169 : i32
      scf.if %cond3A_170 {
        %add3A_172 = arith.constant 4 : i32
        %add3A_173 = arith.addi %add3A_151, %add3A_172 : i32
        %dma_start3A_174 = arith.constant 3 : i32
        %dma_start3A_175 = arith.constant 0 : i32
        %dma_start3A_176 = arith.constant 0 : i32
        %dma_start3A_177 = tpu.memref_slice %arg8[%dma_start3A_174, %dma_start3A_175, %dma_start3A_176] : memref<4x128x32xf32, #tpu.memory_space<vmem>> -> memref<1x128x32xf32, #tpu.memory_space<vmem>>
        %dma_start3A_178 = tpu.memref_squeeze %dma_start3A_177 : memref<1x128x32xf32, #tpu.memory_space<vmem>> -> memref<128x32xf32, #tpu.memory_space<vmem>>
        %dma_start3A_179 = arith.constant 0 : i32
        %dma_start3A_180 = tpu.memref_slice %arg6[%add3A_173, %dma_start3A_179] : memref<160x128xi32, #tpu.memory_space<vmem>> -> memref<1x128xi32, #tpu.memory_space<vmem>>
        %dma_start3A_181 = tpu.memref_squeeze %dma_start3A_180 : memref<1x128xi32, #tpu.memory_space<vmem>> -> memref<128xi32, #tpu.memory_space<vmem>>
        %dma_start3A_182 = arith.constant 0 : i32
        %dma_start3A_183 = arith.constant 0 : i32
        %dma_start3A_184 = tpu.memref_slice %arg10[%dma_start3A_182, %dma_start3A_183] : memref<10240x32xf32, #tpu.memory_space<vmem_shared>> -> memref<10240x32xf32, #tpu.memory_space<vmem_shared>>
        tpu.enqueue_indirect_dma source(%dma_start3A_184 : memref<10240x32xf32, #tpu.memory_space<vmem_shared>>) target(%dma_start3A_178 : memref<128x32xf32, #tpu.memory_space<vmem>>) offsets(%dma_start3A_181 : memref<128xi32, #tpu.memory_space<vmem>>) semaphore(%arg15 : memref<!tpu.dma_semaphore, #tpu.memory_space<semaphore_mem>>)
      } else {
      }
      %scan3A_171 = arith.constant 0 : i32
      scf.yield %scan3A_171 : i32
    }
    %scan3A_80 = arith.constant 40 : i32
    %barrier3A_81 = arith.constant 0 : index
    tpu.barrier barrier_id(%barrier3A_81)
    "tpu.region"() ({
      %run_scoped3A = tpu.sem_alloc : memref<!tpu.dma_semaphore, #tpu.memory_space<semaphore_mem>>
      %dma_start3A_82 = arith.constant 0 : i32
      %dma_start3A_83 = tpu.memref_slice %arg5[%arg0, %mul3A_7, %dma_start3A_82] : memref<2x10240x32xf32, #tpu.memory_space<hbm>> -> memref<1x640x32xf32, #tpu.memory_space<hbm>>
      %dma_start3A_84 = tpu.memref_squeeze %dma_start3A_83 : memref<1x640x32xf32, #tpu.memory_space<hbm>> -> memref<640x32xf32, #tpu.memory_space<hbm>>
      %dma_start3A_85 = arith.constant 0 : i32
      %dma_start3A_86 = tpu.memref_slice %arg11[%mul3A_7, %dma_start3A_85] : memref<10240x32xf32, #tpu.memory_space<vmem_shared>> -> memref<640x32xf32, #tpu.memory_space<vmem_shared>>
      tpu.enqueue_dma source(%dma_start3A_86 : memref<640x32xf32, #tpu.memory_space<vmem_shared>>) target(%dma_start3A_84 : memref<640x32xf32, #tpu.memory_space<hbm>>) target_semaphore(%run_scoped3A : memref<!tpu.dma_semaphore, #tpu.memory_space<semaphore_mem>>)
      %dma_wait3A = arith.constant 0 : i32
      %dma_wait3A_87 = tpu.memref_slice %arg5[%arg0, %mul3A_7, %dma_wait3A] : memref<2x10240x32xf32, #tpu.memory_space<hbm>> -> memref<1x640x32xf32, #tpu.memory_space<hbm>>
      %dma_wait3A_88 = tpu.memref_squeeze %dma_wait3A_87 : memref<1x640x32xf32, #tpu.memory_space<hbm>> -> memref<640x32xf32, #tpu.memory_space<hbm>>
      %dma_wait3A_89 = arith.constant 0 : i32
      %dma_wait3A_90 = tpu.memref_slice %arg11[%mul3A_7, %dma_wait3A_89] : memref<10240x32xf32, #tpu.memory_space<vmem_shared>> -> memref<640x32xf32, #tpu.memory_space<vmem_shared>>
      tpu.wait_dma2 semaphore(%run_scoped3A : memref<!tpu.dma_semaphore, #tpu.memory_space<semaphore_mem>>) src(%dma_wait3A_90 : memref<640x32xf32, #tpu.memory_space<vmem_shared>>) dst(%dma_wait3A_88 : memref<640x32xf32, #tpu.memory_space<hbm>>)
      tpu.yield
    }) : () -> ()
    return
  }
}

#map = affine_map<(d0, d1) -> (0, 0, 0)>
module attributes {stable_mosaic.version = 14 : i64} {
  func.func @_scatter_kernel(%arg0: i32, %arg1: i32, %arg2: memref<2x10240x32xf32, #tpu.memory_space<hbm>>, %arg3: memref<16x160x128xi32, #tpu.memory_space<hbm>>, %arg4: memref<16x160x128xi32, #tpu.memory_space<hbm>>, %arg5: memref<2x10240x32xf32, #tpu.memory_space<hbm>>, %arg6: memref<160x128xi32, #tpu.memory_space<vmem>>, %arg7: memref<160x128xi32, #tpu.memory_space<vmem>>, %arg8: memref<4x128x32xf32, #tpu.memory_space<vmem>>, %arg9: memref<64x32xf32, #tpu.memory_space<vmem>>, %arg10: memref<10240x32xf32, #tpu.memory_space<vmem_shared>>, %arg11: memref<10240x32xf32, #tpu.memory_space<vmem_shared>>, %arg12: memref<!tpu.dma_semaphore, #tpu.memory_space<semaphore_mem>>, %arg13: memref<!tpu.dma_semaphore, #tpu.memory_space<semaphore_mem>>, %arg14: memref<!tpu.dma_semaphore, #tpu.memory_space<semaphore_mem>>, %arg15: memref<!tpu.dma_semaphore, #tpu.memory_space<semaphore_mem>>) attributes {dimension_semantics = [#tpu.dimension_semantics<core_parallel>, #tpu.dimension_semantics<subcore_parallel>], iteration_bounds = array<i64: 2, 16>, scalar_prefetch = 0 : i64, scratch_operands = 10 : i64, tpu.core_type = #tpu.core_type<sc_vector_subcore>, window_params = [{transform_indices = #map}, {transform_indices = #map}, {transform_indices = #map}, {transform_indices = #map}]} {
    %broadcast_in_dim3A = arith.constant 0.000000e+00 : f32
    %broadcast_in_dim3A_0 = vector.broadcast %broadcast_in_dim3A : f32 to vector<16xf32>
    %scan3A = arith.constant 0 : i32
    %scan3A_1 = arith.constant 0 : i32
    %scan3A_2 = arith.constant 128 : i32
    %scan3A_3 = arith.addi %scan3A_1, %scan3A_2 : i32
    %scan3A_4 = arith.constant 1 : i32
    %scan3A_5 = scf.for %scan3A_82 = %scan3A_1 to %scan3A_3 step %scan3A_4 iter_args(%scan3A_83 = %scan3A) -> (i32)  : i32 {
      %jit3A = arith.constant 2 : i32
      %div3A = arith.divsi %scan3A_82, %jit3A : i32
      %sign3A = arith.constant 0 : i32
      %sign3A_84 = arith.cmpi sgt, %scan3A_82, %sign3A : i32
      %sign3A_85 = arith.extui %sign3A_84 : i1 to i32
      %sign3A_86 = arith.constant 0 : i32
      %sign3A_87 = arith.cmpi slt, %scan3A_82, %sign3A_86 : i32
      %sign3A_88 = arith.extui %sign3A_87 : i1 to i32
      %sign3A_89 = arith.subi %sign3A_85, %sign3A_88 : i32
      %sign3A_90 = arith.constant 0 : i32
      %sign3A_91 = arith.cmpi sgt, %jit3A, %sign3A_90 : i32
      %sign3A_92 = arith.extui %sign3A_91 : i1 to i32
      %sign3A_93 = arith.constant 0 : i32
      %sign3A_94 = arith.cmpi slt, %jit3A, %sign3A_93 : i32
      %sign3A_95 = arith.extui %sign3A_94 : i1 to i32
      %sign3A_96 = arith.subi %sign3A_92, %sign3A_95 : i32
      %ne3A = arith.cmpi ne, %sign3A_89, %sign3A_96 : i32
      %rem3A = arith.remsi %scan3A_82, %jit3A : i32
      %ne3A_97 = arith.constant 0 : i32
      %ne3A_98 = arith.cmpi ne, %rem3A, %ne3A_97 : i32
      %and3A = arith.andi %ne3A, %ne3A_98 : i1
      %sub3A = arith.constant 1 : i32
      %sub3A_99 = arith.subi %div3A, %sub3A : i32
      %select_n3A = arith.select %and3A, %sub3A_99, %div3A : i32
      %jit3A_100 = arith.constant 2 : i32
      %eq3A = arith.constant 0 : i32
      %eq3A_101 = arith.cmpi eq, %jit3A_100, %eq3A : i32
      %jit3A_102 = arith.constant 1 : i32
      %select_n3A_103 = arith.select %eq3A_101, %jit3A_102, %jit3A_100 : i32
      %rem3A_104 = arith.remsi %scan3A_82, %select_n3A_103 : i32
      %ne3A_105 = arith.constant 0 : i32
      %ne3A_106 = arith.cmpi ne, %rem3A_104, %ne3A_105 : i32
      %lt3A = arith.constant 0 : i32
      %lt3A_107 = arith.cmpi slt, %rem3A_104, %lt3A : i32
      %lt3A_108 = arith.constant 0 : i32
      %lt3A_109 = arith.cmpi slt, %select_n3A_103, %lt3A_108 : i32
      %ne3A_110 = arith.xori %lt3A_107, %lt3A_109 : i1
      %and3A_111 = arith.andi %ne3A_110, %ne3A_106 : i1
      %add3A_112 = arith.addi %rem3A_104, %select_n3A_103 : i32
      %select_n3A_113 = arith.select %and3A_111, %add3A_112, %rem3A_104 : i32
      %mul3A_114 = arith.constant 16 : i32
      %mul3A_115 = arith.muli %select_n3A_113, %mul3A_114 : i32
      %swap3A = arith.index_cast %select_n3A : i32 to index
      %swap3A_116 = arith.index_cast %mul3A_115 : i32 to index
      %swap3A_117 = tpu.vector_load %arg9[%swap3A, %swap3A_116] {strides = array<i32>} : memref<64x32xf32, #tpu.memory_space<vmem>>, vector<1x16xf32>,
      %swap3A_118 = vector.shape_cast %swap3A_117 : vector<1x16xf32> to vector<16xf32>
      %swap3A_119 = vector.shape_cast %broadcast_in_dim3A_0 : vector<16xf32> to vector<1x16xf32>
      tpu.vector_store %arg9[%swap3A, %swap3A_116], %swap3A_119 {strides = array<i32>} : memref<64x32xf32, #tpu.memory_space<vmem>>, vector<1x16xf32>,
      %scan3A_120 = arith.constant 0 : i32
      scf.yield %scan3A_120 : i32
    }
    %scan3A_6 = arith.constant 128 : i32
    %mul3A = arith.constant 640 : i32
    %mul3A_7 = arith.muli %arg1, %mul3A : i32
    "tpu.region"() ({
      %run_scoped3A = tpu.sem_alloc : memref<!tpu.dma_semaphore, #tpu.memory_space<semaphore_mem>>
      %dma_start3A_82 = arith.constant 0 : i32
      %dma_start3A_83 = tpu.memref_slice %arg10[%mul3A_7, %dma_start3A_82] : memref<10240x32xf32, #tpu.memory_space<vmem_shared>> -> memref<640x32xf32, #tpu.memory_space<vmem_shared>>
      %dma_start3A_84 = arith.constant 0 : i32
      %dma_start3A_85 = tpu.memref_slice %arg2[%arg0, %mul3A_7, %dma_start3A_84] : memref<2x10240x32xf32, #tpu.memory_space<hbm>> -> memref<1x640x32xf32, #tpu.memory_space<hbm>>
      %dma_start3A_86 = tpu.memref_squeeze %dma_start3A_85 : memref<1x640x32xf32, #tpu.memory_space<hbm>> -> memref<640x32xf32, #tpu.memory_space<hbm>>
      tpu.enqueue_dma source(%dma_start3A_86 : memref<640x32xf32, #tpu.memory_space<hbm>>) target(%dma_start3A_83 : memref<640x32xf32, #tpu.memory_space<vmem_shared>>) target_semaphore(%run_scoped3A : memref<!tpu.dma_semaphore, #tpu.memory_space<semaphore_mem>>)
      %dma_wait3A = arith.constant 0 : i32
      %dma_wait3A_87 = tpu.memref_slice %arg10[%mul3A_7, %dma_wait3A] : memref<10240x32xf32, #tpu.memory_space<vmem_shared>> -> memref<640x32xf32, #tpu.memory_space<vmem_shared>>
      %dma_wait3A_88 = arith.constant 0 : i32
      %dma_wait3A_89 = tpu.memref_slice %arg2[%arg0, %mul3A_7, %dma_wait3A_88] : memref<2x10240x32xf32, #tpu.memory_space<hbm>> -> memref<1x640x32xf32, #tpu.memory_space<hbm>>
      %dma_wait3A_90 = tpu.memref_squeeze %dma_wait3A_89 : memref<1x640x32xf32, #tpu.memory_space<hbm>> -> memref<640x32xf32, #tpu.memory_space<hbm>>
      tpu.wait_dma2 semaphore(%run_scoped3A : memref<!tpu.dma_semaphore, #tpu.memory_space<semaphore_mem>>) src(%dma_wait3A_90 : memref<640x32xf32, #tpu.memory_space<hbm>>) dst(%dma_wait3A_87 : memref<640x32xf32, #tpu.memory_space<vmem_shared>>)
      tpu.yield
    }) : () -> ()
    %add3A = arith.constant 0 : i32
    %add3A_8 = arith.addi %mul3A_7, %add3A : i32
    "tpu.region"() ({
      %run_scoped3A = tpu.sem_alloc : memref<!tpu.dma_semaphore, #tpu.memory_space<semaphore_mem>>
      %dma_start3A_82 = arith.constant 0 : i32
      %dma_start3A_83 = tpu.memref_slice %arg11[%add3A_8, %dma_start3A_82] : memref<10240x32xf32, #tpu.memory_space<vmem_shared>> -> memref<64x32xf32, #tpu.memory_space<vmem_shared>>
      %dma_start3A_84 = arith.constant 0 : i32
      %dma_start3A_85 = tpu.memref_slice %arg11[%add3A_8, %dma_start3A_84] : memref<10240x32xf32, #tpu.memory_space<vmem_shared>> -> memref<64x32xf32, #tpu.memory_space<vmem_shared>>
      tpu.enqueue_dma source(%arg9 : memref<64x32xf32, #tpu.memory_space<vmem>>) target(%dma_start3A_85 : memref<64x32xf32, #tpu.memory_space<vmem_shared>>) target_semaphore(%run_scoped3A : memref<!tpu.dma_semaphore, #tpu.memory_space<semaphore_mem>>)
      %dma_wait3A = arith.constant 0 : i32
      %dma_wait3A_86 = tpu.memref_slice %arg11[%add3A_8, %dma_wait3A] : memref<10240x32xf32, #tpu.memory_space<vmem_shared>> -> memref<64x32xf32, #tpu.memory_space<vmem_shared>>
      %dma_wait3A_87 = arith.constant 0 : i32
      %dma_wait3A_88 = tpu.memref_slice %arg11[%add3A_8, %dma_wait3A_87] : memref<10240x32xf32, #tpu.memory_space<vmem_shared>> -> memref<64x32xf32, #tpu.memory_space<vmem_shared>>
      tpu.wait_dma2 semaphore(%run_scoped3A : memref<!tpu.dma_semaphore, #tpu.memory_space<semaphore_mem>>) src(%arg9 : memref<64x32xf32, #tpu.memory_space<vmem>>) dst(%dma_wait3A_88 : memref<64x32xf32, #tpu.memory_space<vmem_shared>>)
      tpu.yield
    }) : () -> ()
    %add3A_9 = arith.constant 64 : i32
    %add3A_10 = arith.addi %mul3A_7, %add3A_9 : i32
    "tpu.region"() ({
      %run_scoped3A = tpu.sem_alloc : memref<!tpu.dma_semaphore, #tpu.memory_space<semaphore_mem>>
      %dma_start3A_82 = arith.constant 0 : i32
      %dma_start3A_83 = tpu.memref_slice %arg11[%add3A_10, %dma_start3A_82] : memref<10240x32xf32, #tpu.memory_space<vmem_shared>> -> memref<64x32xf32, #tpu.memory_space<vmem_shared>>
      %dma_start3A_84 = arith.constant 0 : i32
      %dma_start3A_85 = tpu.memref_slice %arg11[%add3A_10, %dma_start3A_84] : memref<10240x32xf32, #tpu.memory_space<vmem_shared>> -> memref<64x32xf32, #tpu.memory_space<vmem_shared>>
      tpu.enqueue_dma source(%arg9 : memref<64x32xf32, #tpu.memory_space<vmem>>) target(%dma_start3A_85 : memref<64x32xf32, #tpu.memory_space<vmem_shared>>) target_semaphore(%run_scoped3A : memref<!tpu.dma_semaphore, #tpu.memory_space<semaphore_mem>>)
      %dma_wait3A = arith.constant 0 : i32
      %dma_wait3A_86 = tpu.memref_slice %arg11[%add3A_10, %dma_wait3A] : memref<10240x32xf32, #tpu.memory_space<vmem_shared>> -> memref<64x32xf32, #tpu.memory_space<vmem_shared>>
      %dma_wait3A_87 = arith.constant 0 : i32
      %dma_wait3A_88 = tpu.memref_slice %arg11[%add3A_10, %dma_wait3A_87] : memref<10240x32xf32, #tpu.memory_space<vmem_shared>> -> memref<64x32xf32, #tpu.memory_space<vmem_shared>>
      tpu.wait_dma2 semaphore(%run_scoped3A : memref<!tpu.dma_semaphore, #tpu.memory_space<semaphore_mem>>) src(%arg9 : memref<64x32xf32, #tpu.memory_space<vmem>>) dst(%dma_wait3A_88 : memref<64x32xf32, #tpu.memory_space<vmem_shared>>)
      tpu.yield
    }) : () -> ()
    %add3A_11 = arith.constant 128 : i32
    %add3A_12 = arith.addi %mul3A_7, %add3A_11 : i32
    "tpu.region"() ({
      %run_scoped3A = tpu.sem_alloc : memref<!tpu.dma_semaphore, #tpu.memory_space<semaphore_mem>>
      %dma_start3A_82 = arith.constant 0 : i32
      %dma_start3A_83 = tpu.memref_slice %arg11[%add3A_12, %dma_start3A_82] : memref<10240x32xf32, #tpu.memory_space<vmem_shared>> -> memref<64x32xf32, #tpu.memory_space<vmem_shared>>
      %dma_start3A_84 = arith.constant 0 : i32
      %dma_start3A_85 = tpu.memref_slice %arg11[%add3A_12, %dma_start3A_84] : memref<10240x32xf32, #tpu.memory_space<vmem_shared>> -> memref<64x32xf32, #tpu.memory_space<vmem_shared>>
      tpu.enqueue_dma source(%arg9 : memref<64x32xf32, #tpu.memory_space<vmem>>) target(%dma_start3A_85 : memref<64x32xf32, #tpu.memory_space<vmem_shared>>) target_semaphore(%run_scoped3A : memref<!tpu.dma_semaphore, #tpu.memory_space<semaphore_mem>>)
      %dma_wait3A = arith.constant 0 : i32
      %dma_wait3A_86 = tpu.memref_slice %arg11[%add3A_12, %dma_wait3A] : memref<10240x32xf32, #tpu.memory_space<vmem_shared>> -> memref<64x32xf32, #tpu.memory_space<vmem_shared>>
      %dma_wait3A_87 = arith.constant 0 : i32
      %dma_wait3A_88 = tpu.memref_slice %arg11[%add3A_12, %dma_wait3A_87] : memref<10240x32xf32, #tpu.memory_space<vmem_shared>> -> memref<64x32xf32, #tpu.memory_space<vmem_shared>>
      tpu.wait_dma2 semaphore(%run_scoped3A : memref<!tpu.dma_semaphore, #tpu.memory_space<semaphore_mem>>) src(%arg9 : memref<64x32xf32, #tpu.memory_space<vmem>>) dst(%dma_wait3A_88 : memref<64x32xf32, #tpu.memory_space<vmem_shared>>)
      tpu.yield
    }) : () -> ()
    %add3A_13 = arith.constant 192 : i32
    %add3A_14 = arith.addi %mul3A_7, %add3A_13 : i32
    "tpu.region"() ({
      %run_scoped3A = tpu.sem_alloc : memref<!tpu.dma_semaphore, #tpu.memory_space<semaphore_mem>>
      %dma_start3A_82 = arith.constant 0 : i32
      %dma_start3A_83 = tpu.memref_slice %arg11[%add3A_14, %dma_start3A_82] : memref<10240x32xf32, #tpu.memory_space<vmem_shared>> -> memref<64x32xf32, #tpu.memory_space<vmem_shared>>
      %dma_start3A_84 = arith.constant 0 : i32
      %dma_start3A_85 = tpu.memref_slice %arg11[%add3A_14, %dma_start3A_84] : memref<10240x32xf32, #tpu.memory_space<vmem_shared>> -> memref<64x32xf32, #tpu.memory_space<vmem_shared>>
      tpu.enqueue_dma source(%arg9 : memref<64x32xf32, #tpu.memory_space<vmem>>) target(%dma_start3A_85 : memref<64x32xf32, #tpu.memory_space<vmem_shared>>) target_semaphore(%run_scoped3A : memref<!tpu.dma_semaphore, #tpu.memory_space<semaphore_mem>>)
      %dma_wait3A = arith.constant 0 : i32
      %dma_wait3A_86 = tpu.memref_slice %arg11[%add3A_14, %dma_wait3A] : memref<10240x32xf32, #tpu.memory_space<vmem_shared>> -> memref<64x32xf32, #tpu.memory_space<vmem_shared>>
      %dma_wait3A_87 = arith.constant 0 : i32
      %dma_wait3A_88 = tpu.memref_slice %arg11[%add3A_14, %dma_wait3A_87] : memref<10240x32xf32, #tpu.memory_space<vmem_shared>> -> memref<64x32xf32, #tpu.memory_space<vmem_shared>>
      tpu.wait_dma2 semaphore(%run_scoped3A : memref<!tpu.dma_semaphore, #tpu.memory_space<semaphore_mem>>) src(%arg9 : memref<64x32xf32, #tpu.memory_space<vmem>>) dst(%dma_wait3A_88 : memref<64x32xf32, #tpu.memory_space<vmem_shared>>)
      tpu.yield
    }) : () -> ()
    %add3A_15 = arith.constant 256 : i32
    %add3A_16 = arith.addi %mul3A_7, %add3A_15 : i32
    "tpu.region"() ({
      %run_scoped3A = tpu.sem_alloc : memref<!tpu.dma_semaphore, #tpu.memory_space<semaphore_mem>>
      %dma_start3A_82 = arith.constant 0 : i32
      %dma_start3A_83 = tpu.memref_slice %arg11[%add3A_16, %dma_start3A_82] : memref<10240x32xf32, #tpu.memory_space<vmem_shared>> -> memref<64x32xf32, #tpu.memory_space<vmem_shared>>
      %dma_start3A_84 = arith.constant 0 : i32
      %dma_start3A_85 = tpu.memref_slice %arg11[%add3A_16, %dma_start3A_84] : memref<10240x32xf32, #tpu.memory_space<vmem_shared>> -> memref<64x32xf32, #tpu.memory_space<vmem_shared>>
      tpu.enqueue_dma source(%arg9 : memref<64x32xf32, #tpu.memory_space<vmem>>) target(%dma_start3A_85 : memref<64x32xf32, #tpu.memory_space<vmem_shared>>) target_semaphore(%run_scoped3A : memref<!tpu.dma_semaphore, #tpu.memory_space<semaphore_mem>>)
      %dma_wait3A = arith.constant 0 : i32
      %dma_wait3A_86 = tpu.memref_slice %arg11[%add3A_16, %dma_wait3A] : memref<10240x32xf32, #tpu.memory_space<vmem_shared>> -> memref<64x32xf32, #tpu.memory_space<vmem_shared>>
      %dma_wait3A_87 = arith.constant 0 : i32
      %dma_wait3A_88 = tpu.memref_slice %arg11[%add3A_16, %dma_wait3A_87] : memref<10240x32xf32, #tpu.memory_space<vmem_shared>> -> memref<64x32xf32, #tpu.memory_space<vmem_shared>>
      tpu.wait_dma2 semaphore(%run_scoped3A : memref<!tpu.dma_semaphore, #tpu.memory_space<semaphore_mem>>) src(%arg9 : memref<64x32xf32, #tpu.memory_space<vmem>>) dst(%dma_wait3A_88 : memref<64x32xf32, #tpu.memory_space<vmem_shared>>)
      tpu.yield
    }) : () -> ()
    %add3A_17 = arith.constant 320 : i32
    %add3A_18 = arith.addi %mul3A_7, %add3A_17 : i32
    "tpu.region"() ({
      %run_scoped3A = tpu.sem_alloc : memref<!tpu.dma_semaphore, #tpu.memory_space<semaphore_mem>>
      %dma_start3A_82 = arith.constant 0 : i32
      %dma_start3A_83 = tpu.memref_slice %arg11[%add3A_18, %dma_start3A_82] : memref<10240x32xf32, #tpu.memory_space<vmem_shared>> -> memref<64x32xf32, #tpu.memory_space<vmem_shared>>
      %dma_start3A_84 = arith.constant 0 : i32
      %dma_start3A_85 = tpu.memref_slice %arg11[%add3A_18, %dma_start3A_84] : memref<10240x32xf32, #tpu.memory_space<vmem_shared>> -> memref<64x32xf32, #tpu.memory_space<vmem_shared>>
      tpu.enqueue_dma source(%arg9 : memref<64x32xf32, #tpu.memory_space<vmem>>) target(%dma_start3A_85 : memref<64x32xf32, #tpu.memory_space<vmem_shared>>) target_semaphore(%run_scoped3A : memref<!tpu.dma_semaphore, #tpu.memory_space<semaphore_mem>>)
      %dma_wait3A = arith.constant 0 : i32
      %dma_wait3A_86 = tpu.memref_slice %arg11[%add3A_18, %dma_wait3A] : memref<10240x32xf32, #tpu.memory_space<vmem_shared>> -> memref<64x32xf32, #tpu.memory_space<vmem_shared>>
      %dma_wait3A_87 = arith.constant 0 : i32
      %dma_wait3A_88 = tpu.memref_slice %arg11[%add3A_18, %dma_wait3A_87] : memref<10240x32xf32, #tpu.memory_space<vmem_shared>> -> memref<64x32xf32, #tpu.memory_space<vmem_shared>>
      tpu.wait_dma2 semaphore(%run_scoped3A : memref<!tpu.dma_semaphore, #tpu.memory_space<semaphore_mem>>) src(%arg9 : memref<64x32xf32, #tpu.memory_space<vmem>>) dst(%dma_wait3A_88 : memref<64x32xf32, #tpu.memory_space<vmem_shared>>)
      tpu.yield
    }) : () -> ()
    %add3A_19 = arith.constant 384 : i32
    %add3A_20 = arith.addi %mul3A_7, %add3A_19 : i32
    "tpu.region"() ({
      %run_scoped3A = tpu.sem_alloc : memref<!tpu.dma_semaphore, #tpu.memory_space<semaphore_mem>>
      %dma_start3A_82 = arith.constant 0 : i32
      %dma_start3A_83 = tpu.memref_slice %arg11[%add3A_20, %dma_start3A_82] : memref<10240x32xf32, #tpu.memory_space<vmem_shared>> -> memref<64x32xf32, #tpu.memory_space<vmem_shared>>
      %dma_start3A_84 = arith.constant 0 : i32
      %dma_start3A_85 = tpu.memref_slice %arg11[%add3A_20, %dma_start3A_84] : memref<10240x32xf32, #tpu.memory_space<vmem_shared>> -> memref<64x32xf32, #tpu.memory_space<vmem_shared>>
      tpu.enqueue_dma source(%arg9 : memref<64x32xf32, #tpu.memory_space<vmem>>) target(%dma_start3A_85 : memref<64x32xf32, #tpu.memory_space<vmem_shared>>) target_semaphore(%run_scoped3A : memref<!tpu.dma_semaphore, #tpu.memory_space<semaphore_mem>>)
      %dma_wait3A = arith.constant 0 : i32
      %dma_wait3A_86 = tpu.memref_slice %arg11[%add3A_20, %dma_wait3A] : memref<10240x32xf32, #tpu.memory_space<vmem_shared>> -> memref<64x32xf32, #tpu.memory_space<vmem_shared>>
      %dma_wait3A_87 = arith.constant 0 : i32
      %dma_wait3A_88 = tpu.memref_slice %arg11[%add3A_20, %dma_wait3A_87] : memref<10240x32xf32, #tpu.memory_space<vmem_shared>> -> memref<64x32xf32, #tpu.memory_space<vmem_shared>>
      tpu.wait_dma2 semaphore(%run_scoped3A : memref<!tpu.dma_semaphore, #tpu.memory_space<semaphore_mem>>) src(%arg9 : memref<64x32xf32, #tpu.memory_space<vmem>>) dst(%dma_wait3A_88 : memref<64x32xf32, #tpu.memory_space<vmem_shared>>)
      tpu.yield
    }) : () -> ()
    %add3A_21 = arith.constant 448 : i32
    %add3A_22 = arith.addi %mul3A_7, %add3A_21 : i32
    "tpu.region"() ({
      %run_scoped3A = tpu.sem_alloc : memref<!tpu.dma_semaphore, #tpu.memory_space<semaphore_mem>>
      %dma_start3A_82 = arith.constant 0 : i32
      %dma_start3A_83 = tpu.memref_slice %arg11[%add3A_22, %dma_start3A_82] : memref<10240x32xf32, #tpu.memory_space<vmem_shared>> -> memref<64x32xf32, #tpu.memory_space<vmem_shared>>
      %dma_start3A_84 = arith.constant 0 : i32
      %dma_start3A_85 = tpu.memref_slice %arg11[%add3A_22, %dma_start3A_84] : memref<10240x32xf32, #tpu.memory_space<vmem_shared>> -> memref<64x32xf32, #tpu.memory_space<vmem_shared>>
      tpu.enqueue_dma source(%arg9 : memref<64x32xf32, #tpu.memory_space<vmem>>) target(%dma_start3A_85 : memref<64x32xf32, #tpu.memory_space<vmem_shared>>) target_semaphore(%run_scoped3A : memref<!tpu.dma_semaphore, #tpu.memory_space<semaphore_mem>>)
      %dma_wait3A = arith.constant 0 : i32
      %dma_wait3A_86 = tpu.memref_slice %arg11[%add3A_22, %dma_wait3A] : memref<10240x32xf32, #tpu.memory_space<vmem_shared>> -> memref<64x32xf32, #tpu.memory_space<vmem_shared>>
      %dma_wait3A_87 = arith.constant 0 : i32
      %dma_wait3A_88 = tpu.memref_slice %arg11[%add3A_22, %dma_wait3A_87] : memref<10240x32xf32, #tpu.memory_space<vmem_shared>> -> memref<64x32xf32, #tpu.memory_space<vmem_shared>>
      tpu.wait_dma2 semaphore(%run_scoped3A : memref<!tpu.dma_semaphore, #tpu.memory_space<semaphore_mem>>) src(%arg9 : memref<64x32xf32, #tpu.memory_space<vmem>>) dst(%dma_wait3A_88 : memref<64x32xf32, #tpu.memory_space<vmem_shared>>)
      tpu.yield
    }) : () -> ()
    %add3A_23 = arith.constant 512 : i32
    %add3A_24 = arith.addi %mul3A_7, %add3A_23 : i32
    "tpu.region"() ({
      %run_scoped3A = tpu.sem_alloc : memref<!tpu.dma_semaphore, #tpu.memory_space<semaphore_mem>>
      %dma_start3A_82 = arith.constant 0 : i32
      %dma_start3A_83 = tpu.memref_slice %arg11[%add3A_24, %dma_start3A_82] : memref<10240x32xf32, #tpu.memory_space<vmem_shared>> -> memref<64x32xf32, #tpu.memory_space<vmem_shared>>
      %dma_start3A_84 = arith.constant 0 : i32
      %dma_start3A_85 = tpu.memref_slice %arg11[%add3A_24, %dma_start3A_84] : memref<10240x32xf32, #tpu.memory_space<vmem_shared>> -> memref<64x32xf32, #tpu.memory_space<vmem_shared>>
      tpu.enqueue_dma source(%arg9 : memref<64x32xf32, #tpu.memory_space<vmem>>) target(%dma_start3A_85 : memref<64x32xf32, #tpu.memory_space<vmem_shared>>) target_semaphore(%run_scoped3A : memref<!tpu.dma_semaphore, #tpu.memory_space<semaphore_mem>>)
      %dma_wait3A = arith.constant 0 : i32
      %dma_wait3A_86 = tpu.memref_slice %arg11[%add3A_24, %dma_wait3A] : memref<10240x32xf32, #tpu.memory_space<vmem_shared>> -> memref<64x32xf32, #tpu.memory_space<vmem_shared>>
      %dma_wait3A_87 = arith.constant 0 : i32
      %dma_wait3A_88 = tpu.memref_slice %arg11[%add3A_24, %dma_wait3A_87] : memref<10240x32xf32, #tpu.memory_space<vmem_shared>> -> memref<64x32xf32, #tpu.memory_space<vmem_shared>>
      tpu.wait_dma2 semaphore(%run_scoped3A : memref<!tpu.dma_semaphore, #tpu.memory_space<semaphore_mem>>) src(%arg9 : memref<64x32xf32, #tpu.memory_space<vmem>>) dst(%dma_wait3A_88 : memref<64x32xf32, #tpu.memory_space<vmem_shared>>)
      tpu.yield
    }) : () -> ()
    %add3A_25 = arith.constant 576 : i32
    %add3A_26 = arith.addi %mul3A_7, %add3A_25 : i32
    "tpu.region"() ({
      %run_scoped3A = tpu.sem_alloc : memref<!tpu.dma_semaphore, #tpu.memory_space<semaphore_mem>>
      %dma_start3A_82 = arith.constant 0 : i32
      %dma_start3A_83 = tpu.memref_slice %arg11[%add3A_26, %dma_start3A_82] : memref<10240x32xf32, #tpu.memory_space<vmem_shared>> -> memref<64x32xf32, #tpu.memory_space<vmem_shared>>
      %dma_start3A_84 = arith.constant 0 : i32
      %dma_start3A_85 = tpu.memref_slice %arg11[%add3A_26, %dma_start3A_84] : memref<10240x32xf32, #tpu.memory_space<vmem_shared>> -> memref<64x32xf32, #tpu.memory_space<vmem_shared>>
      tpu.enqueue_dma source(%arg9 : memref<64x32xf32, #tpu.memory_space<vmem>>) target(%dma_start3A_85 : memref<64x32xf32, #tpu.memory_space<vmem_shared>>) target_semaphore(%run_scoped3A : memref<!tpu.dma_semaphore, #tpu.memory_space<semaphore_mem>>)
      %dma_wait3A = arith.constant 0 : i32
      %dma_wait3A_86 = tpu.memref_slice %arg11[%add3A_26, %dma_wait3A] : memref<10240x32xf32, #tpu.memory_space<vmem_shared>> -> memref<64x32xf32, #tpu.memory_space<vmem_shared>>
      %dma_wait3A_87 = arith.constant 0 : i32
      %dma_wait3A_88 = tpu.memref_slice %arg11[%add3A_26, %dma_wait3A_87] : memref<10240x32xf32, #tpu.memory_space<vmem_shared>> -> memref<64x32xf32, #tpu.memory_space<vmem_shared>>
      tpu.wait_dma2 semaphore(%run_scoped3A : memref<!tpu.dma_semaphore, #tpu.memory_space<semaphore_mem>>) src(%arg9 : memref<64x32xf32, #tpu.memory_space<vmem>>) dst(%dma_wait3A_88 : memref<64x32xf32, #tpu.memory_space<vmem_shared>>)
      tpu.yield
    }) : () -> ()
    "tpu.region"() ({
      %run_scoped3A = tpu.sem_alloc : memref<!tpu.dma_semaphore, #tpu.memory_space<semaphore_mem>>
      %dma_start3A_82 = arith.constant 0 : i32
      %dma_start3A_83 = arith.constant 0 : i32
      %dma_start3A_84 = tpu.memref_slice %arg3[%arg1, %dma_start3A_82, %dma_start3A_83] : memref<16x160x128xi32, #tpu.memory_space<hbm>> -> memref<1x160x128xi32, #tpu.memory_space<hbm>>
      %dma_start3A_85 = tpu.memref_squeeze %dma_start3A_84 : memref<1x160x128xi32, #tpu.memory_space<hbm>> -> memref<160x128xi32, #tpu.memory_space<hbm>>
      %dma_start3A_86 = arith.constant 0 : i32
      %dma_start3A_87 = arith.constant 0 : i32
      %dma_start3A_88 = tpu.memref_slice %arg3[%arg1, %dma_start3A_86, %dma_start3A_87] : memref<16x160x128xi32, #tpu.memory_space<hbm>> -> memref<1x160x128xi32, #tpu.memory_space<hbm>>
      %dma_start3A_89 = tpu.memref_squeeze %dma_start3A_88 : memref<1x160x128xi32, #tpu.memory_space<hbm>> -> memref<160x128xi32, #tpu.memory_space<hbm>>
      tpu.enqueue_dma source(%dma_start3A_89 : memref<160x128xi32, #tpu.memory_space<hbm>>) target(%arg6 : memref<160x128xi32, #tpu.memory_space<vmem>>) target_semaphore(%run_scoped3A : memref<!tpu.dma_semaphore, #tpu.memory_space<semaphore_mem>>)
      %dma_wait3A = arith.constant 0 : i32
      %dma_wait3A_90 = arith.constant 0 : i32
      %dma_wait3A_91 = tpu.memref_slice %arg3[%arg1, %dma_wait3A, %dma_wait3A_90] : memref<16x160x128xi32, #tpu.memory_space<hbm>> -> memref<1x160x128xi32, #tpu.memory_space<hbm>>
      %dma_wait3A_92 = tpu.memref_squeeze %dma_wait3A_91 : memref<1x160x128xi32, #tpu.memory_space<hbm>> -> memref<160x128xi32, #tpu.memory_space<hbm>>
      %dma_wait3A_93 = arith.constant 0 : i32
      %dma_wait3A_94 = arith.constant 0 : i32
      %dma_wait3A_95 = tpu.memref_slice %arg3[%arg1, %dma_wait3A_93, %dma_wait3A_94] : memref<16x160x128xi32, #tpu.memory_space<hbm>> -> memref<1x160x128xi32, #tpu.memory_space<hbm>>
      %dma_wait3A_96 = tpu.memref_squeeze %dma_wait3A_95 : memref<1x160x128xi32, #tpu.memory_space<hbm>> -> memref<160x128xi32, #tpu.memory_space<hbm>>
      tpu.wait_dma2 semaphore(%run_scoped3A : memref<!tpu.dma_semaphore, #tpu.memory_space<semaphore_mem>>) src(%dma_wait3A_96 : memref<160x128xi32, #tpu.memory_space<hbm>>) dst(%arg6 : memref<160x128xi32, #tpu.memory_space<vmem>>)
      tpu.yield
    }) : () -> ()
    "tpu.region"() ({
      %run_scoped3A = tpu.sem_alloc : memref<!tpu.dma_semaphore, #tpu.memory_space<semaphore_mem>>
      %dma_start3A_82 = arith.constant 0 : i32
      %dma_start3A_83 = arith.constant 0 : i32
      %dma_start3A_84 = tpu.memref_slice %arg4[%arg1, %dma_start3A_82, %dma_start3A_83] : memref<16x160x128xi32, #tpu.memory_space<hbm>> -> memref<1x160x128xi32, #tpu.memory_space<hbm>>
      %dma_start3A_85 = tpu.memref_squeeze %dma_start3A_84 : memref<1x160x128xi32, #tpu.memory_space<hbm>> -> memref<160x128xi32, #tpu.memory_space<hbm>>
      %dma_start3A_86 = arith.constant 0 : i32
      %dma_start3A_87 = arith.constant 0 : i32
      %dma_start3A_88 = tpu.memref_slice %arg4[%arg1, %dma_start3A_86, %dma_start3A_87] : memref<16x160x128xi32, #tpu.memory_space<hbm>> -> memref<1x160x128xi32, #tpu.memory_space<hbm>>
      %dma_start3A_89 = tpu.memref_squeeze %dma_start3A_88 : memref<1x160x128xi32, #tpu.memory_space<hbm>> -> memref<160x128xi32, #tpu.memory_space<hbm>>
      tpu.enqueue_dma source(%dma_start3A_89 : memref<160x128xi32, #tpu.memory_space<hbm>>) target(%arg7 : memref<160x128xi32, #tpu.memory_space<vmem>>) target_semaphore(%run_scoped3A : memref<!tpu.dma_semaphore, #tpu.memory_space<semaphore_mem>>)
      %dma_wait3A = arith.constant 0 : i32
      %dma_wait3A_90 = arith.constant 0 : i32
      %dma_wait3A_91 = tpu.memref_slice %arg4[%arg1, %dma_wait3A, %dma_wait3A_90] : memref<16x160x128xi32, #tpu.memory_space<hbm>> -> memref<1x160x128xi32, #tpu.memory_space<hbm>>
      %dma_wait3A_92 = tpu.memref_squeeze %dma_wait3A_91 : memref<1x160x128xi32, #tpu.memory_space<hbm>> -> memref<160x128xi32, #tpu.memory_space<hbm>>
      %dma_wait3A_93 = arith.constant 0 : i32
      %dma_wait3A_94 = arith.constant 0 : i32
      %dma_wait3A_95 = tpu.memref_slice %arg4[%arg1, %dma_wait3A_93, %dma_wait3A_94] : memref<16x160x128xi32, #tpu.memory_space<hbm>> -> memref<1x160x128xi32, #tpu.memory_space<hbm>>
      %dma_wait3A_96 = tpu.memref_squeeze %dma_wait3A_95 : memref<1x160x128xi32, #tpu.memory_space<hbm>> -> memref<160x128xi32, #tpu.memory_space<hbm>>
      tpu.wait_dma2 semaphore(%run_scoped3A : memref<!tpu.dma_semaphore, #tpu.memory_space<semaphore_mem>>) src(%dma_wait3A_96 : memref<160x128xi32, #tpu.memory_space<hbm>>) dst(%arg7 : memref<160x128xi32, #tpu.memory_space<vmem>>)
      tpu.yield
    }) : () -> ()
    %barrier3A = arith.constant 0 : index
    tpu.barrier barrier_id(%barrier3A)
    %dma_start3A = arith.constant 0 : i32
    %dma_start3A_27 = arith.constant 0 : i32
    %dma_start3A_28 = arith.constant 0 : i32
    %dma_start3A_29 = arith.constant 0 : i32
    %dma_start3A_30 = tpu.memref_slice %arg8[%dma_start3A_27, %dma_start3A_28, %dma_start3A_29] : memref<4x128x32xf32, #tpu.memory_space<vmem>> -> memref<1x128x32xf32, #tpu.memory_space<vmem>>
    %dma_start3A_31 = tpu.memref_squeeze %dma_start3A_30 : memref<1x128x32xf32, #tpu.memory_space<vmem>> -> memref<128x32xf32, #tpu.memory_space<vmem>>
    %dma_start3A_32 = arith.constant 0 : i32
    %dma_start3A_33 = tpu.memref_slice %arg6[%dma_start3A, %dma_start3A_32] : memref<160x128xi32, #tpu.memory_space<vmem>> -> memref<1x128xi32, #tpu.memory_space<vmem>>
    %dma_start3A_34 = tpu.memref_squeeze %dma_start3A_33 : memref<1x128xi32, #tpu.memory_space<vmem>> -> memref<128xi32, #tpu.memory_space<vmem>>
    %dma_start3A_35 = arith.constant 0 : i32
    %dma_start3A_36 = arith.constant 0 : i32
    %dma_start3A_37 = tpu.memref_slice %arg10[%dma_start3A_35, %dma_start3A_36] : memref<10240x32xf32, #tpu.memory_space<vmem_shared>> -> memref<10240x32xf32, #tpu.memory_space<vmem_shared>>
    tpu.enqueue_indirect_dma source(%dma_start3A_37 : memref<10240x32xf32, #tpu.memory_space<vmem_shared>>) target(%dma_start3A_31 : memref<128x32xf32, #tpu.memory_space<vmem>>) offsets(%dma_start3A_34 : memref<128xi32, #tpu.memory_space<vmem>>) semaphore(%arg12 : memref<!tpu.dma_semaphore, #tpu.memory_space<semaphore_mem>>)
    %dma_start3A_38 = arith.constant 1 : i32
    %dma_start3A_39 = arith.constant 1 : i32
    %dma_start3A_40 = arith.constant 0 : i32
    %dma_start3A_41 = arith.constant 0 : i32
    %dma_start3A_42 = tpu.memref_slice %arg8[%dma_start3A_39, %dma_start3A_40, %dma_start3A_41] : memref<4x128x32xf32, #tpu.memory_space<vmem>> -> memref<1x128x32xf32, #tpu.memory_space<vmem>>
    %dma_start3A_43 = tpu.memref_squeeze %dma_start3A_42 : memref<1x128x32xf32, #tpu.memory_space<vmem>> -> memref<128x32xf32, #tpu.memory_space<vmem>>
    %dma_start3A_44 = arith.constant 0 : i32
    %dma_start3A_45 = tpu.memref_slice %arg6[%dma_start3A_38, %dma_start3A_44] : memref<160x128xi32, #tpu.memory_space<vmem>> -> memref<1x128xi32, #tpu.memory_space<vmem>>
    %dma_start3A_46 = tpu.memref_squeeze %dma_start3A_45 : memref<1x128xi32, #tpu.memory_space<vmem>> -> memref<128xi32, #tpu.memory_space<vmem>>
    %dma_start3A_47 = arith.constant 0 : i32
    %dma_start3A_48 = arith.constant 0 : i32
    %dma_start3A_49 = tpu.memref_slice %arg10[%dma_start3A_47, %dma_start3A_48] : memref<10240x32xf32, #tpu.memory_space<vmem_shared>> -> memref<10240x32xf32, #tpu.memory_space<vmem_shared>>
    tpu.enqueue_indirect_dma source(%dma_start3A_49 : memref<10240x32xf32, #tpu.memory_space<vmem_shared>>) target(%dma_start3A_43 : memref<128x32xf32, #tpu.memory_space<vmem>>) offsets(%dma_start3A_46 : memref<128xi32, #tpu.memory_space<vmem>>) semaphore(%arg13 : memref<!tpu.dma_semaphore, #tpu.memory_space<semaphore_mem>>)
    %dma_start3A_50 = arith.constant 2 : i32
    %dma_start3A_51 = arith.constant 2 : i32
    %dma_start3A_52 = arith.constant 0 : i32
    %dma_start3A_53 = arith.constant 0 : i32
    %dma_start3A_54 = tpu.memref_slice %arg8[%dma_start3A_51, %dma_start3A_52, %dma_start3A_53] : memref<4x128x32xf32, #tpu.memory_space<vmem>> -> memref<1x128x32xf32, #tpu.memory_space<vmem>>
    %dma_start3A_55 = tpu.memref_squeeze %dma_start3A_54 : memref<1x128x32xf32, #tpu.memory_space<vmem>> -> memref<128x32xf32, #tpu.memory_space<vmem>>
    %dma_start3A_56 = arith.constant 0 : i32
    %dma_start3A_57 = tpu.memref_slice %arg6[%dma_start3A_50, %dma_start3A_56] : memref<160x128xi32, #tpu.memory_space<vmem>> -> memref<1x128xi32, #tpu.memory_space<vmem>>
    %dma_start3A_58 = tpu.memref_squeeze %dma_start3A_57 : memref<1x128xi32, #tpu.memory_space<vmem>> -> memref<128xi32, #tpu.memory_space<vmem>>
    %dma_start3A_59 = arith.constant 0 : i32
    %dma_start3A_60 = arith.constant 0 : i32
    %dma_start3A_61 = tpu.memref_slice %arg10[%dma_start3A_59, %dma_start3A_60] : memref<10240x32xf32, #tpu.memory_space<vmem_shared>> -> memref<10240x32xf32, #tpu.memory_space<vmem_shared>>
    tpu.enqueue_indirect_dma source(%dma_start3A_61 : memref<10240x32xf32, #tpu.memory_space<vmem_shared>>) target(%dma_start3A_55 : memref<128x32xf32, #tpu.memory_space<vmem>>) offsets(%dma_start3A_58 : memref<128xi32, #tpu.memory_space<vmem>>) semaphore(%arg14 : memref<!tpu.dma_semaphore, #tpu.memory_space<semaphore_mem>>)
    %dma_start3A_62 = arith.constant 3 : i32
    %dma_start3A_63 = arith.constant 3 : i32
    %dma_start3A_64 = arith.constant 0 : i32
    %dma_start3A_65 = arith.constant 0 : i32
    %dma_start3A_66 = tpu.memref_slice %arg8[%dma_start3A_63, %dma_start3A_64, %dma_start3A_65] : memref<4x128x32xf32, #tpu.memory_space<vmem>> -> memref<1x128x32xf32, #tpu.memory_space<vmem>>
    %dma_start3A_67 = tpu.memref_squeeze %dma_start3A_66 : memref<1x128x32xf32, #tpu.memory_space<vmem>> -> memref<128x32xf32, #tpu.memory_space<vmem>>
    %dma_start3A_68 = arith.constant 0 : i32
    %dma_start3A_69 = tpu.memref_slice %arg6[%dma_start3A_62, %dma_start3A_68] : memref<160x128xi32, #tpu.memory_space<vmem>> -> memref<1x128xi32, #tpu.memory_space<vmem>>
    %dma_start3A_70 = tpu.memref_squeeze %dma_start3A_69 : memref<1x128xi32, #tpu.memory_space<vmem>> -> memref<128xi32, #tpu.memory_space<vmem>>
    %dma_start3A_71 = arith.constant 0 : i32
    %dma_start3A_72 = arith.constant 0 : i32
    %dma_start3A_73 = tpu.memref_slice %arg10[%dma_start3A_71, %dma_start3A_72] : memref<10240x32xf32, #tpu.memory_space<vmem_shared>> -> memref<10240x32xf32, #tpu.memory_space<vmem_shared>>
    tpu.enqueue_indirect_dma source(%dma_start3A_73 : memref<10240x32xf32, #tpu.memory_space<vmem_shared>>) target(%dma_start3A_67 : memref<128x32xf32, #tpu.memory_space<vmem>>) offsets(%dma_start3A_70 : memref<128xi32, #tpu.memory_space<vmem>>) semaphore(%arg15 : memref<!tpu.dma_semaphore, #tpu.memory_space<semaphore_mem>>)
    %scan3A_74 = arith.constant 0 : i32
    %scan3A_75 = arith.constant 0 : i32
    %scan3A_76 = arith.constant 40 : i32
    %scan3A_77 = arith.addi %scan3A_75, %scan3A_76 : i32
    %scan3A_78 = arith.constant 1 : i32
    %scan3A_79 = scf.for %scan3A_82 = %scan3A_75 to %scan3A_77 step %scan3A_78 iter_args(%scan3A_83 = %scan3A_74) -> (i32)  : i32 {
      %mul3A_84 = arith.constant 4 : i32
      %mul3A_85 = arith.muli %scan3A_82, %mul3A_84 : i32
      %add3A_86 = arith.constant 0 : i32
      %add3A_87 = arith.addi %mul3A_85, %add3A_86 : i32
      %dma_wait3A = arith.constant 0 : i32
      %dma_wait3A_88 = arith.constant 0 : i32
      %dma_wait3A_89 = arith.constant 0 : i32
      %dma_wait3A_90 = tpu.memref_slice %arg8[%dma_wait3A, %dma_wait3A_88, %dma_wait3A_89] : memref<4x128x32xf32, #tpu.memory_space<vmem>> -> memref<1x128x32xf32, #tpu.memory_space<vmem>>
      %dma_wait3A_91 = tpu.memref_squeeze %dma_wait3A_90 : memref<1x128x32xf32, #tpu.memory_space<vmem>> -> memref<128x32xf32, #tpu.memory_space<vmem>>
      %dma_wait3A_92 = arith.constant 0 : i32
      %dma_wait3A_93 = tpu.memref_slice %arg6[%add3A_87, %dma_wait3A_92] : memref<160x128xi32, #tpu.memory_space<vmem>> -> memref<1x128xi32, #tpu.memory_space<vmem>>
      %dma_wait3A_94 = tpu.memref_squeeze %dma_wait3A_93 : memref<1x128xi32, #tpu.memory_space<vmem>> -> memref<128xi32, #tpu.memory_space<vmem>>
      %dma_wait3A_95 = arith.constant 0 : i32
      %dma_wait3A_96 = arith.constant 0 : i32
      %dma_wait3A_97 = tpu.memref_slice %arg10[%dma_wait3A_95, %dma_wait3A_96] : memref<10240x32xf32, #tpu.memory_space<vmem_shared>> -> memref<10240x32xf32, #tpu.memory_space<vmem_shared>>
      tpu.wait_indirect_dma semaphore(%arg12 : memref<!tpu.dma_semaphore, #tpu.memory_space<semaphore_mem>>) src(%dma_wait3A_97 : memref<10240x32xf32, #tpu.memory_space<vmem_shared>>) dst(%dma_wait3A_91 : memref<128x32xf32, #tpu.memory_space<vmem>>)
      %run_scoped3A = arith.constant 0 : i32
      "tpu.region"() ({
        %run_scoped3A_172 = tpu.sem_alloc : memref<!tpu.dma_semaphore, #tpu.memory_space<semaphore_mem>>
        %dma_start3A_173 = arith.constant 0 : i32
        %dma_start3A_174 = arith.constant 0 : i32
        %dma_start3A_175 = tpu.memref_slice %arg8[%run_scoped3A, %dma_start3A_173, %dma_start3A_174] : memref<4x128x32xf32, #tpu.memory_space<vmem>> -> memref<1x128x32xf32, #tpu.memory_space<vmem>>
        %dma_start3A_176 = tpu.memref_squeeze %dma_start3A_175 : memref<1x128x32xf32, #tpu.memory_space<vmem>> -> memref<128x32xf32, #tpu.memory_space<vmem>>
        %dma_start3A_177 = arith.constant 0 : i32
        %dma_start3A_178 = tpu.memref_slice %arg7[%add3A_87, %dma_start3A_177] : memref<160x128xi32, #tpu.memory_space<vmem>> -> memref<1x128xi32, #tpu.memory_space<vmem>>
        %dma_start3A_179 = tpu.memref_squeeze %dma_start3A_178 : memref<1x128xi32, #tpu.memory_space<vmem>> -> memref<128xi32, #tpu.memory_space<vmem>>
        %dma_start3A_180 = arith.constant 0 : i32
        %dma_start3A_181 = arith.constant 0 : i32
        %dma_start3A_182 = tpu.memref_slice %arg11[%dma_start3A_180, %dma_start3A_181] : memref<10240x32xf32, #tpu.memory_space<vmem_shared>> -> memref<10240x32xf32, #tpu.memory_space<vmem_shared>>
        tpu.enqueue_indirect_dma source(%dma_start3A_176 : memref<128x32xf32, #tpu.memory_space<vmem>>) target(%dma_start3A_182 : memref<10240x32xf32, #tpu.memory_space<vmem_shared>>) offsets(%dma_start3A_179 : memref<128xi32, #tpu.memory_space<vmem>>) semaphore(%run_scoped3A_172 : memref<!tpu.dma_semaphore, #tpu.memory_space<semaphore_mem>>) {add = true}
        %dma_wait3A_183 = arith.constant 0 : i32
        %dma_wait3A_184 = arith.constant 0 : i32
        %dma_wait3A_185 = tpu.memref_slice %arg8[%run_scoped3A, %dma_wait3A_183, %dma_wait3A_184] : memref<4x128x32xf32, #tpu.memory_space<vmem>> -> memref<1x128x32xf32, #tpu.memory_space<vmem>>
        %dma_wait3A_186 = tpu.memref_squeeze %dma_wait3A_185 : memref<1x128x32xf32, #tpu.memory_space<vmem>> -> memref<128x32xf32, #tpu.memory_space<vmem>>
        %dma_wait3A_187 = arith.constant 0 : i32
        %dma_wait3A_188 = tpu.memref_slice %arg7[%add3A_87, %dma_wait3A_187] : memref<160x128xi32, #tpu.memory_space<vmem>> -> memref<1x128xi32, #tpu.memory_space<vmem>>
        %dma_wait3A_189 = tpu.memref_squeeze %dma_wait3A_188 : memref<1x128xi32, #tpu.memory_space<vmem>> -> memref<128xi32, #tpu.memory_space<vmem>>
        %dma_wait3A_190 = arith.constant 0 : i32
        %dma_wait3A_191 = arith.constant 0 : i32
        %dma_wait3A_192 = tpu.memref_slice %arg11[%dma_wait3A_190, %dma_wait3A_191] : memref<10240x32xf32, #tpu.memory_space<vmem_shared>> -> memref<10240x32xf32, #tpu.memory_space<vmem_shared>>
        tpu.wait_indirect_dma semaphore(%run_scoped3A_172 : memref<!tpu.dma_semaphore, #tpu.memory_space<semaphore_mem>>) src(%dma_wait3A_186 : memref<128x32xf32, #tpu.memory_space<vmem>>) dst(%dma_wait3A_192 : memref<10240x32xf32, #tpu.memory_space<vmem_shared>>)
        tpu.yield
      }) : () -> ()
      %add3A_98 = arith.constant 4 : i32
      %add3A_99 = arith.addi %add3A_87, %add3A_98 : i32
      %lt3A = arith.constant 160 : i32
      %lt3A_100 = arith.cmpi slt, %add3A_99, %lt3A : i32
      %convert_element_type3A = arith.extui %lt3A_100 : i1 to i32
      %cond3A = arith.constant 0 : i32
      %cond3A_101 = arith.cmpi ne, %convert_element_type3A, %cond3A : i32
      scf.if %cond3A_101 {
        %add3A_172 = arith.constant 4 : i32
        %add3A_173 = arith.addi %add3A_87, %add3A_172 : i32
        %dma_start3A_174 = arith.constant 0 : i32
        %dma_start3A_175 = arith.constant 0 : i32
        %dma_start3A_176 = arith.constant 0 : i32
        %dma_start3A_177 = tpu.memref_slice %arg8[%dma_start3A_174, %dma_start3A_175, %dma_start3A_176] : memref<4x128x32xf32, #tpu.memory_space<vmem>> -> memref<1x128x32xf32, #tpu.memory_space<vmem>>
        %dma_start3A_178 = tpu.memref_squeeze %dma_start3A_177 : memref<1x128x32xf32, #tpu.memory_space<vmem>> -> memref<128x32xf32, #tpu.memory_space<vmem>>
        %dma_start3A_179 = arith.constant 0 : i32
        %dma_start3A_180 = tpu.memref_slice %arg6[%add3A_173, %dma_start3A_179] : memref<160x128xi32, #tpu.memory_space<vmem>> -> memref<1x128xi32, #tpu.memory_space<vmem>>
        %dma_start3A_181 = tpu.memref_squeeze %dma_start3A_180 : memref<1x128xi32, #tpu.memory_space<vmem>> -> memref<128xi32, #tpu.memory_space<vmem>>
        %dma_start3A_182 = arith.constant 0 : i32
        %dma_start3A_183 = arith.constant 0 : i32
        %dma_start3A_184 = tpu.memref_slice %arg10[%dma_start3A_182, %dma_start3A_183] : memref<10240x32xf32, #tpu.memory_space<vmem_shared>> -> memref<10240x32xf32, #tpu.memory_space<vmem_shared>>
        tpu.enqueue_indirect_dma source(%dma_start3A_184 : memref<10240x32xf32, #tpu.memory_space<vmem_shared>>) target(%dma_start3A_178 : memref<128x32xf32, #tpu.memory_space<vmem>>) offsets(%dma_start3A_181 : memref<128xi32, #tpu.memory_space<vmem>>) semaphore(%arg12 : memref<!tpu.dma_semaphore, #tpu.memory_space<semaphore_mem>>)
      } else {
      }
      %mul3A_102 = arith.constant 4 : i32
      %mul3A_103 = arith.muli %scan3A_82, %mul3A_102 : i32
      %add3A_104 = arith.constant 1 : i32
      %add3A_105 = arith.addi %mul3A_103, %add3A_104 : i32
      %dma_wait3A_106 = arith.constant 1 : i32
      %dma_wait3A_107 = arith.constant 0 : i32
      %dma_wait3A_108 = arith.constant 0 : i32
      %dma_wait3A_109 = tpu.memref_slice %arg8[%dma_wait3A_106, %dma_wait3A_107, %dma_wait3A_108] : memref<4x128x32xf32, #tpu.memory_space<vmem>> -> memref<1x128x32xf32, #tpu.memory_space<vmem>>
      %dma_wait3A_110 = tpu.memref_squeeze %dma_wait3A_109 : memref<1x128x32xf32, #tpu.memory_space<vmem>> -> memref<128x32xf32, #tpu.memory_space<vmem>>
      %dma_wait3A_111 = arith.constant 0 : i32
      %dma_wait3A_112 = tpu.memref_slice %arg6[%add3A_105, %dma_wait3A_111] : memref<160x128xi32, #tpu.memory_space<vmem>> -> memref<1x128xi32, #tpu.memory_space<vmem>>
      %dma_wait3A_113 = tpu.memref_squeeze %dma_wait3A_112 : memref<1x128xi32, #tpu.memory_space<vmem>> -> memref<128xi32, #tpu.memory_space<vmem>>
      %dma_wait3A_114 = arith.constant 0 : i32
      %dma_wait3A_115 = arith.constant 0 : i32
      %dma_wait3A_116 = tpu.memref_slice %arg10[%dma_wait3A_114, %dma_wait3A_115] : memref<10240x32xf32, #tpu.memory_space<vmem_shared>> -> memref<10240x32xf32, #tpu.memory_space<vmem_shared>>
      tpu.wait_indirect_dma semaphore(%arg13 : memref<!tpu.dma_semaphore, #tpu.memory_space<semaphore_mem>>) src(%dma_wait3A_116 : memref<10240x32xf32, #tpu.memory_space<vmem_shared>>) dst(%dma_wait3A_110 : memref<128x32xf32, #tpu.memory_space<vmem>>)
      %run_scoped3A_117 = arith.constant 1 : i32
      "tpu.region"() ({
        %run_scoped3A_172 = tpu.sem_alloc : memref<!tpu.dma_semaphore, #tpu.memory_space<semaphore_mem>>
        %dma_start3A_173 = arith.constant 0 : i32
        %dma_start3A_174 = arith.constant 0 : i32
        %dma_start3A_175 = tpu.memref_slice %arg8[%run_scoped3A_117, %dma_start3A_173, %dma_start3A_174] : memref<4x128x32xf32, #tpu.memory_space<vmem>> -> memref<1x128x32xf32, #tpu.memory_space<vmem>>
        %dma_start3A_176 = tpu.memref_squeeze %dma_start3A_175 : memref<1x128x32xf32, #tpu.memory_space<vmem>> -> memref<128x32xf32, #tpu.memory_space<vmem>>
        %dma_start3A_177 = arith.constant 0 : i32
        %dma_start3A_178 = tpu.memref_slice %arg7[%add3A_105, %dma_start3A_177] : memref<160x128xi32, #tpu.memory_space<vmem>> -> memref<1x128xi32, #tpu.memory_space<vmem>>
        %dma_start3A_179 = tpu.memref_squeeze %dma_start3A_178 : memref<1x128xi32, #tpu.memory_space<vmem>> -> memref<128xi32, #tpu.memory_space<vmem>>
        %dma_start3A_180 = arith.constant 0 : i32
        %dma_start3A_181 = arith.constant 0 : i32
        %dma_start3A_182 = tpu.memref_slice %arg11[%dma_start3A_180, %dma_start3A_181] : memref<10240x32xf32, #tpu.memory_space<vmem_shared>> -> memref<10240x32xf32, #tpu.memory_space<vmem_shared>>
        tpu.enqueue_indirect_dma source(%dma_start3A_176 : memref<128x32xf32, #tpu.memory_space<vmem>>) target(%dma_start3A_182 : memref<10240x32xf32, #tpu.memory_space<vmem_shared>>) offsets(%dma_start3A_179 : memref<128xi32, #tpu.memory_space<vmem>>) semaphore(%run_scoped3A_172 : memref<!tpu.dma_semaphore, #tpu.memory_space<semaphore_mem>>) {add = true}
        %dma_wait3A_183 = arith.constant 0 : i32
        %dma_wait3A_184 = arith.constant 0 : i32
        %dma_wait3A_185 = tpu.memref_slice %arg8[%run_scoped3A_117, %dma_wait3A_183, %dma_wait3A_184] : memref<4x128x32xf32, #tpu.memory_space<vmem>> -> memref<1x128x32xf32, #tpu.memory_space<vmem>>
        %dma_wait3A_186 = tpu.memref_squeeze %dma_wait3A_185 : memref<1x128x32xf32, #tpu.memory_space<vmem>> -> memref<128x32xf32, #tpu.memory_space<vmem>>
        %dma_wait3A_187 = arith.constant 0 : i32
        %dma_wait3A_188 = tpu.memref_slice %arg7[%add3A_105, %dma_wait3A_187] : memref<160x128xi32, #tpu.memory_space<vmem>> -> memref<1x128xi32, #tpu.memory_space<vmem>>
        %dma_wait3A_189 = tpu.memref_squeeze %dma_wait3A_188 : memref<1x128xi32, #tpu.memory_space<vmem>> -> memref<128xi32, #tpu.memory_space<vmem>>
        %dma_wait3A_190 = arith.constant 0 : i32
        %dma_wait3A_191 = arith.constant 0 : i32
        %dma_wait3A_192 = tpu.memref_slice %arg11[%dma_wait3A_190, %dma_wait3A_191] : memref<10240x32xf32, #tpu.memory_space<vmem_shared>> -> memref<10240x32xf32, #tpu.memory_space<vmem_shared>>
        tpu.wait_indirect_dma semaphore(%run_scoped3A_172 : memref<!tpu.dma_semaphore, #tpu.memory_space<semaphore_mem>>) src(%dma_wait3A_186 : memref<128x32xf32, #tpu.memory_space<vmem>>) dst(%dma_wait3A_192 : memref<10240x32xf32, #tpu.memory_space<vmem_shared>>)
        tpu.yield
      }) : () -> ()
      %add3A_118 = arith.constant 4 : i32
      %add3A_119 = arith.addi %add3A_105, %add3A_118 : i32
      %lt3A_120 = arith.constant 160 : i32
      %lt3A_121 = arith.cmpi slt, %add3A_119, %lt3A_120 : i32
      %convert_element_type3A_122 = arith.extui %lt3A_121 : i1 to i32
      %cond3A_123 = arith.constant 0 : i32
      %cond3A_124 = arith.cmpi ne, %convert_element_type3A_122, %cond3A_123 : i32
      scf.if %cond3A_124 {
        %add3A_172 = arith.constant 4 : i32
        %add3A_173 = arith.addi %add3A_105, %add3A_172 : i32
        %dma_start3A_174 = arith.constant 1 : i32
        %dma_start3A_175 = arith.constant 0 : i32
        %dma_start3A_176 = arith.constant 0 : i32
        %dma_start3A_177 = tpu.memref_slice %arg8[%dma_start3A_174, %dma_start3A_175, %dma_start3A_176] : memref<4x128x32xf32, #tpu.memory_space<vmem>> -> memref<1x128x32xf32, #tpu.memory_space<vmem>>
        %dma_start3A_178 = tpu.memref_squeeze %dma_start3A_177 : memref<1x128x32xf32, #tpu.memory_space<vmem>> -> memref<128x32xf32, #tpu.memory_space<vmem>>
        %dma_start3A_179 = arith.constant 0 : i32
        %dma_start3A_180 = tpu.memref_slice %arg6[%add3A_173, %dma_start3A_179] : memref<160x128xi32, #tpu.memory_space<vmem>> -> memref<1x128xi32, #tpu.memory_space<vmem>>
        %dma_start3A_181 = tpu.memref_squeeze %dma_start3A_180 : memref<1x128xi32, #tpu.memory_space<vmem>> -> memref<128xi32, #tpu.memory_space<vmem>>
        %dma_start3A_182 = arith.constant 0 : i32
        %dma_start3A_183 = arith.constant 0 : i32
        %dma_start3A_184 = tpu.memref_slice %arg10[%dma_start3A_182, %dma_start3A_183] : memref<10240x32xf32, #tpu.memory_space<vmem_shared>> -> memref<10240x32xf32, #tpu.memory_space<vmem_shared>>
        tpu.enqueue_indirect_dma source(%dma_start3A_184 : memref<10240x32xf32, #tpu.memory_space<vmem_shared>>) target(%dma_start3A_178 : memref<128x32xf32, #tpu.memory_space<vmem>>) offsets(%dma_start3A_181 : memref<128xi32, #tpu.memory_space<vmem>>) semaphore(%arg13 : memref<!tpu.dma_semaphore, #tpu.memory_space<semaphore_mem>>)
      } else {
      }
      %mul3A_125 = arith.constant 4 : i32
      %mul3A_126 = arith.muli %scan3A_82, %mul3A_125 : i32
      %add3A_127 = arith.constant 2 : i32
      %add3A_128 = arith.addi %mul3A_126, %add3A_127 : i32
      %dma_wait3A_129 = arith.constant 2 : i32
      %dma_wait3A_130 = arith.constant 0 : i32
      %dma_wait3A_131 = arith.constant 0 : i32
      %dma_wait3A_132 = tpu.memref_slice %arg8[%dma_wait3A_129, %dma_wait3A_130, %dma_wait3A_131] : memref<4x128x32xf32, #tpu.memory_space<vmem>> -> memref<1x128x32xf32, #tpu.memory_space<vmem>>
      %dma_wait3A_133 = tpu.memref_squeeze %dma_wait3A_132 : memref<1x128x32xf32, #tpu.memory_space<vmem>> -> memref<128x32xf32, #tpu.memory_space<vmem>>
      %dma_wait3A_134 = arith.constant 0 : i32
      %dma_wait3A_135 = tpu.memref_slice %arg6[%add3A_128, %dma_wait3A_134] : memref<160x128xi32, #tpu.memory_space<vmem>> -> memref<1x128xi32, #tpu.memory_space<vmem>>
      %dma_wait3A_136 = tpu.memref_squeeze %dma_wait3A_135 : memref<1x128xi32, #tpu.memory_space<vmem>> -> memref<128xi32, #tpu.memory_space<vmem>>
      %dma_wait3A_137 = arith.constant 0 : i32
      %dma_wait3A_138 = arith.constant 0 : i32
      %dma_wait3A_139 = tpu.memref_slice %arg10[%dma_wait3A_137, %dma_wait3A_138] : memref<10240x32xf32, #tpu.memory_space<vmem_shared>> -> memref<10240x32xf32, #tpu.memory_space<vmem_shared>>
      tpu.wait_indirect_dma semaphore(%arg14 : memref<!tpu.dma_semaphore, #tpu.memory_space<semaphore_mem>>) src(%dma_wait3A_139 : memref<10240x32xf32, #tpu.memory_space<vmem_shared>>) dst(%dma_wait3A_133 : memref<128x32xf32, #tpu.memory_space<vmem>>)
      %run_scoped3A_140 = arith.constant 2 : i32
      "tpu.region"() ({
        %run_scoped3A_172 = tpu.sem_alloc : memref<!tpu.dma_semaphore, #tpu.memory_space<semaphore_mem>>
        %dma_start3A_173 = arith.constant 0 : i32
        %dma_start3A_174 = arith.constant 0 : i32
        %dma_start3A_175 = tpu.memref_slice %arg8[%run_scoped3A_140, %dma_start3A_173, %dma_start3A_174] : memref<4x128x32xf32, #tpu.memory_space<vmem>> -> memref<1x128x32xf32, #tpu.memory_space<vmem>>
        %dma_start3A_176 = tpu.memref_squeeze %dma_start3A_175 : memref<1x128x32xf32, #tpu.memory_space<vmem>> -> memref<128x32xf32, #tpu.memory_space<vmem>>
        %dma_start3A_177 = arith.constant 0 : i32
        %dma_start3A_178 = tpu.memref_slice %arg7[%add3A_128, %dma_start3A_177] : memref<160x128xi32, #tpu.memory_space<vmem>> -> memref<1x128xi32, #tpu.memory_space<vmem>>
        %dma_start3A_179 = tpu.memref_squeeze %dma_start3A_178 : memref<1x128xi32, #tpu.memory_space<vmem>> -> memref<128xi32, #tpu.memory_space<vmem>>
        %dma_start3A_180 = arith.constant 0 : i32
        %dma_start3A_181 = arith.constant 0 : i32
        %dma_start3A_182 = tpu.memref_slice %arg11[%dma_start3A_180, %dma_start3A_181] : memref<10240x32xf32, #tpu.memory_space<vmem_shared>> -> memref<10240x32xf32, #tpu.memory_space<vmem_shared>>
        tpu.enqueue_indirect_dma source(%dma_start3A_176 : memref<128x32xf32, #tpu.memory_space<vmem>>) target(%dma_start3A_182 : memref<10240x32xf32, #tpu.memory_space<vmem_shared>>) offsets(%dma_start3A_179 : memref<128xi32, #tpu.memory_space<vmem>>) semaphore(%run_scoped3A_172 : memref<!tpu.dma_semaphore, #tpu.memory_space<semaphore_mem>>) {add = true}
        %dma_wait3A_183 = arith.constant 0 : i32
        %dma_wait3A_184 = arith.constant 0 : i32
        %dma_wait3A_185 = tpu.memref_slice %arg8[%run_scoped3A_140, %dma_wait3A_183, %dma_wait3A_184] : memref<4x128x32xf32, #tpu.memory_space<vmem>> -> memref<1x128x32xf32, #tpu.memory_space<vmem>>
        %dma_wait3A_186 = tpu.memref_squeeze %dma_wait3A_185 : memref<1x128x32xf32, #tpu.memory_space<vmem>> -> memref<128x32xf32, #tpu.memory_space<vmem>>
        %dma_wait3A_187 = arith.constant 0 : i32
        %dma_wait3A_188 = tpu.memref_slice %arg7[%add3A_128, %dma_wait3A_187] : memref<160x128xi32, #tpu.memory_space<vmem>> -> memref<1x128xi32, #tpu.memory_space<vmem>>
        %dma_wait3A_189 = tpu.memref_squeeze %dma_wait3A_188 : memref<1x128xi32, #tpu.memory_space<vmem>> -> memref<128xi32, #tpu.memory_space<vmem>>
        %dma_wait3A_190 = arith.constant 0 : i32
        %dma_wait3A_191 = arith.constant 0 : i32
        %dma_wait3A_192 = tpu.memref_slice %arg11[%dma_wait3A_190, %dma_wait3A_191] : memref<10240x32xf32, #tpu.memory_space<vmem_shared>> -> memref<10240x32xf32, #tpu.memory_space<vmem_shared>>
        tpu.wait_indirect_dma semaphore(%run_scoped3A_172 : memref<!tpu.dma_semaphore, #tpu.memory_space<semaphore_mem>>) src(%dma_wait3A_186 : memref<128x32xf32, #tpu.memory_space<vmem>>) dst(%dma_wait3A_192 : memref<10240x32xf32, #tpu.memory_space<vmem_shared>>)
        tpu.yield
      }) : () -> ()
      %add3A_141 = arith.constant 4 : i32
      %add3A_142 = arith.addi %add3A_128, %add3A_141 : i32
      %lt3A_143 = arith.constant 160 : i32
      %lt3A_144 = arith.cmpi slt, %add3A_142, %lt3A_143 : i32
      %convert_element_type3A_145 = arith.extui %lt3A_144 : i1 to i32
      %cond3A_146 = arith.constant 0 : i32
      %cond3A_147 = arith.cmpi ne, %convert_element_type3A_145, %cond3A_146 : i32
      scf.if %cond3A_147 {
        %add3A_172 = arith.constant 4 : i32
        %add3A_173 = arith.addi %add3A_128, %add3A_172 : i32
        %dma_start3A_174 = arith.constant 2 : i32
        %dma_start3A_175 = arith.constant 0 : i32
        %dma_start3A_176 = arith.constant 0 : i32
        %dma_start3A_177 = tpu.memref_slice %arg8[%dma_start3A_174, %dma_start3A_175, %dma_start3A_176] : memref<4x128x32xf32, #tpu.memory_space<vmem>> -> memref<1x128x32xf32, #tpu.memory_space<vmem>>
        %dma_start3A_178 = tpu.memref_squeeze %dma_start3A_177 : memref<1x128x32xf32, #tpu.memory_space<vmem>> -> memref<128x32xf32, #tpu.memory_space<vmem>>
        %dma_start3A_179 = arith.constant 0 : i32
        %dma_start3A_180 = tpu.memref_slice %arg6[%add3A_173, %dma_start3A_179] : memref<160x128xi32, #tpu.memory_space<vmem>> -> memref<1x128xi32, #tpu.memory_space<vmem>>
        %dma_start3A_181 = tpu.memref_squeeze %dma_start3A_180 : memref<1x128xi32, #tpu.memory_space<vmem>> -> memref<128xi32, #tpu.memory_space<vmem>>
        %dma_start3A_182 = arith.constant 0 : i32
        %dma_start3A_183 = arith.constant 0 : i32
        %dma_start3A_184 = tpu.memref_slice %arg10[%dma_start3A_182, %dma_start3A_183] : memref<10240x32xf32, #tpu.memory_space<vmem_shared>> -> memref<10240x32xf32, #tpu.memory_space<vmem_shared>>
        tpu.enqueue_indirect_dma source(%dma_start3A_184 : memref<10240x32xf32, #tpu.memory_space<vmem_shared>>) target(%dma_start3A_178 : memref<128x32xf32, #tpu.memory_space<vmem>>) offsets(%dma_start3A_181 : memref<128xi32, #tpu.memory_space<vmem>>) semaphore(%arg14 : memref<!tpu.dma_semaphore, #tpu.memory_space<semaphore_mem>>)
      } else {
      }
      %mul3A_148 = arith.constant 4 : i32
      %mul3A_149 = arith.muli %scan3A_82, %mul3A_148 : i32
      %add3A_150 = arith.constant 3 : i32
      %add3A_151 = arith.addi %mul3A_149, %add3A_150 : i32
      %dma_wait3A_152 = arith.constant 3 : i32
      %dma_wait3A_153 = arith.constant 0 : i32
      %dma_wait3A_154 = arith.constant 0 : i32
      %dma_wait3A_155 = tpu.memref_slice %arg8[%dma_wait3A_152, %dma_wait3A_153, %dma_wait3A_154] : memref<4x128x32xf32, #tpu.memory_space<vmem>> -> memref<1x128x32xf32, #tpu.memory_space<vmem>>
      %dma_wait3A_156 = tpu.memref_squeeze %dma_wait3A_155 : memref<1x128x32xf32, #tpu.memory_space<vmem>> -> memref<128x32xf32, #tpu.memory_space<vmem>>
      %dma_wait3A_157 = arith.constant 0 : i32
      %dma_wait3A_158 = tpu.memref_slice %arg6[%add3A_151, %dma_wait3A_157] : memref<160x128xi32, #tpu.memory_space<vmem>> -> memref<1x128xi32, #tpu.memory_space<vmem>>
      %dma_wait3A_159 = tpu.memref_squeeze %dma_wait3A_158 : memref<1x128xi32, #tpu.memory_space<vmem>> -> memref<128xi32, #tpu.memory_space<vmem>>
      %dma_wait3A_160 = arith.constant 0 : i32
      %dma_wait3A_161 = arith.constant 0 : i32
      %dma_wait3A_162 = tpu.memref_slice %arg10[%dma_wait3A_160, %dma_wait3A_161] : memref<10240x32xf32, #tpu.memory_space<vmem_shared>> -> memref<10240x32xf32, #tpu.memory_space<vmem_shared>>
      tpu.wait_indirect_dma semaphore(%arg15 : memref<!tpu.dma_semaphore, #tpu.memory_space<semaphore_mem>>) src(%dma_wait3A_162 : memref<10240x32xf32, #tpu.memory_space<vmem_shared>>) dst(%dma_wait3A_156 : memref<128x32xf32, #tpu.memory_space<vmem>>)
      %run_scoped3A_163 = arith.constant 3 : i32
      "tpu.region"() ({
        %run_scoped3A_172 = tpu.sem_alloc : memref<!tpu.dma_semaphore, #tpu.memory_space<semaphore_mem>>
        %dma_start3A_173 = arith.constant 0 : i32
        %dma_start3A_174 = arith.constant 0 : i32
        %dma_start3A_175 = tpu.memref_slice %arg8[%run_scoped3A_163, %dma_start3A_173, %dma_start3A_174] : memref<4x128x32xf32, #tpu.memory_space<vmem>> -> memref<1x128x32xf32, #tpu.memory_space<vmem>>
        %dma_start3A_176 = tpu.memref_squeeze %dma_start3A_175 : memref<1x128x32xf32, #tpu.memory_space<vmem>> -> memref<128x32xf32, #tpu.memory_space<vmem>>
        %dma_start3A_177 = arith.constant 0 : i32
        %dma_start3A_178 = tpu.memref_slice %arg7[%add3A_151, %dma_start3A_177] : memref<160x128xi32, #tpu.memory_space<vmem>> -> memref<1x128xi32, #tpu.memory_space<vmem>>
        %dma_start3A_179 = tpu.memref_squeeze %dma_start3A_178 : memref<1x128xi32, #tpu.memory_space<vmem>> -> memref<128xi32, #tpu.memory_space<vmem>>
        %dma_start3A_180 = arith.constant 0 : i32
        %dma_start3A_181 = arith.constant 0 : i32
        %dma_start3A_182 = tpu.memref_slice %arg11[%dma_start3A_180, %dma_start3A_181] : memref<10240x32xf32, #tpu.memory_space<vmem_shared>> -> memref<10240x32xf32, #tpu.memory_space<vmem_shared>>
        tpu.enqueue_indirect_dma source(%dma_start3A_176 : memref<128x32xf32, #tpu.memory_space<vmem>>) target(%dma_start3A_182 : memref<10240x32xf32, #tpu.memory_space<vmem_shared>>) offsets(%dma_start3A_179 : memref<128xi32, #tpu.memory_space<vmem>>) semaphore(%run_scoped3A_172 : memref<!tpu.dma_semaphore, #tpu.memory_space<semaphore_mem>>) {add = true}
        %dma_wait3A_183 = arith.constant 0 : i32
        %dma_wait3A_184 = arith.constant 0 : i32
        %dma_wait3A_185 = tpu.memref_slice %arg8[%run_scoped3A_163, %dma_wait3A_183, %dma_wait3A_184] : memref<4x128x32xf32, #tpu.memory_space<vmem>> -> memref<1x128x32xf32, #tpu.memory_space<vmem>>
        %dma_wait3A_186 = tpu.memref_squeeze %dma_wait3A_185 : memref<1x128x32xf32, #tpu.memory_space<vmem>> -> memref<128x32xf32, #tpu.memory_space<vmem>>
        %dma_wait3A_187 = arith.constant 0 : i32
        %dma_wait3A_188 = tpu.memref_slice %arg7[%add3A_151, %dma_wait3A_187] : memref<160x128xi32, #tpu.memory_space<vmem>> -> memref<1x128xi32, #tpu.memory_space<vmem>>
        %dma_wait3A_189 = tpu.memref_squeeze %dma_wait3A_188 : memref<1x128xi32, #tpu.memory_space<vmem>> -> memref<128xi32, #tpu.memory_space<vmem>>
        %dma_wait3A_190 = arith.constant 0 : i32
        %dma_wait3A_191 = arith.constant 0 : i32
        %dma_wait3A_192 = tpu.memref_slice %arg11[%dma_wait3A_190, %dma_wait3A_191] : memref<10240x32xf32, #tpu.memory_space<vmem_shared>> -> memref<10240x32xf32, #tpu.memory_space<vmem_shared>>
        tpu.wait_indirect_dma semaphore(%run_scoped3A_172 : memref<!tpu.dma_semaphore, #tpu.memory_space<semaphore_mem>>) src(%dma_wait3A_186 : memref<128x32xf32, #tpu.memory_space<vmem>>) dst(%dma_wait3A_192 : memref<10240x32xf32, #tpu.memory_space<vmem_shared>>)
        tpu.yield
      }) : () -> ()
      %add3A_164 = arith.constant 4 : i32
      %add3A_165 = arith.addi %add3A_151, %add3A_164 : i32
      %lt3A_166 = arith.constant 160 : i32
      %lt3A_167 = arith.cmpi slt, %add3A_165, %lt3A_166 : i32
      %convert_element_type3A_168 = arith.extui %lt3A_167 : i1 to i32
      %cond3A_169 = arith.constant 0 : i32
      %cond3A_170 = arith.cmpi ne, %convert_element_type3A_168, %cond3A_169 : i32
      scf.if %cond3A_170 {
        %add3A_172 = arith.constant 4 : i32
        %add3A_173 = arith.addi %add3A_151, %add3A_172 : i32
        %dma_start3A_174 = arith.constant 3 : i32
        %dma_start3A_175 = arith.constant 0 : i32
        %dma_start3A_176 = arith.constant 0 : i32
        %dma_start3A_177 = tpu.memref_slice %arg8[%dma_start3A_174, %dma_start3A_175, %dma_start3A_176] : memref<4x128x32xf32, #tpu.memory_space<vmem>> -> memref<1x128x32xf32, #tpu.memory_space<vmem>>
        %dma_start3A_178 = tpu.memref_squeeze %dma_start3A_177 : memref<1x128x32xf32, #tpu.memory_space<vmem>> -> memref<128x32xf32, #tpu.memory_space<vmem>>
        %dma_start3A_179 = arith.constant 0 : i32
        %dma_start3A_180 = tpu.memref_slice %arg6[%add3A_173, %dma_start3A_179] : memref<160x128xi32, #tpu.memory_space<vmem>> -> memref<1x128xi32, #tpu.memory_space<vmem>>
        %dma_start3A_181 = tpu.memref_squeeze %dma_start3A_180 : memref<1x128xi32, #tpu.memory_space<vmem>> -> memref<128xi32, #tpu.memory_space<vmem>>
        %dma_start3A_182 = arith.constant 0 : i32
        %dma_start3A_183 = arith.constant 0 : i32
        %dma_start3A_184 = tpu.memref_slice %arg10[%dma_start3A_182, %dma_start3A_183] : memref<10240x32xf32, #tpu.memory_space<vmem_shared>> -> memref<10240x32xf32, #tpu.memory_space<vmem_shared>>
        tpu.enqueue_indirect_dma source(%dma_start3A_184 : memref<10240x32xf32, #tpu.memory_space<vmem_shared>>) target(%dma_start3A_178 : memref<128x32xf32, #tpu.memory_space<vmem>>) offsets(%dma_start3A_181 : memref<128xi32, #tpu.memory_space<vmem>>) semaphore(%arg15 : memref<!tpu.dma_semaphore, #tpu.memory_space<semaphore_mem>>)
      } else {
      }
      %scan3A_171 = arith.constant 0 : i32
      scf.yield %scan3A_171 : i32
    }
    %scan3A_80 = arith.constant 40 : i32
    %barrier3A_81 = arith.constant 0 : index
    tpu.barrier barrier_id(%barrier3A_81)
    "tpu.region"() ({
      %run_scoped3A = tpu.sem_alloc : memref<!tpu.dma_semaphore, #tpu.memory_space<semaphore_mem>>
      %dma_start3A_82 = arith.constant 0 : i32
      %dma_start3A_83 = tpu.memref_slice %arg5[%arg0, %mul3A_7, %dma_start3A_82] : memref<2x10240x32xf32, #tpu.memory_space<hbm>> -> memref<1x640x32xf32, #tpu.memory_space<hbm>>
      %dma_start3A_84 = tpu.memref_squeeze %dma_start3A_83 : memref<1x640x32xf32, #tpu.memory_space<hbm>> -> memref<640x32xf32, #tpu.memory_space<hbm>>
      %dma_start3A_85 = arith.constant 0 : i32
      %dma_start3A_86 = tpu.memref_slice %arg11[%mul3A_7, %dma_start3A_85] : memref<10240x32xf32, #tpu.memory_space<vmem_shared>> -> memref<640x32xf32, #tpu.memory_space<vmem_shared>>
      tpu.enqueue_dma source(%dma_start3A_86 : memref<640x32xf32, #tpu.memory_space<vmem_shared>>) target(%dma_start3A_84 : memref<640x32xf32, #tpu.memory_space<hbm>>) target_semaphore(%run_scoped3A : memref<!tpu.dma_semaphore, #tpu.memory_space<semaphore_mem>>)
      %dma_wait3A = arith.constant 0 : i32
      %dma_wait3A_87 = tpu.memref_slice %arg5[%arg0, %mul3A_7, %dma_wait3A] : memref<2x10240x32xf32, #tpu.memory_space<hbm>> -> memref<1x640x32xf32, #tpu.memory_space<hbm>>
      %dma_wait3A_88 = tpu.memref_squeeze %dma_wait3A_87 : memref<1x640x32xf32, #tpu.memory_space<hbm>> -> memref<640x32xf32, #tpu.memory_space<hbm>>
      %dma_wait3A_89 = arith.constant 0 : i32
      %dma_wait3A_90 = tpu.memref_slice %arg11[%mul3A_7, %dma_wait3A_89] : memref<10240x32xf32, #tpu.memory_space<vmem_shared>> -> memref<640x32xf32, #tpu.memory_space<vmem_shared>>
      tpu.wait_dma2 semaphore(%run_scoped3A : memref<!tpu.dma_semaphore, #tpu.memory_space<semaphore_mem>>) src(%dma_wait3A_90 : memref<640x32xf32, #tpu.memory_space<vmem_shared>>) dst(%dma_wait3A_88 : memref<640x32xf32, #tpu.memory_space<hbm>>)
      tpu.yield
    }) : () -> ()
    return
  }
}

module attributes {stable_mosaic.version = 14 : i64} {
  func.func @_g0_body(%arg0: memref<2560x512xf32, #tpu.memory_space<vmem>>, %arg1: memref<128x64xf32, #tpu.memory_space<vmem>>, %arg2: memref<2x2560x128xf32, #tpu.memory_space<vmem>>, %arg3: memref<2x2560x128xf32, #tpu.memory_space<vmem>>) attributes {dimension_semantics = [], scalar_prefetch = 0 : i64, scratch_operands = 0 : i64, tpu.core_type = #tpu.core_type<tc>} {
    %get3A = arith.constant 0 : index
    %get3A_0 = arith.constant 0 : index
    %get3A_1 = arith.constant 0 : index
    %get3A_2 = vector.load %arg2[%get3A, %get3A_0, %get3A_1] : memref<2x2560x128xf32, #tpu.memory_space<vmem>>, vector<1x2560x128xf32>
    %get3A_3 = vector.shape_cast %get3A_2 : vector<1x2560x128xf32> to vector<2560x128xf32>
    %get3A_4 = arith.constant 1 : index
    %get3A_5 = arith.constant 0 : index
    %get3A_6 = arith.constant 0 : index
    %get3A_7 = vector.load %arg2[%get3A_4, %get3A_5, %get3A_6] : memref<2x2560x128xf32, #tpu.memory_space<vmem>>, vector<1x2560x128xf32>
    %get3A_8 = vector.shape_cast %get3A_7 : vector<1x2560x128xf32> to vector<2560x128xf32>
    %add3A = arith.addf %get3A_3, %get3A_8 : vector<2560x128xf32>
    %add3A_9 = arith.constant 1.000000e+00 : f32
    %add3A_10 = vector.broadcast %add3A_9 : f32 to vector<2560x128xf32>
    %add3A_11 = arith.addf %add3A, %add3A_10 : vector<2560x128xf32>
    %rsqrt3A = math.rsqrt %add3A_11 : vector<2560x128xf32>
    %get3A_12 = arith.constant 0 : index
    %get3A_13 = arith.constant 0 : index
    %get3A_14 = vector.load %arg0[%get3A_12, %get3A_13] : memref<2560x512xf32, #tpu.memory_space<vmem>>, vector<2560x512xf32>
    %get3A_15 = arith.constant 0 : index
    %get3A_16 = arith.constant 0 : index
    %get3A_17 = vector.load %arg1[%get3A_15, %get3A_16] : memref<128x64xf32, #tpu.memory_space<vmem>>, vector<128x32xf32>
    %concatenate3A = tpu.concatenate %get3A_17, %get3A_17, %get3A_17, %get3A_17 in 0 : vector<128x32xf32>, vector<128x32xf32>, vector<128x32xf32>, vector<128x32xf32> -> vector<512x32xf32>
    %concatenate3A_18 = tpu.concatenate %concatenate3A, %concatenate3A, %concatenate3A, %concatenate3A in 1 : vector<512x32xf32>, vector<512x32xf32>, vector<512x32xf32>, vector<512x32xf32> -> vector<512x128xf32>
    %iota3A = tpu.iota {dimensions = array<i32: 0>} : vector<512x128xi32>
    %jit3A = arith.constant 128 : i32
    %div3A = vector.broadcast %jit3A : i32 to vector<512x128xi32>
    %div3A_19 = arith.divsi %iota3A, %div3A : vector<512x128xi32>
    %sign3A = arith.constant 0 : i32
    %sign3A_20 = vector.broadcast %sign3A : i32 to vector<512x128xi32>
    %sign3A_21 = arith.cmpi sgt, %iota3A, %sign3A_20 : vector<512x128xi32>
    %sign3A_22 = arith.extui %sign3A_21 : vector<512x128xi1> to vector<512x128xi32>
    %sign3A_23 = arith.constant 0 : i32
    %sign3A_24 = vector.broadcast %sign3A_23 : i32 to vector<512x128xi32>
    %sign3A_25 = arith.cmpi slt, %iota3A, %sign3A_24 : vector<512x128xi32>
    %sign3A_26 = arith.extui %sign3A_25 : vector<512x128xi1> to vector<512x128xi32>
    %sign3A_27 = arith.subi %sign3A_22, %sign3A_26 : vector<512x128xi32>
    %sign3A_28 = arith.constant 0 : i32
    %sign3A_29 = arith.cmpi sgt, %jit3A, %sign3A_28 : i32
    %sign3A_30 = arith.extui %sign3A_29 : i1 to i32
    %sign3A_31 = arith.constant 0 : i32
    %sign3A_32 = arith.cmpi slt, %jit3A, %sign3A_31 : i32
    %sign3A_33 = arith.extui %sign3A_32 : i1 to i32
    %sign3A_34 = arith.subi %sign3A_30, %sign3A_33 : i32
    %ne3A = vector.broadcast %sign3A_34 : i32 to vector<512x128xi32>
    %ne3A_35 = arith.cmpi ne, %sign3A_27, %ne3A : vector<512x128xi32>
    %rem3A = vector.broadcast %jit3A : i32 to vector<512x128xi32>
    %rem3A_36 = arith.remsi %iota3A, %rem3A : vector<512x128xi32>
    %ne3A_37 = arith.constant 0 : i32
    %ne3A_38 = vector.broadcast %ne3A_37 : i32 to vector<512x128xi32>
    %ne3A_39 = arith.cmpi ne, %rem3A_36, %ne3A_38 : vector<512x128xi32>
    %and3A = arith.andi %ne3A_35, %ne3A_39 : vector<512x128xi1>
    %sub3A = arith.constant 1 : i32
    %sub3A_40 = vector.broadcast %sub3A : i32 to vector<512x128xi32>
    %sub3A_41 = arith.subi %div3A_19, %sub3A_40 : vector<512x128xi32>
    %select_n3A = arith.select %and3A, %sub3A_41, %div3A_19 : vector<512x128xi1>, vector<512x128xi32>
    %iota3A_42 = tpu.iota {dimensions = array<i32: 1>} : vector<512x128xi32>
    %jit3A_43 = arith.constant 32 : i32
    %div3A_44 = vector.broadcast %jit3A_43 : i32 to vector<512x128xi32>
    %div3A_45 = arith.divsi %iota3A_42, %div3A_44 : vector<512x128xi32>
    %sign3A_46 = arith.constant 0 : i32
    %sign3A_47 = vector.broadcast %sign3A_46 : i32 to vector<512x128xi32>
    %sign3A_48 = arith.cmpi sgt, %iota3A_42, %sign3A_47 : vector<512x128xi32>
    %sign3A_49 = arith.extui %sign3A_48 : vector<512x128xi1> to vector<512x128xi32>
    %sign3A_50 = arith.constant 0 : i32
    %sign3A_51 = vector.broadcast %sign3A_50 : i32 to vector<512x128xi32>
    %sign3A_52 = arith.cmpi slt, %iota3A_42, %sign3A_51 : vector<512x128xi32>
    %sign3A_53 = arith.extui %sign3A_52 : vector<512x128xi1> to vector<512x128xi32>
    %sign3A_54 = arith.subi %sign3A_49, %sign3A_53 : vector<512x128xi32>
    %sign3A_55 = arith.constant 0 : i32
    %sign3A_56 = arith.cmpi sgt, %jit3A_43, %sign3A_55 : i32
    %sign3A_57 = arith.extui %sign3A_56 : i1 to i32
    %sign3A_58 = arith.constant 0 : i32
    %sign3A_59 = arith.cmpi slt, %jit3A_43, %sign3A_58 : i32
    %sign3A_60 = arith.extui %sign3A_59 : i1 to i32
    %sign3A_61 = arith.subi %sign3A_57, %sign3A_60 : i32
    %ne3A_62 = vector.broadcast %sign3A_61 : i32 to vector<512x128xi32>
    %ne3A_63 = arith.cmpi ne, %sign3A_54, %ne3A_62 : vector<512x128xi32>
    %rem3A_64 = vector.broadcast %jit3A_43 : i32 to vector<512x128xi32>
    %rem3A_65 = arith.remsi %iota3A_42, %rem3A_64 : vector<512x128xi32>
    %ne3A_66 = arith.constant 0 : i32
    %ne3A_67 = vector.broadcast %ne3A_66 : i32 to vector<512x128xi32>
    %ne3A_68 = arith.cmpi ne, %rem3A_65, %ne3A_67 : vector<512x128xi32>
    %and3A_69 = arith.andi %ne3A_63, %ne3A_68 : vector<512x128xi1>
    %sub3A_70 = arith.constant 1 : i32
    %sub3A_71 = vector.broadcast %sub3A_70 : i32 to vector<512x128xi32>
    %sub3A_72 = arith.subi %div3A_45, %sub3A_71 : vector<512x128xi32>
    %select_n3A_73 = arith.select %and3A_69, %sub3A_72, %div3A_45 : vector<512x128xi1>, vector<512x128xi32>
    %eq3A = arith.cmpi eq, %select_n3A, %select_n3A_73 : vector<512x128xi32>
    %jit3A_74 = arith.constant 0.000000e+00 : f32
    %broadcast_in_dim3A = vector.broadcast %jit3A_74 : f32 to vector<512x128xf32>
    %select_n3A_75 = arith.select %eq3A, %concatenate3A_18, %broadcast_in_dim3A : vector<512x128xi1>, vector<512x128xf32>
    %dot_general3A = arith.constant dense<0.000000e+00> : vector<2560x128xf32>
    %dot_general3A_76 = tpu.matmul %get3A_14, %select_n3A_75, %dot_general3A {dimension_numbers = #tpu.dot_dimension_numbers<[1], [0], [0], [1], [0, 0, 1, 1], [], []>, transpose_lhs_hint = false} : vector<2560x512xf32>, vector<512x128xf32>, vector<2560x128xf32> -> vector<2560x128xf32>
    %mul3A = arith.mulf %rsqrt3A, %dot_general3A_76 : vector<2560x128xf32>
    %swap3A = arith.constant 0 : index
    %swap3A_77 = arith.constant 0 : index
    %swap3A_78 = arith.constant 0 : index
    %swap3A_79 = vector.load %arg3[%swap3A, %swap3A_77, %swap3A_78] : memref<2x2560x128xf32, #tpu.memory_space<vmem>>, vector<1x2560x128xf32>
    %swap3A_80 = vector.shape_cast %swap3A_79 : vector<1x2560x128xf32> to vector<2560x128xf32>
    %swap3A_81 = vector.shape_cast %mul3A : vector<2560x128xf32> to vector<1x2560x128xf32>
    tpu.vector_store %arg3[%swap3A, %swap3A_77, %swap3A_78], %swap3A_81 {strides = array<i32>} : memref<2x2560x128xf32, #tpu.memory_space<vmem>>, vector<1x2560x128xf32>,
    %get3A_82 = arith.constant 0 : index
    %get3A_83 = arith.constant 32 : index
    %get3A_84 = vector.load %arg1[%get3A_82, %get3A_83] : memref<128x64xf32, #tpu.memory_space<vmem>>, vector<128x32xf32>
    %concatenate3A_85 = tpu.concatenate %get3A_84, %get3A_84, %get3A_84, %get3A_84 in 0 : vector<128x32xf32>, vector<128x32xf32>, vector<128x32xf32>, vector<128x32xf32> -> vector<512x32xf32>
    %concatenate3A_86 = tpu.concatenate %concatenate3A_85, %concatenate3A_85, %concatenate3A_85, %concatenate3A_85 in 1 : vector<512x32xf32>, vector<512x32xf32>, vector<512x32xf32>, vector<512x32xf32> -> vector<512x128xf32>
    %iota3A_87 = tpu.iota {dimensions = array<i32: 0>} : vector<512x128xi32>
    %jit3A_88 = arith.constant 128 : i32
    %div3A_89 = vector.broadcast %jit3A_88 : i32 to vector<512x128xi32>
    %div3A_90 = arith.divsi %iota3A_87, %div3A_89 : vector<512x128xi32>
    %sign3A_91 = arith.constant 0 : i32
    %sign3A_92 = vector.broadcast %sign3A_91 : i32 to vector<512x128xi32>
    %sign3A_93 = arith.cmpi sgt, %iota3A_87, %sign3A_92 : vector<512x128xi32>
    %sign3A_94 = arith.extui %sign3A_93 : vector<512x128xi1> to vector<512x128xi32>
    %sign3A_95 = arith.constant 0 : i32
    %sign3A_96 = vector.broadcast %sign3A_95 : i32 to vector<512x128xi32>
    %sign3A_97 = arith.cmpi slt, %iota3A_87, %sign3A_96 : vector<512x128xi32>
    %sign3A_98 = arith.extui %sign3A_97 : vector<512x128xi1> to vector<512x128xi32>
    %sign3A_99 = arith.subi %sign3A_94, %sign3A_98 : vector<512x128xi32>
    %sign3A_100 = arith.constant 0 : i32
    %sign3A_101 = arith.cmpi sgt, %jit3A_88, %sign3A_100 : i32
    %sign3A_102 = arith.extui %sign3A_101 : i1 to i32
    %sign3A_103 = arith.constant 0 : i32
    %sign3A_104 = arith.cmpi slt, %jit3A_88, %sign3A_103 : i32
    %sign3A_105 = arith.extui %sign3A_104 : i1 to i32
    %sign3A_106 = arith.subi %sign3A_102, %sign3A_105 : i32
    %ne3A_107 = vector.broadcast %sign3A_106 : i32 to vector<512x128xi32>
    %ne3A_108 = arith.cmpi ne, %sign3A_99, %ne3A_107 : vector<512x128xi32>
    %rem3A_109 = vector.broadcast %jit3A_88 : i32 to vector<512x128xi32>
    %rem3A_110 = arith.remsi %iota3A_87, %rem3A_109 : vector<512x128xi32>
    %ne3A_111 = arith.constant 0 : i32
    %ne3A_112 = vector.broadcast %ne3A_111 : i32 to vector<512x128xi32>
    %ne3A_113 = arith.cmpi ne, %rem3A_110, %ne3A_112 : vector<512x128xi32>
    %and3A_114 = arith.andi %ne3A_108, %ne3A_113 : vector<512x128xi1>
    %sub3A_115 = arith.constant 1 : i32
    %sub3A_116 = vector.broadcast %sub3A_115 : i32 to vector<512x128xi32>
    %sub3A_117 = arith.subi %div3A_90, %sub3A_116 : vector<512x128xi32>
    %select_n3A_118 = arith.select %and3A_114, %sub3A_117, %div3A_90 : vector<512x128xi1>, vector<512x128xi32>
    %iota3A_119 = tpu.iota {dimensions = array<i32: 1>} : vector<512x128xi32>
    %jit3A_120 = arith.constant 32 : i32
    %div3A_121 = vector.broadcast %jit3A_120 : i32 to vector<512x128xi32>
    %div3A_122 = arith.divsi %iota3A_119, %div3A_121 : vector<512x128xi32>
    %sign3A_123 = arith.constant 0 : i32
    %sign3A_124 = vector.broadcast %sign3A_123 : i32 to vector<512x128xi32>
    %sign3A_125 = arith.cmpi sgt, %iota3A_119, %sign3A_124 : vector<512x128xi32>
    %sign3A_126 = arith.extui %sign3A_125 : vector<512x128xi1> to vector<512x128xi32>
    %sign3A_127 = arith.constant 0 : i32
    %sign3A_128 = vector.broadcast %sign3A_127 : i32 to vector<512x128xi32>
    %sign3A_129 = arith.cmpi slt, %iota3A_119, %sign3A_128 : vector<512x128xi32>
    %sign3A_130 = arith.extui %sign3A_129 : vector<512x128xi1> to vector<512x128xi32>
    %sign3A_131 = arith.subi %sign3A_126, %sign3A_130 : vector<512x128xi32>
    %sign3A_132 = arith.constant 0 : i32
    %sign3A_133 = arith.cmpi sgt, %jit3A_120, %sign3A_132 : i32
    %sign3A_134 = arith.extui %sign3A_133 : i1 to i32
    %sign3A_135 = arith.constant 0 : i32
    %sign3A_136 = arith.cmpi slt, %jit3A_120, %sign3A_135 : i32
    %sign3A_137 = arith.extui %sign3A_136 : i1 to i32
    %sign3A_138 = arith.subi %sign3A_134, %sign3A_137 : i32
    %ne3A_139 = vector.broadcast %sign3A_138 : i32 to vector<512x128xi32>
    %ne3A_140 = arith.cmpi ne, %sign3A_131, %ne3A_139 : vector<512x128xi32>
    %rem3A_141 = vector.broadcast %jit3A_120 : i32 to vector<512x128xi32>
    %rem3A_142 = arith.remsi %iota3A_119, %rem3A_141 : vector<512x128xi32>
    %ne3A_143 = arith.constant 0 : i32
    %ne3A_144 = vector.broadcast %ne3A_143 : i32 to vector<512x128xi32>
    %ne3A_145 = arith.cmpi ne, %rem3A_142, %ne3A_144 : vector<512x128xi32>
    %and3A_146 = arith.andi %ne3A_140, %ne3A_145 : vector<512x128xi1>
    %sub3A_147 = arith.constant 1 : i32
    %sub3A_148 = vector.broadcast %sub3A_147 : i32 to vector<512x128xi32>
    %sub3A_149 = arith.subi %div3A_122, %sub3A_148 : vector<512x128xi32>
    %select_n3A_150 = arith.select %and3A_146, %sub3A_149, %div3A_122 : vector<512x128xi1>, vector<512x128xi32>
    %eq3A_151 = arith.cmpi eq, %select_n3A_118, %select_n3A_150 : vector<512x128xi32>
    %jit3A_152 = arith.constant 0.000000e+00 : f32
    %broadcast_in_dim3A_153 = vector.broadcast %jit3A_152 : f32 to vector<512x128xf32>
    %select_n3A_154 = arith.select %eq3A_151, %concatenate3A_86, %broadcast_in_dim3A_153 : vector<512x128xi1>, vector<512x128xf32>
    %dot_general3A_155 = arith.constant dense<0.000000e+00> : vector<2560x128xf32>
    %dot_general3A_156 = tpu.matmul %get3A_14, %select_n3A_154, %dot_general3A_155 {dimension_numbers = #tpu.dot_dimension_numbers<[1], [0], [0], [1], [0, 0, 1, 1], [], []>, transpose_lhs_hint = false} : vector<2560x512xf32>, vector<512x128xf32>, vector<2560x128xf32> -> vector<2560x128xf32>
    %mul3A_157 = arith.mulf %rsqrt3A, %dot_general3A_156 : vector<2560x128xf32>
    %swap3A_158 = arith.constant 1 : index
    %swap3A_159 = arith.constant 0 : index
    %swap3A_160 = arith.constant 0 : index
    %swap3A_161 = vector.load %arg3[%swap3A_158, %swap3A_159, %swap3A_160] : memref<2x2560x128xf32, #tpu.memory_space<vmem>>, vector<1x2560x128xf32>
    %swap3A_162 = vector.shape_cast %swap3A_161 : vector<1x2560x128xf32> to vector<2560x128xf32>
    %swap3A_163 = vector.shape_cast %mul3A_157 : vector<2560x128xf32> to vector<1x2560x128xf32>
    tpu.vector_store %arg3[%swap3A_158, %swap3A_159, %swap3A_160], %swap3A_163 {strides = array<i32>} : memref<2x2560x128xf32, #tpu.memory_space<vmem>>, vector<1x2560x128xf32>,
    return
  }
}

module attributes {stable_mosaic.version = 14 : i64} {
  func.func @_edges_body(%arg0: memref<2x320000xi32, #tpu.memory_space<vmem>>, %arg1: memref<327680xi32, #tpu.memory_space<vmem>>, %arg2: memref<327680xi32, #tpu.memory_space<vmem>>) attributes {dimension_semantics = [], scalar_prefetch = 0 : i64, scratch_operands = 0 : i64, tpu.core_type = #tpu.core_type<tc>} {
    %get3A = arith.constant 0 : index
    %get3A_0 = arith.constant 0 : index
    %get3A_1 = vector.load %arg0[%get3A, %get3A_0] : memref<2x320000xi32, #tpu.memory_space<vmem>>, vector<1x320000xi32>
    %get3A_2 = vector.shape_cast %get3A_1 : vector<1x320000xi32> to vector<320000xi32>
    %swap3A = arith.constant 0 : index
    %swap3A_3 = vector.load %arg1[%swap3A] : memref<327680xi32, #tpu.memory_space<vmem>>, vector<320000xi32>
    tpu.vector_store %arg1[%swap3A], %get3A_2 {strides = array<i32>} : memref<327680xi32, #tpu.memory_space<vmem>>, vector<320000xi32>,
    %get3A_4 = arith.constant 1 : index
    %get3A_5 = arith.constant 0 : index
    %get3A_6 = vector.load %arg0[%get3A_4, %get3A_5] : memref<2x320000xi32, #tpu.memory_space<vmem>>, vector<1x320000xi32>
    %get3A_7 = vector.shape_cast %get3A_6 : vector<1x320000xi32> to vector<320000xi32>
    %swap3A_8 = arith.constant 0 : index
    %swap3A_9 = vector.load %arg2[%swap3A_8] : memref<327680xi32, #tpu.memory_space<vmem>>, vector<320000xi32>
    tpu.vector_store %arg2[%swap3A_8], %get3A_7 {strides = array<i32>} : memref<327680xi32, #tpu.memory_space<vmem>>, vector<320000xi32>,
    %broadcast_in_dim3A = arith.constant 10000 : i32
    %broadcast_in_dim3A_10 = vector.broadcast %broadcast_in_dim3A : i32 to vector<7680xi32>
    %swap3A_11 = arith.constant 320000 : index
    %swap3A_12 = vector.load %arg1[%swap3A_11] : memref<327680xi32, #tpu.memory_space<vmem>>, vector<7680xi32>
    tpu.vector_store %arg1[%swap3A_11], %broadcast_in_dim3A_10 {strides = array<i32>} : memref<327680xi32, #tpu.memory_space<vmem>>, vector<7680xi32>,
    %broadcast_in_dim3A_13 = arith.constant 10239 : i32
    %broadcast_in_dim3A_14 = vector.broadcast %broadcast_in_dim3A_13 : i32 to vector<7680xi32>
    %swap3A_15 = arith.constant 320000 : index
    %swap3A_16 = vector.load %arg2[%swap3A_15] : memref<327680xi32, #tpu.memory_space<vmem>>, vector<7680xi32>
    tpu.vector_store %arg2[%swap3A_15], %broadcast_in_dim3A_14 {strides = array<i32>} : memref<327680xi32, #tpu.memory_space<vmem>>, vector<7680xi32>,
    return
  }
}

module attributes {stable_mosaic.version = 14 : i64} {
  func.func @_mid_body(%arg0: memref<2x2560x128xf32, #tpu.memory_space<vmem>>, %arg1: memref<2x2560x128xf32, #tpu.memory_space<vmem>>, %arg2: memref<2x2560x128xf32, #tpu.memory_space<vmem>>, %arg3: memref<1x64xf32, #tpu.memory_space<vmem>>, %arg4: memref<64x64xf32, #tpu.memory_space<vmem>>, %arg5: memref<2x2560x128xf32, #tpu.memory_space<vmem>>) attributes {dimension_semantics = [], scalar_prefetch = 0 : i64, scratch_operands = 0 : i64, tpu.core_type = #tpu.core_type<tc>} {
    %get3A = arith.constant 0 : index
    %get3A_0 = arith.constant 0 : index
    %get3A_1 = arith.constant 0 : index
    %get3A_2 = vector.load %arg2[%get3A, %get3A_0, %get3A_1] : memref<2x2560x128xf32, #tpu.memory_space<vmem>>, vector<1x2560x128xf32>
    %get3A_3 = vector.shape_cast %get3A_2 : vector<1x2560x128xf32> to vector<2560x128xf32>
    %get3A_4 = arith.constant 1 : index
    %get3A_5 = arith.constant 0 : index
    %get3A_6 = arith.constant 0 : index
    %get3A_7 = vector.load %arg2[%get3A_4, %get3A_5, %get3A_6] : memref<2x2560x128xf32, #tpu.memory_space<vmem>>, vector<1x2560x128xf32>
    %get3A_8 = vector.shape_cast %get3A_7 : vector<1x2560x128xf32> to vector<2560x128xf32>
    %add3A = arith.addf %get3A_3, %get3A_8 : vector<2560x128xf32>
    %add3A_9 = arith.constant 1.000000e+00 : f32
    %add3A_10 = vector.broadcast %add3A_9 : f32 to vector<2560x128xf32>
    %add3A_11 = arith.addf %add3A, %add3A_10 : vector<2560x128xf32>
    %rsqrt3A = math.rsqrt %add3A_11 : vector<2560x128xf32>
    %get3A_12 = arith.constant 0 : index
    %get3A_13 = arith.constant 0 : index
    %get3A_14 = vector.load %arg3[%get3A_12, %get3A_13] : memref<1x64xf32, #tpu.memory_space<vmem>>, vector<1x32xf32>
    %concatenate3A = tpu.concatenate %get3A_14, %get3A_14, %get3A_14, %get3A_14 in 1 : vector<1x32xf32>, vector<1x32xf32>, vector<1x32xf32>, vector<1x32xf32> -> vector<1x128xf32>
    %get3A_15 = arith.constant 0 : index
    %get3A_16 = arith.constant 0 : index
    %get3A_17 = arith.constant 0 : index
    %get3A_18 = vector.load %arg0[%get3A_15, %get3A_16, %get3A_17] : memref<2x2560x128xf32, #tpu.memory_space<vmem>>, vector<1x2560x128xf32>
    %get3A_19 = vector.shape_cast %get3A_18 : vector<1x2560x128xf32> to vector<2560x128xf32>
    %get3A_20 = arith.constant 0 : index
    %get3A_21 = arith.constant 0 : index
    %get3A_22 = arith.constant 0 : index
    %get3A_23 = vector.load %arg1[%get3A_20, %get3A_21, %get3A_22] : memref<2x2560x128xf32, #tpu.memory_space<vmem>>, vector<1x2560x128xf32>
    %get3A_24 = vector.shape_cast %get3A_23 : vector<1x2560x128xf32> to vector<2560x128xf32>
    %add3A_25 = arith.addf %get3A_19, %get3A_24 : vector<2560x128xf32>
    %mul3A = arith.mulf %rsqrt3A, %add3A_25 : vector<2560x128xf32>
    %add3A_26 = vector.broadcast %concatenate3A : vector<1x128xf32> to vector<2560x128xf32>
    %add3A_27 = arith.addf %mul3A, %add3A_26 : vector<2560x128xf32>
    %max3A = arith.constant 0.000000e+00 : f32
    %max3A_28 = vector.broadcast %max3A : f32 to vector<2560x128xf32>
    %max3A_29 = arith.maximumf %add3A_27, %max3A_28 : vector<2560x128xf32>
    %get3A_30 = arith.constant 0 : index
    %get3A_31 = arith.constant 32 : index
    %get3A_32 = vector.load %arg3[%get3A_30, %get3A_31] : memref<1x64xf32, #tpu.memory_space<vmem>>, vector<1x32xf32>
    %concatenate3A_33 = tpu.concatenate %get3A_32, %get3A_32, %get3A_32, %get3A_32 in 1 : vector<1x32xf32>, vector<1x32xf32>, vector<1x32xf32>, vector<1x32xf32> -> vector<1x128xf32>
    %get3A_34 = arith.constant 1 : index
    %get3A_35 = arith.constant 0 : index
    %get3A_36 = arith.constant 0 : index
    %get3A_37 = vector.load %arg0[%get3A_34, %get3A_35, %get3A_36] : memref<2x2560x128xf32, #tpu.memory_space<vmem>>, vector<1x2560x128xf32>
    %get3A_38 = vector.shape_cast %get3A_37 : vector<1x2560x128xf32> to vector<2560x128xf32>
    %get3A_39 = arith.constant 1 : index
    %get3A_40 = arith.constant 0 : index
    %get3A_41 = arith.constant 0 : index
    %get3A_42 = vector.load %arg1[%get3A_39, %get3A_40, %get3A_41] : memref<2x2560x128xf32, #tpu.memory_space<vmem>>, vector<1x2560x128xf32>
    %get3A_43 = vector.shape_cast %get3A_42 : vector<1x2560x128xf32> to vector<2560x128xf32>
    %add3A_44 = arith.addf %get3A_38, %get3A_43 : vector<2560x128xf32>
    %mul3A_45 = arith.mulf %rsqrt3A, %add3A_44 : vector<2560x128xf32>
    %add3A_46 = vector.broadcast %concatenate3A_33 : vector<1x128xf32> to vector<2560x128xf32>
    %add3A_47 = arith.addf %mul3A_45, %add3A_46 : vector<2560x128xf32>
    %max3A_48 = arith.constant 0.000000e+00 : f32
    %max3A_49 = vector.broadcast %max3A_48 : f32 to vector<2560x128xf32>
    %max3A_50 = arith.maximumf %add3A_47, %max3A_49 : vector<2560x128xf32>
    %broadcast_in_dim3A = arith.constant 0.000000e+00 : f32
    %broadcast_in_dim3A_51 = vector.broadcast %broadcast_in_dim3A : f32 to vector<2560x128xf32>
    %get3A_52 = arith.constant 0 : index
    %get3A_53 = arith.constant 0 : index
    %get3A_54 = vector.load %arg4[%get3A_52, %get3A_53] : memref<64x64xf32, #tpu.memory_space<vmem>>, vector<32x32xf32>
    %concatenate3A_55 = tpu.concatenate %get3A_54, %get3A_54, %get3A_54, %get3A_54 in 0 : vector<32x32xf32>, vector<32x32xf32>, vector<32x32xf32>, vector<32x32xf32> -> vector<128x32xf32>
    %concatenate3A_56 = tpu.concatenate %concatenate3A_55, %concatenate3A_55, %concatenate3A_55, %concatenate3A_55 in 1 : vector<128x32xf32>, vector<128x32xf32>, vector<128x32xf32>, vector<128x32xf32> -> vector<128x128xf32>
    %iota3A = tpu.iota {dimensions = array<i32: 0>} : vector<128x128xi32>
    %jit3A = arith.constant 32 : i32
    %div3A = vector.broadcast %jit3A : i32 to vector<128x128xi32>
    %div3A_57 = arith.divsi %iota3A, %div3A : vector<128x128xi32>
    %sign3A = arith.constant 0 : i32
    %sign3A_58 = vector.broadcast %sign3A : i32 to vector<128x128xi32>
    %sign3A_59 = arith.cmpi sgt, %iota3A, %sign3A_58 : vector<128x128xi32>
    %sign3A_60 = arith.extui %sign3A_59 : vector<128x128xi1> to vector<128x128xi32>
    %sign3A_61 = arith.constant 0 : i32
    %sign3A_62 = vector.broadcast %sign3A_61 : i32 to vector<128x128xi32>
    %sign3A_63 = arith.cmpi slt, %iota3A, %sign3A_62 : vector<128x128xi32>
    %sign3A_64 = arith.extui %sign3A_63 : vector<128x128xi1> to vector<128x128xi32>
    %sign3A_65 = arith.subi %sign3A_60, %sign3A_64 : vector<128x128xi32>
    %sign3A_66 = arith.constant 0 : i32
    %sign3A_67 = arith.cmpi sgt, %jit3A, %sign3A_66 : i32
    %sign3A_68 = arith.extui %sign3A_67 : i1 to i32
    %sign3A_69 = arith.constant 0 : i32
    %sign3A_70 = arith.cmpi slt, %jit3A, %sign3A_69 : i32
    %sign3A_71 = arith.extui %sign3A_70 : i1 to i32
    %sign3A_72 = arith.subi %sign3A_68, %sign3A_71 : i32
    %ne3A = vector.broadcast %sign3A_72 : i32 to vector<128x128xi32>
    %ne3A_73 = arith.cmpi ne, %sign3A_65, %ne3A : vector<128x128xi32>
    %rem3A = vector.broadcast %jit3A : i32 to vector<128x128xi32>
    %rem3A_74 = arith.remsi %iota3A, %rem3A : vector<128x128xi32>
    %ne3A_75 = arith.constant 0 : i32
    %ne3A_76 = vector.broadcast %ne3A_75 : i32 to vector<128x128xi32>
    %ne3A_77 = arith.cmpi ne, %rem3A_74, %ne3A_76 : vector<128x128xi32>
    %and3A = arith.andi %ne3A_73, %ne3A_77 : vector<128x128xi1>
    %sub3A = arith.constant 1 : i32
    %sub3A_78 = vector.broadcast %sub3A : i32 to vector<128x128xi32>
    %sub3A_79 = arith.subi %div3A_57, %sub3A_78 : vector<128x128xi32>
    %select_n3A = arith.select %and3A, %sub3A_79, %div3A_57 : vector<128x128xi1>, vector<128x128xi32>
    %iota3A_80 = tpu.iota {dimensions = array<i32: 1>} : vector<128x128xi32>
    %jit3A_81 = arith.constant 32 : i32
    %div3A_82 = vector.broadcast %jit3A_81 : i32 to vector<128x128xi32>
    %div3A_83 = arith.divsi %iota3A_80, %div3A_82 : vector<128x128xi32>
    %sign3A_84 = arith.constant 0 : i32
    %sign3A_85 = vector.broadcast %sign3A_84 : i32 to vector<128x128xi32>
    %sign3A_86 = arith.cmpi sgt, %iota3A_80, %sign3A_85 : vector<128x128xi32>
    %sign3A_87 = arith.extui %sign3A_86 : vector<128x128xi1> to vector<128x128xi32>
    %sign3A_88 = arith.constant 0 : i32
    %sign3A_89 = vector.broadcast %sign3A_88 : i32 to vector<128x128xi32>
    %sign3A_90 = arith.cmpi slt, %iota3A_80, %sign3A_89 : vector<128x128xi32>
    %sign3A_91 = arith.extui %sign3A_90 : vector<128x128xi1> to vector<128x128xi32>
    %sign3A_92 = arith.subi %sign3A_87, %sign3A_91 : vector<128x128xi32>
    %sign3A_93 = arith.constant 0 : i32
    %sign3A_94 = arith.cmpi sgt, %jit3A_81, %sign3A_93 : i32
    %sign3A_95 = arith.extui %sign3A_94 : i1 to i32
    %sign3A_96 = arith.constant 0 : i32
    %sign3A_97 = arith.cmpi slt, %jit3A_81, %sign3A_96 : i32
    %sign3A_98 = arith.extui %sign3A_97 : i1 to i32
    %sign3A_99 = arith.subi %sign3A_95, %sign3A_98 : i32
    %ne3A_100 = vector.broadcast %sign3A_99 : i32 to vector<128x128xi32>
    %ne3A_101 = arith.cmpi ne, %sign3A_92, %ne3A_100 : vector<128x128xi32>
    %rem3A_102 = vector.broadcast %jit3A_81 : i32 to vector<128x128xi32>
    %rem3A_103 = arith.remsi %iota3A_80, %rem3A_102 : vector<128x128xi32>
    %ne3A_104 = arith.constant 0 : i32
    %ne3A_105 = vector.broadcast %ne3A_104 : i32 to vector<128x128xi32>
    %ne3A_106 = arith.cmpi ne, %rem3A_103, %ne3A_105 : vector<128x128xi32>
    %and3A_107 = arith.andi %ne3A_101, %ne3A_106 : vector<128x128xi1>
    %sub3A_108 = arith.constant 1 : i32
    %sub3A_109 = vector.broadcast %sub3A_108 : i32 to vector<128x128xi32>
    %sub3A_110 = arith.subi %div3A_83, %sub3A_109 : vector<128x128xi32>
    %select_n3A_111 = arith.select %and3A_107, %sub3A_110, %div3A_83 : vector<128x128xi1>, vector<128x128xi32>
    %eq3A = arith.cmpi eq, %select_n3A, %select_n3A_111 : vector<128x128xi32>
    %jit3A_112 = arith.constant 0.000000e+00 : f32
    %broadcast_in_dim3A_113 = vector.broadcast %jit3A_112 : f32 to vector<128x128xf32>
    %select_n3A_114 = arith.select %eq3A, %concatenate3A_56, %broadcast_in_dim3A_113 : vector<128x128xi1>, vector<128x128xf32>
    %dot_general3A = arith.constant dense<0.000000e+00> : vector<2560x128xf32>
    %dot_general3A_115 = tpu.matmul %max3A_29, %select_n3A_114, %dot_general3A {dimension_numbers = #tpu.dot_dimension_numbers<[1], [0], [0], [1], [0, 0, 1, 1], [], []>, transpose_lhs_hint = false} : vector<2560x128xf32>, vector<128x128xf32>, vector<2560x128xf32> -> vector<2560x128xf32>
    %add3A_116 = arith.addf %broadcast_in_dim3A_51, %dot_general3A_115 : vector<2560x128xf32>
    %get3A_117 = arith.constant 32 : index
    %get3A_118 = arith.constant 0 : index
    %get3A_119 = vector.load %arg4[%get3A_117, %get3A_118] : memref<64x64xf32, #tpu.memory_space<vmem>>, vector<32x32xf32>
    %concatenate3A_120 = tpu.concatenate %get3A_119, %get3A_119, %get3A_119, %get3A_119 in 0 : vector<32x32xf32>, vector<32x32xf32>, vector<32x32xf32>, vector<32x32xf32> -> vector<128x32xf32>
    %concatenate3A_121 = tpu.concatenate %concatenate3A_120, %concatenate3A_120, %concatenate3A_120, %concatenate3A_120 in 1 : vector<128x32xf32>, vector<128x32xf32>, vector<128x32xf32>, vector<128x32xf32> -> vector<128x128xf32>
    %iota3A_122 = tpu.iota {dimensions = array<i32: 0>} : vector<128x128xi32>
    %jit3A_123 = arith.constant 32 : i32
    %div3A_124 = vector.broadcast %jit3A_123 : i32 to vector<128x128xi32>
    %div3A_125 = arith.divsi %iota3A_122, %div3A_124 : vector<128x128xi32>
    %sign3A_126 = arith.constant 0 : i32
    %sign3A_127 = vector.broadcast %sign3A_126 : i32 to vector<128x128xi32>
    %sign3A_128 = arith.cmpi sgt, %iota3A_122, %sign3A_127 : vector<128x128xi32>
    %sign3A_129 = arith.extui %sign3A_128 : vector<128x128xi1> to vector<128x128xi32>
    %sign3A_130 = arith.constant 0 : i32
    %sign3A_131 = vector.broadcast %sign3A_130 : i32 to vector<128x128xi32>
    %sign3A_132 = arith.cmpi slt, %iota3A_122, %sign3A_131 : vector<128x128xi32>
    %sign3A_133 = arith.extui %sign3A_132 : vector<128x128xi1> to vector<128x128xi32>
    %sign3A_134 = arith.subi %sign3A_129, %sign3A_133 : vector<128x128xi32>
    %sign3A_135 = arith.constant 0 : i32
    %sign3A_136 = arith.cmpi sgt, %jit3A_123, %sign3A_135 : i32
    %sign3A_137 = arith.extui %sign3A_136 : i1 to i32
    %sign3A_138 = arith.constant 0 : i32
    %sign3A_139 = arith.cmpi slt, %jit3A_123, %sign3A_138 : i32
    %sign3A_140 = arith.extui %sign3A_139 : i1 to i32
    %sign3A_141 = arith.subi %sign3A_137, %sign3A_140 : i32
    %ne3A_142 = vector.broadcast %sign3A_141 : i32 to vector<128x128xi32>
    %ne3A_143 = arith.cmpi ne, %sign3A_134, %ne3A_142 : vector<128x128xi32>
    %rem3A_144 = vector.broadcast %jit3A_123 : i32 to vector<128x128xi32>
    %rem3A_145 = arith.remsi %iota3A_122, %rem3A_144 : vector<128x128xi32>
    %ne3A_146 = arith.constant 0 : i32
    %ne3A_147 = vector.broadcast %ne3A_146 : i32 to vector<128x128xi32>
    %ne3A_148 = arith.cmpi ne, %rem3A_145, %ne3A_147 : vector<128x128xi32>
    %and3A_149 = arith.andi %ne3A_143, %ne3A_148 : vector<128x128xi1>
    %sub3A_150 = arith.constant 1 : i32
    %sub3A_151 = vector.broadcast %sub3A_150 : i32 to vector<128x128xi32>
    %sub3A_152 = arith.subi %div3A_125, %sub3A_151 : vector<128x128xi32>
    %select_n3A_153 = arith.select %and3A_149, %sub3A_152, %div3A_125 : vector<128x128xi1>, vector<128x128xi32>
    %iota3A_154 = tpu.iota {dimensions = array<i32: 1>} : vector<128x128xi32>
    %jit3A_155 = arith.constant 32 : i32
    %div3A_156 = vector.broadcast %jit3A_155 : i32 to vector<128x128xi32>
    %div3A_157 = arith.divsi %iota3A_154, %div3A_156 : vector<128x128xi32>
    %sign3A_158 = arith.constant 0 : i32
    %sign3A_159 = vector.broadcast %sign3A_158 : i32 to vector<128x128xi32>
    %sign3A_160 = arith.cmpi sgt, %iota3A_154, %sign3A_159 : vector<128x128xi32>
    %sign3A_161 = arith.extui %sign3A_160 : vector<128x128xi1> to vector<128x128xi32>
    %sign3A_162 = arith.constant 0 : i32
    %sign3A_163 = vector.broadcast %sign3A_162 : i32 to vector<128x128xi32>
    %sign3A_164 = arith.cmpi slt, %iota3A_154, %sign3A_163 : vector<128x128xi32>
    %sign3A_165 = arith.extui %sign3A_164 : vector<128x128xi1> to vector<128x128xi32>
    %sign3A_166 = arith.subi %sign3A_161, %sign3A_165 : vector<128x128xi32>
    %sign3A_167 = arith.constant 0 : i32
    %sign3A_168 = arith.cmpi sgt, %jit3A_155, %sign3A_167 : i32
    %sign3A_169 = arith.extui %sign3A_168 : i1 to i32
    %sign3A_170 = arith.constant 0 : i32
    %sign3A_171 = arith.cmpi slt, %jit3A_155, %sign3A_170 : i32
    %sign3A_172 = arith.extui %sign3A_171 : i1 to i32
    %sign3A_173 = arith.subi %sign3A_169, %sign3A_172 : i32
    %ne3A_174 = vector.broadcast %sign3A_173 : i32 to vector<128x128xi32>
    %ne3A_175 = arith.cmpi ne, %sign3A_166, %ne3A_174 : vector<128x128xi32>
    %rem3A_176 = vector.broadcast %jit3A_155 : i32 to vector<128x128xi32>
    %rem3A_177 = arith.remsi %iota3A_154, %rem3A_176 : vector<128x128xi32>
    %ne3A_178 = arith.constant 0 : i32
    %ne3A_179 = vector.broadcast %ne3A_178 : i32 to vector<128x128xi32>
    %ne3A_180 = arith.cmpi ne, %rem3A_177, %ne3A_179 : vector<128x128xi32>
    %and3A_181 = arith.andi %ne3A_175, %ne3A_180 : vector<128x128xi1>
    %sub3A_182 = arith.constant 1 : i32
    %sub3A_183 = vector.broadcast %sub3A_182 : i32 to vector<128x128xi32>
    %sub3A_184 = arith.subi %div3A_157, %sub3A_183 : vector<128x128xi32>
    %select_n3A_185 = arith.select %and3A_181, %sub3A_184, %div3A_157 : vector<128x128xi1>, vector<128x128xi32>
    %eq3A_186 = arith.cmpi eq, %select_n3A_153, %select_n3A_185 : vector<128x128xi32>
    %jit3A_187 = arith.constant 0.000000e+00 : f32
    %broadcast_in_dim3A_188 = vector.broadcast %jit3A_187 : f32 to vector<128x128xf32>
    %select_n3A_189 = arith.select %eq3A_186, %concatenate3A_121, %broadcast_in_dim3A_188 : vector<128x128xi1>, vector<128x128xf32>
    %dot_general3A_190 = arith.constant dense<0.000000e+00> : vector<2560x128xf32>
    %dot_general3A_191 = tpu.matmul %max3A_50, %select_n3A_189, %dot_general3A_190 {dimension_numbers = #tpu.dot_dimension_numbers<[1], [0], [0], [1], [0, 0, 1, 1], [], []>, transpose_lhs_hint = false} : vector<2560x128xf32>, vector<128x128xf32>, vector<2560x128xf32> -> vector<2560x128xf32>
    %add3A_192 = arith.addf %add3A_116, %dot_general3A_191 : vector<2560x128xf32>
    %mul3A_193 = arith.mulf %rsqrt3A, %add3A_192 : vector<2560x128xf32>
    %swap3A = arith.constant 0 : index
    %swap3A_194 = arith.constant 0 : index
    %swap3A_195 = arith.constant 0 : index
    %swap3A_196 = vector.load %arg5[%swap3A, %swap3A_194, %swap3A_195] : memref<2x2560x128xf32, #tpu.memory_space<vmem>>, vector<1x2560x128xf32>
    %swap3A_197 = vector.shape_cast %swap3A_196 : vector<1x2560x128xf32> to vector<2560x128xf32>
    %swap3A_198 = vector.shape_cast %mul3A_193 : vector<2560x128xf32> to vector<1x2560x128xf32>
    tpu.vector_store %arg5[%swap3A, %swap3A_194, %swap3A_195], %swap3A_198 {strides = array<i32>} : memref<2x2560x128xf32, #tpu.memory_space<vmem>>, vector<1x2560x128xf32>,
    %broadcast_in_dim3A_199 = arith.constant 0.000000e+00 : f32
    %broadcast_in_dim3A_200 = vector.broadcast %broadcast_in_dim3A_199 : f32 to vector<2560x128xf32>
    %get3A_201 = arith.constant 0 : index
    %get3A_202 = arith.constant 32 : index
    %get3A_203 = vector.load %arg4[%get3A_201, %get3A_202] : memref<64x64xf32, #tpu.memory_space<vmem>>, vector<32x32xf32>
    %concatenate3A_204 = tpu.concatenate %get3A_203, %get3A_203, %get3A_203, %get3A_203 in 0 : vector<32x32xf32>, vector<32x32xf32>, vector<32x32xf32>, vector<32x32xf32> -> vector<128x32xf32>
    %concatenate3A_205 = tpu.concatenate %concatenate3A_204, %concatenate3A_204, %concatenate3A_204, %concatenate3A_204 in 1 : vector<128x32xf32>, vector<128x32xf32>, vector<128x32xf32>, vector<128x32xf32> -> vector<128x128xf32>
    %iota3A_206 = tpu.iota {dimensions = array<i32: 0>} : vector<128x128xi32>
    %jit3A_207 = arith.constant 32 : i32
    %div3A_208 = vector.broadcast %jit3A_207 : i32 to vector<128x128xi32>
    %div3A_209 = arith.divsi %iota3A_206, %div3A_208 : vector<128x128xi32>
    %sign3A_210 = arith.constant 0 : i32
    %sign3A_211 = vector.broadcast %sign3A_210 : i32 to vector<128x128xi32>
    %sign3A_212 = arith.cmpi sgt, %iota3A_206, %sign3A_211 : vector<128x128xi32>
    %sign3A_213 = arith.extui %sign3A_212 : vector<128x128xi1> to vector<128x128xi32>
    %sign3A_214 = arith.constant 0 : i32
    %sign3A_215 = vector.broadcast %sign3A_214 : i32 to vector<128x128xi32>
    %sign3A_216 = arith.cmpi slt, %iota3A_206, %sign3A_215 : vector<128x128xi32>
    %sign3A_217 = arith.extui %sign3A_216 : vector<128x128xi1> to vector<128x128xi32>
    %sign3A_218 = arith.subi %sign3A_213, %sign3A_217 : vector<128x128xi32>
    %sign3A_219 = arith.constant 0 : i32
    %sign3A_220 = arith.cmpi sgt, %jit3A_207, %sign3A_219 : i32
    %sign3A_221 = arith.extui %sign3A_220 : i1 to i32
    %sign3A_222 = arith.constant 0 : i32
    %sign3A_223 = arith.cmpi slt, %jit3A_207, %sign3A_222 : i32
    %sign3A_224 = arith.extui %sign3A_223 : i1 to i32
    %sign3A_225 = arith.subi %sign3A_221, %sign3A_224 : i32
    %ne3A_226 = vector.broadcast %sign3A_225 : i32 to vector<128x128xi32>
    %ne3A_227 = arith.cmpi ne, %sign3A_218, %ne3A_226 : vector<128x128xi32>
    %rem3A_228 = vector.broadcast %jit3A_207 : i32 to vector<128x128xi32>
    %rem3A_229 = arith.remsi %iota3A_206, %rem3A_228 : vector<128x128xi32>
    %ne3A_230 = arith.constant 0 : i32
    %ne3A_231 = vector.broadcast %ne3A_230 : i32 to vector<128x128xi32>
    %ne3A_232 = arith.cmpi ne, %rem3A_229, %ne3A_231 : vector<128x128xi32>
    %and3A_233 = arith.andi %ne3A_227, %ne3A_232 : vector<128x128xi1>
    %sub3A_234 = arith.constant 1 : i32
    %sub3A_235 = vector.broadcast %sub3A_234 : i32 to vector<128x128xi32>
    %sub3A_236 = arith.subi %div3A_209, %sub3A_235 : vector<128x128xi32>
    %select_n3A_237 = arith.select %and3A_233, %sub3A_236, %div3A_209 : vector<128x128xi1>, vector<128x128xi32>
    %iota3A_238 = tpu.iota {dimensions = array<i32: 1>} : vector<128x128xi32>
    %jit3A_239 = arith.constant 32 : i32
    %div3A_240 = vector.broadcast %jit3A_239 : i32 to vector<128x128xi32>
    %div3A_241 = arith.divsi %iota3A_238, %div3A_240 : vector<128x128xi32>
    %sign3A_242 = arith.constant 0 : i32
    %sign3A_243 = vector.broadcast %sign3A_242 : i32 to vector<128x128xi32>
    %sign3A_244 = arith.cmpi sgt, %iota3A_238, %sign3A_243 : vector<128x128xi32>
    %sign3A_245 = arith.extui %sign3A_244 : vector<128x128xi1> to vector<128x128xi32>
    %sign3A_246 = arith.constant 0 : i32
    %sign3A_247 = vector.broadcast %sign3A_246 : i32 to vector<128x128xi32>
    %sign3A_248 = arith.cmpi slt, %iota3A_238, %sign3A_247 : vector<128x128xi32>
    %sign3A_249 = arith.extui %sign3A_248 : vector<128x128xi1> to vector<128x128xi32>
    %sign3A_250 = arith.subi %sign3A_245, %sign3A_249 : vector<128x128xi32>
    %sign3A_251 = arith.constant 0 : i32
    %sign3A_252 = arith.cmpi sgt, %jit3A_239, %sign3A_251 : i32
    %sign3A_253 = arith.extui %sign3A_252 : i1 to i32
    %sign3A_254 = arith.constant 0 : i32
    %sign3A_255 = arith.cmpi slt, %jit3A_239, %sign3A_254 : i32
    %sign3A_256 = arith.extui %sign3A_255 : i1 to i32
    %sign3A_257 = arith.subi %sign3A_253, %sign3A_256 : i32
    %ne3A_258 = vector.broadcast %sign3A_257 : i32 to vector<128x128xi32>
    %ne3A_259 = arith.cmpi ne, %sign3A_250, %ne3A_258 : vector<128x128xi32>
    %rem3A_260 = vector.broadcast %jit3A_239 : i32 to vector<128x128xi32>
    %rem3A_261 = arith.remsi %iota3A_238, %rem3A_260 : vector<128x128xi32>
    %ne3A_262 = arith.constant 0 : i32
    %ne3A_263 = vector.broadcast %ne3A_262 : i32 to vector<128x128xi32>
    %ne3A_264 = arith.cmpi ne, %rem3A_261, %ne3A_263 : vector<128x128xi32>
    %and3A_265 = arith.andi %ne3A_259, %ne3A_264 : vector<128x128xi1>
    %sub3A_266 = arith.constant 1 : i32
    %sub3A_267 = vector.broadcast %sub3A_266 : i32 to vector<128x128xi32>
    %sub3A_268 = arith.subi %div3A_241, %sub3A_267 : vector<128x128xi32>
    %select_n3A_269 = arith.select %and3A_265, %sub3A_268, %div3A_241 : vector<128x128xi1>, vector<128x128xi32>
    %eq3A_270 = arith.cmpi eq, %select_n3A_237, %select_n3A_269 : vector<128x128xi32>
    %jit3A_271 = arith.constant 0.000000e+00 : f32
    %broadcast_in_dim3A_272 = vector.broadcast %jit3A_271 : f32 to vector<128x128xf32>
    %select_n3A_273 = arith.select %eq3A_270, %concatenate3A_205, %broadcast_in_dim3A_272 : vector<128x128xi1>, vector<128x128xf32>
    %dot_general3A_274 = arith.constant dense<0.000000e+00> : vector<2560x128xf32>
    %dot_general3A_275 = tpu.matmul %max3A_29, %select_n3A_273, %dot_general3A_274 {dimension_numbers = #tpu.dot_dimension_numbers<[1], [0], [0], [1], [0, 0, 1, 1], [], []>, transpose_lhs_hint = false} : vector<2560x128xf32>, vector<128x128xf32>, vector<2560x128xf32> -> vector<2560x128xf32>
    %add3A_276 = arith.addf %broadcast_in_dim3A_200, %dot_general3A_275 : vector<2560x128xf32>
    %get3A_277 = arith.constant 32 : index
    %get3A_278 = arith.constant 32 : index
    %get3A_279 = vector.load %arg4[%get3A_277, %get3A_278] : memref<64x64xf32, #tpu.memory_space<vmem>>, vector<32x32xf32>
    %concatenate3A_280 = tpu.concatenate %get3A_279, %get3A_279, %get3A_279, %get3A_279 in 0 : vector<32x32xf32>, vector<32x32xf32>, vector<32x32xf32>, vector<32x32xf32> -> vector<128x32xf32>
    %concatenate3A_281 = tpu.concatenate %concatenate3A_280, %concatenate3A_280, %concatenate3A_280, %concatenate3A_280 in 1 : vector<128x32xf32>, vector<128x32xf32>, vector<128x32xf32>, vector<128x32xf32> -> vector<128x128xf32>
    %iota3A_282 = tpu.iota {dimensions = array<i32: 0>} : vector<128x128xi32>
    %jit3A_283 = arith.constant 32 : i32
    %div3A_284 = vector.broadcast %jit3A_283 : i32 to vector<128x128xi32>
    %div3A_285 = arith.divsi %iota3A_282, %div3A_284 : vector<128x128xi32>
    %sign3A_286 = arith.constant 0 : i32
    %sign3A_287 = vector.broadcast %sign3A_286 : i32 to vector<128x128xi32>
    %sign3A_288 = arith.cmpi sgt, %iota3A_282, %sign3A_287 : vector<128x128xi32>
    %sign3A_289 = arith.extui %sign3A_288 : vector<128x128xi1> to vector<128x128xi32>
    %sign3A_290 = arith.constant 0 : i32
    %sign3A_291 = vector.broadcast %sign3A_290 : i32 to vector<128x128xi32>
    %sign3A_292 = arith.cmpi slt, %iota3A_282, %sign3A_291 : vector<128x128xi32>
    %sign3A_293 = arith.extui %sign3A_292 : vector<128x128xi1> to vector<128x128xi32>
    %sign3A_294 = arith.subi %sign3A_289, %sign3A_293 : vector<128x128xi32>
    %sign3A_295 = arith.constant 0 : i32
    %sign3A_296 = arith.cmpi sgt, %jit3A_283, %sign3A_295 : i32
    %sign3A_297 = arith.extui %sign3A_296 : i1 to i32
    %sign3A_298 = arith.constant 0 : i32
    %sign3A_299 = arith.cmpi slt, %jit3A_283, %sign3A_298 : i32
    %sign3A_300 = arith.extui %sign3A_299 : i1 to i32
    %sign3A_301 = arith.subi %sign3A_297, %sign3A_300 : i32
    %ne3A_302 = vector.broadcast %sign3A_301 : i32 to vector<128x128xi32>
    %ne3A_303 = arith.cmpi ne, %sign3A_294, %ne3A_302 : vector<128x128xi32>
    %rem3A_304 = vector.broadcast %jit3A_283 : i32 to vector<128x128xi32>
    %rem3A_305 = arith.remsi %iota3A_282, %rem3A_304 : vector<128x128xi32>
    %ne3A_306 = arith.constant 0 : i32
    %ne3A_307 = vector.broadcast %ne3A_306 : i32 to vector<128x128xi32>
    %ne3A_308 = arith.cmpi ne, %rem3A_305, %ne3A_307 : vector<128x128xi32>
    %and3A_309 = arith.andi %ne3A_303, %ne3A_308 : vector<128x128xi1>
    %sub3A_310 = arith.constant 1 : i32
    %sub3A_311 = vector.broadcast %sub3A_310 : i32 to vector<128x128xi32>
    %sub3A_312 = arith.subi %div3A_285, %sub3A_311 : vector<128x128xi32>
    %select_n3A_313 = arith.select %and3A_309, %sub3A_312, %div3A_285 : vector<128x128xi1>, vector<128x128xi32>
    %iota3A_314 = tpu.iota {dimensions = array<i32: 1>} : vector<128x128xi32>
    %jit3A_315 = arith.constant 32 : i32
    %div3A_316 = vector.broadcast %jit3A_315 : i32 to vector<128x128xi32>
    %div3A_317 = arith.divsi %iota3A_314, %div3A_316 : vector<128x128xi32>
    %sign3A_318 = arith.constant 0 : i32
    %sign3A_319 = vector.broadcast %sign3A_318 : i32 to vector<128x128xi32>
    %sign3A_320 = arith.cmpi sgt, %iota3A_314, %sign3A_319 : vector<128x128xi32>
    %sign3A_321 = arith.extui %sign3A_320 : vector<128x128xi1> to vector<128x128xi32>
    %sign3A_322 = arith.constant 0 : i32
    %sign3A_323 = vector.broadcast %sign3A_322 : i32 to vector<128x128xi32>
    %sign3A_324 = arith.cmpi slt, %iota3A_314, %sign3A_323 : vector<128x128xi32>
    %sign3A_325 = arith.extui %sign3A_324 : vector<128x128xi1> to vector<128x128xi32>
    %sign3A_326 = arith.subi %sign3A_321, %sign3A_325 : vector<128x128xi32>
    %sign3A_327 = arith.constant 0 : i32
    %sign3A_328 = arith.cmpi sgt, %jit3A_315, %sign3A_327 : i32
    %sign3A_329 = arith.extui %sign3A_328 : i1 to i32
    %sign3A_330 = arith.constant 0 : i32
    %sign3A_331 = arith.cmpi slt, %jit3A_315, %sign3A_330 : i32
    %sign3A_332 = arith.extui %sign3A_331 : i1 to i32
    %sign3A_333 = arith.subi %sign3A_329, %sign3A_332 : i32
    %ne3A_334 = vector.broadcast %sign3A_333 : i32 to vector<128x128xi32>
    %ne3A_335 = arith.cmpi ne, %sign3A_326, %ne3A_334 : vector<128x128xi32>
    %rem3A_336 = vector.broadcast %jit3A_315 : i32 to vector<128x128xi32>
    %rem3A_337 = arith.remsi %iota3A_314, %rem3A_336 : vector<128x128xi32>
    %ne3A_338 = arith.constant 0 : i32
    %ne3A_339 = vector.broadcast %ne3A_338 : i32 to vector<128x128xi32>
    %ne3A_340 = arith.cmpi ne, %rem3A_337, %ne3A_339 : vector<128x128xi32>
    %and3A_341 = arith.andi %ne3A_335, %ne3A_340 : vector<128x128xi1>
    %sub3A_342 = arith.constant 1 : i32
    %sub3A_343 = vector.broadcast %sub3A_342 : i32 to vector<128x128xi32>
    %sub3A_344 = arith.subi %div3A_317, %sub3A_343 : vector<128x128xi32>
    %select_n3A_345 = arith.select %and3A_341, %sub3A_344, %div3A_317 : vector<128x128xi1>, vector<128x128xi32>
    %eq3A_346 = arith.cmpi eq, %select_n3A_313, %select_n3A_345 : vector<128x128xi32>
    %jit3A_347 = arith.constant 0.000000e+00 : f32
    %broadcast_in_dim3A_348 = vector.broadcast %jit3A_347 : f32 to vector<128x128xf32>
    %select_n3A_349 = arith.select %eq3A_346, %concatenate3A_281, %broadcast_in_dim3A_348 : vector<128x128xi1>, vector<128x128xf32>
    %dot_general3A_350 = arith.constant dense<0.000000e+00> : vector<2560x128xf32>
    %dot_general3A_351 = tpu.matmul %max3A_50, %select_n3A_349, %dot_general3A_350 {dimension_numbers = #tpu.dot_dimension_numbers<[1], [0], [0], [1], [0, 0, 1, 1], [], []>, transpose_lhs_hint = false} : vector<2560x128xf32>, vector<128x128xf32>, vector<2560x128xf32> -> vector<2560x128xf32>
    %add3A_352 = arith.addf %add3A_276, %dot_general3A_351 : vector<2560x128xf32>
    %mul3A_353 = arith.mulf %rsqrt3A, %add3A_352 : vector<2560x128xf32>
    %swap3A_354 = arith.constant 1 : index
    %swap3A_355 = arith.constant 0 : index
    %swap3A_356 = arith.constant 0 : index
    %swap3A_357 = vector.load %arg5[%swap3A_354, %swap3A_355, %swap3A_356] : memref<2x2560x128xf32, #tpu.memory_space<vmem>>, vector<1x2560x128xf32>
    %swap3A_358 = vector.shape_cast %swap3A_357 : vector<1x2560x128xf32> to vector<2560x128xf32>
    %swap3A_359 = vector.shape_cast %mul3A_353 : vector<2560x128xf32> to vector<1x2560x128xf32>
    tpu.vector_store %arg5[%swap3A_354, %swap3A_355, %swap3A_356], %swap3A_359 {strides = array<i32>} : memref<2x2560x128xf32, #tpu.memory_space<vmem>>, vector<1x2560x128xf32>,
    return
  }
}

module attributes {stable_mosaic.version = 14 : i64} {
  func.func @_final_body(%arg0: memref<2x2560x128xf32, #tpu.memory_space<vmem>>, %arg1: memref<2x2560x128xf32, #tpu.memory_space<vmem>>, %arg2: memref<2x2560x128xf32, #tpu.memory_space<vmem>>, %arg3: memref<1x64xf32, #tpu.memory_space<vmem>>, %arg4: memref<4x2560xi32, #tpu.memory_space<vmem>>, %arg5: memref<64x10xf32, #tpu.memory_space<vmem>>, %arg6: memref<1x10xf32, #tpu.memory_space<vmem>>, %arg7: memref<128x10xf32, #tpu.memory_space<vmem>>) attributes {dimension_semantics = [], scalar_prefetch = 0 : i64, scratch_operands = 0 : i64, tpu.core_type = #tpu.core_type<tc>} {
    %get3A = arith.constant 0 : index
    %get3A_0 = arith.constant 0 : index
    %get3A_1 = arith.constant 0 : index
    %get3A_2 = vector.load %arg2[%get3A, %get3A_0, %get3A_1] : memref<2x2560x128xf32, #tpu.memory_space<vmem>>, vector<1x2560x128xf32>
    %get3A_3 = vector.shape_cast %get3A_2 : vector<1x2560x128xf32> to vector<2560x128xf32>
    %get3A_4 = arith.constant 1 : index
    %get3A_5 = arith.constant 0 : index
    %get3A_6 = arith.constant 0 : index
    %get3A_7 = vector.load %arg2[%get3A_4, %get3A_5, %get3A_6] : memref<2x2560x128xf32, #tpu.memory_space<vmem>>, vector<1x2560x128xf32>
    %get3A_8 = vector.shape_cast %get3A_7 : vector<1x2560x128xf32> to vector<2560x128xf32>
    %add3A = arith.addf %get3A_3, %get3A_8 : vector<2560x128xf32>
    %add3A_9 = arith.constant 1.000000e+00 : f32
    %add3A_10 = vector.broadcast %add3A_9 : f32 to vector<2560x128xf32>
    %add3A_11 = arith.addf %add3A, %add3A_10 : vector<2560x128xf32>
    %rsqrt3A = math.rsqrt %add3A_11 : vector<2560x128xf32>
    %get3A_12 = arith.constant 0 : index
    %get3A_13 = arith.constant 0 : index
    %get3A_14 = vector.load %arg3[%get3A_12, %get3A_13] : memref<1x64xf32, #tpu.memory_space<vmem>>, vector<1x32xf32>
    %concatenate3A = tpu.concatenate %get3A_14, %get3A_14, %get3A_14, %get3A_14 in 1 : vector<1x32xf32>, vector<1x32xf32>, vector<1x32xf32>, vector<1x32xf32> -> vector<1x128xf32>
    %get3A_15 = arith.constant 0 : index
    %get3A_16 = arith.constant 0 : index
    %get3A_17 = arith.constant 0 : index
    %get3A_18 = vector.load %arg0[%get3A_15, %get3A_16, %get3A_17] : memref<2x2560x128xf32, #tpu.memory_space<vmem>>, vector<1x2560x128xf32>
    %get3A_19 = vector.shape_cast %get3A_18 : vector<1x2560x128xf32> to vector<2560x128xf32>
    %get3A_20 = arith.constant 0 : index
    %get3A_21 = arith.constant 0 : index
    %get3A_22 = arith.constant 0 : index
    %get3A_23 = vector.load %arg1[%get3A_20, %get3A_21, %get3A_22] : memref<2x2560x128xf32, #tpu.memory_space<vmem>>, vector<1x2560x128xf32>
    %get3A_24 = vector.shape_cast %get3A_23 : vector<1x2560x128xf32> to vector<2560x128xf32>
    %add3A_25 = arith.addf %get3A_19, %get3A_24 : vector<2560x128xf32>
    %mul3A = arith.mulf %rsqrt3A, %add3A_25 : vector<2560x128xf32>
    %add3A_26 = vector.broadcast %concatenate3A : vector<1x128xf32> to vector<2560x128xf32>
    %add3A_27 = arith.addf %mul3A, %add3A_26 : vector<2560x128xf32>
    %max3A = arith.constant 0.000000e+00 : f32
    %max3A_28 = vector.broadcast %max3A : f32 to vector<2560x128xf32>
    %max3A_29 = arith.maximumf %add3A_27, %max3A_28 : vector<2560x128xf32>
    %get3A_30 = arith.constant 0 : index
    %get3A_31 = arith.constant 32 : index
    %get3A_32 = vector.load %arg3[%get3A_30, %get3A_31] : memref<1x64xf32, #tpu.memory_space<vmem>>, vector<1x32xf32>
    %concatenate3A_33 = tpu.concatenate %get3A_32, %get3A_32, %get3A_32, %get3A_32 in 1 : vector<1x32xf32>, vector<1x32xf32>, vector<1x32xf32>, vector<1x32xf32> -> vector<1x128xf32>
    %get3A_34 = arith.constant 1 : index
    %get3A_35 = arith.constant 0 : index
    %get3A_36 = arith.constant 0 : index
    %get3A_37 = vector.load %arg0[%get3A_34, %get3A_35, %get3A_36] : memref<2x2560x128xf32, #tpu.memory_space<vmem>>, vector<1x2560x128xf32>
    %get3A_38 = vector.shape_cast %get3A_37 : vector<1x2560x128xf32> to vector<2560x128xf32>
    %get3A_39 = arith.constant 1 : index
    %get3A_40 = arith.constant 0 : index
    %get3A_41 = arith.constant 0 : index
    %get3A_42 = vector.load %arg1[%get3A_39, %get3A_40, %get3A_41] : memref<2x2560x128xf32, #tpu.memory_space<vmem>>, vector<1x2560x128xf32>
    %get3A_43 = vector.shape_cast %get3A_42 : vector<1x2560x128xf32> to vector<2560x128xf32>
    %add3A_44 = arith.addf %get3A_38, %get3A_43 : vector<2560x128xf32>
    %mul3A_45 = arith.mulf %rsqrt3A, %add3A_44 : vector<2560x128xf32>
    %add3A_46 = vector.broadcast %concatenate3A_33 : vector<1x128xf32> to vector<2560x128xf32>
    %add3A_47 = arith.addf %mul3A_45, %add3A_46 : vector<2560x128xf32>
    %max3A_48 = arith.constant 0.000000e+00 : f32
    %max3A_49 = vector.broadcast %max3A_48 : f32 to vector<2560x128xf32>
    %max3A_50 = arith.maximumf %add3A_47, %max3A_49 : vector<2560x128xf32>
    %iota3A = tpu.iota {dimensions = array<i32: 0>} : vector<128x2560xi32>
    %broadcast_in_dim3A = arith.constant 0.000000e+00 : f32
    %broadcast_in_dim3A_51 = vector.broadcast %broadcast_in_dim3A : f32 to vector<128x1xf32>
    %get3A_52 = arith.constant 0 : index
    %get3A_53 = arith.constant 0 : index
    %get3A_54 = vector.load %arg4[%get3A_52, %get3A_53] : memref<4x2560xi32, #tpu.memory_space<vmem>>, vector<1x2560xi32>
    %eq3A = vector.broadcast %get3A_54 : vector<1x2560xi32> to vector<128x2560xi32>
    %eq3A_55 = arith.cmpi eq, %iota3A, %eq3A : vector<128x2560xi32>
    %convert_element_type3A = arith.extui %eq3A_55 : vector<128x2560xi1> to vector<128x2560xi32>
    %convert_element_type3A_56 = arith.sitofp %convert_element_type3A : vector<128x2560xi32> to vector<128x2560xf32>
    %slice3A = vector.extract_strided_slice %max3A_29 {offsets = [0, 0], sizes = [2560, 32], strides = [1, 1]} : vector<2560x128xf32> to vector<2560x32xf32>
    %dot_general3A = arith.constant dense<0.000000e+00> : vector<128x32xf32>
    %dot_general3A_57 = tpu.matmul %convert_element_type3A_56, %slice3A, %dot_general3A {dimension_numbers = #tpu.dot_dimension_numbers<[1], [0], [0], [1], [0, 0, 1, 1], [], []>, transpose_lhs_hint = false} : vector<128x2560xf32>, vector<2560x32xf32>, vector<128x32xf32> -> vector<128x32xf32>
    %slice3A_58 = vector.extract_strided_slice %max3A_50 {offsets = [0, 0], sizes = [2560, 32], strides = [1, 1]} : vector<2560x128xf32> to vector<2560x32xf32>
    %dot_general3A_59 = arith.constant dense<0.000000e+00> : vector<128x32xf32>
    %dot_general3A_60 = tpu.matmul %convert_element_type3A_56, %slice3A_58, %dot_general3A_59 {dimension_numbers = #tpu.dot_dimension_numbers<[1], [0], [0], [1], [0, 0, 1, 1], [], []>, transpose_lhs_hint = false} : vector<128x2560xf32>, vector<2560x32xf32>, vector<128x32xf32> -> vector<128x32xf32>
    %reduce_sum3A = arith.constant dense<0.000000e+00> : vector<128xf32>
    %reduce_sum3A_61 = vector.multi_reduction <add>, %convert_element_type3A_56, %reduce_sum3A [1] : vector<128x2560xf32> to vector<128xf32>
    %broadcast_in_dim3A_62 = vector.shape_cast %reduce_sum3A_61 : vector<128xf32> to vector<128x1xf32>
    %add3A_63 = arith.addf %broadcast_in_dim3A_51, %broadcast_in_dim3A_62 : vector<128x1xf32>
    %get3A_64 = arith.constant 1 : index
    %get3A_65 = arith.constant 0 : index
    %get3A_66 = vector.load %arg4[%get3A_64, %get3A_65] : memref<4x2560xi32, #tpu.memory_space<vmem>>, vector<1x2560xi32>
    %eq3A_67 = vector.broadcast %get3A_66 : vector<1x2560xi32> to vector<128x2560xi32>
    %eq3A_68 = arith.cmpi eq, %iota3A, %eq3A_67 : vector<128x2560xi32>
    %convert_element_type3A_69 = arith.extui %eq3A_68 : vector<128x2560xi1> to vector<128x2560xi32>
    %convert_element_type3A_70 = arith.sitofp %convert_element_type3A_69 : vector<128x2560xi32> to vector<128x2560xf32>
    %slice3A_71 = vector.extract_strided_slice %max3A_29 {offsets = [0, 32], sizes = [2560, 32], strides = [1, 1]} : vector<2560x128xf32> to vector<2560x32xf32>
    %dot_general3A_72 = arith.constant dense<0.000000e+00> : vector<128x32xf32>
    %dot_general3A_73 = tpu.matmul %convert_element_type3A_70, %slice3A_71, %dot_general3A_72 {dimension_numbers = #tpu.dot_dimension_numbers<[1], [0], [0], [1], [0, 0, 1, 1], [], []>, transpose_lhs_hint = false} : vector<128x2560xf32>, vector<2560x32xf32>, vector<128x32xf32> -> vector<128x32xf32>
    %slice3A_74 = vector.extract_strided_slice %max3A_50 {offsets = [0, 32], sizes = [2560, 32], strides = [1, 1]} : vector<2560x128xf32> to vector<2560x32xf32>
    %dot_general3A_75 = arith.constant dense<0.000000e+00> : vector<128x32xf32>
    %dot_general3A_76 = tpu.matmul %convert_element_type3A_70, %slice3A_74, %dot_general3A_75 {dimension_numbers = #tpu.dot_dimension_numbers<[1], [0], [0], [1], [0, 0, 1, 1], [], []>, transpose_lhs_hint = false} : vector<128x2560xf32>, vector<2560x32xf32>, vector<128x32xf32> -> vector<128x32xf32>
    %reduce_sum3A_77 = arith.constant dense<0.000000e+00> : vector<128xf32>
    %reduce_sum3A_78 = vector.multi_reduction <add>, %convert_element_type3A_70, %reduce_sum3A_77 [1] : vector<128x2560xf32> to vector<128xf32>
    %broadcast_in_dim3A_79 = vector.shape_cast %reduce_sum3A_78 : vector<128xf32> to vector<128x1xf32>
    %add3A_80 = arith.addf %add3A_63, %broadcast_in_dim3A_79 : vector<128x1xf32>
    %get3A_81 = arith.constant 2 : index
    %get3A_82 = arith.constant 0 : index
    %get3A_83 = vector.load %arg4[%get3A_81, %get3A_82] : memref<4x2560xi32, #tpu.memory_space<vmem>>, vector<1x2560xi32>
    %eq3A_84 = vector.broadcast %get3A_83 : vector<1x2560xi32> to vector<128x2560xi32>
    %eq3A_85 = arith.cmpi eq, %iota3A, %eq3A_84 : vector<128x2560xi32>
    %convert_element_type3A_86 = arith.extui %eq3A_85 : vector<128x2560xi1> to vector<128x2560xi32>
    %convert_element_type3A_87 = arith.sitofp %convert_element_type3A_86 : vector<128x2560xi32> to vector<128x2560xf32>
    %slice3A_88 = vector.extract_strided_slice %max3A_29 {offsets = [0, 64], sizes = [2560, 32], strides = [1, 1]} : vector<2560x128xf32> to vector<2560x32xf32>
    %dot_general3A_89 = arith.constant dense<0.000000e+00> : vector<128x32xf32>
    %dot_general3A_90 = tpu.matmul %convert_element_type3A_87, %slice3A_88, %dot_general3A_89 {dimension_numbers = #tpu.dot_dimension_numbers<[1], [0], [0], [1], [0, 0, 1, 1], [], []>, transpose_lhs_hint = false} : vector<128x2560xf32>, vector<2560x32xf32>, vector<128x32xf32> -> vector<128x32xf32>
    %slice3A_91 = vector.extract_strided_slice %max3A_50 {offsets = [0, 64], sizes = [2560, 32], strides = [1, 1]} : vector<2560x128xf32> to vector<2560x32xf32>
    %dot_general3A_92 = arith.constant dense<0.000000e+00> : vector<128x32xf32>
    %dot_general3A_93 = tpu.matmul %convert_element_type3A_87, %slice3A_91, %dot_general3A_92 {dimension_numbers = #tpu.dot_dimension_numbers<[1], [0], [0], [1], [0, 0, 1, 1], [], []>, transpose_lhs_hint = false} : vector<128x2560xf32>, vector<2560x32xf32>, vector<128x32xf32> -> vector<128x32xf32>
    %reduce_sum3A_94 = arith.constant dense<0.000000e+00> : vector<128xf32>
    %reduce_sum3A_95 = vector.multi_reduction <add>, %convert_element_type3A_87, %reduce_sum3A_94 [1] : vector<128x2560xf32> to vector<128xf32>
    %broadcast_in_dim3A_96 = vector.shape_cast %reduce_sum3A_95 : vector<128xf32> to vector<128x1xf32>
    %add3A_97 = arith.addf %add3A_80, %broadcast_in_dim3A_96 : vector<128x1xf32>
    %get3A_98 = arith.constant 3 : index
    %get3A_99 = arith.constant 0 : index
    %get3A_100 = vector.load %arg4[%get3A_98, %get3A_99] : memref<4x2560xi32, #tpu.memory_space<vmem>>, vector<1x2560xi32>
    %eq3A_101 = vector.broadcast %get3A_100 : vector<1x2560xi32> to vector<128x2560xi32>
    %eq3A_102 = arith.cmpi eq, %iota3A, %eq3A_101 : vector<128x2560xi32>
    %convert_element_type3A_103 = arith.extui %eq3A_102 : vector<128x2560xi1> to vector<128x2560xi32>
    %convert_element_type3A_104 = arith.sitofp %convert_element_type3A_103 : vector<128x2560xi32> to vector<128x2560xf32>
    %slice3A_105 = vector.extract_strided_slice %max3A_29 {offsets = [0, 96], sizes = [2560, 32], strides = [1, 1]} : vector<2560x128xf32> to vector<2560x32xf32>
    %dot_general3A_106 = arith.constant dense<0.000000e+00> : vector<128x32xf32>
    %dot_general3A_107 = tpu.matmul %convert_element_type3A_104, %slice3A_105, %dot_general3A_106 {dimension_numbers = #tpu.dot_dimension_numbers<[1], [0], [0], [1], [0, 0, 1, 1], [], []>, transpose_lhs_hint = false} : vector<128x2560xf32>, vector<2560x32xf32>, vector<128x32xf32> -> vector<128x32xf32>
    %slice3A_108 = vector.extract_strided_slice %max3A_50 {offsets = [0, 96], sizes = [2560, 32], strides = [1, 1]} : vector<2560x128xf32> to vector<2560x32xf32>
    %dot_general3A_109 = arith.constant dense<0.000000e+00> : vector<128x32xf32>
    %dot_general3A_110 = tpu.matmul %convert_element_type3A_104, %slice3A_108, %dot_general3A_109 {dimension_numbers = #tpu.dot_dimension_numbers<[1], [0], [0], [1], [0, 0, 1, 1], [], []>, transpose_lhs_hint = false} : vector<128x2560xf32>, vector<2560x32xf32>, vector<128x32xf32> -> vector<128x32xf32>
    %reduce_sum3A_111 = arith.constant dense<0.000000e+00> : vector<128xf32>
    %reduce_sum3A_112 = vector.multi_reduction <add>, %convert_element_type3A_104, %reduce_sum3A_111 [1] : vector<128x2560xf32> to vector<128xf32>
    %broadcast_in_dim3A_113 = vector.shape_cast %reduce_sum3A_112 : vector<128xf32> to vector<128x1xf32>
    %add3A_114 = arith.addf %add3A_97, %broadcast_in_dim3A_113 : vector<128x1xf32>
    %add3A_115 = arith.addf %dot_general3A_57, %dot_general3A_73 : vector<128x32xf32>
    %add3A_116 = arith.addf %add3A_115, %dot_general3A_90 : vector<128x32xf32>
    %add3A_117 = arith.addf %add3A_116, %dot_general3A_107 : vector<128x32xf32>
    %add3A_118 = arith.addf %dot_general3A_60, %dot_general3A_76 : vector<128x32xf32>
    %add3A_119 = arith.addf %add3A_118, %dot_general3A_93 : vector<128x32xf32>
    %add3A_120 = arith.addf %add3A_119, %dot_general3A_110 : vector<128x32xf32>
    %concatenate3A_121 = tpu.concatenate %add3A_117, %add3A_120 in 1 : vector<128x32xf32>, vector<128x32xf32> -> vector<128x64xf32>
    %max3A_122 = arith.constant 1.000000e+00 : f32
    %max3A_123 = vector.broadcast %max3A_122 : f32 to vector<128x1xf32>
    %max3A_124 = arith.maximumf %add3A_114, %max3A_123 : vector<128x1xf32>
    %div3A = vector.broadcast %max3A_124 : vector<128x1xf32> to vector<128x64xf32>
    %div3A_125 = arith.divf %concatenate3A_121, %div3A : vector<128x64xf32>
    %get3A_126 = arith.constant 0 : index
    %get3A_127 = arith.constant 0 : index
    %get3A_128 = vector.load %arg5[%get3A_126, %get3A_127] : memref<64x10xf32, #tpu.memory_space<vmem>>, vector<64x10xf32>
    %dot_general3A_129 = arith.constant dense<0.000000e+00> : vector<128x10xf32>
    %dot_general3A_130 = tpu.matmul %div3A_125, %get3A_128, %dot_general3A_129 {dimension_numbers = #tpu.dot_dimension_numbers<[1], [0], [0], [1], [0, 0, 1, 1], [], []>, transpose_lhs_hint = false} : vector<128x64xf32>, vector<64x10xf32>, vector<128x10xf32> -> vector<128x10xf32>
    %get3A_131 = arith.constant 0 : index
    %get3A_132 = arith.constant 0 : index
    %get3A_133 = vector.load %arg6[%get3A_131, %get3A_132] : memref<1x10xf32, #tpu.memory_space<vmem>>, vector<1x10xf32>
    %add3A_134 = vector.broadcast %get3A_133 : vector<1x10xf32> to vector<128x10xf32>
    %add3A_135 = arith.addf %dot_general3A_130, %add3A_134 : vector<128x10xf32>
    %swap3A = arith.constant 0 : index
    %swap3A_136 = arith.constant 0 : index
    %swap3A_137 = vector.load %arg7[%swap3A, %swap3A_136] : memref<128x10xf32, #tpu.memory_space<vmem>>, vector<128x10xf32>
    tpu.vector_store %arg7[%swap3A, %swap3A_136], %add3A_135 {strides = array<i32>} : memref<128x10xf32, #tpu.memory_space<vmem>>, vector<128x10xf32>,
    return
  }
}

</mosaic_0001>

<sc_bundles>
// kernel: kernel.11.cloned.1.call-start
scs
__scs_entry_jumppad:
0x0: {  	(pc) =	sbr.rel $0x88, $3  }
0x1: {  	(tag) =	ssettag $0x0;
	lr =	simm.s32 $0x1  }
0x2: {  	[smem:$0x3F96] =	sst lr;
	_ =	strace $0xD0000000  }
0x3: {  	_ = 	snop  }
0x4: {  	_ = 	snop  }
0x5: {  	_ = 	snop  }
0x6: {  	_ = 	snop  }
0x7: {  	_ = 	snop  }
__scs_overlays_trampoline_lowered:
0x8: {  	[smem:$0x3FA5] =	sst s0  }
0x9: {  	[smem:$0x3FA6] =	sst s1  }
0xa: {  	[smem:$0x3FA7] =	sst s2  }
0xb: {  	[smem:$0x3FA8] =	sst s3  }
0xc: {  	[smem:$0x3FA9] =	sst s4  }
0xd: {  	[smem:$0x3FAA] =	sst s5  }
0xe: {  	[smem:$0x3FAB] =	sst s6  }
0xf: {  	[smem:$0x3FAC] =	sst s7  }
0x10: {  	[smem:$0x3FAD] =	sst s8  }
0x11: {  	[smem:$0x3FAE] =	sst s9;
	s0 =	simm.s32 @!p0 $0x0  }
0x12: {  	s1 =	sld [smem:$0x3F94];
	s0 =	simm.s32 @p0 $0x1  }
0x13: {  	[smem:$0x3FAF] =	sst s0;
	s0 =	simm.s32 @!p1 $0x0  }
0x14: {  	s2 =	sld [smem:$0x3F93];
	s0 =	simm.s32 @p1 $0x1  }
0x15: {  	[smem:$0x3FB0] =	sst s0;
	s0 =	simm.s32 @!p2 $0x0  }
0x16: {  	s3 =	sld [smem:$0x3FDB];
	s0 =	simm.s32 @p2 $0x1  }
0x17: {  	s4 =	simm.s32 $0x1BF5;
	[smem:$0x3FB2] =	sst s0  }
0x18: {  	s0 =	sld [smem:$0x3F95];
	_ =	swait.ge [sflag:s4], $0x0  }
0x19: {  	s7 =	sld [smem:$0x3F96]  }
0x1a: {  	s8 =	sadd.s32 $0xFFFFE003, lr  }
0x1b: {  	s9 =	sadd.s32 $0xFFFFFEF7, lr;
	s5 =	simm.s32 $0xFFFFFFFF;
	p2 =	slt.u32 s8, $0xFFFFF086  }
0x1c: {  	p1 =	slt.u32 s9, $0xF7A;
	s5 =	simm.s32 @!p2 $0x0  }
0x1d: {  	s5 =	simm.s32 @p1 $0x1;
	p0 =	seq.s32 s7, s2  }
0x1e: {  	s7 =	smul.u32 @!p0 $0xF7A, s2;
	p2 =	seq.s32 @!p0 s5, $0x0  }
0x1f: {  	s9 =	smul.u32 $0xF7A, s1;
	s8 =	simm.s32 @!p0 $0x1BF5;
	p2 =	por !p2, p0  }
0x20: {  	[sflag:s8] =	ssyncset.s32 @!p0 $0xFFFFF086;
	s6 =	sadd.s32 @!p0 s3, s7;
	s7 =	simm.s32 @!p0 $0x108  }
0x21: {  	s3 =	sadd.s32 s3, s9;
	s6 =	sadd.s32 @!p0 $0x88, s6;
	s7 =	simm.s32 @p2 $0x1082  }
0x22: {  	[simem:s7], [sflag:s8] =	dma.local @!p0 [hbm:s6], $0xF7A  }
0x23: {  	s9 =	sor.u32 $0xD0000000, s2;
	s6 =	simm.s32 $0x108;
	_ =	swait.ge @!p0 [sflag:s8], $0x0  }
0x24: {  	s3 =	sadd.s32 $0x88, s3;
	s6 =	simm.s32 @!p1 $0x1082;
	[sflag:s4] =	ssyncset.s32 $0xFFFFF086  }
0x25: {  	[simem:s6], [sflag:s4] =	dma.local [hbm:s3], $0xF7A  }
0x26: {  	[smem:$0x3F96] =	sst s1;
	(tag) =	ssettag s2;
	_ =	strace s9  }
0x27: {  	s1 =	sld [smem:$0x3FA6]  }
0x28: {  	s2 =	sld [smem:$0x3FA7]  }
0x29: {  	s4 =	sld [smem:$0x3FA9]  }
0x2a: {  	p0 =	seq.s32 s5, $0x0;
	s5 =	sld [smem:$0x3FAA]  }
0x2b: {  	s6 =	sld [smem:$0x3FAB]  }
0x2c: {  	s7 =	sld [smem:$0x3FAC]  }
0x2d: {  	s3 =	simm.s32 $0x108;
	s8 =	sld [smem:$0x3FAD]  }
0x2e: {  	s3 =	simm.s32 @!p0 $0x1082;
	s9 =	sld [smem:$0x3FAE]  }
0x2f: {  	lr =	sadd.s32 s0, s3;
	s0 =	sld [smem:$0x3FA5]  }
0x30: {  	s3 =	sld [smem:$0x3FA8]  }
0x31: {  	[smem:$0x3FB1] =	sst s10  }
0x32: {  	s10 =	sld [smem:$0x3FAF];
	_ =	sdelay $0x3  }
0x33: {  	p0 =	seq.s32 s10, $0x1;
	s10 =	sld [smem:$0x3FB1];
	_ =	sdelay $0x3  }
0x34: {  	[smem:$0x3FB1] =	sst s10  }
0x35: {  	s10 =	sld [smem:$0x3FB0];
	_ =	sdelay $0x3  }
0x36: {  	p1 =	seq.s32 s10, $0x1;
	s10 =	sld [smem:$0x3FB1];
	_ =	sdelay $0x3  }
0x37: {  	[smem:$0x3FB1] =	sst s10  }
0x38: {  	s10 =	sld [smem:$0x3FB2]  }
0x39: {  	_ = 	snop;
	(pc) =	sbr.ind lr, $3  }
0x3a: {  	_ = 	snop  }
0x3b: {  	_ = 	snop  }
0x3c: {  	p2 =	seq.s32 s10, $0x1;
	s10 =	sld [smem:$0x3FB1]  }
0x3d: {  	_ =	shalt  }
0x3e: {  	_ =	shalt  }
0x3f: {  	_ =	shalt  }
0x40: {  	_ =	shalt  }
0x41: {  	_ =	shalt  }
0x42: {  	_ =	shalt  }
0x43: {  	_ =	shalt  }
0x44: {  	_ =	shalt  }
0x45: {  	_ =	shalt  }
0x46: {  	_ =	shalt  }
0x47: {  	_ =	shalt  }
0x48: {  	_ =	shalt  }
0x49: {  	_ =	shalt  }
0x4a: {  	_ =	shalt  }
0x4b: {  	_ =	shalt  }
0x4c: {  	_ =	shalt  }
0x4d: {  	_ =	shalt  }
0x4e: {  	_ =	shalt  }
0x4f: {  	_ =	shalt  }
0x50: {  	_ =	shalt  }
0x51: {  	_ =	shalt  }
0x52: {  	_ =	shalt  }
0x53: {  	_ =	shalt  }
0x54: {  	_ =	shalt  }
0x55: {  	_ =	shalt  }
0x56: {  	_ =	shalt  }
0x57: {  	_ =	shalt  }
0x58: {  	_ =	shalt  }
0x59: {  	_ =	shalt  }
0x5a: {  	_ =	shalt  }
0x5b: {  	_ =	shalt  }
0x5c: {  	_ =	shalt  }
0x5d: {  	_ =	shalt  }
0x5e: {  	_ =	shalt  }
0x5f: {  	_ =	shalt  }
0x60: {  	_ =	shalt  }
0x61: {  	_ =	shalt  }
0x62: {  	_ =	shalt  }
0x63: {  	_ =	shalt  }
0x64: {  	_ =	shalt  }
0x65: {  	_ =	shalt  }
0x66: {  	_ =	shalt  }
0x67: {  	_ =	shalt  }
0x68: {  	_ =	shalt  }
0x69: {  	_ =	shalt  }
0x6a: {  	_ =	shalt  }
0x6b: {  	_ =	shalt  }
0x6c: {  	_ =	shalt  }
0x6d: {  	_ =	shalt  }
0x6e: {  	_ =	shalt  }
0x6f: {  	_ =	shalt  }
0x70: {  	_ =	shalt  }
0x71: {  	_ =	shalt  }
0x72: {  	_ =	shalt  }
0x73: {  	_ =	shalt  }
0x74: {  	_ =	shalt  }
0x75: {  	_ =	shalt  }
0x76: {  	_ =	shalt  }
0x77: {  	_ =	shalt  }
0x78: {  	_ =	shalt  }
0x79: {  	_ =	shalt  }
0x7a: {  	_ =	shalt  }
0x7b: {  	_ =	shalt  }
0x7c: {  	_ =	shalt  }
0x7d: {  	_ =	shalt  }
0x7e: {  	_ =	shalt  }
0x7f: {  	_ =	shalt  }
0x80: {  	_ =	shalt  }
0x81: {  	_ =	shalt  }
0x82: {  	_ =	shalt  }
0x83: {  	_ =	shalt  }
0x84: {  	_ =	shalt  }
0x85: {  	_ =	shalt  }
0x86: {  	_ =	shalt  }
0x87: {  	_ =	shalt  }
.Lfunc_end0:
.L_simem_size_0:
called_computation_lowered:
.L_overlay_start_0:
0x88: {  	s2 =	sld [smem:$0x3FD9]  }
0x89: {  	s3 =	sld [smem:$0x3FFE];
	_ =	sdelay $0x1  }
0x8a: {  	s1 =	srdreg.scid  }
0x8b: {  	s0 =	sand.u32 $0x1, s1  }
0x8c: {  	s16 =	sshll.u32 s0, $0xA;
	s2 =	sadd.s32 s3, s2  }
0x8d: {  	s2 =	sadd.s32 s2, s16  }
0x8e: {  	[smem:$0x3FBD] =	sst s2  }
0x8f: {  	_ = 	snop  }
0x90: {  	(tm) =	ssettm $0x1  }
0x91: {  	s17 =	sld [smem:$0x3FFB];
	_ =	sdelay $0x3  }
0x92: {  	_ =	strace s17  }
0x93: {  	s2 =	sld [smem:$0x3FFC];
	_ =	sdelay $0x3  }
0x94: {  	_ =	strace s2  }
0x95: {  	s2 =	sld [smem:$0x3FFD];
	_ =	sdelay $0x3  }
0x96: {  	_ =	strace s2  }
0x97: {  	_ =	strace $0x8FFFFFFF  }
0x98: {  	s18 =	sld [smem:$0x3FDB];
	_ =	sdelay $0x1  }
0x99: {  	s19 =	simm.s32 $_scs_section_size  }
0x9a: {  	s4 =	simm.s32 $_size__tile_overlayer_lowered;
	s5 =	simm.s32 $_tile_overlayer_lowered  }
0x9b: {  	s22 =	simm.s32 $0x1BFF;
	s21 =	sshll.u32 s5, $0x1;
	s2 =	sadd.s32 s19, s18  }
0x9c: {  	s6 =	simm.s32 $0x0;
	s20 =	sshll.u32 s4, $0x1;
	s4 =	sadd.s32 s21, s2  }
0x9d: {  	[timem:s6], [sflag:s22] =	dma.local [hbm:s4], s20  }
0x9e: {  	_ =	swait.ge [sflag:s22], s20  }
0x9f: {  	s3 =	ssub.s32 $0x0, s20;
	[sflag:s22] =	ssyncset.done $0x0  }
0xa0: {  	[sflag:s22] =	ssyncadd.s32 s3;
	_ =	sdelay $0x1  }
0xa1: {  	s23 =	simm.s32 $0x1B8B  }
0xa2: {  	_ =	swait.ge [sflag:s23], $0x1  }
0xa3: {  	[sflag:s23] =	ssyncset.done $0x0  }
0xa4: {  	s25 =	simm.s32 $0x1B8E;
	s24 =	sld [smem:$0x3FFE];
	[sflag:s23] =	ssyncadd.s32 $0xFFFFFFFF  }
0xa5: {  	s26 =	simm.s32 $execute0_lowered;
	[smem:$0x3FD2] =	sst s25  }
0xa6: {  	s4 =	sshll.u32 s26, $0x1;
	_ =	strace $0x80000046;
	[dreg:$0x1] =	wrdreg $0xFFFFFFFF  }
0xa7: {  	s28 =	simm.s32 $_size_execute0_lowered;
	s2 =	sadd.s32 s2, s4;
	[dreg:$0x0] =	wrdreg $0x0  }
0xa8: {  	s4 =	sshll.u32 s28, $0x1;
	[dreg:$0x2] =	wrdreg s2  }
0xa9: {  	[dreg:$0x3] =	wrdreg s4  }
0xaa: {  	[dreg:$0x4] =	wrdreg $0xC0  }
0xab: {  	_ =	task [dreg:s6], $0x5FFFF  }
0xac: {  	[dreg:$0x1] =	wrdreg $0xFFFFFFFF  }
0xad: {  	[dreg:$0x0] =	wrdreg $0x60  }
0xae: {  	[dreg:$0x2] =	wrdreg s24  }
0xaf: {  	[dreg:$0x3] =	wrdreg $0xCF800  }
0xb0: {  	[dreg:$0x4] =	wrdreg $0x9  }
0xb1: {  	_ =	task.clear_ibuf [dreg:s6], $0x5FFFF;
	_ =	strace $0x90000046  }
0xb2: {  	s29 =	simm.s32 $0x9;
	_ =	strace $0x80000048  }
0xb3: {  	_ =	swait.ge [sflag:s29], $0x1  }
0xb4: {  	[sflag:s29] =	ssyncadd.s32 $0xFFFFFFFF  }
0xb5: {  	_ =	strace $0x90000048  }
0xb6: {  	_ =	sfence  }
0xb7: {  	s30 =	sld [smem:$0x0];
	_ =	sdelay $0x2  }
0xb8: {  	s31 =	sshll.u32 s1, $0xD;
	s1 =	sshrl.u32 s1, $0x2  }
0xb9: {  	s3 =	sand.u32 $0x4000, s31;
	s1 =	sadd.s32 s1, s30  }
0xba: {  	s0 =	sor.u32 s3, s0;
	s1 =	sshll.u32 s1, $0x11  }
0xbb: {  	s0 =	sor.u32 s1, s0  }
0xbc: {  	s0 =	sadd.s32 $0x8F2B, s0  }
0xbd: {  	[sflag:s0] =	ssyncadd.remote.s32 $0x1  }
0xbe: {  	_ =	sfence.sel $0xFFFF  }
0xbf: {  	[dreg:$0x0] =	wrdreg $0xFFFFFFFF;
	(pc) =	sbr.abs _section_cstart, $3  }
0xc0: {  	[dreg:$0x1] =	wrdreg $0xFFFFFFFF  }
0xc1: {  	_ =	task.clear_ibuf [dreg:s6], $0x2FFFF;
	_ =	strace $0x9FFFFFFF  }
0xc2: {  	(tm) =	ssettm $0x7FFFFFFF  }
0xc3: {  	_ =	shalt  }
tec
execute0_lowered:
.L_overlay_start_1:
0x0: {  	(tag) =	ssettag $0x1  }
0x1: {  	s4 =	rddreg [dreg:$0x0]  }
0x2: {  	s2 =	rddreg [dreg:$0x1]  }
0x3: {  	s0 =	stileid.u32;
	s6 =	srdreg.scid  }
0x4: {  	s1 =	rddreg [dreg:$0x2];
	s3 =	simm.s32 $0x0;
	s12 =	simm.s32 $0xCA80  }
0x5: {  	s13 =	simm.s32 $0xCB00;
	s14 =	simm.s32 $0x5800;
	s15 =	simm.s32 $0xCB80  }
0x6: {  	s16 =	simm.s32 $0x6000;
	s17 =	simm.s32 $0xCC00;
	s5 =	smul.u32 $0x5000, s0  }
0x7: {  	s18 =	simm.s32 $0x6800;
	s6 =	sand.u32 $0x1, s6;
	s9 =	smul.u32 $0xA00, s0  }
0x8: {  	s19 =	simm.s32 $0xCC80;
	s20 =	simm.s32 $0x7000;
	s8 =	smul.u32 $0x50000, s6  }
0x9: {  	[smem:$0x7FF] =	sst s3;
	s29 =	ssub.s32 $0x2, s6;
	s6 =	smul.u32 $0xA000, s6  }
0xa: {  	s21 =	simm.s32 $0x7800;
	_ =	strace $0x80000047;
	s7 =	sshrl.u32 s5, $0x3  }
0xb: {  	v0 =	vlaneseq.u32;
	s10 =	sshrl.u32 s29, $0x1;
	s30 =	sshrl.u32 s9, $0x2;
	s31 =	sshrl.u32 s6, $0x2  }
0xc: {  	v1 =	vmul.u32 $0x20, v0;
	s9 =	simm.s32 $0x1;
	s5 =	sadd.s32 s5, s8;
	s22 =	sor.u32 $0x40, s31  }
0xd: {  	s7 =	sadd.s32 s7, s4;
	s8 =	ssub.s32 s29, s10;
	s5 =	sshrl.u32 s5, $0x3;
	v11 =	vmov s22  }
0xe: {  	v2 =	vimm.f32 $0.0e+00;
	v3 =	vimm.f32 $1.000000000e+00;
	v4 =	vor.u32 $0x1, v1;
	s10 =	simm.s32 $0x5000;
	s11 =	sadd.s32 s5, s4;
	s4 =	sadd.s32 s30, s2  }
0xf: {  	v5 =	vor.u32 $0x2, v1;
	v6 =	vor.u32 $0x3, v1;
	v7 =	vor.u32 $0x4, v1;
	s5 =	sadd.s32 $0x4600, s7;
	s7 =	smax.u32 s8, $0x1;
	s8 =	simm.s32 $0xCD00  }
0x10: {  	v8 =	vor.u32 $0x5, v1;
	v9 =	vor.u32 $0x6, v1;
	v10 =	vor.u32 $0x7, v1;
	s22 =	simm.s32 $0x0;
	s6 =	sadd.s32 $0x18600, s11;
	s11 =	simm.s32 $0x80  }
.LBB2_1:
0x11: {  	s23 =	simm.s32 $0x0;
	s24 =	simm.s32 $0x200  }
.LBB2_2:
0x12: {  	p0 =	sne.s32 s24, $0x9E00;
	[tilespmem:s23+$0x5070] =	vst v2  }
0x13: {  	[tilespmem:s23+$0x5000] =	vst v2  }
0x14: {  	[tilespmem:s23+$0x5010] =	vst v2  }
.Ltmp0:
0x15: {  	[tilespmem:s23+$0x5020] =	vst v2;
	(pc) =	sbr.rel @p0 .LBB2_2-.Ltmp0, $4  }
0x16: {  	[tilespmem:s23+$0x5030] =	vst v2  }
0x17: {  	[tilespmem:s23+$0x5040] =	vst v2  }
0x18: {  	[tilespmem:s23+$0x5050] =	vst v2  }
0x19: {  	[tilespmem:s23+$0x5060] =	vst v2;
	s23 =	sshra.s32 s24, $0x2;
	s24 =	sadd.s32 $0x200, s24  }
0x1a: {  	[tilespmem:s23+$0x5070] =	vst v2  }
0x1b: {  	[tilespmem:s23+$0x5000] =	vst v2  }
0x1c: {  	[tilespmem:s23+$0x5010] =	vst v2  }
0x1d: {  	[tilespmem:s23+$0x5020] =	vst v2  }
0x1e: {  	[tilespmem:s23+$0x5030] =	vst v2  }
0x1f: {  	[tilespmem:s23+$0x5040] =	vst v2;
	s24 =	simm.s32 $0x0  }
0x20: {  	[tilespmem:s23+$0x5050] =	vst v2;
	s25 =	sand.u32 $0xE00, s24  }
0x21: {  	[tilespmem:s23+$0x5060] =	vst v2;
	s26 =	simm.s32 $0x0;
	s28 =	sand.u32 $0x70, s24;
	s25 =	sshrl.u32 s25, $0x2  }
0x22: {  	s23 =	simm.s32 $0x40;
	[tilespmem:s26+$0xCD00] =	vst v2;
	v12 =	vor.u32 s24, v0;
	s25 =	sor.u32 s28, s25  }
.LBB2_4:
0x23: {  	p0 =	sne.s32 s23, $0x9C0  }
0x24: {  	[tilespmem:s25+$0xCA80] =	vst v12;
	s24 =	sadd.s32 $0x10, s24;
	s25 =	smov.u32 s23;
	s23 =	sadd.s32 $0x40, s23  }
.Ltmp1:
0x25: {  	(pc) =	sbr.rel @p0 .LBB2_4-.Ltmp1, $4  }
0x26: {  	_ = 	snop  }
0x27: {  	s26 =	sand.u32 $0xE00, s25  }
0x28: {  	s25 =	sshra.s32 s25, $0x2;
	s28 =	sand.u32 $0x70, s24;
	s26 =	sshrl.u32 s26, $0x2  }
0x29: {  	v12 =	vor.u32 s24, v0;
	[tilespmem:s25+$0xCD00] =	vst v2;
	s25 =	sor.u32 s28, s26  }
0x2a: {  	[tilespmem:s25+$0xCA80] =	vst v12  }
0x2b: {  	[spmem:s4] =	stream.linear.scatter [tilespmem:s8], [sflag:$0x1], $0x280, $0x38;
	[tilespmem:$0xD200] =	vst v63  }
0x2c: {  	_ =	swait.ge [sflag:s9], $0x280  }
0x2d: {  	[sflag:s9] =	ssyncset.done $0x0  }
0x2e: {  	s23 =	simm.s32 $0x0;
	[sflag:s9] =	ssyncadd.s32 $0xFFFFFD80  }
0x2f: {  	[tilespmem:s23], [sflag:$0x1] =	stream.linear.gather [hbm4b:s5+s23], $0x5000, $0x38;
	[tilespmem:$0xD200] =	vst v63  }
0x30: {  	_ =	swait.ge [sflag:s9], $0x5000  }
0x31: {  	[sflag:s9] =	ssyncset.done $0x0  }
0x32: {  	[sflag:s9] =	ssyncadd.s32 $0xFFFFB000  }
0x33: {  	[bflag:$0x0] =	sbarrier.arrive $0xFFFF  }
.LBB2_6:
0x34: {  	s24 =	sshra.s32 s23, $0x2  }
0x35: {  	v12 =	vld.idx.msk [tilespmem:v11+s24+$0xFFFFFFC0 ss:$0x1], $0xffff;
	_ =	sdelay $0x7  }
0x36: {  	[tilespmem:v12+s10+$0x0] =	vst.idx.add.f32.msk $0xffff, v3  }
0x37: {  	v12 =	vld.idx.msk [tilespmem:v11+s24+$0xFFFFFFD0 ss:$0x1], $0xffff;
	_ =	sdelay $0x7  }
0x38: {  	[tilespmem:v12+s10+$0x0] =	vst.idx.add.f32.msk $0xffff, v3  }
0x39: {  	v12 =	vld.idx.msk [tilespmem:v11+s24+$0xFFFFFFE0 ss:$0x1], $0xffff;
	_ =	sdelay $0x7  }
0x3a: {  	[tilespmem:v12+s10+$0x0] =	vst.idx.add.f32.msk $0xffff, v3  }
0x3b: {  	v12 =	vld.idx.msk [tilespmem:v11+s24+$0xFFFFFFF0 ss:$0x1], $0xffff;
	_ =	sdelay $0x7  }
0x3c: {  	[tilespmem:v12+s10+$0x0] =	vst.idx.add.f32.msk $0xffff, v3  }
0x3d: {  	v12 =	vld.idx.msk [tilespmem:v11+s24+$0x0 ss:$0x1], $0xffff;
	_ =	sdelay $0x7  }
0x3e: {  	[tilespmem:v12+s10+$0x0] =	vst.idx.add.f32.msk $0xffff, v3  }
0x3f: {  	v12 =	vld.idx.msk [tilespmem:v11+s24+$0x10 ss:$0x1], $0xffff;
	_ =	sdelay $0x7  }
0x40: {  	[tilespmem:v12+s10+$0x0] =	vst.idx.add.f32.msk $0xffff, v3  }
0x41: {  	v12 =	vld.idx.msk [tilespmem:v11+s24+$0x20 ss:$0x1], $0xffff;
	_ =	sdelay $0x7  }
0x42: {  	[tilespmem:v12+s10+$0x0] =	vst.idx.add.f32.msk $0xffff, v3  }
0x43: {  	v12 =	vld.idx.msk [tilespmem:v11+s24+$0x30 ss:$0x1], $0xffff;
	_ =	sdelay $0x2  }
0x44: {  	p0 =	sne.s32 s23, $0x9E00  }
.Ltmp2:
0x45: {  	_ = 	snop;
	(pc) =	sbr.rel @p0 .LBB2_6-.Ltmp2, $2  }
0x46: {  	_ =	sdelay $0x2  }
0x47: {  	s23 =	sadd.s32 $0x200, s23;
	[tilespmem:v12+s10+$0x0] =	vst.idx.add.f32.msk $0xffff, v3  }
0x48: {  	[bflag:$0x0] =	sbarrier.arrive $0xFFFF  }
0x49: {  	[spmem:s2] =	stream.indirect.scatter.add.f32 [tilespmem:s10], [sflag:$0x1], $0x10, s12, s11, $0xb8;
	[tilespmem:$0xD200] =	vst v63  }
0x4a: {  	_ =	swait.ge [sflag:s9], $0x800  }
0x4b: {  	[sflag:s9] =	ssyncset.done $0x0  }
0x4c: {  	[sflag:s9] =	ssyncadd.s32 $0xFFFFF800  }
0x4d: {  	[spmem:s2] =	stream.indirect.scatter.add.f32 [tilespmem:s14], [sflag:$0x1], $0x10, s13, s11, $0xb8;
	[tilespmem:$0xD200] =	vst v63  }
0x4e: {  	_ =	swait.ge [sflag:s9], $0x800  }
0x4f: {  	[sflag:s9] =	ssyncset.done $0x0  }
0x50: {  	[sflag:s9] =	ssyncadd.s32 $0xFFFFF800  }
0x51: {  	[spmem:s2] =	stream.indirect.scatter.add.f32 [tilespmem:s16], [sflag:$0x1], $0x10, s15, s11, $0xb8;
	[tilespmem:$0xD200] =	vst v63  }
0x52: {  	_ =	swait.ge [sflag:s9], $0x800  }
0x53: {  	[sflag:s9] =	ssyncset.done $0x0  }
0x54: {  	[sflag:s9] =	ssyncadd.s32 $0xFFFFF800  }
0x55: {  	[spmem:s2] =	stream.indirect.scatter.add.f32 [tilespmem:s18], [sflag:$0x1], $0x10, s17, s11, $0xb8;
	[tilespmem:$0xD200] =	vst v63  }
0x56: {  	_ =	swait.ge [sflag:s9], $0x800  }
0x57: {  	[sflag:s9] =	ssyncset.done $0x0  }
0x58: {  	[sflag:s9] =	ssyncadd.s32 $0xFFFFF800  }
0x59: {  	[spmem:s2] =	stream.indirect.scatter.add.f32 [tilespmem:s20], [sflag:$0x1], $0x10, s19, s11, $0xb8;
	[tilespmem:$0xD200] =	vst v63  }
0x5a: {  	_ =	swait.ge [sflag:s9], $0x800  }
0x5b: {  	[sflag:s9] =	ssyncset.done $0x0  }
0x5c: {  	[sflag:s9] =	ssyncadd.s32 $0xFFFFF800  }
0x5d: {  	s23 =	simm.s32 $0xC800;
	[bflag:$0x0] =	sbarrier.arrive $0xFFFF  }
0x5e: {  	[tilespmem:s23], [sflag:$0x1] =	stream.linear.gather [spmem:s4], $0x280, $0x38;
	[tilespmem:$0xD200] =	vst v63  }
0x5f: {  	_ =	swait.ge [sflag:s9], $0x280  }
0x60: {  	[sflag:s9] =	ssyncset.done $0x0  }
0x61: {  	s24 =	simm.s32 $0x0;
	[sflag:s9] =	ssyncadd.s32 $0xFFFFFD80  }
0x62: {  	v13 =	vor.u32 s24, v1;
	v12 =	vld [tilespmem:s23+$0x0]  }
0x63: {  	v14 =	vor.u32 s24, v4  }
0x64: {  	v15 =	vor.u32 s24, v5  }
0x65: {  	v16 =	vor.u32 s24, v6  }
0x66: {  	v17 =	vor.u32 s24, v7  }
0x67: {  	[tilespmem:v13+s21+$0x0] =	vst.idx.msk $0xffff, v12;
	v13 =	vor.u32 s24, v8  }
0x68: {  	[tilespmem:v14+s21+$0x0] =	vst.idx.msk $0xffff, v12;
	v14 =	vor.u32 s24, v9  }
0x69: {  	s29 =	simm.s32 $0x8;
	[tilespmem:v15+s21+$0x0] =	vst.idx.msk $0xffff, v12;
	v15 =	vor.u32 s24, v10  }
0x6a: {  	s30 =	simm.s32 $0x9;
	v54 =	vor.u32 s29, v1;
	[tilespmem:v16+s21+$0x0] =	vst.idx.msk $0xffff, v12  }
0x6b: {  	s31 =	simm.s32 $0xA;
	v55 =	vor.u32 s30, v4;
	[tilespmem:v17+s21+$0x0] =	vst.idx.msk $0xffff, v12  }
0x6c: {  	s25 =	simm.s32 $0xB;
	[tilespmem:v13+s21+$0x0] =	vst.idx.msk $0xffff, v12;
	v13 =	vor.u32 s31, v5  }
0x6d: {  	s26 =	simm.s32 $0xC;
	[tilespmem:v14+s21+$0x0] =	vst.idx.msk $0xffff, v12;
	v14 =	vor.u32 s25, v6  }
0x6e: {  	s29 =	simm.s32 $0xD;
	[tilespmem:v15+s21+$0x0] =	vst.idx.msk $0xffff, v12;
	v15 =	vor.u32 s26, v7  }
0x6f: {  	s30 =	simm.s32 $0xE;
	v56 =	vor.u32 s29, v8;
	[tilespmem:v54+s21+$0x0] =	vst.idx.msk $0xffff, v12  }
0x70: {  	v57 =	vor.u32 s30, v9;
	s31 =	simm.s32 $0xF;
	[tilespmem:v55+s21+$0x0] =	vst.idx.msk $0xffff, v12  }
0x71: {  	s25 =	simm.s32 $0x10;
	[tilespmem:v13+s21+$0x0] =	vst.idx.msk $0xffff, v12;
	v13 =	vor.u32 s31, v10  }
0x72: {  	s26 =	simm.s32 $0x11;
	[tilespmem:v14+s21+$0x0] =	vst.idx.msk $0xffff, v12;
	v14 =	vor.u32 s25, v1  }
0x73: {  	s29 =	simm.s32 $0x12;
	[tilespmem:v15+s21+$0x0] =	vst.idx.msk $0xffff, v12;
	v15 =	vor.u32 s26, v4  }
0x74: {  	s30 =	simm.s32 $0x13;
	v58 =	vor.u32 s29, v5;
	[tilespmem:v56+s21+$0x0] =	vst.idx.msk $0xffff, v12  }
0x75: {  	v59 =	vor.u32 s30, v6;
	s31 =	simm.s32 $0x14;
	[tilespmem:v57+s21+$0x0] =	vst.idx.msk $0xffff, v12  }
0x76: {  	s25 =	simm.s32 $0x15;
	[tilespmem:v13+s21+$0x0] =	vst.idx.msk $0xffff, v12;
	v13 =	vor.u32 s31, v7  }
0x77: {  	s26 =	simm.s32 $0x16;
	[tilespmem:v14+s21+$0x0] =	vst.idx.msk $0xffff, v12;
	v14 =	vor.u32 s25, v8  }
0x78: {  	s29 =	simm.s32 $0x17;
	[tilespmem:v15+s21+$0x0] =	vst.idx.msk $0xffff, v12;
	v15 =	vor.u32 s26, v9  }
0x79: {  	s30 =	simm.s32 $0x18;
	v60 =	vor.u32 s29, v10;
	[tilespmem:v58+s21+$0x0] =	vst.idx.msk $0xffff, v12  }
0x7a: {  	v61 =	vor.u32 s30, v1;
	s31 =	simm.s32 $0x19;
	[tilespmem:v59+s21+$0x0] =	vst.idx.msk $0xffff, v12  }
0x7b: {  	s25 =	simm.s32 $0x1A;
	[tilespmem:v13+s21+$0x0] =	vst.idx.msk $0xffff, v12;
	v13 =	vor.u32 s31, v4  }
0x7c: {  	s26 =	simm.s32 $0x1B;
	[tilespmem:v14+s21+$0x0] =	vst.idx.msk $0xffff, v12;
	v14 =	vor.u32 s25, v5  }
0x7d: {  	s29 =	simm.s32 $0x1C;
	[tilespmem:v15+s21+$0x0] =	vst.idx.msk $0xffff, v12;
	v15 =	vor.u32 s26, v6  }
0x7e: {  	s30 =	simm.s32 $0x1D;
	v62 =	vor.u32 s29, v7;
	[tilespmem:v60+s21+$0x0] =	vst.idx.msk $0xffff, v12  }
0x7f: {  	v63 =	vor.u32 s30, v8;
	s31 =	simm.s32 $0x1E;
	[tilespmem:v61+s21+$0x0] =	vst.idx.msk $0xffff, v12  }
0x80: {  	v18 =	vor.u32 s31, v9;
	[tilespmem:v13+s21+$0x0] =	vst.idx.msk $0xffff, v12  }
0x81: {  	s25 =	simm.s32 $0x1F;
	[tilespmem:v14+s21+$0x0] =	vst.idx.msk $0xffff, v12  }
0x82: {  	v13 =	vor.u32 s25, v10;
	[tilespmem:v15+s21+$0x0] =	vst.idx.msk $0xffff, v12  }
0x83: {  	[tilespmem:v62+s21+$0x0] =	vst.idx.msk $0xffff, v12  }
0x84: {  	[tilespmem:v63+s21+$0x0] =	vst.idx.msk $0xffff, v12  }
0x85: {  	s28 =	simm.s32 $0x41F;
	s24 =	simm.s32 $0x21F;
	[tilespmem:v18+s21+$0x0] =	vst.idx.msk $0xffff, v12  }
.LBB2_8:
0x86: {  	s29 =	sadd.s32 $0xFFFFFFE1, s24  }
0x87: {  	[tilespmem:v13+s21+$0x0] =	vst.idx.msk $0xffff, v12;
	s23 =	sadd.s32 $0x10, s23;
	s26 =	smov.u32 s28;
	s25 =	sadd.s32 $0x200, s28  }
0x88: {  	p0 =	sne.s32 s28, $0x4E1F;
	v12 =	vld [tilespmem:s23+$0x0];
	v13 =	vor.u32 s29, v1  }
0x89: {  	v14 =	vor.u32 s29, v4  }
0x8a: {  	v15 =	vor.u32 s29, v5  }
0x8b: {  	v16 =	vor.u32 s29, v6  }
0x8c: {  	v17 =	vor.u32 s29, v7  }
0x8d: {  	[tilespmem:v13+s21+$0x0] =	vst.idx.msk $0xffff, v12;
	v13 =	vor.u32 s29, v8  }
0x8e: {  	[tilespmem:v14+s21+$0x0] =	vst.idx.msk $0xffff, v12;
	v14 =	vor.u32 s29, v9  }
0x8f: {  	s28 =	sadd.s32 $0xFFFFFFE9, s24;
	[tilespmem:v15+s21+$0x0] =	vst.idx.msk $0xffff, v12;
	v15 =	vor.u32 s29, v10  }
0x90: {  	[tilespmem:v16+s21+$0x0] =	vst.idx.msk $0xffff, v12;
	v16 =	vor.u32 s28, v1;
	s28 =	sadd.s32 $0xFFFFFFEA, s24  }
0x91: {  	[tilespmem:v17+s21+$0x0] =	vst.idx.msk $0xffff, v12;
	v17 =	vor.u32 s28, v4;
	s28 =	sadd.s32 $0xFFFFFFEB, s24  }
0x92: {  	[tilespmem:v13+s21+$0x0] =	vst.idx.msk $0xffff, v12;
	v13 =	vor.u32 s28, v5;
	s28 =	sadd.s32 $0xFFFFFFEC, s24  }
0x93: {  	[tilespmem:v14+s21+$0x0] =	vst.idx.msk $0xffff, v12;
	v14 =	vor.u32 s28, v6;
	s28 =	sadd.s32 $0xFFFFFFED, s24  }
0x94: {  	[tilespmem:v15+s21+$0x0] =	vst.idx.msk $0xffff, v12;
	v15 =	vor.u32 s28, v7;
	s28 =	sadd.s32 $0xFFFFFFEE, s24  }
0x95: {  	[tilespmem:v16+s21+$0x0] =	vst.idx.msk $0xffff, v12;
	v16 =	vor.u32 s28, v8;
	s28 =	sadd.s32 $0xFFFFFFEF, s24  }
0x96: {  	[tilespmem:v17+s21+$0x0] =	vst.idx.msk $0xffff, v12;
	v17 =	vor.u32 s28, v9;
	s28 =	sadd.s32 $0xFFFFFFF0, s24  }
0x97: {  	[tilespmem:v13+s21+$0x0] =	vst.idx.msk $0xffff, v12;
	v13 =	vor.u32 s28, v10;
	s28 =	sadd.s32 $0xFFFFFFF1, s24  }
0x98: {  	[tilespmem:v14+s21+$0x0] =	vst.idx.msk $0xffff, v12;
	v14 =	vor.u32 s28, v1;
	s28 =	sadd.s32 $0xFFFFFFF2, s24  }
0x99: {  	[tilespmem:v15+s21+$0x0] =	vst.idx.msk $0xffff, v12;
	v15 =	vor.u32 s28, v4;
	s28 =	sadd.s32 $0xFFFFFFF3, s24  }
0x9a: {  	[tilespmem:v16+s21+$0x0] =	vst.idx.msk $0xffff, v12;
	v16 =	vor.u32 s28, v5;
	s28 =	sadd.s32 $0xFFFFFFF4, s24  }
0x9b: {  	[tilespmem:v17+s21+$0x0] =	vst.idx.msk $0xffff, v12;
	v17 =	vor.u32 s28, v6;
	s28 =	sadd.s32 $0xFFFFFFF5, s24  }
0x9c: {  	[tilespmem:v13+s21+$0x0] =	vst.idx.msk $0xffff, v12;
	v13 =	vor.u32 s28, v7;
	s28 =	sadd.s32 $0xFFFFFFF6, s24  }
0x9d: {  	[tilespmem:v14+s21+$0x0] =	vst.idx.msk $0xffff, v12;
	v14 =	vor.u32 s28, v8;
	s28 =	sadd.s32 $0xFFFFFFF7, s24  }
0x9e: {  	[tilespmem:v15+s21+$0x0] =	vst.idx.msk $0xffff, v12;
	v15 =	vor.u32 s28, v9;
	s28 =	sadd.s32 $0xFFFFFFF8, s24  }
0x9f: {  	[tilespmem:v16+s21+$0x0] =	vst.idx.msk $0xffff, v12;
	v16 =	vor.u32 s28, v10;
	s28 =	sadd.s32 $0xFFFFFFF9, s24  }
0xa0: {  	[tilespmem:v17+s21+$0x0] =	vst.idx.msk $0xffff, v12;
	v17 =	vor.u32 s28, v1;
	s28 =	sadd.s32 $0xFFFFFFFA, s24  }
0xa1: {  	[tilespmem:v13+s21+$0x0] =	vst.idx.msk $0xffff, v12;
	v13 =	vor.u32 s28, v4;
	s28 =	sadd.s32 $0xFFFFFFFB, s24  }
0xa2: {  	[tilespmem:v14+s21+$0x0] =	vst.idx.msk $0xffff, v12;
	v14 =	vor.u32 s28, v5;
	s28 =	sadd.s32 $0xFFFFFFFC, s24  }
0xa3: {  	[tilespmem:v15+s21+$0x0] =	vst.idx.msk $0xffff, v12;
	v15 =	vor.u32 s28, v6;
	s28 =	sadd.s32 $0xFFFFFFFD, s24  }
0xa4: {  	[tilespmem:v16+s21+$0x0] =	vst.idx.msk $0xffff, v12;
	v16 =	vor.u32 s28, v7;
	s28 =	sadd.s32 $0xFFFFFFFE, s24  }
0xa5: {  	[tilespmem:v17+s21+$0x0] =	vst.idx.msk $0xffff, v12;
	v17 =	vor.u32 s28, v8;
	s28 =	sadd.s32 $0xFFFFFFFF, s24  }
0xa6: {  	[tilespmem:v13+s21+$0x0] =	vst.idx.msk $0xffff, v12;
	v18 =	vor.u32 s28, v9  }
.Ltmp3:
0xa7: {  	v13 =	vor.u32 s24, v10;
	s24 =	smov.u32 s26;
	[tilespmem:v14+s21+$0x0] =	vst.idx.msk $0xffff, v12;
	(pc) =	sbr.rel @p0 .LBB2_8-.Ltmp3, $4  }
0xa8: {  	[tilespmem:v15+s21+$0x0] =	vst.idx.msk $0xffff, v12  }
0xa9: {  	[tilespmem:v16+s21+$0x0] =	vst.idx.msk $0xffff, v12  }
0xaa: {  	[tilespmem:v17+s21+$0x0] =	vst.idx.msk $0xffff, v12  }
0xab: {  	s28 =	smov.u32 s25;
	[tilespmem:v18+s21+$0x0] =	vst.idx.msk $0xffff, v12  }
0xac: {  	_ =	sdelay $0x3  }
0xad: {  	s25 =	sadd.s32 $0xFFFFFFE1, s24;
	[tilespmem:v13+s21+$0x0] =	vst.idx.msk $0xffff, v12;
	s23 =	sadd.s32 $0x10, s23  }
0xae: {  	v12 =	vld [tilespmem:s23+$0x0];
	v36 =	vor.u32 s25, v1  }
0xaf: {  	v14 =	vor.u32 s25, v4  }
0xb0: {  	v15 =	vor.u32 s25, v5  }
0xb1: {  	v16 =	vor.u32 s25, v6  }
0xb2: {  	v17 =	vor.u32 s25, v7  }
0xb3: {  	v37 =	vor.u32 s25, v8;
	[tilespmem:v36+s21+$0x0] =	vst.idx.msk $0xffff, v12  }
0xb4: {  	v38 =	vor.u32 s25, v9;
	[tilespmem:v14+s21+$0x0] =	vst.idx.msk $0xffff, v12  }
0xb5: {  	s26 =	sadd.s32 $0xFFFFFFE9, s24;
	v39 =	vor.u32 s25, v10;
	[tilespmem:v15+s21+$0x0] =	vst.idx.msk $0xffff, v12  }
0xb6: {  	s28 =	sadd.s32 $0xFFFFFFEA, s24;
	v40 =	vor.u32 s26, v1;
	[tilespmem:v16+s21+$0x0] =	vst.idx.msk $0xffff, v12  }
0xb7: {  	s29 =	sadd.s32 $0xFFFFFFEB, s24;
	v41 =	vor.u32 s28, v4;
	[tilespmem:v17+s21+$0x0] =	vst.idx.msk $0xffff, v12  }
0xb8: {  	s30 =	sadd.s32 $0xFFFFFFEC, s24;
	v42 =	vor.u32 s29, v5;
	[tilespmem:v37+s21+$0x0] =	vst.idx.msk $0xffff, v12  }
0xb9: {  	s31 =	sadd.s32 $0xFFFFFFED, s24;
	v43 =	vor.u32 s30, v6;
	[tilespmem:v38+s21+$0x0] =	vst.idx.msk $0xffff, v12  }
0xba: {  	v44 =	vor.u32 s31, v7;
	s25 =	sadd.s32 $0xFFFFFFEE, s24;
	[tilespmem:v39+s21+$0x0] =	vst.idx.msk $0xffff, v12  }
0xbb: {  	s26 =	sadd.s32 $0xFFFFFFEF, s24;
	v45 =	vor.u32 s25, v8;
	[tilespmem:v40+s21+$0x0] =	vst.idx.msk $0xffff, v12  }
0xbc: {  	s28 =	sadd.s32 $0xFFFFFFF0, s24;
	v46 =	vor.u32 s26, v9;
	[tilespmem:v41+s21+$0x0] =	vst.idx.msk $0xffff, v12  }
0xbd: {  	s29 =	sadd.s32 $0xFFFFFFF1, s24;
	v47 =	vor.u32 s28, v10;
	[tilespmem:v42+s21+$0x0] =	vst.idx.msk $0xffff, v12  }
0xbe: {  	s30 =	sadd.s32 $0xFFFFFFF2, s24;
	v48 =	vor.u32 s29, v1;
	[tilespmem:v43+s21+$0x0] =	vst.idx.msk $0xffff, v12  }
0xbf: {  	s31 =	sadd.s32 $0xFFFFFFF3, s24;
	v49 =	vor.u32 s30, v4;
	[tilespmem:v44+s21+$0x0] =	vst.idx.msk $0xffff, v12  }
0xc0: {  	v50 =	vor.u32 s31, v5;
	s25 =	sadd.s32 $0xFFFFFFF4, s24;
	[tilespmem:v45+s21+$0x0] =	vst.idx.msk $0xffff, v12  }
0xc1: {  	s26 =	sadd.s32 $0xFFFFFFF5, s24;
	v51 =	vor.u32 s25, v6;
	[tilespmem:v46+s21+$0x0] =	vst.idx.msk $0xffff, v12  }
0xc2: {  	s28 =	sadd.s32 $0xFFFFFFF6, s24;
	v52 =	vor.u32 s26, v7;
	[tilespmem:v47+s21+$0x0] =	vst.idx.msk $0xffff, v12  }
0xc3: {  	s29 =	sadd.s32 $0xFFFFFFF7, s24;
	v53 =	vor.u32 s28, v8;
	[tilespmem:v48+s21+$0x0] =	vst.idx.msk $0xffff, v12  }
0xc4: {  	s30 =	sadd.s32 $0xFFFFFFF8, s24;
	v54 =	vor.u32 s29, v9;
	[tilespmem:v49+s21+$0x0] =	vst.idx.msk $0xffff, v12  }
0xc5: {  	s31 =	sadd.s32 $0xFFFFFFF9, s24;
	v55 =	vor.u32 s30, v10;
	[tilespmem:v50+s21+$0x0] =	vst.idx.msk $0xffff, v12  }
0xc6: {  	v56 =	vor.u32 s31, v1;
	s25 =	sadd.s32 $0xFFFFFFFA, s24;
	[tilespmem:v51+s21+$0x0] =	vst.idx.msk $0xffff, v12  }
0xc7: {  	s26 =	sadd.s32 $0xFFFFFFFB, s24;
	v57 =	vor.u32 s25, v4;
	[tilespmem:v52+s21+$0x0] =	vst.idx.msk $0xffff, v12  }
0xc8: {  	s28 =	sadd.s32 $0xFFFFFFFC, s24;
	v58 =	vor.u32 s26, v5;
	[tilespmem:v53+s21+$0x0] =	vst.idx.msk $0xffff, v12  }
0xc9: {  	s29 =	sadd.s32 $0xFFFFFFFD, s24;
	v59 =	vor.u32 s28, v6;
	[tilespmem:v54+s21+$0x0] =	vst.idx.msk $0xffff, v12  }
0xca: {  	s30 =	sadd.s32 $0xFFFFFFFE, s24;
	v60 =	vor.u32 s29, v7;
	[tilespmem:v55+s21+$0x0] =	vst.idx.msk $0xffff, v12  }
0xcb: {  	s31 =	sadd.s32 $0xFFFFFFFF, s24;
	v61 =	vor.u32 s30, v8;
	[tilespmem:v56+s21+$0x0] =	vst.idx.msk $0xffff, v12  }
0xcc: {  	v62 =	vor.u32 s31, v9;
	[tilespmem:v57+s21+$0x0] =	vst.idx.msk $0xffff, v12  }
0xcd: {  	v63 =	vor.u32 s24, v10;
	[tilespmem:v58+s21+$0x0] =	vst.idx.msk $0xffff, v12  }
0xce: {  	[tilespmem:v59+s21+$0x0] =	vst.idx.msk $0xffff, v12  }
0xcf: {  	[tilespmem:v60+s21+$0x0] =	vst.idx.msk $0xffff, v12  }
0xd0: {  	s22 =	sadd.s32 $0x1, s22;
	[tilespmem:v61+s21+$0x0] =	vst.idx.msk $0xffff, v12  }
0xd1: {  	p0 =	sne.s32 s22, s7;
	[tilespmem:v62+s21+$0x0] =	vst.idx.msk $0xffff, v12  }
.Ltmp4:
0xd2: {  	[tilespmem:v63+s21+$0x0] =	vst.idx.msk $0xffff, v12;
	(pc) =	sbr.rel @p0 .LBB2_1-.Ltmp4, $4  }
0xd3: {  	[hbm4b:s6+s3] =	stream.linear.scatter [tilespmem:s21], [sflag:$0x1], $0x5000, $0x38;
	[tilespmem:$0xD200] =	vst v63  }
0xd4: {  	_ =	swait.ge [sflag:s9], $0x5000  }
0xd5: {  	[sflag:s9] =	ssyncset.done $0x0  }
0xd6: {  	[sflag:s9] =	ssyncadd.s32 $0xFFFFB000  }
0xd7: {  	_ =	sfence.sel $0x180000  }
0xd8: {  	[bflag:$0x0] =	sbarrier.arrive $0xFFFF  }
0xd9: {  	p0 =	sne.s32 s0, $0x0;
	_ =	strace $0x90000047  }
0xda: {  	s0 =	sadd.s32 @!p0 $0x100000, s1;
	[bflag:$0x2] =	sbarrier.arrive $0xFFFF  }
0xdb: {  	[sflag:s0] =	ssyncadd.tile.s32 @!p0 $0x1;
	_ =	shalt  }
.Lfunc_end2:
_tile_overlayer_lowered:
.L_overlay_start_2:
0xdc: {  	(tag) =	ssettag $0x2  }
0xdd: {  	s0 =	rddreg [dreg:$0x0];
	s2 =	stileid.u32  }
0xde: {  	s1 =	rddreg [dreg:$0x1];
	p0 =	sne.s32 s2, $0x0  }
0xdf: {  	s3 =	rddreg [dreg:$0x2];
	[bflag:$0x3] =	sbarrier.arrive $0xFFFF;
	s2 =	simm.s32 @!p0 $0x1C01  }
0xe0: {  	[timem:s3], [sflag:s2] =	dma.local @!p0 [hbm:s0], s1  }
0xe1: {  	s0 =	simm.s32 @!p0 $0x1  }
0xe2: {  	_ =	swait.ge @!p0 [sflag:s0], s1  }
0xe3: {  	s1 =	ssub.s32 @!p0 $0x0, s1;
	[sflag:s0] =	ssyncset.done @!p0 $0x0  }
0xe4: {  	[sflag:s0] =	ssyncadd.s32 @!p0 s1  }
0xe5: {  	[bflag:$0x3] =	sbarrier.arrive $0xFFFF  }
0xe6: {  	_ =	shalt  }

// kernel: kernel.14.cloned.1.call-start
scs
__scs_entry_jumppad:
0x0: {  	(pc) =	sbr.rel $0x88, $3  }
0x1: {  	(tag) =	ssettag $0x0;
	lr =	simm.s32 $0x1  }
0x2: {  	[smem:$0x3F96] =	sst lr;
	_ =	strace $0xD0000000  }
0x3: {  	_ = 	snop  }
0x4: {  	_ = 	snop  }
0x5: {  	_ = 	snop  }
0x6: {  	_ = 	snop  }
0x7: {  	_ = 	snop  }
__scs_overlays_trampoline_lowered:
0x8: {  	[smem:$0x3FA5] =	sst s0  }
0x9: {  	[smem:$0x3FA6] =	sst s1  }
0xa: {  	[smem:$0x3FA7] =	sst s2  }
0xb: {  	[smem:$0x3FA8] =	sst s3  }
0xc: {  	[smem:$0x3FA9] =	sst s4  }
0xd: {  	[smem:$0x3FAA] =	sst s5  }
0xe: {  	[smem:$0x3FAB] =	sst s6  }
0xf: {  	[smem:$0x3FAC] =	sst s7  }
0x10: {  	[smem:$0x3FAD] =	sst s8  }
0x11: {  	[smem:$0x3FAE] =	sst s9;
	s0 =	simm.s32 @!p0 $0x0  }
0x12: {  	s1 =	sld [smem:$0x3F94];
	s0 =	simm.s32 @p0 $0x1  }
0x13: {  	[smem:$0x3FAF] =	sst s0;
	s0 =	simm.s32 @!p1 $0x0  }
0x14: {  	s2 =	sld [smem:$0x3F93];
	s0 =	simm.s32 @p1 $0x1  }
0x15: {  	[smem:$0x3FB0] =	sst s0;
	s0 =	simm.s32 @!p2 $0x0  }
0x16: {  	s3 =	sld [smem:$0x3FDB];
	s0 =	simm.s32 @p2 $0x1  }
0x17: {  	s4 =	simm.s32 $0x1BF5;
	[smem:$0x3FB2] =	sst s0  }
0x18: {  	s0 =	sld [smem:$0x3F95];
	_ =	swait.ge [sflag:s4], $0x0  }
0x19: {  	s7 =	sld [smem:$0x3F96]  }
0x1a: {  	s8 =	sadd.s32 $0xFFFFE003, lr  }
0x1b: {  	s9 =	sadd.s32 $0xFFFFFEF7, lr;
	s5 =	simm.s32 $0xFFFFFFFF;
	p2 =	slt.u32 s8, $0xFFFFF086  }
0x1c: {  	p1 =	slt.u32 s9, $0xF7A;
	s5 =	simm.s32 @!p2 $0x0  }
0x1d: {  	s5 =	simm.s32 @p1 $0x1;
	p0 =	seq.s32 s7, s2  }
0x1e: {  	s7 =	smul.u32 @!p0 $0xF7A, s2;
	p2 =	seq.s32 @!p0 s5, $0x0  }
0x1f: {  	s9 =	smul.u32 $0xF7A, s1;
	s8 =	simm.s32 @!p0 $0x1BF5;
	p2 =	por !p2, p0  }
0x20: {  	[sflag:s8] =	ssyncset.s32 @!p0 $0xFFFFF086;
	s6 =	sadd.s32 @!p0 s3, s7;
	s7 =	simm.s32 @!p0 $0x108  }
0x21: {  	s3 =	sadd.s32 s3, s9;
	s6 =	sadd.s32 @!p0 $0x88, s6;
	s7 =	simm.s32 @p2 $0x1082  }
0x22: {  	[simem:s7], [sflag:s8] =	dma.local @!p0 [hbm:s6], $0xF7A  }
0x23: {  	s9 =	sor.u32 $0xD0000000, s2;
	s6 =	simm.s32 $0x108;
	_ =	swait.ge @!p0 [sflag:s8], $0x0  }
0x24: {  	s3 =	sadd.s32 $0x88, s3;
	s6 =	simm.s32 @!p1 $0x1082;
	[sflag:s4] =	ssyncset.s32 $0xFFFFF086  }
0x25: {  	[simem:s6], [sflag:s4] =	dma.local [hbm:s3], $0xF7A  }
0x26: {  	[smem:$0x3F96] =	sst s1;
	(tag) =	ssettag s2;
	_ =	strace s9  }
0x27: {  	s1 =	sld [smem:$0x3FA6]  }
0x28: {  	s2 =	sld [smem:$0x3FA7]  }
0x29: {  	s4 =	sld [smem:$0x3FA9]  }
0x2a: {  	p0 =	seq.s32 s5, $0x0;
	s5 =	sld [smem:$0x3FAA]  }
0x2b: {  	s6 =	sld [smem:$0x3FAB]  }
0x2c: {  	s7 =	sld [smem:$0x3FAC]  }
0x2d: {  	s3 =	simm.s32 $0x108;
	s8 =	sld [smem:$0x3FAD]  }
0x2e: {  	s3 =	simm.s32 @!p0 $0x1082;
	s9 =	sld [smem:$0x3FAE]  }
0x2f: {  	lr =	sadd.s32 s0, s3;
	s0 =	sld [smem:$0x3FA5]  }
0x30: {  	s3 =	sld [smem:$0x3FA8]  }
0x31: {  	[smem:$0x3FB1] =	sst s10  }
0x32: {  	s10 =	sld [smem:$0x3FAF];
	_ =	sdelay $0x3  }
0x33: {  	p0 =	seq.s32 s10, $0x1;
	s10 =	sld [smem:$0x3FB1];
	_ =	sdelay $0x3  }
0x34: {  	[smem:$0x3FB1] =	sst s10  }
0x35: {  	s10 =	sld [smem:$0x3FB0];
	_ =	sdelay $0x3  }
0x36: {  	p1 =	seq.s32 s10, $0x1;
	s10 =	sld [smem:$0x3FB1];
	_ =	sdelay $0x3  }
0x37: {  	[smem:$0x3FB1] =	sst s10  }
0x38: {  	s10 =	sld [smem:$0x3FB2]  }
0x39: {  	_ = 	snop;
	(pc) =	sbr.ind lr, $3  }
0x3a: {  	_ = 	snop  }
0x3b: {  	_ = 	snop  }
0x3c: {  	p2 =	seq.s32 s10, $0x1;
	s10 =	sld [smem:$0x3FB1]  }
0x3d: {  	_ =	shalt  }
0x3e: {  	_ =	shalt  }
0x3f: {  	_ =	shalt  }
0x40: {  	_ =	shalt  }
0x41: {  	_ =	shalt  }
0x42: {  	_ =	shalt  }
0x43: {  	_ =	shalt  }
0x44: {  	_ =	shalt  }
0x45: {  	_ =	shalt  }
0x46: {  	_ =	shalt  }
0x47: {  	_ =	shalt  }
0x48: {  	_ =	shalt  }
0x49: {  	_ =	shalt  }
0x4a: {  	_ =	shalt  }
0x4b: {  	_ =	shalt  }
0x4c: {  	_ =	shalt  }
0x4d: {  	_ =	shalt  }
0x4e: {  	_ =	shalt  }
0x4f: {  	_ =	shalt  }
0x50: {  	_ =	shalt  }
0x51: {  	_ =	shalt  }
0x52: {  	_ =	shalt  }
0x53: {  	_ =	shalt  }
0x54: {  	_ =	shalt  }
0x55: {  	_ =	shalt  }
0x56: {  	_ =	shalt  }
0x57: {  	_ =	shalt  }
0x58: {  	_ =	shalt  }
0x59: {  	_ =	shalt  }
0x5a: {  	_ =	shalt  }
0x5b: {  	_ =	shalt  }
0x5c: {  	_ =	shalt  }
0x5d: {  	_ =	shalt  }
0x5e: {  	_ =	shalt  }
0x5f: {  	_ =	shalt  }
0x60: {  	_ =	shalt  }
0x61: {  	_ =	shalt  }
0x62: {  	_ =	shalt  }
0x63: {  	_ =	shalt  }
0x64: {  	_ =	shalt  }
0x65: {  	_ =	shalt  }
0x66: {  	_ =	shalt  }
0x67: {  	_ =	shalt  }
0x68: {  	_ =	shalt  }
0x69: {  	_ =	shalt  }
0x6a: {  	_ =	shalt  }
0x6b: {  	_ =	shalt  }
0x6c: {  	_ =	shalt  }
0x6d: {  	_ =	shalt  }
0x6e: {  	_ =	shalt  }
0x6f: {  	_ =	shalt  }
0x70: {  	_ =	shalt  }
0x71: {  	_ =	shalt  }
0x72: {  	_ =	shalt  }
0x73: {  	_ =	shalt  }
0x74: {  	_ =	shalt  }
0x75: {  	_ =	shalt  }
0x76: {  	_ =	shalt  }
0x77: {  	_ =	shalt  }
0x78: {  	_ =	shalt  }
0x79: {  	_ =	shalt  }
0x7a: {  	_ =	shalt  }
0x7b: {  	_ =	shalt  }
0x7c: {  	_ =	shalt  }
0x7d: {  	_ =	shalt  }
0x7e: {  	_ =	shalt  }
0x7f: {  	_ =	shalt  }
0x80: {  	_ =	shalt  }
0x81: {  	_ =	shalt  }
0x82: {  	_ =	shalt  }
0x83: {  	_ =	shalt  }
0x84: {  	_ =	shalt  }
0x85: {  	_ =	shalt  }
0x86: {  	_ =	shalt  }
0x87: {  	_ =	shalt  }
.Lfunc_end0:
.L_simem_size_0:
called_computation.1_lowered:
.L_overlay_start_0:
0x88: {  	s2 =	sld [smem:$0x3FD9]  }
0x89: {  	s3 =	sld [smem:$0x3FFE];
	_ =	sdelay $0x1  }
0x8a: {  	s1 =	srdreg.scid  }
0x8b: {  	s0 =	sand.u32 $0x1, s1  }
0x8c: {  	s16 =	sshll.u32 s0, $0xA;
	s2 =	sadd.s32 s3, s2  }
0x8d: {  	s2 =	sadd.s32 s2, s16  }
0x8e: {  	[smem:$0x3FBD] =	sst s2  }
0x8f: {  	_ = 	snop  }
0x90: {  	(tm) =	ssettm $0x1  }
0x91: {  	s17 =	sld [smem:$0x3FFB];
	_ =	sdelay $0x3  }
0x92: {  	_ =	strace s17  }
0x93: {  	s2 =	sld [smem:$0x3FFC];
	_ =	sdelay $0x3  }
0x94: {  	_ =	strace s2  }
0x95: {  	s2 =	sld [smem:$0x3FFD];
	_ =	sdelay $0x3  }
0x96: {  	_ =	strace s2  }
0x97: {  	_ =	strace $0x8FFFFFFF  }
0x98: {  	s18 =	sld [smem:$0x3FDB];
	_ =	sdelay $0x1  }
0x99: {  	s19 =	simm.s32 $_scs_section_size  }
0x9a: {  	s4 =	simm.s32 $_size__tile_overlayer_lowered;
	s5 =	simm.s32 $_tile_overlayer_lowered  }
0x9b: {  	s22 =	simm.s32 $0x1BFF;
	s21 =	sshll.u32 s5, $0x1;
	s2 =	sadd.s32 s19, s18  }
0x9c: {  	s6 =	simm.s32 $0x0;
	s20 =	sshll.u32 s4, $0x1;
	s4 =	sadd.s32 s21, s2  }
0x9d: {  	[timem:s6], [sflag:s22] =	dma.local [hbm:s4], s20  }
0x9e: {  	_ =	swait.ge [sflag:s22], s20  }
0x9f: {  	s3 =	ssub.s32 $0x0, s20;
	[sflag:s22] =	ssyncset.done $0x0  }
0xa0: {  	[sflag:s22] =	ssyncadd.s32 s3;
	_ =	sdelay $0x1  }
0xa1: {  	s23 =	simm.s32 $0x1B8B  }
0xa2: {  	_ =	swait.ge [sflag:s23], $0x1  }
0xa3: {  	[sflag:s23] =	ssyncset.done $0x0  }
0xa4: {  	s25 =	simm.s32 $0x1B8E;
	s24 =	sld [smem:$0x3FFE];
	[sflag:s23] =	ssyncadd.s32 $0xFFFFFFFF  }
0xa5: {  	s26 =	simm.s32 $execute0_lowered;
	[smem:$0x3FD2] =	sst s25  }
0xa6: {  	s4 =	sshll.u32 s26, $0x1;
	_ =	strace $0x80000049;
	[dreg:$0x1] =	wrdreg $0xFFFFFFFF  }
0xa7: {  	s28 =	simm.s32 $_size_execute0_lowered;
	s2 =	sadd.s32 s2, s4;
	[dreg:$0x0] =	wrdreg $0x0  }
0xa8: {  	s4 =	sshll.u32 s28, $0x1;
	[dreg:$0x2] =	wrdreg s2  }
0xa9: {  	[dreg:$0x3] =	wrdreg s4  }
0xaa: {  	[dreg:$0x4] =	wrdreg $0xC0  }
0xab: {  	_ =	task [dreg:s6], $0x5FFFF  }
0xac: {  	[dreg:$0x1] =	wrdreg $0xFFFFFFFF  }
0xad: {  	[dreg:$0x0] =	wrdreg $0x60  }
0xae: {  	[dreg:$0x2] =	wrdreg s24  }
0xaf: {  	[dreg:$0x3] =	wrdreg $0xE8000  }
0xb0: {  	[dreg:$0x4] =	wrdreg $0x138000  }
0xb1: {  	[dreg:$0x5] =	wrdreg $0x9  }
0xb2: {  	_ =	task.clear_ibuf [dreg:s6], $0x6FFFF;
	_ =	strace $0x90000049  }
0xb3: {  	s29 =	simm.s32 $0x9;
	_ =	strace $0x8000004B  }
0xb4: {  	_ =	swait.ge [sflag:s29], $0x1  }
0xb5: {  	[sflag:s29] =	ssyncadd.s32 $0xFFFFFFFF  }
0xb6: {  	_ =	strace $0x9000004B  }
0xb7: {  	_ =	sfence  }
0xb8: {  	s30 =	sld [smem:$0x0];
	_ =	sdelay $0x2  }
0xb9: {  	s31 =	sshll.u32 s1, $0xD;
	s1 =	sshrl.u32 s1, $0x2  }
0xba: {  	s3 =	sand.u32 $0x4000, s31;
	s1 =	sadd.s32 s1, s30  }
0xbb: {  	s0 =	sor.u32 s3, s0;
	s1 =	sshll.u32 s1, $0x11  }
0xbc: {  	s0 =	sor.u32 s1, s0  }
0xbd: {  	s0 =	sadd.s32 $0x8F2B, s0  }
0xbe: {  	[sflag:s0] =	ssyncadd.remote.s32 $0x1  }
0xbf: {  	_ =	sfence.sel $0xFFFF  }
0xc0: {  	[dreg:$0x0] =	wrdreg $0xFFFFFFFF;
	(pc) =	sbr.abs _section_cstart, $3  }
0xc1: {  	[dreg:$0x1] =	wrdreg $0xFFFFFFFF  }
0xc2: {  	_ =	task.clear_ibuf [dreg:s6], $0x2FFFF;
	_ =	strace $0x9FFFFFFF  }
0xc3: {  	(tm) =	ssettm $0x7FFFFFFF  }
tec
execute0_lowered:
.L_overlay_start_1:
0x0: {  	(tag) =	ssettag $0x1  }
0x1: {  	s0 =	rddreg [dreg:$0x0]  }
0x2: {  	s2 =	rddreg [dreg:$0x1];
	s9 =	stileid.u32  }
0x3: {  	s1 =	srdreg.scid;
	s3 =	rddreg [dreg:$0x2];
	s6 =	simm.s32 $0x0  }
0x4: {  	s28 =	simm.s32 $0xB000;
	s30 =	simm.s32 $0xC000;
	s4 =	smul.u32 $0xA00, s9  }
0x5: {  	s29 =	simm.s32 $0x3;
	s31 =	simm.s32 $0x4;
	s7 =	smul.u32 $0x5000, s9  }
0x6: {  	s1 =	sand.u32 $0x1, s1;
	[smem:$0x7FF] =	sst s6;
	s8 =	smul.u32 $0x14000, s9  }
0x7: {  	s23 =	sshll.u32 s9, $0x6;
	s5 =	smul.u32 $0x50000, s1;
	_ =	strace $0x8000004A  }
0x8: {  	s1 =	ssub.s32 $0x2, s1;
	s6 =	sor.u32 $0x1C05, s23;
	s23 =	simm.s32 $0xE000  }
0x9: {  	s4 =	sadd.s32 s4, s0;
	s20 =	sshrl.u32 s1, $0x1;
	s21 =	sadd.s32 s7, s2  }
0xa: {  	s8 =	sshrl.u32 s8, $0x2;
	s5 =	sadd.s32 s7, s5;
	s1 =	ssub.s32 s1, s20  }
0xb: {  	s7 =	sadd.s32 s7, s3;
	s8 =	sadd.s32 s8, s3;
	s17 =	sadd.s32 $0xE600, s4  }
0xc: {  	s18 =	sadd.s32 $0x4600, s4;
	s21 =	sshrl.u32 s21, $0x3;
	s4 =	simm.s32 $0x0  }
0xd: {  	s5 =	sshrl.u32 s5, $0x3;
	s24 =	sadd.s32 $0x800, s8;
	s25 =	sadd.s32 $0x1000, s8  }
0xe: {  	s26 =	sadd.s32 $0x1800, s8;
	s11 =	sadd.s32 $0x2000, s8;
	s12 =	sadd.s32 $0x2800, s8  }
0xf: {  	s13 =	sadd.s32 $0x3000, s8;
	s14 =	sadd.s32 $0x3800, s8;
	s15 =	sadd.s32 $0x4000, s8  }
0x10: {  	s16 =	sadd.s32 $0x4800, s8;
	s20 =	smax.u32 s1, $0x1;
	[dreg:$0x5] =	wrdreg s24  }
0x11: {  	s1 =	simm.s32 $0xD000;
	s0 =	sadd.s32 s5, s0;
	[dreg:$0x6] =	wrdreg s25  }
0x12: {  	[dreg:$0x7] =	wrdreg s26;
	s25 =	simm.s32 $0x80;
	s26 =	simm.s32 $0xA000  }
0x13: {  	s24 =	simm.s32 $0x2;
	s22 =	sadd.s32 $0x18600, s0;
	s19 =	sadd.s32 $0x2C600, s0  }
0x14: {  	v0 =	vimm.f32 $0.0e+00;
	s0 =	simm.s32 $0x1;
	[dreg:$0x4] =	wrdreg s22;
	s22 =	simm.s32 $0x5  }
.LBB2_1:
0x15: {  	s8 =	simm.s32 $0x0  }
0x16: {  	s5 =	sand.u32 $0x1F80, s8  }
0x17: {  	s8 =	sand.u32 $0x10, s8;
	s9 =	sshrl.u32 s5, $0x2  }
0x18: {  	s5 =	simm.s32 $0x40;
	s9 =	sor.u32 s8, s9;
	s8 =	simm.s32 $0x0  }
.LBB2_2:
0x19: {  	p0 =	sne.s32 s5, $0x1FC0  }
0x1a: {  	[tilespmem:s9+$0xE000] =	vst v0;
	s8 =	sadd.s32 $0x10, s8;
	s9 =	smov.u32 s5;
	s5 =	sadd.s32 $0x40, s5  }
.Ltmp0:
0x1b: {  	(pc) =	sbr.rel @p0 .LBB2_2-.Ltmp0, $4  }
0x1c: {  	_ = 	snop  }
0x1d: {  	s9 =	sand.u32 $0x1F80, s9  }
0x1e: {  	s10 =	sand.u32 $0x10, s8;
	s9 =	sshrl.u32 s9, $0x2  }
0x1f: {  	s9 =	sor.u32 s10, s9  }
0x20: {  	[tilespmem:s9+$0xE000] =	vst v0;
	s5 =	rddreg [dreg:$0x4]  }
0x21: {  	[spmem:s21], [sflag:s6] =	dma.local [hbm:s5], $0xA00  }
0x22: {  	_ =	swait.ge [sflag:s22], $0xA00  }
0x23: {  	[sflag:s22] =	ssyncset.done $0x0  }
0x24: {  	[sflag:s22] =	ssyncadd.s32 $0xFFFFF600  }
0x25: {  	[spmem:s7] =	stream.linear.scatter [tilespmem:s23], [sflag:$0x5], $0x800, $0x38;
	[tilespmem:$0x18800] =	vst v63  }
0x26: {  	_ =	swait.ge [sflag:s22], $0x800  }
0x27: {  	[sflag:s22] =	ssyncset.done $0x0  }
0x28: {  	s10 =	rddreg [dreg:$0x5];
	[sflag:s22] =	ssyncadd.s32 $0xFFFFF800  }
0x29: {  	[spmem:s10] =	stream.linear.scatter [tilespmem:s23], [sflag:$0x5], $0x800, $0x38;
	[tilespmem:$0x18800] =	vst v63  }
0x2a: {  	_ =	swait.ge [sflag:s22], $0x800  }
0x2b: {  	[sflag:s22] =	ssyncset.done $0x0  }
0x2c: {  	s8 =	rddreg [dreg:$0x6];
	[sflag:s22] =	ssyncadd.s32 $0xFFFFF800  }
0x2d: {  	[spmem:s8] =	stream.linear.scatter [tilespmem:s23], [sflag:$0x5], $0x800, $0x38;
	[tilespmem:$0x18800] =	vst v63  }
0x2e: {  	_ =	swait.ge [sflag:s22], $0x800  }
0x2f: {  	[sflag:s22] =	ssyncset.done $0x0  }
0x30: {  	s9 =	rddreg [dreg:$0x7];
	[sflag:s22] =	ssyncadd.s32 $0xFFFFF800  }
0x31: {  	[spmem:s9] =	stream.linear.scatter [tilespmem:s23], [sflag:$0x5], $0x800, $0x38;
	[tilespmem:$0x18800] =	vst v63  }
0x32: {  	_ =	swait.ge [sflag:s22], $0x800  }
0x33: {  	[sflag:s22] =	ssyncset.done $0x0  }
0x34: {  	[sflag:s22] =	ssyncadd.s32 $0xFFFFF800  }
0x35: {  	[spmem:s11] =	stream.linear.scatter [tilespmem:s23], [sflag:$0x5], $0x800, $0x38;
	[tilespmem:$0x18800] =	vst v63  }
0x36: {  	_ =	swait.ge [sflag:s22], $0x800  }
0x37: {  	[sflag:s22] =	ssyncset.done $0x0  }
0x38: {  	[sflag:s22] =	ssyncadd.s32 $0xFFFFF800  }
0x39: {  	[spmem:s12] =	stream.linear.scatter [tilespmem:s23], [sflag:$0x5], $0x800, $0x38;
	[tilespmem:$0x18800] =	vst v63  }
0x3a: {  	_ =	swait.ge [sflag:s22], $0x800  }
0x3b: {  	[sflag:s22] =	ssyncset.done $0x0  }
0x3c: {  	[sflag:s22] =	ssyncadd.s32 $0xFFFFF800  }
0x3d: {  	[spmem:s13] =	stream.linear.scatter [tilespmem:s23], [sflag:$0x5], $0x800, $0x38;
	[tilespmem:$0x18800] =	vst v63  }
0x3e: {  	_ =	swait.ge [sflag:s22], $0x800  }
0x3f: {  	[sflag:s22] =	ssyncset.done $0x0  }
0x40: {  	[sflag:s22] =	ssyncadd.s32 $0xFFFFF800  }
0x41: {  	[spmem:s14] =	stream.linear.scatter [tilespmem:s23], [sflag:$0x5], $0x800, $0x38;
	[tilespmem:$0x18800] =	vst v63  }
0x42: {  	_ =	swait.ge [sflag:s22], $0x800  }
0x43: {  	[sflag:s22] =	ssyncset.done $0x0  }
0x44: {  	[sflag:s22] =	ssyncadd.s32 $0xFFFFF800  }
0x45: {  	[spmem:s15] =	stream.linear.scatter [tilespmem:s23], [sflag:$0x5], $0x800, $0x38;
	[tilespmem:$0x18800] =	vst v63  }
0x46: {  	_ =	swait.ge [sflag:s22], $0x800  }
0x47: {  	[sflag:s22] =	ssyncset.done $0x0  }
0x48: {  	[sflag:s22] =	ssyncadd.s32 $0xFFFFF800  }
0x49: {  	[spmem:s16] =	stream.linear.scatter [tilespmem:s23], [sflag:$0x5], $0x800, $0x38;
	[tilespmem:$0x18800] =	vst v63  }
0x4a: {  	_ =	swait.ge [sflag:s22], $0x800  }
0x4b: {  	[sflag:s22] =	ssyncset.done $0x0  }
0x4c: {  	s10 =	simm.s32 $0x0;
	[sflag:s22] =	ssyncadd.s32 $0xFFFFF800  }
0x4d: {  	[tilespmem:s10], [sflag:$0x5] =	stream.linear.gather [hbm4b:s17+s10], $0x5000, $0x38;
	[tilespmem:$0x18800] =	vst v63  }
0x4e: {  	_ =	swait.ge [sflag:s22], $0x5000  }
0x4f: {  	[sflag:s22] =	ssyncset.done $0x0  }
0x50: {  	s8 =	simm.s32 $0x5000;
	[sflag:s22] =	ssyncadd.s32 $0xFFFFB000  }
0x51: {  	[tilespmem:s8], [sflag:$0x5] =	stream.linear.gather [hbm4b:s18+s10], $0x5000, $0x38;
	[tilespmem:$0x18800] =	vst v63  }
0x52: {  	_ =	swait.ge [sflag:s22], $0x5000  }
0x53: {  	[sflag:s22] =	ssyncset.done $0x0  }
0x54: {  	[sflag:s22] =	ssyncadd.s32 $0xFFFFB000  }
0x55: {  	[bflag:$0x0] =	sbarrier.arrive $0xFFFF  }
0x56: {  	[tilespmem:s26], [sflag:$0x1] =	stream.indirect.gather [spmem:s2], $0x20, s10, s25, $0xb8;
	[tilespmem:$0x18800] =	vst v63  }
0x57: {  	_ = 	snop  }
0x58: {  	[tilespmem:s28], [sflag:$0x2] =	stream.indirect.gather [spmem:s2], $0x20, s25, s25, $0xb8;
	[tilespmem:$0x18800] =	vst v63  }
0x59: {  	s8 =	simm.s32 $0x100  }
0x5a: {  	[tilespmem:s30], [sflag:$0x3] =	stream.indirect.gather [spmem:s2], $0x20, s8, s25, $0xb8;
	[tilespmem:$0x18800] =	vst v63  }
0x5b: {  	s9 =	simm.s32 $0x180  }
0x5c: {  	[tilespmem:s1], [sflag:$0x4] =	stream.indirect.gather [spmem:s2], $0x20, s9, s25, $0xb8;
	[tilespmem:$0x18800] =	vst v63  }
0x5d: {  	_ =	swait.ge [sflag:s0], $0x1000  }
0x5e: {  	[sflag:s0] =	ssyncset.done $0x0  }
0x5f: {  	s10 =	simm.s32 $0x5000;
	[sflag:s0] =	ssyncadd.s32 $0xFFFFF000  }
0x60: {  	[spmem:s3] =	stream.indirect.scatter.add.f32 [tilespmem:s26], [sflag:$0x5], $0x20, s10, s25, $0xb8;
	[tilespmem:$0x18800] =	vst v63  }
0x61: {  	_ =	swait.ge [sflag:s22], $0x1000  }
0x62: {  	[sflag:s22] =	ssyncset.done $0x0  }
0x63: {  	s8 =	simm.s32 $0x200;
	[sflag:s22] =	ssyncadd.s32 $0xFFFFF000  }
0x64: {  	[tilespmem:s26], [sflag:$0x1] =	stream.indirect.gather [spmem:s2], $0x20, s8, s25, $0xb8;
	[tilespmem:$0x18800] =	vst v63  }
0x65: {  	_ =	swait.ge [sflag:s24], $0x1000  }
0x66: {  	[sflag:s24] =	ssyncset.done $0x0  }
0x67: {  	s9 =	simm.s32 $0x5080;
	[sflag:s24] =	ssyncadd.s32 $0xFFFFF000  }
0x68: {  	[spmem:s3] =	stream.indirect.scatter.add.f32 [tilespmem:s28], [sflag:$0x5], $0x20, s9, s25, $0xb8;
	[tilespmem:$0x18800] =	vst v63  }
0x69: {  	_ =	swait.ge [sflag:s22], $0x1000  }
0x6a: {  	[sflag:s22] =	ssyncset.done $0x0  }
0x6b: {  	s10 =	simm.s32 $0x280;
	[sflag:s22] =	ssyncadd.s32 $0xFFFFF000  }
0x6c: {  	[tilespmem:s28], [sflag:$0x2] =	stream.indirect.gather [spmem:s2], $0x20, s10, s25, $0xb8;
	[tilespmem:$0x18800] =	vst v63  }
0x6d: {  	_ =	swait.ge [sflag:s29], $0x1000  }
0x6e: {  	[sflag:s29] =	ssyncset.done $0x0  }
0x6f: {  	s8 =	simm.s32 $0x5100;
	[sflag:s29] =	ssyncadd.s32 $0xFFFFF000  }
0x70: {  	[spmem:s3] =	stream.indirect.scatter.add.f32 [tilespmem:s30], [sflag:$0x5], $0x20, s8, s25, $0xb8;
	[tilespmem:$0x18800] =	vst v63  }
0x71: {  	_ =	swait.ge [sflag:s22], $0x1000  }
0x72: {  	[sflag:s22] =	ssyncset.done $0x0  }
0x73: {  	s9 =	simm.s32 $0x300;
	[sflag:s22] =	ssyncadd.s32 $0xFFFFF000  }
0x74: {  	[tilespmem:s30], [sflag:$0x3] =	stream.indirect.gather [spmem:s2], $0x20, s9, s25, $0xb8;
	[tilespmem:$0x18800] =	vst v63  }
0x75: {  	_ =	swait.ge [sflag:s31], $0x1000  }
0x76: {  	[sflag:s31] =	ssyncset.done $0x0  }
0x77: {  	s10 =	simm.s32 $0x5180;
	[sflag:s31] =	ssyncadd.s32 $0xFFFFF000  }
0x78: {  	[spmem:s3] =	stream.indirect.scatter.add.f32 [tilespmem:s1], [sflag:$0x5], $0x20, s10, s25, $0xb8;
	[tilespmem:$0x18800] =	vst v63  }
0x79: {  	_ =	swait.ge [sflag:s22], $0x1000  }
0x7a: {  	[sflag:s22] =	ssyncset.done $0x0  }
0x7b: {  	s5 =	simm.s32 $0x800;
	s8 =	simm.s32 $0x380;
	[sflag:s22] =	ssyncadd.s32 $0xFFFFF000  }
.LBB2_4:
0x7c: {  	[tilespmem:s1], [sflag:$0x4] =	stream.indirect.gather [spmem:s2], $0x20, s8, s25, $0xb8;
	[tilespmem:$0x18800] =	vst v63  }
0x7d: {  	s8 =	smov.u32 s5  }
0x7e: {  	p0 =	sne.s32 s5, $0x13000;
	s5 =	sadd.s32 $0x800, s5;
	_ =	swait.ge [sflag:s0], $0x1000  }
0x7f: {  	s8 =	sshra.s32 s8, $0x2;
	[sflag:s0] =	ssyncset.done $0x0  }
0x80: {  	s9 =	sadd.s32 $0x5000, s8;
	[sflag:s0] =	ssyncadd.s32 $0xFFFFF000  }
0x81: {  	[spmem:s3] =	stream.indirect.scatter.add.f32 [tilespmem:s26], [sflag:$0x5], $0x20, s9, s25, $0xb8;
	[tilespmem:$0x18800] =	vst v63  }
0x82: {  	_ =	swait.ge [sflag:s22], $0x1000  }
0x83: {  	[sflag:s22] =	ssyncset.done $0x0  }
0x84: {  	s9 =	sadd.s32 $0x200, s8;
	[sflag:s22] =	ssyncadd.s32 $0xFFFFF000  }
0x85: {  	[tilespmem:s26], [sflag:$0x1] =	stream.indirect.gather [spmem:s2], $0x20, s9, s25, $0xb8;
	[tilespmem:$0x18800] =	vst v63  }
0x86: {  	_ =	swait.ge [sflag:s24], $0x1000  }
0x87: {  	[sflag:s24] =	ssyncset.done $0x0  }
0x88: {  	s9 =	sadd.s32 $0x5080, s8;
	[sflag:s24] =	ssyncadd.s32 $0xFFFFF000  }
0x89: {  	[spmem:s3] =	stream.indirect.scatter.add.f32 [tilespmem:s28], [sflag:$0x5], $0x20, s9, s25, $0xb8;
	[tilespmem:$0x18800] =	vst v63  }
0x8a: {  	_ =	swait.ge [sflag:s22], $0x1000  }
0x8b: {  	[sflag:s22] =	ssyncset.done $0x0  }
0x8c: {  	s9 =	sadd.s32 $0x280, s8;
	[sflag:s22] =	ssyncadd.s32 $0xFFFFF000  }
0x8d: {  	[tilespmem:s28], [sflag:$0x2] =	stream.indirect.gather [spmem:s2], $0x20, s9, s25, $0xb8;
	[tilespmem:$0x18800] =	vst v63  }
0x8e: {  	_ =	swait.ge [sflag:s29], $0x1000  }
0x8f: {  	[sflag:s29] =	ssyncset.done $0x0  }
0x90: {  	s9 =	sadd.s32 $0x5100, s8;
	[sflag:s29] =	ssyncadd.s32 $0xFFFFF000  }
0x91: {  	[spmem:s3] =	stream.indirect.scatter.add.f32 [tilespmem:s30], [sflag:$0x5], $0x20, s9, s25, $0xb8;
	[tilespmem:$0x18800] =	vst v63  }
0x92: {  	_ =	swait.ge [sflag:s22], $0x1000  }
0x93: {  	[sflag:s22] =	ssyncset.done $0x0  }
0x94: {  	s9 =	sadd.s32 $0x300, s8;
	[sflag:s22] =	ssyncadd.s32 $0xFFFFF000  }
0x95: {  	[tilespmem:s30], [sflag:$0x3] =	stream.indirect.gather [spmem:s2], $0x20, s9, s25, $0xb8;
	[tilespmem:$0x18800] =	vst v63  }
0x96: {  	_ =	swait.ge [sflag:s31], $0x1000  }
0x97: {  	[sflag:s31] =	ssyncset.done $0x0  }
.Ltmp1:
0x98: {  	s9 =	sadd.s32 $0x5180, s8;
	[sflag:s31] =	ssyncadd.s32 $0xFFFFF000;
	(pc) =	sbr.rel @p0 .LBB2_4-.Ltmp1, $4  }
0x99: {  	[spmem:s3] =	stream.indirect.scatter.add.f32 [tilespmem:s1], [sflag:$0x5], $0x20, s9, s25, $0xb8;
	[tilespmem:$0x18800] =	vst v63  }
0x9a: {  	_ =	swait.ge [sflag:s22], $0x1000  }
0x9b: {  	[sflag:s22] =	ssyncset.done $0x0  }
0x9c: {  	s8 =	sadd.s32 $0x380, s8;
	[sflag:s22] =	ssyncadd.s32 $0xFFFFF000  }
0x9d: {  	[tilespmem:s1], [sflag:$0x4] =	stream.indirect.gather [spmem:s2], $0x20, s8, s25, $0xb8;
	[tilespmem:$0x18800] =	vst v63  }
0x9e: {  	_ =	swait.ge [sflag:s0], $0x1000  }
0x9f: {  	[sflag:s0] =	ssyncset.done $0x0  }
0xa0: {  	s5 =	simm.s32 $0x9E00;
	[sflag:s0] =	ssyncadd.s32 $0xFFFFF000  }
0xa1: {  	[spmem:s3] =	stream.indirect.scatter.add.f32 [tilespmem:s26], [sflag:$0x5], $0x20, s5, s25, $0xb8;
	[tilespmem:$0x18800] =	vst v63  }
0xa2: {  	_ =	swait.ge [sflag:s22], $0x1000  }
0xa3: {  	[sflag:s22] =	ssyncset.done $0x0  }
0xa4: {  	[sflag:s22] =	ssyncadd.s32 $0xFFFFF000  }
0xa5: {  	_ =	swait.ge [sflag:s24], $0x1000  }
0xa6: {  	[sflag:s24] =	ssyncset.done $0x0  }
0xa7: {  	s10 =	simm.s32 $0x9E80;
	[sflag:s24] =	ssyncadd.s32 $0xFFFFF000  }
0xa8: {  	[spmem:s3] =	stream.indirect.scatter.add.f32 [tilespmem:s28], [sflag:$0x5], $0x20, s10, s25, $0xb8;
	[tilespmem:$0x18800] =	vst v63  }
0xa9: {  	_ =	swait.ge [sflag:s22], $0x1000  }
0xaa: {  	[sflag:s22] =	ssyncset.done $0x0  }
0xab: {  	[sflag:s22] =	ssyncadd.s32 $0xFFFFF000  }
0xac: {  	_ =	swait.ge [sflag:s29], $0x1000  }
0xad: {  	[sflag:s29] =	ssyncset.done $0x0  }
0xae: {  	s8 =	simm.s32 $0x9F00;
	[sflag:s29] =	ssyncadd.s32 $0xFFFFF000  }
0xaf: {  	[spmem:s3] =	stream.indirect.scatter.add.f32 [tilespmem:s30], [sflag:$0x5], $0x20, s8, s25, $0xb8;
	[tilespmem:$0x18800] =	vst v63  }
0xb0: {  	_ =	swait.ge [sflag:s22], $0x1000  }
0xb1: {  	[sflag:s22] =	ssyncset.done $0x0  }
0xb2: {  	[sflag:s22] =	ssyncadd.s32 $0xFFFFF000  }
0xb3: {  	_ =	swait.ge [sflag:s31], $0x1000  }
0xb4: {  	[sflag:s31] =	ssyncset.done $0x0  }
0xb5: {  	s9 =	simm.s32 $0x9F80;
	[sflag:s31] =	ssyncadd.s32 $0xFFFFF000  }
0xb6: {  	[spmem:s3] =	stream.indirect.scatter.add.f32 [tilespmem:s1], [sflag:$0x5], $0x20, s9, s25, $0xb8;
	[tilespmem:$0x18800] =	vst v63  }
0xb7: {  	_ =	swait.ge [sflag:s22], $0x1000  }
0xb8: {  	s4 =	sadd.s32 $0x1, s4;
	[sflag:s22] =	ssyncset.done $0x0  }
0xb9: {  	p0 =	sne.s32 s4, s20;
	[sflag:s22] =	ssyncadd.s32 $0xFFFFF000  }
.Ltmp2:
0xba: {  	s10 =	sshrl.u32 s7, $0x3;
	[bflag:$0x0] =	sbarrier.arrive $0xFFFF;
	(pc) =	sbr.rel @p0 .LBB2_1-.Ltmp2, $4  }
0xbb: {  	[hbm:s19], [sflag:s6] =	dma.local [spmem:s10], $0xA00  }
0xbc: {  	_ =	swait.ge [sflag:s22], $0xA00  }
0xbd: {  	[sflag:s22] =	ssyncset.done $0x0  }
0xbe: {  	[sflag:s22] =	ssyncadd.s32 $0xFFFFF600  }
0xbf: {  	_ =	sfence.sel $0x180000  }
0xc0: {  	[bflag:$0x0] =	sbarrier.arrive $0xFFFF  }
0xc1: {  	_ =	strace $0x9000004A  }
0xc2: {  	s0 =	stileid.u32;
	[bflag:$0x2] =	sbarrier.arrive $0xFFFF  }
0xc3: {  	p0 =	sne.s32 s0, $0x0;
	s0 =	rddreg [dreg:$0x3]  }
0xc4: {  	s0 =	sadd.s32 @!p0 $0x100000, s0  }
0xc5: {  	[sflag:s0] =	ssyncadd.tile.s32 @!p0 $0x1;
	_ =	shalt  }
.Lfunc_end2:
_tile_overlayer_lowered:
.L_overlay_start_2:
0xc6: {  	(tag) =	ssettag $0x2  }
0xc7: {  	s0 =	rddreg [dreg:$0x0];
	s2 =	stileid.u32  }
0xc8: {  	s1 =	rddreg [dreg:$0x1];
	p0 =	sne.s32 s2, $0x0  }
0xc9: {  	s3 =	rddreg [dreg:$0x2];
	[bflag:$0x3] =	sbarrier.arrive $0xFFFF;
	s2 =	simm.s32 @!p0 $0x1C05  }
0xca: {  	[timem:s3], [sflag:s2] =	dma.local @!p0 [hbm:s0], s1  }
0xcb: {  	s0 =	simm.s32 @!p0 $0x5  }
0xcc: {  	_ =	swait.ge @!p0 [sflag:s0], s1  }
0xcd: {  	s1 =	ssub.s32 @!p0 $0x0, s1;
	[sflag:s0] =	ssyncset.done @!p0 $0x0  }
0xce: {  	[sflag:s0] =	ssyncadd.s32 @!p0 s1  }
0xcf: {  	[bflag:$0x3] =	sbarrier.arrive $0xFFFF  }
0xd0: {  	_ =	shalt  }

// kernel: kernel.17.cloned.1.call-start
scs
__scs_entry_jumppad:
0x0: {  	(pc) =	sbr.rel $0x88, $3  }
0x1: {  	(tag) =	ssettag $0x0;
	lr =	simm.s32 $0x1  }
0x2: {  	[smem:$0x3F96] =	sst lr;
	_ =	strace $0xD0000000  }
0x3: {  	_ = 	snop  }
0x4: {  	_ = 	snop  }
0x5: {  	_ = 	snop  }
0x6: {  	_ = 	snop  }
0x7: {  	_ = 	snop  }
__scs_overlays_trampoline_lowered:
0x8: {  	[smem:$0x3FA5] =	sst s0  }
0x9: {  	[smem:$0x3FA6] =	sst s1  }
0xa: {  	[smem:$0x3FA7] =	sst s2  }
0xb: {  	[smem:$0x3FA8] =	sst s3  }
0xc: {  	[smem:$0x3FA9] =	sst s4  }
0xd: {  	[smem:$0x3FAA] =	sst s5  }
0xe: {  	[smem:$0x3FAB] =	sst s6  }
0xf: {  	[smem:$0x3FAC] =	sst s7  }
0x10: {  	[smem:$0x3FAD] =	sst s8  }
0x11: {  	[smem:$0x3FAE] =	sst s9;
	s0 =	simm.s32 @!p0 $0x0  }
0x12: {  	s1 =	sld [smem:$0x3F94];
	s0 =	simm.s32 @p0 $0x1  }
0x13: {  	[smem:$0x3FAF] =	sst s0;
	s0 =	simm.s32 @!p1 $0x0  }
0x14: {  	s2 =	sld [smem:$0x3F93];
	s0 =	simm.s32 @p1 $0x1  }
0x15: {  	[smem:$0x3FB0] =	sst s0;
	s0 =	simm.s32 @!p2 $0x0  }
0x16: {  	s3 =	sld [smem:$0x3FDB];
	s0 =	simm.s32 @p2 $0x1  }
0x17: {  	s4 =	simm.s32 $0x1BF5;
	[smem:$0x3FB2] =	sst s0  }
0x18: {  	s0 =	sld [smem:$0x3F95];
	_ =	swait.ge [sflag:s4], $0x0  }
0x19: {  	s7 =	sld [smem:$0x3F96]  }
0x1a: {  	s8 =	sadd.s32 $0xFFFFE003, lr  }
0x1b: {  	s9 =	sadd.s32 $0xFFFFFEF7, lr;
	s5 =	simm.s32 $0xFFFFFFFF;
	p2 =	slt.u32 s8, $0xFFFFF086  }
0x1c: {  	p1 =	slt.u32 s9, $0xF7A;
	s5 =	simm.s32 @!p2 $0x0  }
0x1d: {  	s5 =	simm.s32 @p1 $0x1;
	p0 =	seq.s32 s7, s2  }
0x1e: {  	s7 =	smul.u32 @!p0 $0xF7A, s2;
	p2 =	seq.s32 @!p0 s5, $0x0  }
0x1f: {  	s9 =	smul.u32 $0xF7A, s1;
	s8 =	simm.s32 @!p0 $0x1BF5;
	p2 =	por !p2, p0  }
0x20: {  	[sflag:s8] =	ssyncset.s32 @!p0 $0xFFFFF086;
	s6 =	sadd.s32 @!p0 s3, s7;
	s7 =	simm.s32 @!p0 $0x108  }
0x21: {  	s3 =	sadd.s32 s3, s9;
	s6 =	sadd.s32 @!p0 $0x88, s6;
	s7 =	simm.s32 @p2 $0x1082  }
0x22: {  	[simem:s7], [sflag:s8] =	dma.local @!p0 [hbm:s6], $0xF7A  }
0x23: {  	s9 =	sor.u32 $0xD0000000, s2;
	s6 =	simm.s32 $0x108;
	_ =	swait.ge @!p0 [sflag:s8], $0x0  }
0x24: {  	s3 =	sadd.s32 $0x88, s3;
	s6 =	simm.s32 @!p1 $0x1082;
	[sflag:s4] =	ssyncset.s32 $0xFFFFF086  }
0x25: {  	[simem:s6], [sflag:s4] =	dma.local [hbm:s3], $0xF7A  }
0x26: {  	[smem:$0x3F96] =	sst s1;
	(tag) =	ssettag s2;
	_ =	strace s9  }
0x27: {  	s1 =	sld [smem:$0x3FA6]  }
0x28: {  	s2 =	sld [smem:$0x3FA7]  }
0x29: {  	s4 =	sld [smem:$0x3FA9]  }
0x2a: {  	p0 =	seq.s32 s5, $0x0;
	s5 =	sld [smem:$0x3FAA]  }
0x2b: {  	s6 =	sld [smem:$0x3FAB]  }
0x2c: {  	s7 =	sld [smem:$0x3FAC]  }
0x2d: {  	s3 =	simm.s32 $0x108;
	s8 =	sld [smem:$0x3FAD]  }
0x2e: {  	s3 =	simm.s32 @!p0 $0x1082;
	s9 =	sld [smem:$0x3FAE]  }
0x2f: {  	lr =	sadd.s32 s0, s3;
	s0 =	sld [smem:$0x3FA5]  }
0x30: {  	s3 =	sld [smem:$0x3FA8]  }
0x31: {  	[smem:$0x3FB1] =	sst s10  }
0x32: {  	s10 =	sld [smem:$0x3FAF];
	_ =	sdelay $0x3  }
0x33: {  	p0 =	seq.s32 s10, $0x1;
	s10 =	sld [smem:$0x3FB1];
	_ =	sdelay $0x3  }
0x34: {  	[smem:$0x3FB1] =	sst s10  }
0x35: {  	s10 =	sld [smem:$0x3FB0];
	_ =	sdelay $0x3  }
0x36: {  	p1 =	seq.s32 s10, $0x1;
	s10 =	sld [smem:$0x3FB1];
	_ =	sdelay $0x3  }
0x37: {  	[smem:$0x3FB1] =	sst s10  }
0x38: {  	s10 =	sld [smem:$0x3FB2]  }
0x39: {  	_ = 	snop;
	(pc) =	sbr.ind lr, $3  }
0x3a: {  	_ = 	snop  }
0x3b: {  	_ = 	snop  }
0x3c: {  	p2 =	seq.s32 s10, $0x1;
	s10 =	sld [smem:$0x3FB1]  }
0x3d: {  	_ =	shalt  }
0x3e: {  	_ =	shalt  }
0x3f: {  	_ =	shalt  }
0x40: {  	_ =	shalt  }
0x41: {  	_ =	shalt  }
0x42: {  	_ =	shalt  }
0x43: {  	_ =	shalt  }
0x44: {  	_ =	shalt  }
0x45: {  	_ =	shalt  }
0x46: {  	_ =	shalt  }
0x47: {  	_ =	shalt  }
0x48: {  	_ =	shalt  }
0x49: {  	_ =	shalt  }
0x4a: {  	_ =	shalt  }
0x4b: {  	_ =	shalt  }
0x4c: {  	_ =	shalt  }
0x4d: {  	_ =	shalt  }
0x4e: {  	_ =	shalt  }
0x4f: {  	_ =	shalt  }
0x50: {  	_ =	shalt  }
0x51: {  	_ =	shalt  }
0x52: {  	_ =	shalt  }
0x53: {  	_ =	shalt  }
0x54: {  	_ =	shalt  }
0x55: {  	_ =	shalt  }
0x56: {  	_ =	shalt  }
0x57: {  	_ =	shalt  }
0x58: {  	_ =	shalt  }
0x59: {  	_ =	shalt  }
0x5a: {  	_ =	shalt  }
0x5b: {  	_ =	shalt  }
0x5c: {  	_ =	shalt  }
0x5d: {  	_ =	shalt  }
0x5e: {  	_ =	shalt  }
0x5f: {  	_ =	shalt  }
0x60: {  	_ =	shalt  }
0x61: {  	_ =	shalt  }
0x62: {  	_ =	shalt  }
0x63: {  	_ =	shalt  }
0x64: {  	_ =	shalt  }
0x65: {  	_ =	shalt  }
0x66: {  	_ =	shalt  }
0x67: {  	_ =	shalt  }
0x68: {  	_ =	shalt  }
0x69: {  	_ =	shalt  }
0x6a: {  	_ =	shalt  }
0x6b: {  	_ =	shalt  }
0x6c: {  	_ =	shalt  }
0x6d: {  	_ =	shalt  }
0x6e: {  	_ =	shalt  }
0x6f: {  	_ =	shalt  }
0x70: {  	_ =	shalt  }
0x71: {  	_ =	shalt  }
0x72: {  	_ =	shalt  }
0x73: {  	_ =	shalt  }
0x74: {  	_ =	shalt  }
0x75: {  	_ =	shalt  }
0x76: {  	_ =	shalt  }
0x77: {  	_ =	shalt  }
0x78: {  	_ =	shalt  }
0x79: {  	_ =	shalt  }
0x7a: {  	_ =	shalt  }
0x7b: {  	_ =	shalt  }
0x7c: {  	_ =	shalt  }
0x7d: {  	_ =	shalt  }
0x7e: {  	_ =	shalt  }
0x7f: {  	_ =	shalt  }
0x80: {  	_ =	shalt  }
0x81: {  	_ =	shalt  }
0x82: {  	_ =	shalt  }
0x83: {  	_ =	shalt  }
0x84: {  	_ =	shalt  }
0x85: {  	_ =	shalt  }
0x86: {  	_ =	shalt  }
0x87: {  	_ =	shalt  }
.Lfunc_end0:
.L_simem_size_0:
called_computation.2_lowered:
.L_overlay_start_0:
0x88: {  	s2 =	sld [smem:$0x3FD9]  }
0x89: {  	s3 =	sld [smem:$0x3FFE];
	_ =	sdelay $0x1  }
0x8a: {  	s1 =	srdreg.scid  }
0x8b: {  	s0 =	sand.u32 $0x1, s1  }
0x8c: {  	s16 =	sshll.u32 s0, $0xA;
	s2 =	sadd.s32 s3, s2  }
0x8d: {  	s2 =	sadd.s32 s2, s16  }
0x8e: {  	[smem:$0x3FBD] =	sst s2  }
0x8f: {  	_ = 	snop  }
0x90: {  	(tm) =	ssettm $0x1  }
0x91: {  	s17 =	sld [smem:$0x3FFB];
	_ =	sdelay $0x3  }
0x92: {  	_ =	strace s17  }
0x93: {  	s2 =	sld [smem:$0x3FFC];
	_ =	sdelay $0x3  }
0x94: {  	_ =	strace s2  }
0x95: {  	s2 =	sld [smem:$0x3FFD];
	_ =	sdelay $0x3  }
0x96: {  	_ =	strace s2  }
0x97: {  	_ =	strace $0x8FFFFFFF  }
0x98: {  	s18 =	sld [smem:$0x3FDB];
	_ =	sdelay $0x1  }
0x99: {  	s19 =	simm.s32 $_scs_section_size  }
0x9a: {  	s4 =	simm.s32 $_size__tile_overlayer_lowered;
	s5 =	simm.s32 $_tile_overlayer_lowered  }
0x9b: {  	s22 =	simm.s32 $0x1BFF;
	s21 =	sshll.u32 s5, $0x1;
	s2 =	sadd.s32 s19, s18  }
0x9c: {  	s6 =	simm.s32 $0x0;
	s20 =	sshll.u32 s4, $0x1;
	s4 =	sadd.s32 s21, s2  }
0x9d: {  	[timem:s6], [sflag:s22] =	dma.local [hbm:s4], s20  }
0x9e: {  	_ =	swait.ge [sflag:s22], s20  }
0x9f: {  	s3 =	ssub.s32 $0x0, s20;
	[sflag:s22] =	ssyncset.done $0x0  }
0xa0: {  	[sflag:s22] =	ssyncadd.s32 s3;
	_ =	sdelay $0x1  }
0xa1: {  	s23 =	simm.s32 $0x1B8B  }
0xa2: {  	_ =	swait.ge [sflag:s23], $0x1  }
0xa3: {  	[sflag:s23] =	ssyncset.done $0x0  }
0xa4: {  	s25 =	simm.s32 $0x1B8E;
	s24 =	sld [smem:$0x3FFE];
	[sflag:s23] =	ssyncadd.s32 $0xFFFFFFFF  }
0xa5: {  	s26 =	simm.s32 $execute0_lowered;
	[smem:$0x3FD2] =	sst s25  }
0xa6: {  	s4 =	sshll.u32 s26, $0x1;
	_ =	strace $0x8000004C;
	[dreg:$0x1] =	wrdreg $0xFFFFFFFF  }
0xa7: {  	s28 =	simm.s32 $_size_execute0_lowered;
	s2 =	sadd.s32 s2, s4;
	[dreg:$0x0] =	wrdreg $0x0  }
0xa8: {  	s4 =	sshll.u32 s28, $0x1;
	[dreg:$0x2] =	wrdreg s2  }
0xa9: {  	[dreg:$0x3] =	wrdreg s4  }
0xaa: {  	[dreg:$0x4] =	wrdreg $0xC0  }
0xab: {  	_ =	task [dreg:s6], $0x5FFFF  }
0xac: {  	[dreg:$0x1] =	wrdreg $0xFFFFFFFF  }
0xad: {  	[dreg:$0x0] =	wrdreg $0x60  }
0xae: {  	[dreg:$0x2] =	wrdreg s24  }
0xaf: {  	[dreg:$0x3] =	wrdreg $0xE8000  }
0xb0: {  	[dreg:$0x4] =	wrdreg $0x138000  }
0xb1: {  	[dreg:$0x5] =	wrdreg $0x9  }
0xb2: {  	_ =	task.clear_ibuf [dreg:s6], $0x6FFFF;
	_ =	strace $0x9000004C  }
0xb3: {  	s29 =	simm.s32 $0x9;
	_ =	strace $0x8000004E  }
0xb4: {  	_ =	swait.ge [sflag:s29], $0x1  }
0xb5: {  	[sflag:s29] =	ssyncadd.s32 $0xFFFFFFFF  }
0xb6: {  	_ =	strace $0x9000004E  }
0xb7: {  	_ =	sfence  }
0xb8: {  	s30 =	sld [smem:$0x0];
	_ =	sdelay $0x2  }
0xb9: {  	s31 =	sshll.u32 s1, $0xD;
	s1 =	sshrl.u32 s1, $0x2  }
0xba: {  	s3 =	sand.u32 $0x4000, s31;
	s1 =	sadd.s32 s1, s30  }
0xbb: {  	s0 =	sor.u32 s3, s0;
	s1 =	sshll.u32 s1, $0x11  }
0xbc: {  	s0 =	sor.u32 s1, s0  }
0xbd: {  	s0 =	sadd.s32 $0x8F2B, s0  }
0xbe: {  	[sflag:s0] =	ssyncadd.remote.s32 $0x1  }
0xbf: {  	_ =	sfence.sel $0xFFFF  }
0xc0: {  	[dreg:$0x0] =	wrdreg $0xFFFFFFFF;
	(pc) =	sbr.abs _section_cstart, $3  }
0xc1: {  	[dreg:$0x1] =	wrdreg $0xFFFFFFFF  }
0xc2: {  	_ =	task.clear_ibuf [dreg:s6], $0x2FFFF;
	_ =	strace $0x9FFFFFFF  }
0xc3: {  	(tm) =	ssettm $0x7FFFFFFF  }
tec
execute0_lowered:
.L_overlay_start_1:
0x0: {  	(tag) =	ssettag $0x1  }
0x1: {  	s0 =	rddreg [dreg:$0x0]  }
0x2: {  	s2 =	rddreg [dreg:$0x1];
	s9 =	stileid.u32  }
0x3: {  	s1 =	srdreg.scid;
	s3 =	rddreg [dreg:$0x2];
	s6 =	simm.s32 $0x0  }
0x4: {  	s28 =	simm.s32 $0xB000;
	s30 =	simm.s32 $0xC000;
	s4 =	smul.u32 $0xA00, s9  }
0x5: {  	s29 =	simm.s32 $0x3;
	s31 =	simm.s32 $0x4;
	s7 =	smul.u32 $0x5000, s9  }
0x6: {  	s1 =	sand.u32 $0x1, s1;
	[smem:$0x7FF] =	sst s6;
	s8 =	smul.u32 $0x14000, s9  }
0x7: {  	s23 =	sshll.u32 s9, $0x6;
	s5 =	smul.u32 $0x50000, s1;
	_ =	strace $0x8000004D  }
0x8: {  	s1 =	ssub.s32 $0x2, s1;
	s6 =	sor.u32 $0x1C05, s23;
	s23 =	simm.s32 $0xE000  }
0x9: {  	s4 =	sadd.s32 s4, s0;
	s20 =	sshrl.u32 s1, $0x1;
	s21 =	sadd.s32 s7, s2  }
0xa: {  	s8 =	sshrl.u32 s8, $0x2;
	s5 =	sadd.s32 s7, s5;
	s1 =	ssub.s32 s1, s20  }
0xb: {  	s7 =	sadd.s32 s7, s3;
	s8 =	sadd.s32 s8, s3;
	s17 =	sadd.s32 $0xE600, s4  }
0xc: {  	s18 =	sadd.s32 $0x4600, s4;
	s21 =	sshrl.u32 s21, $0x3;
	s4 =	simm.s32 $0x0  }
0xd: {  	s5 =	sshrl.u32 s5, $0x3;
	s24 =	sadd.s32 $0x800, s8;
	s25 =	sadd.s32 $0x1000, s8  }
0xe: {  	s26 =	sadd.s32 $0x1800, s8;
	s11 =	sadd.s32 $0x2000, s8;
	s12 =	sadd.s32 $0x2800, s8  }
0xf: {  	s13 =	sadd.s32 $0x3000, s8;
	s14 =	sadd.s32 $0x3800, s8;
	s15 =	sadd.s32 $0x4000, s8  }
0x10: {  	s16 =	sadd.s32 $0x4800, s8;
	s20 =	smax.u32 s1, $0x1;
	[dreg:$0x5] =	wrdreg s24  }
0x11: {  	s1 =	simm.s32 $0xD000;
	s0 =	sadd.s32 s5, s0;
	[dreg:$0x6] =	wrdreg s25  }
0x12: {  	[dreg:$0x7] =	wrdreg s26;
	s25 =	simm.s32 $0x80;
	s26 =	simm.s32 $0xA000  }
0x13: {  	s24 =	simm.s32 $0x2;
	s22 =	sadd.s32 $0x18600, s0;
	s19 =	sadd.s32 $0x2C600, s0  }
0x14: {  	v0 =	vimm.f32 $0.0e+00;
	s0 =	simm.s32 $0x1;
	[dreg:$0x4] =	wrdreg s22;
	s22 =	simm.s32 $0x5  }
.LBB2_1:
0x15: {  	s8 =	simm.s32 $0x0  }
0x16: {  	s5 =	sand.u32 $0x1F80, s8  }
0x17: {  	s8 =	sand.u32 $0x10, s8;
	s9 =	sshrl.u32 s5, $0x2  }
0x18: {  	s5 =	simm.s32 $0x40;
	s9 =	sor.u32 s8, s9;
	s8 =	simm.s32 $0x0  }
.LBB2_2:
0x19: {  	p0 =	sne.s32 s5, $0x1FC0  }
0x1a: {  	[tilespmem:s9+$0xE000] =	vst v0;
	s8 =	sadd.s32 $0x10, s8;
	s9 =	smov.u32 s5;
	s5 =	sadd.s32 $0x40, s5  }
.Ltmp0:
0x1b: {  	(pc) =	sbr.rel @p0 .LBB2_2-.Ltmp0, $4  }
0x1c: {  	_ = 	snop  }
0x1d: {  	s9 =	sand.u32 $0x1F80, s9  }
0x1e: {  	s10 =	sand.u32 $0x10, s8;
	s9 =	sshrl.u32 s9, $0x2  }
0x1f: {  	s9 =	sor.u32 s10, s9  }
0x20: {  	[tilespmem:s9+$0xE000] =	vst v0;
	s5 =	rddreg [dreg:$0x4]  }
0x21: {  	[spmem:s21], [sflag:s6] =	dma.local [hbm:s5], $0xA00  }
0x22: {  	_ =	swait.ge [sflag:s22], $0xA00  }
0x23: {  	[sflag:s22] =	ssyncset.done $0x0  }
0x24: {  	[sflag:s22] =	ssyncadd.s32 $0xFFFFF600  }
0x25: {  	[spmem:s7] =	stream.linear.scatter [tilespmem:s23], [sflag:$0x5], $0x800, $0x38;
	[tilespmem:$0x18800] =	vst v63  }
0x26: {  	_ =	swait.ge [sflag:s22], $0x800  }
0x27: {  	[sflag:s22] =	ssyncset.done $0x0  }
0x28: {  	s10 =	rddreg [dreg:$0x5];
	[sflag:s22] =	ssyncadd.s32 $0xFFFFF800  }
0x29: {  	[spmem:s10] =	stream.linear.scatter [tilespmem:s23], [sflag:$0x5], $0x800, $0x38;
	[tilespmem:$0x18800] =	vst v63  }
0x2a: {  	_ =	swait.ge [sflag:s22], $0x800  }
0x2b: {  	[sflag:s22] =	ssyncset.done $0x0  }
0x2c: {  	s8 =	rddreg [dreg:$0x6];
	[sflag:s22] =	ssyncadd.s32 $0xFFFFF800  }
0x2d: {  	[spmem:s8] =	stream.linear.scatter [tilespmem:s23], [sflag:$0x5], $0x800, $0x38;
	[tilespmem:$0x18800] =	vst v63  }
0x2e: {  	_ =	swait.ge [sflag:s22], $0x800  }
0x2f: {  	[sflag:s22] =	ssyncset.done $0x0  }
0x30: {  	s9 =	rddreg [dreg:$0x7];
	[sflag:s22] =	ssyncadd.s32 $0xFFFFF800  }
0x31: {  	[spmem:s9] =	stream.linear.scatter [tilespmem:s23], [sflag:$0x5], $0x800, $0x38;
	[tilespmem:$0x18800] =	vst v63  }
0x32: {  	_ =	swait.ge [sflag:s22], $0x800  }
0x33: {  	[sflag:s22] =	ssyncset.done $0x0  }
0x34: {  	[sflag:s22] =	ssyncadd.s32 $0xFFFFF800  }
0x35: {  	[spmem:s11] =	stream.linear.scatter [tilespmem:s23], [sflag:$0x5], $0x800, $0x38;
	[tilespmem:$0x18800] =	vst v63  }
0x36: {  	_ =	swait.ge [sflag:s22], $0x800  }
0x37: {  	[sflag:s22] =	ssyncset.done $0x0  }
0x38: {  	[sflag:s22] =	ssyncadd.s32 $0xFFFFF800  }
0x39: {  	[spmem:s12] =	stream.linear.scatter [tilespmem:s23], [sflag:$0x5], $0x800, $0x38;
	[tilespmem:$0x18800] =	vst v63  }
0x3a: {  	_ =	swait.ge [sflag:s22], $0x800  }
0x3b: {  	[sflag:s22] =	ssyncset.done $0x0  }
0x3c: {  	[sflag:s22] =	ssyncadd.s32 $0xFFFFF800  }
0x3d: {  	[spmem:s13] =	stream.linear.scatter [tilespmem:s23], [sflag:$0x5], $0x800, $0x38;
	[tilespmem:$0x18800] =	vst v63  }
0x3e: {  	_ =	swait.ge [sflag:s22], $0x800  }
0x3f: {  	[sflag:s22] =	ssyncset.done $0x0  }
0x40: {  	[sflag:s22] =	ssyncadd.s32 $0xFFFFF800  }
0x41: {  	[spmem:s14] =	stream.linear.scatter [tilespmem:s23], [sflag:$0x5], $0x800, $0x38;
	[tilespmem:$0x18800] =	vst v63  }
0x42: {  	_ =	swait.ge [sflag:s22], $0x800  }
0x43: {  	[sflag:s22] =	ssyncset.done $0x0  }
0x44: {  	[sflag:s22] =	ssyncadd.s32 $0xFFFFF800  }
0x45: {  	[spmem:s15] =	stream.linear.scatter [tilespmem:s23], [sflag:$0x5], $0x800, $0x38;
	[tilespmem:$0x18800] =	vst v63  }
0x46: {  	_ =	swait.ge [sflag:s22], $0x800  }
0x47: {  	[sflag:s22] =	ssyncset.done $0x0  }
0x48: {  	[sflag:s22] =	ssyncadd.s32 $0xFFFFF800  }
0x49: {  	[spmem:s16] =	stream.linear.scatter [tilespmem:s23], [sflag:$0x5], $0x800, $0x38;
	[tilespmem:$0x18800] =	vst v63  }
0x4a: {  	_ =	swait.ge [sflag:s22], $0x800  }
0x4b: {  	[sflag:s22] =	ssyncset.done $0x0  }
0x4c: {  	s10 =	simm.s32 $0x0;
	[sflag:s22] =	ssyncadd.s32 $0xFFFFF800  }
0x4d: {  	[tilespmem:s10], [sflag:$0x5] =	stream.linear.gather [hbm4b:s17+s10], $0x5000, $0x38;
	[tilespmem:$0x18800] =	vst v63  }
0x4e: {  	_ =	swait.ge [sflag:s22], $0x5000  }
0x4f: {  	[sflag:s22] =	ssyncset.done $0x0  }
0x50: {  	s8 =	simm.s32 $0x5000;
	[sflag:s22] =	ssyncadd.s32 $0xFFFFB000  }
0x51: {  	[tilespmem:s8], [sflag:$0x5] =	stream.linear.gather [hbm4b:s18+s10], $0x5000, $0x38;
	[tilespmem:$0x18800] =	vst v63  }
0x52: {  	_ =	swait.ge [sflag:s22], $0x5000  }
0x53: {  	[sflag:s22] =	ssyncset.done $0x0  }
0x54: {  	[sflag:s22] =	ssyncadd.s32 $0xFFFFB000  }
0x55: {  	[bflag:$0x0] =	sbarrier.arrive $0xFFFF  }
0x56: {  	[tilespmem:s26], [sflag:$0x1] =	stream.indirect.gather [spmem:s2], $0x20, s10, s25, $0xb8;
	[tilespmem:$0x18800] =	vst v63  }
0x57: {  	_ = 	snop  }
0x58: {  	[tilespmem:s28], [sflag:$0x2] =	stream.indirect.gather [spmem:s2], $0x20, s25, s25, $0xb8;
	[tilespmem:$0x18800] =	vst v63  }
0x59: {  	s8 =	simm.s32 $0x100  }
0x5a: {  	[tilespmem:s30], [sflag:$0x3] =	stream.indirect.gather [spmem:s2], $0x20, s8, s25, $0xb8;
	[tilespmem:$0x18800] =	vst v63  }
0x5b: {  	s9 =	simm.s32 $0x180  }
0x5c: {  	[tilespmem:s1], [sflag:$0x4] =	stream.indirect.gather [spmem:s2], $0x20, s9, s25, $0xb8;
	[tilespmem:$0x18800] =	vst v63  }
0x5d: {  	_ =	swait.ge [sflag:s0], $0x1000  }
0x5e: {  	[sflag:s0] =	ssyncset.done $0x0  }
0x5f: {  	s10 =	simm.s32 $0x5000;
	[sflag:s0] =	ssyncadd.s32 $0xFFFFF000  }
0x60: {  	[spmem:s3] =	stream.indirect.scatter.add.f32 [tilespmem:s26], [sflag:$0x5], $0x20, s10, s25, $0xb8;
	[tilespmem:$0x18800] =	vst v63  }
0x61: {  	_ =	swait.ge [sflag:s22], $0x1000  }
0x62: {  	[sflag:s22] =	ssyncset.done $0x0  }
0x63: {  	s8 =	simm.s32 $0x200;
	[sflag:s22] =	ssyncadd.s32 $0xFFFFF000  }
0x64: {  	[tilespmem:s26], [sflag:$0x1] =	stream.indirect.gather [spmem:s2], $0x20, s8, s25, $0xb8;
	[tilespmem:$0x18800] =	vst v63  }
0x65: {  	_ =	swait.ge [sflag:s24], $0x1000  }
0x66: {  	[sflag:s24] =	ssyncset.done $0x0  }
0x67: {  	s9 =	simm.s32 $0x5080;
	[sflag:s24] =	ssyncadd.s32 $0xFFFFF000  }
0x68: {  	[spmem:s3] =	stream.indirect.scatter.add.f32 [tilespmem:s28], [sflag:$0x5], $0x20, s9, s25, $0xb8;
	[tilespmem:$0x18800] =	vst v63  }
0x69: {  	_ =	swait.ge [sflag:s22], $0x1000  }
0x6a: {  	[sflag:s22] =	ssyncset.done $0x0  }
0x6b: {  	s10 =	simm.s32 $0x280;
	[sflag:s22] =	ssyncadd.s32 $0xFFFFF000  }
0x6c: {  	[tilespmem:s28], [sflag:$0x2] =	stream.indirect.gather [spmem:s2], $0x20, s10, s25, $0xb8;
	[tilespmem:$0x18800] =	vst v63  }
0x6d: {  	_ =	swait.ge [sflag:s29], $0x1000  }
0x6e: {  	[sflag:s29] =	ssyncset.done $0x0  }
0x6f: {  	s8 =	simm.s32 $0x5100;
	[sflag:s29] =	ssyncadd.s32 $0xFFFFF000  }
0x70: {  	[spmem:s3] =	stream.indirect.scatter.add.f32 [tilespmem:s30], [sflag:$0x5], $0x20, s8, s25, $0xb8;
	[tilespmem:$0x18800] =	vst v63  }
0x71: {  	_ =	swait.ge [sflag:s22], $0x1000  }
0x72: {  	[sflag:s22] =	ssyncset.done $0x0  }
0x73: {  	s9 =	simm.s32 $0x300;
	[sflag:s22] =	ssyncadd.s32 $0xFFFFF000  }
0x74: {  	[tilespmem:s30], [sflag:$0x3] =	stream.indirect.gather [spmem:s2], $0x20, s9, s25, $0xb8;
	[tilespmem:$0x18800] =	vst v63  }
0x75: {  	_ =	swait.ge [sflag:s31], $0x1000  }
0x76: {  	[sflag:s31] =	ssyncset.done $0x0  }
0x77: {  	s10 =	simm.s32 $0x5180;
	[sflag:s31] =	ssyncadd.s32 $0xFFFFF000  }
0x78: {  	[spmem:s3] =	stream.indirect.scatter.add.f32 [tilespmem:s1], [sflag:$0x5], $0x20, s10, s25, $0xb8;
	[tilespmem:$0x18800] =	vst v63  }
0x79: {  	_ =	swait.ge [sflag:s22], $0x1000  }
0x7a: {  	[sflag:s22] =	ssyncset.done $0x0  }
0x7b: {  	s5 =	simm.s32 $0x800;
	s8 =	simm.s32 $0x380;
	[sflag:s22] =	ssyncadd.s32 $0xFFFFF000  }
.LBB2_4:
0x7c: {  	[tilespmem:s1], [sflag:$0x4] =	stream.indirect.gather [spmem:s2], $0x20, s8, s25, $0xb8;
	[tilespmem:$0x18800] =	vst v63  }
0x7d: {  	s8 =	smov.u32 s5  }
0x7e: {  	p0 =	sne.s32 s5, $0x13000;
	s5 =	sadd.s32 $0x800, s5;
	_ =	swait.ge [sflag:s0], $0x1000  }
0x7f: {  	s8 =	sshra.s32 s8, $0x2;
	[sflag:s0] =	ssyncset.done $0x0  }
0x80: {  	s9 =	sadd.s32 $0x5000, s8;
	[sflag:s0] =	ssyncadd.s32 $0xFFFFF000  }
0x81: {  	[spmem:s3] =	stream.indirect.scatter.add.f32 [tilespmem:s26], [sflag:$0x5], $0x20, s9, s25, $0xb8;
	[tilespmem:$0x18800] =	vst v63  }
0x82: {  	_ =	swait.ge [sflag:s22], $0x1000  }
0x83: {  	[sflag:s22] =	ssyncset.done $0x0  }
0x84: {  	s9 =	sadd.s32 $0x200, s8;
	[sflag:s22] =	ssyncadd.s32 $0xFFFFF000  }
0x85: {  	[tilespmem:s26], [sflag:$0x1] =	stream.indirect.gather [spmem:s2], $0x20, s9, s25, $0xb8;
	[tilespmem:$0x18800] =	vst v63  }
0x86: {  	_ =	swait.ge [sflag:s24], $0x1000  }
0x87: {  	[sflag:s24] =	ssyncset.done $0x0  }
0x88: {  	s9 =	sadd.s32 $0x5080, s8;
	[sflag:s24] =	ssyncadd.s32 $0xFFFFF000  }
0x89: {  	[spmem:s3] =	stream.indirect.scatter.add.f32 [tilespmem:s28], [sflag:$0x5], $0x20, s9, s25, $0xb8;
	[tilespmem:$0x18800] =	vst v63  }
0x8a: {  	_ =	swait.ge [sflag:s22], $0x1000  }
0x8b: {  	[sflag:s22] =	ssyncset.done $0x0  }
0x8c: {  	s9 =	sadd.s32 $0x280, s8;
	[sflag:s22] =	ssyncadd.s32 $0xFFFFF000  }
0x8d: {  	[tilespmem:s28], [sflag:$0x2] =	stream.indirect.gather [spmem:s2], $0x20, s9, s25, $0xb8;
	[tilespmem:$0x18800] =	vst v63  }
0x8e: {  	_ =	swait.ge [sflag:s29], $0x1000  }
0x8f: {  	[sflag:s29] =	ssyncset.done $0x0  }
0x90: {  	s9 =	sadd.s32 $0x5100, s8;
	[sflag:s29] =	ssyncadd.s32 $0xFFFFF000  }
0x91: {  	[spmem:s3] =	stream.indirect.scatter.add.f32 [tilespmem:s30], [sflag:$0x5], $0x20, s9, s25, $0xb8;
	[tilespmem:$0x18800] =	vst v63  }
0x92: {  	_ =	swait.ge [sflag:s22], $0x1000  }
0x93: {  	[sflag:s22] =	ssyncset.done $0x0  }
0x94: {  	s9 =	sadd.s32 $0x300, s8;
	[sflag:s22] =	ssyncadd.s32 $0xFFFFF000  }
0x95: {  	[tilespmem:s30], [sflag:$0x3] =	stream.indirect.gather [spmem:s2], $0x20, s9, s25, $0xb8;
	[tilespmem:$0x18800] =	vst v63  }
0x96: {  	_ =	swait.ge [sflag:s31], $0x1000  }
0x97: {  	[sflag:s31] =	ssyncset.done $0x0  }
.Ltmp1:
0x98: {  	s9 =	sadd.s32 $0x5180, s8;
	[sflag:s31] =	ssyncadd.s32 $0xFFFFF000;
	(pc) =	sbr.rel @p0 .LBB2_4-.Ltmp1, $4  }
0x99: {  	[spmem:s3] =	stream.indirect.scatter.add.f32 [tilespmem:s1], [sflag:$0x5], $0x20, s9, s25, $0xb8;
	[tilespmem:$0x18800] =	vst v63  }
0x9a: {  	_ =	swait.ge [sflag:s22], $0x1000  }
0x9b: {  	[sflag:s22] =	ssyncset.done $0x0  }
0x9c: {  	s8 =	sadd.s32 $0x380, s8;
	[sflag:s22] =	ssyncadd.s32 $0xFFFFF000  }
0x9d: {  	[tilespmem:s1], [sflag:$0x4] =	stream.indirect.gather [spmem:s2], $0x20, s8, s25, $0xb8;
	[tilespmem:$0x18800] =	vst v63  }
0x9e: {  	_ =	swait.ge [sflag:s0], $0x1000  }
0x9f: {  	[sflag:s0] =	ssyncset.done $0x0  }
0xa0: {  	s5 =	simm.s32 $0x9E00;
	[sflag:s0] =	ssyncadd.s32 $0xFFFFF000  }
0xa1: {  	[spmem:s3] =	stream.indirect.scatter.add.f32 [tilespmem:s26], [sflag:$0x5], $0x20, s5, s25, $0xb8;
	[tilespmem:$0x18800] =	vst v63  }
0xa2: {  	_ =	swait.ge [sflag:s22], $0x1000  }
0xa3: {  	[sflag:s22] =	ssyncset.done $0x0  }
0xa4: {  	[sflag:s22] =	ssyncadd.s32 $0xFFFFF000  }
0xa5: {  	_ =	swait.ge [sflag:s24], $0x1000  }
0xa6: {  	[sflag:s24] =	ssyncset.done $0x0  }
0xa7: {  	s10 =	simm.s32 $0x9E80;
	[sflag:s24] =	ssyncadd.s32 $0xFFFFF000  }
0xa8: {  	[spmem:s3] =	stream.indirect.scatter.add.f32 [tilespmem:s28], [sflag:$0x5], $0x20, s10, s25, $0xb8;
	[tilespmem:$0x18800] =	vst v63  }
0xa9: {  	_ =	swait.ge [sflag:s22], $0x1000  }
0xaa: {  	[sflag:s22] =	ssyncset.done $0x0  }
0xab: {  	[sflag:s22] =	ssyncadd.s32 $0xFFFFF000  }
0xac: {  	_ =	swait.ge [sflag:s29], $0x1000  }
0xad: {  	[sflag:s29] =	ssyncset.done $0x0  }
0xae: {  	s8 =	simm.s32 $0x9F00;
	[sflag:s29] =	ssyncadd.s32 $0xFFFFF000  }
0xaf: {  	[spmem:s3] =	stream.indirect.scatter.add.f32 [tilespmem:s30], [sflag:$0x5], $0x20, s8, s25, $0xb8;
	[tilespmem:$0x18800] =	vst v63  }
0xb0: {  	_ =	swait.ge [sflag:s22], $0x1000  }
0xb1: {  	[sflag:s22] =	ssyncset.done $0x0  }
0xb2: {  	[sflag:s22] =	ssyncadd.s32 $0xFFFFF000  }
0xb3: {  	_ =	swait.ge [sflag:s31], $0x1000  }
0xb4: {  	[sflag:s31] =	ssyncset.done $0x0  }
0xb5: {  	s9 =	simm.s32 $0x9F80;
	[sflag:s31] =	ssyncadd.s32 $0xFFFFF000  }
0xb6: {  	[spmem:s3] =	stream.indirect.scatter.add.f32 [tilespmem:s1], [sflag:$0x5], $0x20, s9, s25, $0xb8;
	[tilespmem:$0x18800] =	vst v63  }
0xb7: {  	_ =	swait.ge [sflag:s22], $0x1000  }
0xb8: {  	s4 =	sadd.s32 $0x1, s4;
	[sflag:s22] =	ssyncset.done $0x0  }
0xb9: {  	p0 =	sne.s32 s4, s20;
	[sflag:s22] =	ssyncadd.s32 $0xFFFFF000  }
.Ltmp2:
0xba: {  	s10 =	sshrl.u32 s7, $0x3;
	[bflag:$0x0] =	sbarrier.arrive $0xFFFF;
	(pc) =	sbr.rel @p0 .LBB2_1-.Ltmp2, $4  }
0xbb: {  	[hbm:s19], [sflag:s6] =	dma.local [spmem:s10], $0xA00  }
0xbc: {  	_ =	swait.ge [sflag:s22], $0xA00  }
0xbd: {  	[sflag:s22] =	ssyncset.done $0x0  }
0xbe: {  	[sflag:s22] =	ssyncadd.s32 $0xFFFFF600  }
0xbf: {  	_ =	sfence.sel $0x180000  }
0xc0: {  	[bflag:$0x0] =	sbarrier.arrive $0xFFFF  }
0xc1: {  	_ =	strace $0x9000004D  }
0xc2: {  	s0 =	stileid.u32;
	[bflag:$0x2] =	sbarrier.arrive $0xFFFF  }
0xc3: {  	p0 =	sne.s32 s0, $0x0;
	s0 =	rddreg [dreg:$0x3]  }
0xc4: {  	s0 =	sadd.s32 @!p0 $0x100000, s0  }
0xc5: {  	[sflag:s0] =	ssyncadd.tile.s32 @!p0 $0x1;
	_ =	shalt  }
.Lfunc_end2:
_tile_overlayer_lowered:
.L_overlay_start_2:
0xc6: {  	(tag) =	ssettag $0x2  }
0xc7: {  	s0 =	rddreg [dreg:$0x0];
	s2 =	stileid.u32  }
0xc8: {  	s1 =	rddreg [dreg:$0x1];
	p0 =	sne.s32 s2, $0x0  }
0xc9: {  	s3 =	rddreg [dreg:$0x2];
	[bflag:$0x3] =	sbarrier.arrive $0xFFFF;
	s2 =	simm.s32 @!p0 $0x1C05  }
0xca: {  	[timem:s3], [sflag:s2] =	dma.local @!p0 [hbm:s0], s1  }
0xcb: {  	s0 =	simm.s32 @!p0 $0x5  }
0xcc: {  	_ =	swait.ge @!p0 [sflag:s0], s1  }
0xcd: {  	s1 =	ssub.s32 @!p0 $0x0, s1;
	[sflag:s0] =	ssyncset.done @!p0 $0x0  }
0xce: {  	[sflag:s0] =	ssyncadd.s32 @!p0 s1  }
0xcf: {  	[bflag:$0x3] =	sbarrier.arrive $0xFFFF  }
0xd0: {  	_ =	shalt  }

// kernel: kernel.20.cloned.1.call-start
scs
__scs_entry_jumppad:
0x0: {  	(pc) =	sbr.rel $0x88, $3  }
0x1: {  	(tag) =	ssettag $0x0;
	lr =	simm.s32 $0x1  }
0x2: {  	[smem:$0x3F96] =	sst lr;
	_ =	strace $0xD0000000  }
0x3: {  	_ = 	snop  }
0x4: {  	_ = 	snop  }
0x5: {  	_ = 	snop  }
0x6: {  	_ = 	snop  }
0x7: {  	_ = 	snop  }
__scs_overlays_trampoline_lowered:
0x8: {  	[smem:$0x3FA5] =	sst s0  }
0x9: {  	[smem:$0x3FA6] =	sst s1  }
0xa: {  	[smem:$0x3FA7] =	sst s2  }
0xb: {  	[smem:$0x3FA8] =	sst s3  }
0xc: {  	[smem:$0x3FA9] =	sst s4  }
0xd: {  	[smem:$0x3FAA] =	sst s5  }
0xe: {  	[smem:$0x3FAB] =	sst s6  }
0xf: {  	[smem:$0x3FAC] =	sst s7  }
0x10: {  	[smem:$0x3FAD] =	sst s8  }
0x11: {  	[smem:$0x3FAE] =	sst s9;
	s0 =	simm.s32 @!p0 $0x0  }
0x12: {  	s1 =	sld [smem:$0x3F94];
	s0 =	simm.s32 @p0 $0x1  }
0x13: {  	[smem:$0x3FAF] =	sst s0;
	s0 =	simm.s32 @!p1 $0x0  }
0x14: {  	s2 =	sld [smem:$0x3F93];
	s0 =	simm.s32 @p1 $0x1  }
0x15: {  	[smem:$0x3FB0] =	sst s0;
	s0 =	simm.s32 @!p2 $0x0  }
0x16: {  	s3 =	sld [smem:$0x3FDB];
	s0 =	simm.s32 @p2 $0x1  }
0x17: {  	s4 =	simm.s32 $0x1BF5;
	[smem:$0x3FB2] =	sst s0  }
0x18: {  	s0 =	sld [smem:$0x3F95];
	_ =	swait.ge [sflag:s4], $0x0  }
0x19: {  	s7 =	sld [smem:$0x3F96]  }
0x1a: {  	s8 =	sadd.s32 $0xFFFFE003, lr  }
0x1b: {  	s9 =	sadd.s32 $0xFFFFFEF7, lr;
	s5 =	simm.s32 $0xFFFFFFFF;
	p2 =	slt.u32 s8, $0xFFFFF086  }
0x1c: {  	p1 =	slt.u32 s9, $0xF7A;
	s5 =	simm.s32 @!p2 $0x0  }
0x1d: {  	s5 =	simm.s32 @p1 $0x1;
	p0 =	seq.s32 s7, s2  }
0x1e: {  	s7 =	smul.u32 @!p0 $0xF7A, s2;
	p2 =	seq.s32 @!p0 s5, $0x0  }
0x1f: {  	s9 =	smul.u32 $0xF7A, s1;
	s8 =	simm.s32 @!p0 $0x1BF5;
	p2 =	por !p2, p0  }
0x20: {  	[sflag:s8] =	ssyncset.s32 @!p0 $0xFFFFF086;
	s6 =	sadd.s32 @!p0 s3, s7;
	s7 =	simm.s32 @!p0 $0x108  }
0x21: {  	s3 =	sadd.s32 s3, s9;
	s6 =	sadd.s32 @!p0 $0x88, s6;
	s7 =	simm.s32 @p2 $0x1082  }
0x22: {  	[simem:s7], [sflag:s8] =	dma.local @!p0 [hbm:s6], $0xF7A  }
0x23: {  	s9 =	sor.u32 $0xD0000000, s2;
	s6 =	simm.s32 $0x108;
	_ =	swait.ge @!p0 [sflag:s8], $0x0  }
0x24: {  	s3 =	sadd.s32 $0x88, s3;
	s6 =	simm.s32 @!p1 $0x1082;
	[sflag:s4] =	ssyncset.s32 $0xFFFFF086  }
0x25: {  	[simem:s6], [sflag:s4] =	dma.local [hbm:s3], $0xF7A  }
0x26: {  	[smem:$0x3F96] =	sst s1;
	(tag) =	ssettag s2;
	_ =	strace s9  }
0x27: {  	s1 =	sld [smem:$0x3FA6]  }
0x28: {  	s2 =	sld [smem:$0x3FA7]  }
0x29: {  	s4 =	sld [smem:$0x3FA9]  }
0x2a: {  	p0 =	seq.s32 s5, $0x0;
	s5 =	sld [smem:$0x3FAA]  }
0x2b: {  	s6 =	sld [smem:$0x3FAB]  }
0x2c: {  	s7 =	sld [smem:$0x3FAC]  }
0x2d: {  	s3 =	simm.s32 $0x108;
	s8 =	sld [smem:$0x3FAD]  }
0x2e: {  	s3 =	simm.s32 @!p0 $0x1082;
	s9 =	sld [smem:$0x3FAE]  }
0x2f: {  	lr =	sadd.s32 s0, s3;
	s0 =	sld [smem:$0x3FA5]  }
0x30: {  	s3 =	sld [smem:$0x3FA8]  }
0x31: {  	[smem:$0x3FB1] =	sst s10  }
0x32: {  	s10 =	sld [smem:$0x3FAF];
	_ =	sdelay $0x3  }
0x33: {  	p0 =	seq.s32 s10, $0x1;
	s10 =	sld [smem:$0x3FB1];
	_ =	sdelay $0x3  }
0x34: {  	[smem:$0x3FB1] =	sst s10  }
0x35: {  	s10 =	sld [smem:$0x3FB0];
	_ =	sdelay $0x3  }
0x36: {  	p1 =	seq.s32 s10, $0x1;
	s10 =	sld [smem:$0x3FB1];
	_ =	sdelay $0x3  }
0x37: {  	[smem:$0x3FB1] =	sst s10  }
0x38: {  	s10 =	sld [smem:$0x3FB2]  }
0x39: {  	_ = 	snop;
	(pc) =	sbr.ind lr, $3  }
0x3a: {  	_ = 	snop  }
0x3b: {  	_ = 	snop  }
0x3c: {  	p2 =	seq.s32 s10, $0x1;
	s10 =	sld [smem:$0x3FB1]  }
0x3d: {  	_ =	shalt  }
0x3e: {  	_ =	shalt  }
0x3f: {  	_ =	shalt  }
0x40: {  	_ =	shalt  }
0x41: {  	_ =	shalt  }
0x42: {  	_ =	shalt  }
0x43: {  	_ =	shalt  }
0x44: {  	_ =	shalt  }
0x45: {  	_ =	shalt  }
0x46: {  	_ =	shalt  }
0x47: {  	_ =	shalt  }
0x48: {  	_ =	shalt  }
0x49: {  	_ =	shalt  }
0x4a: {  	_ =	shalt  }
0x4b: {  	_ =	shalt  }
0x4c: {  	_ =	shalt  }
0x4d: {  	_ =	shalt  }
0x4e: {  	_ =	shalt  }
0x4f: {  	_ =	shalt  }
0x50: {  	_ =	shalt  }
0x51: {  	_ =	shalt  }
0x52: {  	_ =	shalt  }
0x53: {  	_ =	shalt  }
0x54: {  	_ =	shalt  }
0x55: {  	_ =	shalt  }
0x56: {  	_ =	shalt  }
0x57: {  	_ =	shalt  }
0x58: {  	_ =	shalt  }
0x59: {  	_ =	shalt  }
0x5a: {  	_ =	shalt  }
0x5b: {  	_ =	shalt  }
0x5c: {  	_ =	shalt  }
0x5d: {  	_ =	shalt  }
0x5e: {  	_ =	shalt  }
0x5f: {  	_ =	shalt  }
0x60: {  	_ =	shalt  }
0x61: {  	_ =	shalt  }
0x62: {  	_ =	shalt  }
0x63: {  	_ =	shalt  }
0x64: {  	_ =	shalt  }
0x65: {  	_ =	shalt  }
0x66: {  	_ =	shalt  }
0x67: {  	_ =	shalt  }
0x68: {  	_ =	shalt  }
0x69: {  	_ =	shalt  }
0x6a: {  	_ =	shalt  }
0x6b: {  	_ =	shalt  }
0x6c: {  	_ =	shalt  }
0x6d: {  	_ =	shalt  }
0x6e: {  	_ =	shalt  }
0x6f: {  	_ =	shalt  }
0x70: {  	_ =	shalt  }
0x71: {  	_ =	shalt  }
0x72: {  	_ =	shalt  }
0x73: {  	_ =	shalt  }
0x74: {  	_ =	shalt  }
0x75: {  	_ =	shalt  }
0x76: {  	_ =	shalt  }
0x77: {  	_ =	shalt  }
0x78: {  	_ =	shalt  }
0x79: {  	_ =	shalt  }
0x7a: {  	_ =	shalt  }
0x7b: {  	_ =	shalt  }
0x7c: {  	_ =	shalt  }
0x7d: {  	_ =	shalt  }
0x7e: {  	_ =	shalt  }
0x7f: {  	_ =	shalt  }
0x80: {  	_ =	shalt  }
0x81: {  	_ =	shalt  }
0x82: {  	_ =	shalt  }
0x83: {  	_ =	shalt  }
0x84: {  	_ =	shalt  }
0x85: {  	_ =	shalt  }
0x86: {  	_ =	shalt  }
0x87: {  	_ =	shalt  }
.Lfunc_end0:
.L_simem_size_0:
called_computation.3_lowered:
.L_overlay_start_0:
0x88: {  	s2 =	sld [smem:$0x3FD9]  }
0x89: {  	s3 =	sld [smem:$0x3FFE];
	_ =	sdelay $0x1  }
0x8a: {  	s1 =	srdreg.scid  }
0x8b: {  	s0 =	sand.u32 $0x1, s1  }
0x8c: {  	s16 =	sshll.u32 s0, $0xA;
	s2 =	sadd.s32 s3, s2  }
0x8d: {  	s2 =	sadd.s32 s2, s16  }
0x8e: {  	[smem:$0x3FBD] =	sst s2  }
0x8f: {  	_ = 	snop  }
0x90: {  	(tm) =	ssettm $0x1  }
0x91: {  	s17 =	sld [smem:$0x3FFB];
	_ =	sdelay $0x3  }
0x92: {  	_ =	strace s17  }
0x93: {  	s2 =	sld [smem:$0x3FFC];
	_ =	sdelay $0x3  }
0x94: {  	_ =	strace s2  }
0x95: {  	s2 =	sld [smem:$0x3FFD];
	_ =	sdelay $0x3  }
0x96: {  	_ =	strace s2  }
0x97: {  	_ =	strace $0x8FFFFFFF  }
0x98: {  	s18 =	sld [smem:$0x3FDB];
	_ =	sdelay $0x1  }
0x99: {  	s19 =	simm.s32 $_scs_section_size  }
0x9a: {  	s4 =	simm.s32 $_size__tile_overlayer_lowered;
	s5 =	simm.s32 $_tile_overlayer_lowered  }
0x9b: {  	s22 =	simm.s32 $0x1BFF;
	s21 =	sshll.u32 s5, $0x1;
	s2 =	sadd.s32 s19, s18  }
0x9c: {  	s6 =	simm.s32 $0x0;
	s20 =	sshll.u32 s4, $0x1;
	s4 =	sadd.s32 s21, s2  }
0x9d: {  	[timem:s6], [sflag:s22] =	dma.local [hbm:s4], s20  }
0x9e: {  	_ =	swait.ge [sflag:s22], s20  }
0x9f: {  	s3 =	ssub.s32 $0x0, s20;
	[sflag:s22] =	ssyncset.done $0x0  }
0xa0: {  	[sflag:s22] =	ssyncadd.s32 s3;
	_ =	sdelay $0x1  }
0xa1: {  	s23 =	simm.s32 $0x1B8B  }
0xa2: {  	_ =	swait.ge [sflag:s23], $0x1  }
0xa3: {  	[sflag:s23] =	ssyncset.done $0x0  }
0xa4: {  	s25 =	simm.s32 $0x1B8E;
	s24 =	sld [smem:$0x3FFE];
	[sflag:s23] =	ssyncadd.s32 $0xFFFFFFFF  }
0xa5: {  	s26 =	simm.s32 $execute0_lowered;
	[smem:$0x3FD2] =	sst s25  }
0xa6: {  	s4 =	sshll.u32 s26, $0x1;
	_ =	strace $0x8000004F;
	[dreg:$0x1] =	wrdreg $0xFFFFFFFF  }
0xa7: {  	s28 =	simm.s32 $_size_execute0_lowered;
	s2 =	sadd.s32 s2, s4;
	[dreg:$0x0] =	wrdreg $0x0  }
0xa8: {  	s4 =	sshll.u32 s28, $0x1;
	[dreg:$0x2] =	wrdreg s2  }
0xa9: {  	[dreg:$0x3] =	wrdreg s4  }
0xaa: {  	[dreg:$0x4] =	wrdreg $0xC0  }
0xab: {  	_ =	task [dreg:s6], $0x5FFFF  }
0xac: {  	[dreg:$0x1] =	wrdreg $0xFFFFFFFF  }
0xad: {  	[dreg:$0x0] =	wrdreg $0x60  }
0xae: {  	[dreg:$0x2] =	wrdreg s24  }
0xaf: {  	[dreg:$0x3] =	wrdreg $0xE8000  }
0xb0: {  	[dreg:$0x4] =	wrdreg $0x138000  }
0xb1: {  	[dreg:$0x5] =	wrdreg $0x9  }
0xb2: {  	_ =	task.clear_ibuf [dreg:s6], $0x6FFFF;
	_ =	strace $0x9000004F  }
0xb3: {  	s29 =	simm.s32 $0x9;
	_ =	strace $0x80000051  }
0xb4: {  	_ =	swait.ge [sflag:s29], $0x1  }
0xb5: {  	[sflag:s29] =	ssyncadd.s32 $0xFFFFFFFF  }
0xb6: {  	_ =	strace $0x90000051  }
0xb7: {  	_ =	sfence  }
0xb8: {  	s30 =	sld [smem:$0x0];
	_ =	sdelay $0x2  }
0xb9: {  	s31 =	sshll.u32 s1, $0xD;
	s1 =	sshrl.u32 s1, $0x2  }
0xba: {  	s3 =	sand.u32 $0x4000, s31;
	s1 =	sadd.s32 s1, s30  }
0xbb: {  	s0 =	sor.u32 s3, s0;
	s1 =	sshll.u32 s1, $0x11  }
0xbc: {  	s0 =	sor.u32 s1, s0  }
0xbd: {  	s0 =	sadd.s32 $0x8F2B, s0  }
0xbe: {  	[sflag:s0] =	ssyncadd.remote.s32 $0x1  }
0xbf: {  	_ =	sfence.sel $0xFFFF  }
0xc0: {  	[dreg:$0x0] =	wrdreg $0xFFFFFFFF;
	(pc) =	sbr.abs _section_cstart, $3  }
0xc1: {  	[dreg:$0x1] =	wrdreg $0xFFFFFFFF  }
0xc2: {  	_ =	task.clear_ibuf [dreg:s6], $0x2FFFF;
	_ =	strace $0x9FFFFFFF  }
0xc3: {  	(tm) =	ssettm $0x7FFFFFFF  }
tec
execute0_lowered:
.L_overlay_start_1:
0x0: {  	(tag) =	ssettag $0x1  }
0x1: {  	s0 =	rddreg [dreg:$0x0]  }
0x2: {  	s2 =	rddreg [dreg:$0x1];
	s9 =	stileid.u32  }
0x3: {  	s1 =	srdreg.scid;
	s3 =	rddreg [dreg:$0x2];
	s6 =	simm.s32 $0x0  }
0x4: {  	s28 =	simm.s32 $0xB000;
	s30 =	simm.s32 $0xC000;
	s4 =	smul.u32 $0xA00, s9  }
0x5: {  	s29 =	simm.s32 $0x3;
	s31 =	simm.s32 $0x4;
	s7 =	smul.u32 $0x5000, s9  }
0x6: {  	s1 =	sand.u32 $0x1, s1;
	[smem:$0x7FF] =	sst s6;
	s8 =	smul.u32 $0x14000, s9  }
0x7: {  	s23 =	sshll.u32 s9, $0x6;
	s5 =	smul.u32 $0x50000, s1;
	_ =	strace $0x80000050  }
0x8: {  	s1 =	ssub.s32 $0x2, s1;
	s6 =	sor.u32 $0x1C05, s23;
	s23 =	simm.s32 $0xE000  }
0x9: {  	s4 =	sadd.s32 s4, s0;
	s20 =	sshrl.u32 s1, $0x1;
	s21 =	sadd.s32 s7, s2  }
0xa: {  	s8 =	sshrl.u32 s8, $0x2;
	s5 =	sadd.s32 s7, s5;
	s1 =	ssub.s32 s1, s20  }
0xb: {  	s7 =	sadd.s32 s7, s3;
	s8 =	sadd.s32 s8, s3;
	s17 =	sadd.s32 $0xE600, s4  }
0xc: {  	s18 =	sadd.s32 $0x4600, s4;
	s21 =	sshrl.u32 s21, $0x3;
	s4 =	simm.s32 $0x0  }
0xd: {  	s5 =	sshrl.u32 s5, $0x3;
	s24 =	sadd.s32 $0x800, s8;
	s25 =	sadd.s32 $0x1000, s8  }
0xe: {  	s26 =	sadd.s32 $0x1800, s8;
	s11 =	sadd.s32 $0x2000, s8;
	s12 =	sadd.s32 $0x2800, s8  }
0xf: {  	s13 =	sadd.s32 $0x3000, s8;
	s14 =	sadd.s32 $0x3800, s8;
	s15 =	sadd.s32 $0x4000, s8  }
0x10: {  	s16 =	sadd.s32 $0x4800, s8;
	s20 =	smax.u32 s1, $0x1;
	[dreg:$0x5] =	wrdreg s24  }
0x11: {  	s1 =	simm.s32 $0xD000;
	s0 =	sadd.s32 s5, s0;
	[dreg:$0x6] =	wrdreg s25  }
0x12: {  	[dreg:$0x7] =	wrdreg s26;
	s25 =	simm.s32 $0x80;
	s26 =	simm.s32 $0xA000  }
0x13: {  	s24 =	simm.s32 $0x2;
	s22 =	sadd.s32 $0x18600, s0;
	s19 =	sadd.s32 $0x2C600, s0  }
0x14: {  	v0 =	vimm.f32 $0.0e+00;
	s0 =	simm.s32 $0x1;
	[dreg:$0x4] =	wrdreg s22;
	s22 =	simm.s32 $0x5  }
.LBB2_1:
0x15: {  	s8 =	simm.s32 $0x0  }
0x16: {  	s5 =	sand.u32 $0x1F80, s8  }
0x17: {  	s8 =	sand.u32 $0x10, s8;
	s9 =	sshrl.u32 s5, $0x2  }
0x18: {  	s5 =	simm.s32 $0x40;
	s9 =	sor.u32 s8, s9;
	s8 =	simm.s32 $0x0  }
.LBB2_2:
0x19: {  	p0 =	sne.s32 s5, $0x1FC0  }
0x1a: {  	[tilespmem:s9+$0xE000] =	vst v0;
	s8 =	sadd.s32 $0x10, s8;
	s9 =	smov.u32 s5;
	s5 =	sadd.s32 $0x40, s5  }
.Ltmp0:
0x1b: {  	(pc) =	sbr.rel @p0 .LBB2_2-.Ltmp0, $4  }
0x1c: {  	_ = 	snop  }
0x1d: {  	s9 =	sand.u32 $0x1F80, s9  }
0x1e: {  	s10 =	sand.u32 $0x10, s8;
	s9 =	sshrl.u32 s9, $0x2  }
0x1f: {  	s9 =	sor.u32 s10, s9  }
0x20: {  	[tilespmem:s9+$0xE000] =	vst v0;
	s5 =	rddreg [dreg:$0x4]  }
0x21: {  	[spmem:s21], [sflag:s6] =	dma.local [hbm:s5], $0xA00  }
0x22: {  	_ =	swait.ge [sflag:s22], $0xA00  }
0x23: {  	[sflag:s22] =	ssyncset.done $0x0  }
0x24: {  	[sflag:s22] =	ssyncadd.s32 $0xFFFFF600  }
0x25: {  	[spmem:s7] =	stream.linear.scatter [tilespmem:s23], [sflag:$0x5], $0x800, $0x38;
	[tilespmem:$0x18800] =	vst v63  }
0x26: {  	_ =	swait.ge [sflag:s22], $0x800  }
0x27: {  	[sflag:s22] =	ssyncset.done $0x0  }
0x28: {  	s10 =	rddreg [dreg:$0x5];
	[sflag:s22] =	ssyncadd.s32 $0xFFFFF800  }
0x29: {  	[spmem:s10] =	stream.linear.scatter [tilespmem:s23], [sflag:$0x5], $0x800, $0x38;
	[tilespmem:$0x18800] =	vst v63  }
0x2a: {  	_ =	swait.ge [sflag:s22], $0x800  }
0x2b: {  	[sflag:s22] =	ssyncset.done $0x0  }
0x2c: {  	s8 =	rddreg [dreg:$0x6];
	[sflag:s22] =	ssyncadd.s32 $0xFFFFF800  }
0x2d: {  	[spmem:s8] =	stream.linear.scatter [tilespmem:s23], [sflag:$0x5], $0x800, $0x38;
	[tilespmem:$0x18800] =	vst v63  }
0x2e: {  	_ =	swait.ge [sflag:s22], $0x800  }
0x2f: {  	[sflag:s22] =	ssyncset.done $0x0  }
0x30: {  	s9 =	rddreg [dreg:$0x7];
	[sflag:s22] =	ssyncadd.s32 $0xFFFFF800  }
0x31: {  	[spmem:s9] =	stream.linear.scatter [tilespmem:s23], [sflag:$0x5], $0x800, $0x38;
	[tilespmem:$0x18800] =	vst v63  }
0x32: {  	_ =	swait.ge [sflag:s22], $0x800  }
0x33: {  	[sflag:s22] =	ssyncset.done $0x0  }
0x34: {  	[sflag:s22] =	ssyncadd.s32 $0xFFFFF800  }
0x35: {  	[spmem:s11] =	stream.linear.scatter [tilespmem:s23], [sflag:$0x5], $0x800, $0x38;
	[tilespmem:$0x18800] =	vst v63  }
0x36: {  	_ =	swait.ge [sflag:s22], $0x800  }
0x37: {  	[sflag:s22] =	ssyncset.done $0x0  }
0x38: {  	[sflag:s22] =	ssyncadd.s32 $0xFFFFF800  }
0x39: {  	[spmem:s12] =	stream.linear.scatter [tilespmem:s23], [sflag:$0x5], $0x800, $0x38;
	[tilespmem:$0x18800] =	vst v63  }
0x3a: {  	_ =	swait.ge [sflag:s22], $0x800  }
0x3b: {  	[sflag:s22] =	ssyncset.done $0x0  }
0x3c: {  	[sflag:s22] =	ssyncadd.s32 $0xFFFFF800  }
0x3d: {  	[spmem:s13] =	stream.linear.scatter [tilespmem:s23], [sflag:$0x5], $0x800, $0x38;
	[tilespmem:$0x18800] =	vst v63  }
0x3e: {  	_ =	swait.ge [sflag:s22], $0x800  }
0x3f: {  	[sflag:s22] =	ssyncset.done $0x0  }
0x40: {  	[sflag:s22] =	ssyncadd.s32 $0xFFFFF800  }
0x41: {  	[spmem:s14] =	stream.linear.scatter [tilespmem:s23], [sflag:$0x5], $0x800, $0x38;
	[tilespmem:$0x18800] =	vst v63  }
0x42: {  	_ =	swait.ge [sflag:s22], $0x800  }
0x43: {  	[sflag:s22] =	ssyncset.done $0x0  }
0x44: {  	[sflag:s22] =	ssyncadd.s32 $0xFFFFF800  }
0x45: {  	[spmem:s15] =	stream.linear.scatter [tilespmem:s23], [sflag:$0x5], $0x800, $0x38;
	[tilespmem:$0x18800] =	vst v63  }
0x46: {  	_ =	swait.ge [sflag:s22], $0x800  }
0x47: {  	[sflag:s22] =	ssyncset.done $0x0  }
0x48: {  	[sflag:s22] =	ssyncadd.s32 $0xFFFFF800  }
0x49: {  	[spmem:s16] =	stream.linear.scatter [tilespmem:s23], [sflag:$0x5], $0x800, $0x38;
	[tilespmem:$0x18800] =	vst v63  }
0x4a: {  	_ =	swait.ge [sflag:s22], $0x800  }
0x4b: {  	[sflag:s22] =	ssyncset.done $0x0  }
0x4c: {  	s10 =	simm.s32 $0x0;
	[sflag:s22] =	ssyncadd.s32 $0xFFFFF800  }
0x4d: {  	[tilespmem:s10], [sflag:$0x5] =	stream.linear.gather [hbm4b:s17+s10], $0x5000, $0x38;
	[tilespmem:$0x18800] =	vst v63  }
0x4e: {  	_ =	swait.ge [sflag:s22], $0x5000  }
0x4f: {  	[sflag:s22] =	ssyncset.done $0x0  }
0x50: {  	s8 =	simm.s32 $0x5000;
	[sflag:s22] =	ssyncadd.s32 $0xFFFFB000  }
0x51: {  	[tilespmem:s8], [sflag:$0x5] =	stream.linear.gather [hbm4b:s18+s10], $0x5000, $0x38;
	[tilespmem:$0x18800] =	vst v63  }
0x52: {  	_ =	swait.ge [sflag:s22], $0x5000  }
0x53: {  	[sflag:s22] =	ssyncset.done $0x0  }
0x54: {  	[sflag:s22] =	ssyncadd.s32 $0xFFFFB000  }
0x55: {  	[bflag:$0x0] =	sbarrier.arrive $0xFFFF  }
0x56: {  	[tilespmem:s26], [sflag:$0x1] =	stream.indirect.gather [spmem:s2], $0x20, s10, s25, $0xb8;
	[tilespmem:$0x18800] =	vst v63  }
0x57: {  	_ = 	snop  }
0x58: {  	[tilespmem:s28], [sflag:$0x2] =	stream.indirect.gather [spmem:s2], $0x20, s25, s25, $0xb8;
	[tilespmem:$0x18800] =	vst v63  }
0x59: {  	s8 =	simm.s32 $0x100  }
0x5a: {  	[tilespmem:s30], [sflag:$0x3] =	stream.indirect.gather [spmem:s2], $0x20, s8, s25, $0xb8;
	[tilespmem:$0x18800] =	vst v63  }
0x5b: {  	s9 =	simm.s32 $0x180  }
0x5c: {  	[tilespmem:s1], [sflag:$0x4] =	stream.indirect.gather [spmem:s2], $0x20, s9, s25, $0xb8;
	[tilespmem:$0x18800] =	vst v63  }
0x5d: {  	_ =	swait.ge [sflag:s0], $0x1000  }
0x5e: {  	[sflag:s0] =	ssyncset.done $0x0  }
0x5f: {  	s10 =	simm.s32 $0x5000;
	[sflag:s0] =	ssyncadd.s32 $0xFFFFF000  }
0x60: {  	[spmem:s3] =	stream.indirect.scatter.add.f32 [tilespmem:s26], [sflag:$0x5], $0x20, s10, s25, $0xb8;
	[tilespmem:$0x18800] =	vst v63  }
0x61: {  	_ =	swait.ge [sflag:s22], $0x1000  }
0x62: {  	[sflag:s22] =	ssyncset.done $0x0  }
0x63: {  	s8 =	simm.s32 $0x200;
	[sflag:s22] =	ssyncadd.s32 $0xFFFFF000  }
0x64: {  	[tilespmem:s26], [sflag:$0x1] =	stream.indirect.gather [spmem:s2], $0x20, s8, s25, $0xb8;
	[tilespmem:$0x18800] =	vst v63  }
0x65: {  	_ =	swait.ge [sflag:s24], $0x1000  }
0x66: {  	[sflag:s24] =	ssyncset.done $0x0  }
0x67: {  	s9 =	simm.s32 $0x5080;
	[sflag:s24] =	ssyncadd.s32 $0xFFFFF000  }
0x68: {  	[spmem:s3] =	stream.indirect.scatter.add.f32 [tilespmem:s28], [sflag:$0x5], $0x20, s9, s25, $0xb8;
	[tilespmem:$0x18800] =	vst v63  }
0x69: {  	_ =	swait.ge [sflag:s22], $0x1000  }
0x6a: {  	[sflag:s22] =	ssyncset.done $0x0  }
0x6b: {  	s10 =	simm.s32 $0x280;
	[sflag:s22] =	ssyncadd.s32 $0xFFFFF000  }
0x6c: {  	[tilespmem:s28], [sflag:$0x2] =	stream.indirect.gather [spmem:s2], $0x20, s10, s25, $0xb8;
	[tilespmem:$0x18800] =	vst v63  }
0x6d: {  	_ =	swait.ge [sflag:s29], $0x1000  }
0x6e: {  	[sflag:s29] =	ssyncset.done $0x0  }
0x6f: {  	s8 =	simm.s32 $0x5100;
	[sflag:s29] =	ssyncadd.s32 $0xFFFFF000  }
0x70: {  	[spmem:s3] =	stream.indirect.scatter.add.f32 [tilespmem:s30], [sflag:$0x5], $0x20, s8, s25, $0xb8;
	[tilespmem:$0x18800] =	vst v63  }
0x71: {  	_ =	swait.ge [sflag:s22], $0x1000  }
0x72: {  	[sflag:s22] =	ssyncset.done $0x0  }
0x73: {  	s9 =	simm.s32 $0x300;
	[sflag:s22] =	ssyncadd.s32 $0xFFFFF000  }
0x74: {  	[tilespmem:s30], [sflag:$0x3] =	stream.indirect.gather [spmem:s2], $0x20, s9, s25, $0xb8;
	[tilespmem:$0x18800] =	vst v63  }
0x75: {  	_ =	swait.ge [sflag:s31], $0x1000  }
0x76: {  	[sflag:s31] =	ssyncset.done $0x0  }
0x77: {  	s10 =	simm.s32 $0x5180;
	[sflag:s31] =	ssyncadd.s32 $0xFFFFF000  }
0x78: {  	[spmem:s3] =	stream.indirect.scatter.add.f32 [tilespmem:s1], [sflag:$0x5], $0x20, s10, s25, $0xb8;
	[tilespmem:$0x18800] =	vst v63  }
0x79: {  	_ =	swait.ge [sflag:s22], $0x1000  }
0x7a: {  	[sflag:s22] =	ssyncset.done $0x0  }
0x7b: {  	s5 =	simm.s32 $0x800;
	s8 =	simm.s32 $0x380;
	[sflag:s22] =	ssyncadd.s32 $0xFFFFF000  }
.LBB2_4:
0x7c: {  	[tilespmem:s1], [sflag:$0x4] =	stream.indirect.gather [spmem:s2], $0x20, s8, s25, $0xb8;
	[tilespmem:$0x18800] =	vst v63  }
0x7d: {  	s8 =	smov.u32 s5  }
0x7e: {  	p0 =	sne.s32 s5, $0x13000;
	s5 =	sadd.s32 $0x800, s5;
	_ =	swait.ge [sflag:s0], $0x1000  }
0x7f: {  	s8 =	sshra.s32 s8, $0x2;
	[sflag:s0] =	ssyncset.done $0x0  }
0x80: {  	s9 =	sadd.s32 $0x5000, s8;
	[sflag:s0] =	ssyncadd.s32 $0xFFFFF000  }
0x81: {  	[spmem:s3] =	stream.indirect.scatter.add.f32 [tilespmem:s26], [sflag:$0x5], $0x20, s9, s25, $0xb8;
	[tilespmem:$0x18800] =	vst v63  }
0x82: {  	_ =	swait.ge [sflag:s22], $0x1000  }
0x83: {  	[sflag:s22] =	ssyncset.done $0x0  }
0x84: {  	s9 =	sadd.s32 $0x200, s8;
	[sflag:s22] =	ssyncadd.s32 $0xFFFFF000  }
0x85: {  	[tilespmem:s26], [sflag:$0x1] =	stream.indirect.gather [spmem:s2], $0x20, s9, s25, $0xb8;
	[tilespmem:$0x18800] =	vst v63  }
0x86: {  	_ =	swait.ge [sflag:s24], $0x1000  }
0x87: {  	[sflag:s24] =	ssyncset.done $0x0  }
0x88: {  	s9 =	sadd.s32 $0x5080, s8;
	[sflag:s24] =	ssyncadd.s32 $0xFFFFF000  }
0x89: {  	[spmem:s3] =	stream.indirect.scatter.add.f32 [tilespmem:s28], [sflag:$0x5], $0x20, s9, s25, $0xb8;
	[tilespmem:$0x18800] =	vst v63  }
0x8a: {  	_ =	swait.ge [sflag:s22], $0x1000  }
0x8b: {  	[sflag:s22] =	ssyncset.done $0x0  }
0x8c: {  	s9 =	sadd.s32 $0x280, s8;
	[sflag:s22] =	ssyncadd.s32 $0xFFFFF000  }
0x8d: {  	[tilespmem:s28], [sflag:$0x2] =	stream.indirect.gather [spmem:s2], $0x20, s9, s25, $0xb8;
	[tilespmem:$0x18800] =	vst v63  }
0x8e: {  	_ =	swait.ge [sflag:s29], $0x1000  }
0x8f: {  	[sflag:s29] =	ssyncset.done $0x0  }
0x90: {  	s9 =	sadd.s32 $0x5100, s8;
	[sflag:s29] =	ssyncadd.s32 $0xFFFFF000  }
0x91: {  	[spmem:s3] =	stream.indirect.scatter.add.f32 [tilespmem:s30], [sflag:$0x5], $0x20, s9, s25, $0xb8;
	[tilespmem:$0x18800] =	vst v63  }
0x92: {  	_ =	swait.ge [sflag:s22], $0x1000  }
0x93: {  	[sflag:s22] =	ssyncset.done $0x0  }
0x94: {  	s9 =	sadd.s32 $0x300, s8;
	[sflag:s22] =	ssyncadd.s32 $0xFFFFF000  }
0x95: {  	[tilespmem:s30], [sflag:$0x3] =	stream.indirect.gather [spmem:s2], $0x20, s9, s25, $0xb8;
	[tilespmem:$0x18800] =	vst v63  }
0x96: {  	_ =	swait.ge [sflag:s31], $0x1000  }
0x97: {  	[sflag:s31] =	ssyncset.done $0x0  }
.Ltmp1:
0x98: {  	s9 =	sadd.s32 $0x5180, s8;
	[sflag:s31] =	ssyncadd.s32 $0xFFFFF000;
	(pc) =	sbr.rel @p0 .LBB2_4-.Ltmp1, $4  }
0x99: {  	[spmem:s3] =	stream.indirect.scatter.add.f32 [tilespmem:s1], [sflag:$0x5], $0x20, s9, s25, $0xb8;
	[tilespmem:$0x18800] =	vst v63  }
0x9a: {  	_ =	swait.ge [sflag:s22], $0x1000  }
0x9b: {  	[sflag:s22] =	ssyncset.done $0x0  }
0x9c: {  	s8 =	sadd.s32 $0x380, s8;
	[sflag:s22] =	ssyncadd.s32 $0xFFFFF000  }
0x9d: {  	[tilespmem:s1], [sflag:$0x4] =	stream.indirect.gather [spmem:s2], $0x20, s8, s25, $0xb8;
	[tilespmem:$0x18800] =	vst v63  }
0x9e: {  	_ =	swait.ge [sflag:s0], $0x1000  }
0x9f: {  	[sflag:s0] =	ssyncset.done $0x0  }
0xa0: {  	s5 =	simm.s32 $0x9E00;
	[sflag:s0] =	ssyncadd.s32 $0xFFFFF000  }
0xa1: {  	[spmem:s3] =	stream.indirect.scatter.add.f32 [tilespmem:s26], [sflag:$0x5], $0x20, s5, s25, $0xb8;
	[tilespmem:$0x18800] =	vst v63  }
0xa2: {  	_ =	swait.ge [sflag:s22], $0x1000  }
0xa3: {  	[sflag:s22] =	ssyncset.done $0x0  }
0xa4: {  	[sflag:s22] =	ssyncadd.s32 $0xFFFFF000  }
0xa5: {  	_ =	swait.ge [sflag:s24], $0x1000  }
0xa6: {  	[sflag:s24] =	ssyncset.done $0x0  }
0xa7: {  	s10 =	simm.s32 $0x9E80;
	[sflag:s24] =	ssyncadd.s32 $0xFFFFF000  }
0xa8: {  	[spmem:s3] =	stream.indirect.scatter.add.f32 [tilespmem:s28], [sflag:$0x5], $0x20, s10, s25, $0xb8;
	[tilespmem:$0x18800] =	vst v63  }
0xa9: {  	_ =	swait.ge [sflag:s22], $0x1000  }
0xaa: {  	[sflag:s22] =	ssyncset.done $0x0  }
0xab: {  	[sflag:s22] =	ssyncadd.s32 $0xFFFFF000  }
0xac: {  	_ =	swait.ge [sflag:s29], $0x1000  }
0xad: {  	[sflag:s29] =	ssyncset.done $0x0  }
0xae: {  	s8 =	simm.s32 $0x9F00;
	[sflag:s29] =	ssyncadd.s32 $0xFFFFF000  }
0xaf: {  	[spmem:s3] =	stream.indirect.scatter.add.f32 [tilespmem:s30], [sflag:$0x5], $0x20, s8, s25, $0xb8;
	[tilespmem:$0x18800] =	vst v63  }
0xb0: {  	_ =	swait.ge [sflag:s22], $0x1000  }
0xb1: {  	[sflag:s22] =	ssyncset.done $0x0  }
0xb2: {  	[sflag:s22] =	ssyncadd.s32 $0xFFFFF000  }
0xb3: {  	_ =	swait.ge [sflag:s31], $0x1000  }
0xb4: {  	[sflag:s31] =	ssyncset.done $0x0  }
0xb5: {  	s9 =	simm.s32 $0x9F80;
	[sflag:s31] =	ssyncadd.s32 $0xFFFFF000  }
0xb6: {  	[spmem:s3] =	stream.indirect.scatter.add.f32 [tilespmem:s1], [sflag:$0x5], $0x20, s9, s25, $0xb8;
	[tilespmem:$0x18800] =	vst v63  }
0xb7: {  	_ =	swait.ge [sflag:s22], $0x1000  }
0xb8: {  	s4 =	sadd.s32 $0x1, s4;
	[sflag:s22] =	ssyncset.done $0x0  }
0xb9: {  	p0 =	sne.s32 s4, s20;
	[sflag:s22] =	ssyncadd.s32 $0xFFFFF000  }
.Ltmp2:
0xba: {  	s10 =	sshrl.u32 s7, $0x3;
	[bflag:$0x0] =	sbarrier.arrive $0xFFFF;
	(pc) =	sbr.rel @p0 .LBB2_1-.Ltmp2, $4  }
0xbb: {  	[hbm:s19], [sflag:s6] =	dma.local [spmem:s10], $0xA00  }
0xbc: {  	_ =	swait.ge [sflag:s22], $0xA00  }
0xbd: {  	[sflag:s22] =	ssyncset.done $0x0  }
0xbe: {  	[sflag:s22] =	ssyncadd.s32 $0xFFFFF600  }
0xbf: {  	_ =	sfence.sel $0x180000  }
0xc0: {  	[bflag:$0x0] =	sbarrier.arrive $0xFFFF  }
0xc1: {  	_ =	strace $0x90000050  }
0xc2: {  	s0 =	stileid.u32;
	[bflag:$0x2] =	sbarrier.arrive $0xFFFF  }
0xc3: {  	p0 =	sne.s32 s0, $0x0;
	s0 =	rddreg [dreg:$0x3]  }
0xc4: {  	s0 =	sadd.s32 @!p0 $0x100000, s0  }
0xc5: {  	[sflag:s0] =	ssyncadd.tile.s32 @!p0 $0x1;
	_ =	shalt  }
.Lfunc_end2:
_tile_overlayer_lowered:
.L_overlay_start_2:
0xc6: {  	(tag) =	ssettag $0x2  }
0xc7: {  	s0 =	rddreg [dreg:$0x0];
	s2 =	stileid.u32  }
0xc8: {  	s1 =	rddreg [dreg:$0x1];
	p0 =	sne.s32 s2, $0x0  }
0xc9: {  	s3 =	rddreg [dreg:$0x2];
	[bflag:$0x3] =	sbarrier.arrive $0xFFFF;
	s2 =	simm.s32 @!p0 $0x1C05  }
0xca: {  	[timem:s3], [sflag:s2] =	dma.local @!p0 [hbm:s0], s1  }
0xcb: {  	s0 =	simm.s32 @!p0 $0x5  }
0xcc: {  	_ =	swait.ge @!p0 [sflag:s0], s1  }
0xcd: {  	s1 =	ssub.s32 @!p0 $0x0, s1;
	[sflag:s0] =	ssyncset.done @!p0 $0x0  }
0xce: {  	[sflag:s0] =	ssyncadd.s32 @!p0 s1  }
0xcf: {  	[bflag:$0x3] =	sbarrier.arrive $0xFFFF  }
0xd0: {  	_ =	shalt  }

</sc_bundles>
